<compile_context>
chip_gen: v7x
topology: tpu7x:2x2x1
jax: 0.10.2.dev20260603
libtpu: 0.0.44.dev20260713+nightly
codegen_flags: <defaults>
</compile_context>

<pallas_src>
import functools

import jax
import jax.numpy as jnp
from jax import lax
from jax.experimental import pallas as pl
from jax.experimental.pallas import tpu as pltpu
from jax.experimental.pallas import tpu_sc as plsc

BATCH = 16384
DIM = 128
LANES = 16
VPR = DIM // LANES
NC = 2
NS = 16
NW = NC * NS
CHUNK = 64
B_PER_W = BATCH // NW
NCHUNK = B_PER_W // CHUNK
RING = 3


def _sc_body(idx_t_hbm, idx_c_hbm, ww_hbm, wc_hbm, dw_hbm, db_hbm, out_hbm,
             *scratch):
    idx_t_v, idx_c_v = scratch[0], scratch[1]
    ring_bufs = scratch[2:2 + 2 * RING]
    out_v, dw_v, db_v = scratch[2 + 2 * RING:5 + 2 * RING]
    ring_sems = scratch[5 + 2 * RING:5 + 4 * RING]
    sem_o = scratch[5 + 4 * RING]
    bufs = tuple(
        (ring_bufs[2 * i], ring_bufs[2 * i + 1],
         ring_sems[2 * i], ring_sems[2 * i + 1]) for i in range(RING))
    wid = lax.axis_index("s") * NC + lax.axis_index("c")

    h_it = pltpu.async_copy(
        idx_t_hbm.at[pl.ds(wid * B_PER_W, B_PER_W)], idx_t_v, sem_o)
    h_ic = pltpu.async_copy(
        idx_c_hbm.at[pl.ds(wid * B_PER_W, B_PER_W)], idx_c_v, sem_o)
    h_dw = pltpu.async_copy(dw_hbm, dw_v, sem_o)
    h_db = pltpu.async_copy(db_hbm, db_v, sem_o)
    h_it.wait()
    h_ic.wait()
    h_dw.wait()
    h_db.wait()

    lane = lax.iota(jnp.int32, LANES)
    zero16 = jnp.zeros((LANES,), jnp.int32)
    dw = plsc.load_gather(dw_v, [zero16, zero16])
    db = plsc.load_gather(db_v, [zero16])

    def fire(j):
        wb, cb, sw, sc_ = bufs[j % RING]
        hw = pltpu.async_copy(
            ww_hbm.at[idx_t_v.at[pl.ds(j * CHUNK, CHUNK)]], wb, sw)
        hc = pltpu.async_copy(
            wc_hbm.at[idx_c_v.at[pl.ds(j * CHUNK, CHUNK)]], cb, sc_)
        return hw, hc

    handles = [fire(j) for j in range(RING - 1)]
    for j in range(NCHUNK):
        if j + RING - 1 < NCHUNK:
            handles.append(fire(j + RING - 1))
        hw, hc = handles[j]
        hw.wait()
        hc.wait()
        wb, cb, _, _ = bufs[j % RING]

        def group_body(g, _, j=j, wb=wb, cb=cb):
            rows = g * LANES + lane

            def col_body(k, accs):
                a0, a1, a2, a3 = accs
                c0 = (lane + 4 * k) & (DIM - 1)
                c1 = (lane + 4 * k + 1) & (DIM - 1)
                c2 = (lane + 4 * k + 2) & (DIM - 1)
                c3 = (lane + 4 * k + 3) & (DIM - 1)
                a0 = a0 + (plsc.load_gather(wb, [rows, c0]) *
                           plsc.load_gather(cb, [rows, c0]))
                a1 = a1 + (plsc.load_gather(wb, [rows, c1]) *
                           plsc.load_gather(cb, [rows, c1]))
                a2 = a2 + (plsc.load_gather(wb, [rows, c2]) *
                           plsc.load_gather(cb, [rows, c2]))
                a3 = a3 + (plsc.load_gather(wb, [rows, c3]) *
                           plsc.load_gather(cb, [rows, c3]))
                return a0, a1, a2, a3

            zv = jnp.zeros((LANES,), jnp.float32)
            a0, a1, a2, a3 = lax.fori_loop(0, DIM // 4, col_body,
                                           (zv, zv, zv, zv), unroll=8)
            acc = (a0 + a1) + (a2 + a3)
            z = acc * dw + db
            out_v[pl.ds(j * CHUNK + g * LANES, LANES)] = (
                1.0 / (1.0 + jnp.exp(-z)))
            return _

        lax.fori_loop(0, CHUNK // LANES, group_body, None)

    pltpu.async_copy(out_v, out_hbm.at[pl.ds(wid * B_PER_W, B_PER_W)],
                     sem_o).wait()


@jax.jit
def _sc_call(idx_t, idx_c, W_word, W_ctx, dense_w, dense_b):
    mesh = plsc.VectorSubcoreMesh(core_axis_name="c", subcore_axis_name="s")
    f = functools.partial(
        pl.kernel,
        mesh=mesh,
        out_type=jax.ShapeDtypeStruct((BATCH,), jnp.float32),
        compiler_params=pltpu.CompilerParams(
            needs_layout_passes=False,
            disable_bounds_checks=True,
            disable_semaphore_checks=True,
            skip_device_barrier=True,
        ),
        scratch_types=[
            pltpu.VMEM((B_PER_W,), jnp.int32),
            pltpu.VMEM((B_PER_W,), jnp.int32),
        ] + [pltpu.VMEM((CHUNK, DIM), jnp.float32)] * (2 * RING) + [
            pltpu.VMEM((B_PER_W,), jnp.float32),
            pltpu.VMEM((1, 1), jnp.float32),
            pltpu.VMEM((1,), jnp.float32),
        ] + [pltpu.SemaphoreType.DMA] * (2 * RING + 1),
    )(_sc_body)
    return f(idx_t, idx_c, W_word, W_ctx, dense_w, dense_b)


def kernel(word_target, word_context, W_word, W_ctx, dense_w, dense_b):
    out = _sc_call(word_target.reshape(-1), word_context.reshape(-1),
                   W_word, W_ctx, dense_w, dense_b)
    return out.reshape(BATCH, 1)

# --- scband reference (transcript-rebuilt; emitter-appended) ---
"""Pipeline reference for scband-word-context-model-45509473468619 (READ-ONLY COPY).

The authoritative reference and input builder live on the scoring server;
editing this copy changes nothing except your own understanding.
"""

import jax, jax.numpy as jnp
import numpy as np

BATCH = 16384
VOCAB = 100000
DIM = 128


def setup_inputs(seed: int = 0) -> dict:
    key = jax.random.key(seed)
    k1, k2, k3, k4, k5, k6 = jax.random.split(key, 6)
    word_target = jax.random.randint(k1, (BATCH, 1), 0, VOCAB, dtype=jnp.int32)
    word_context = jax.random.randint(k2, (BATCH, 1), 0, VOCAB, dtype=jnp.int32)
    # Learned parameters: two embedding tables + final Dense(1) layer
    W_word = jax.random.normal(k3, (VOCAB, DIM), dtype=jnp.float32) * 0.05
    W_ctx = jax.random.normal(k4, (VOCAB, DIM), dtype=jnp.float32) * 0.05
    dense_w = jax.random.normal(k5, (1, 1), dtype=jnp.float32)
    dense_b = jnp.zeros((1,), dtype=jnp.float32)
    return {
        'word_target': word_target,
        'word_context': word_context,
        'W_word': W_word,
        'W_ctx': W_ctx,
        'dense_w': dense_w,
        'dense_b': dense_b,
    }


def reference(word_target, word_context, W_word, W_ctx, dense_w, dense_b):
    # Embedding(vocab, dim, input_length=1) -> (B, 1, dim); squeeze the length-1 axis
    w = jnp.take(W_word, word_target[:, 0], axis=0)   # (B, dim)
    c = jnp.take(W_ctx, word_context[:, 0], axis=0)   # (B, dim)
    # Merge mode='dot' over the vector dimension -> (B, 1), matching Reshape((1,))
    dot = jnp.sum(w * c, axis=-1, keepdims=True)       # (B, 1)
    # Dense(1, activation='sigmoid')
    out = jax.nn.sigmoid(dot @ dense_w + dense_b)      # (B, 1)
    return out

if __name__ == "__main__":
    import jax
    _d = setup_inputs()
    print(jax.jit(kernel)(*tuple(_d.values())))

</pallas_src>

<mosaic_0001>
#map = affine_map<(d0, d1) -> (0)>
#map1 = affine_map<(d0, d1) -> (0, 0)>
module attributes {stable_mosaic.version = 14 : i64} {
  func.func @_sc_body(%arg0: i32, %arg1: i32, %arg2: memref<16384xi32, #tpu.memory_space<hbm>>, %arg3: memref<16384xi32, #tpu.memory_space<hbm>>, %arg4: memref<100000x128xf32, #tpu.memory_space<hbm>>, %arg5: memref<100000x128xf32, #tpu.memory_space<hbm>>, %arg6: memref<1x1xf32, #tpu.memory_space<hbm>>, %arg7: memref<1xf32, #tpu.memory_space<hbm>>, %arg8: memref<16384xf32, #tpu.memory_space<hbm>>, %arg9: memref<512xi32, #tpu.memory_space<vmem>>, %arg10: memref<512xi32, #tpu.memory_space<vmem>>, %arg11: memref<64x128xf32, #tpu.memory_space<vmem>>, %arg12: memref<64x128xf32, #tpu.memory_space<vmem>>, %arg13: memref<64x128xf32, #tpu.memory_space<vmem>>, %arg14: memref<64x128xf32, #tpu.memory_space<vmem>>, %arg15: memref<64x128xf32, #tpu.memory_space<vmem>>, %arg16: memref<64x128xf32, #tpu.memory_space<vmem>>, %arg17: memref<512xf32, #tpu.memory_space<vmem>>, %arg18: memref<1x1xf32, #tpu.memory_space<vmem>>, %arg19: memref<1xf32, #tpu.memory_space<vmem>>, %arg20: memref<!tpu.dma_semaphore, #tpu.memory_space<semaphore_mem>>, %arg21: memref<!tpu.dma_semaphore, #tpu.memory_space<semaphore_mem>>, %arg22: memref<!tpu.dma_semaphore, #tpu.memory_space<semaphore_mem>>, %arg23: memref<!tpu.dma_semaphore, #tpu.memory_space<semaphore_mem>>, %arg24: memref<!tpu.dma_semaphore, #tpu.memory_space<semaphore_mem>>, %arg25: memref<!tpu.dma_semaphore, #tpu.memory_space<semaphore_mem>>, %arg26: memref<!tpu.dma_semaphore, #tpu.memory_space<semaphore_mem>>) attributes {dimension_semantics = [#tpu.dimension_semantics<core_parallel>, #tpu.dimension_semantics<subcore_parallel>], iteration_bounds = array<i64: 2, 16>, scalar_prefetch = 0 : i64, scratch_operands = 18 : i64, tpu.core_type = #tpu.core_type<sc_vector_subcore>, window_params = [{transform_indices = #map}, {transform_indices = #map}, {transform_indices = #map1}, {transform_indices = #map1}, {transform_indices = #map1}, {transform_indices = #map}, {transform_indices = #map}]} {
    %mul3A = arith.constant 2 : i32
    %mul3A_0 = arith.muli %arg1, %mul3A : i32
    %add3A = arith.addi %mul3A_0, %arg0 : i32
    %mul3A_1 = arith.constant 512 : i32
    %mul3A_2 = arith.muli %add3A, %mul3A_1 : i32
    %dma_start3A = tpu.memref_slice %arg2[%mul3A_2] : memref<16384xi32, #tpu.memory_space<hbm>> -> memref<512xi32, #tpu.memory_space<hbm>>
    %dma_start3A_3 = tpu.memref_slice %arg2[%mul3A_2] : memref<16384xi32, #tpu.memory_space<hbm>> -> memref<512xi32, #tpu.memory_space<hbm>>
    tpu.enqueue_dma source(%dma_start3A_3 : memref<512xi32, #tpu.memory_space<hbm>>) target(%arg9 : memref<512xi32, #tpu.memory_space<vmem>>) target_semaphore(%arg26 : memref<!tpu.dma_semaphore, #tpu.memory_space<semaphore_mem>>)
    %mul3A_4 = arith.constant 512 : i32
    %mul3A_5 = arith.muli %add3A, %mul3A_4 : i32
    %dma_start3A_6 = tpu.memref_slice %arg3[%mul3A_5] : memref<16384xi32, #tpu.memory_space<hbm>> -> memref<512xi32, #tpu.memory_space<hbm>>
    %dma_start3A_7 = tpu.memref_slice %arg3[%mul3A_5] : memref<16384xi32, #tpu.memory_space<hbm>> -> memref<512xi32, #tpu.memory_space<hbm>>
    tpu.enqueue_dma source(%dma_start3A_7 : memref<512xi32, #tpu.memory_space<hbm>>) target(%arg10 : memref<512xi32, #tpu.memory_space<vmem>>) target_semaphore(%arg26 : memref<!tpu.dma_semaphore, #tpu.memory_space<semaphore_mem>>)
    tpu.enqueue_dma source(%arg6 : memref<1x1xf32, #tpu.memory_space<hbm>>) target(%arg18 : memref<1x1xf32, #tpu.memory_space<vmem>>) target_semaphore(%arg26 : memref<!tpu.dma_semaphore, #tpu.memory_space<semaphore_mem>>)
    tpu.enqueue_dma source(%arg7 : memref<1xf32, #tpu.memory_space<hbm>>) target(%arg19 : memref<1xf32, #tpu.memory_space<vmem>>) target_semaphore(%arg26 : memref<!tpu.dma_semaphore, #tpu.memory_space<semaphore_mem>>)
    %dma_wait3A = tpu.memref_slice %arg2[%mul3A_2] : memref<16384xi32, #tpu.memory_space<hbm>> -> memref<512xi32, #tpu.memory_space<hbm>>
    %dma_wait3A_8 = tpu.memref_slice %arg2[%mul3A_2] : memref<16384xi32, #tpu.memory_space<hbm>> -> memref<512xi32, #tpu.memory_space<hbm>>
    tpu.wait_dma2 semaphore(%arg26 : memref<!tpu.dma_semaphore, #tpu.memory_space<semaphore_mem>>) src(%dma_wait3A_8 : memref<512xi32, #tpu.memory_space<hbm>>) dst(%arg9 : memref<512xi32, #tpu.memory_space<vmem>>)
    %dma_wait3A_9 = tpu.memref_slice %arg3[%mul3A_5] : memref<16384xi32, #tpu.memory_space<hbm>> -> memref<512xi32, #tpu.memory_space<hbm>>
    %dma_wait3A_10 = tpu.memref_slice %arg3[%mul3A_5] : memref<16384xi32, #tpu.memory_space<hbm>> -> memref<512xi32, #tpu.memory_space<hbm>>
    tpu.wait_dma2 semaphore(%arg26 : memref<!tpu.dma_semaphore, #tpu.memory_space<semaphore_mem>>) src(%dma_wait3A_10 : memref<512xi32, #tpu.memory_space<hbm>>) dst(%arg10 : memref<512xi32, #tpu.memory_space<vmem>>)
    tpu.wait_dma2 semaphore(%arg26 : memref<!tpu.dma_semaphore, #tpu.memory_space<semaphore_mem>>) src(%arg6 : memref<1x1xf32, #tpu.memory_space<hbm>>) dst(%arg18 : memref<1x1xf32, #tpu.memory_space<vmem>>)
    tpu.wait_dma2 semaphore(%arg26 : memref<!tpu.dma_semaphore, #tpu.memory_space<semaphore_mem>>) src(%arg7 : memref<1xf32, #tpu.memory_space<hbm>>) dst(%arg19 : memref<1xf32, #tpu.memory_space<vmem>>)
    %iota3A = tpu.iota {dimensions = array<i32: 0>} : vector<16xi32>
    %broadcast_in_dim3A = arith.constant 0 : i32
    %broadcast_in_dim3A_11 = vector.broadcast %broadcast_in_dim3A : i32 to vector<16xi32>
    %gather3A = tpu.vector_load_idx %arg18[%broadcast_in_dim3A_11, %broadcast_in_dim3A_11] : memref<1x1xf32, #tpu.memory_space<vmem>>[vector<16xi32>, vector<16xi32>], vector<16xf32>,
    %gather3A_12 = tpu.vector_load_idx %arg19[%broadcast_in_dim3A_11] : memref<1xf32, #tpu.memory_space<vmem>>[vector<16xi32>], vector<16xf32>,
    %dma_start3A_13 = arith.constant 0 : i32
    %dma_start3A_14 = tpu.memref_slice %arg9[%dma_start3A_13] : memref<512xi32, #tpu.memory_space<vmem>> -> memref<64xi32, #tpu.memory_space<vmem>>
    %dma_start3A_15 = arith.constant 0 : i32
    %dma_start3A_16 = arith.constant 0 : i32
    %dma_start3A_17 = tpu.memref_slice %arg4[%dma_start3A_15, %dma_start3A_16] : memref<100000x128xf32, #tpu.memory_space<hbm>> -> memref<100000x128xf32, #tpu.memory_space<hbm>>
    tpu.enqueue_indirect_dma source(%dma_start3A_17 : memref<100000x128xf32, #tpu.memory_space<hbm>>) target(%arg11 : memref<64x128xf32, #tpu.memory_space<vmem>>) offsets(%dma_start3A_14 : memref<64xi32, #tpu.memory_space<vmem>>) semaphore(%arg20 : memref<!tpu.dma_semaphore, #tpu.memory_space<semaphore_mem>>)
    %dma_start3A_18 = arith.constant 0 : i32
    %dma_start3A_19 = tpu.memref_slice %arg10[%dma_start3A_18] : memref<512xi32, #tpu.memory_space<vmem>> -> memref<64xi32, #tpu.memory_space<vmem>>
    %dma_start3A_20 = arith.constant 0 : i32
    %dma_start3A_21 = arith.constant 0 : i32
    %dma_start3A_22 = tpu.memref_slice %arg5[%dma_start3A_20, %dma_start3A_21] : memref<100000x128xf32, #tpu.memory_space<hbm>> -> memref<100000x128xf32, #tpu.memory_space<hbm>>
    tpu.enqueue_indirect_dma source(%dma_start3A_22 : memref<100000x128xf32, #tpu.memory_space<hbm>>) target(%arg12 : memref<64x128xf32, #tpu.memory_space<vmem>>) offsets(%dma_start3A_19 : memref<64xi32, #tpu.memory_space<vmem>>) semaphore(%arg21 : memref<!tpu.dma_semaphore, #tpu.memory_space<semaphore_mem>>)
    %dma_start3A_23 = arith.constant 64 : i32
    %dma_start3A_24 = tpu.memref_slice %arg9[%dma_start3A_23] : memref<512xi32, #tpu.memory_space<vmem>> -> memref<64xi32, #tpu.memory_space<vmem>>
    %dma_start3A_25 = arith.constant 0 : i32
    %dma_start3A_26 = arith.constant 0 : i32
    %dma_start3A_27 = tpu.memref_slice %arg4[%dma_start3A_25, %dma_start3A_26] : memref<100000x128xf32, #tpu.memory_space<hbm>> -> memref<100000x128xf32, #tpu.memory_space<hbm>>
    tpu.enqueue_indirect_dma source(%dma_start3A_27 : memref<100000x128xf32, #tpu.memory_space<hbm>>) target(%arg13 : memref<64x128xf32, #tpu.memory_space<vmem>>) offsets(%dma_start3A_24 : memref<64xi32, #tpu.memory_space<vmem>>) semaphore(%arg22 : memref<!tpu.dma_semaphore, #tpu.memory_space<semaphore_mem>>)
    %dma_start3A_28 = arith.constant 64 : i32
    %dma_start3A_29 = tpu.memref_slice %arg10[%dma_start3A_28] : memref<512xi32, #tpu.memory_space<vmem>> -> memref<64xi32, #tpu.memory_space<vmem>>
    %dma_start3A_30 = arith.constant 0 : i32
    %dma_start3A_31 = arith.constant 0 : i32
    %dma_start3A_32 = tpu.memref_slice %arg5[%dma_start3A_30, %dma_start3A_31] : memref<100000x128xf32, #tpu.memory_space<hbm>> -> memref<100000x128xf32, #tpu.memory_space<hbm>>
    tpu.enqueue_indirect_dma source(%dma_start3A_32 : memref<100000x128xf32, #tpu.memory_space<hbm>>) target(%arg14 : memref<64x128xf32, #tpu.memory_space<vmem>>) offsets(%dma_start3A_29 : memref<64xi32, #tpu.memory_space<vmem>>) semaphore(%arg23 : memref<!tpu.dma_semaphore, #tpu.memory_space<semaphore_mem>>)
    %dma_start3A_33 = arith.constant 128 : i32
    %dma_start3A_34 = tpu.memref_slice %arg9[%dma_start3A_33] : memref<512xi32, #tpu.memory_space<vmem>> -> memref<64xi32, #tpu.memory_space<vmem>>
    %dma_start3A_35 = arith.constant 0 : i32
    %dma_start3A_36 = arith.constant 0 : i32
    %dma_start3A_37 = tpu.memref_slice %arg4[%dma_start3A_35, %dma_start3A_36] : memref<100000x128xf32, #tpu.memory_space<hbm>> -> memref<100000x128xf32, #tpu.memory_space<hbm>>
    tpu.enqueue_indirect_dma source(%dma_start3A_37 : memref<100000x128xf32, #tpu.memory_space<hbm>>) target(%arg15 : memref<64x128xf32, #tpu.memory_space<vmem>>) offsets(%dma_start3A_34 : memref<64xi32, #tpu.memory_space<vmem>>) semaphore(%arg24 : memref<!tpu.dma_semaphore, #tpu.memory_space<semaphore_mem>>)
    %dma_start3A_38 = arith.constant 128 : i32
    %dma_start3A_39 = tpu.memref_slice %arg10[%dma_start3A_38] : memref<512xi32, #tpu.memory_space<vmem>> -> memref<64xi32, #tpu.memory_space<vmem>>
    %dma_start3A_40 = arith.constant 0 : i32
    %dma_start3A_41 = arith.constant 0 : i32
    %dma_start3A_42 = tpu.memref_slice %arg5[%dma_start3A_40, %dma_start3A_41] : memref<100000x128xf32, #tpu.memory_space<hbm>> -> memref<100000x128xf32, #tpu.memory_space<hbm>>
    tpu.enqueue_indirect_dma source(%dma_start3A_42 : memref<100000x128xf32, #tpu.memory_space<hbm>>) target(%arg16 : memref<64x128xf32, #tpu.memory_space<vmem>>) offsets(%dma_start3A_39 : memref<64xi32, #tpu.memory_space<vmem>>) semaphore(%arg25 : memref<!tpu.dma_semaphore, #tpu.memory_space<semaphore_mem>>)
    %dma_wait3A_43 = arith.constant 0 : i32
    %dma_wait3A_44 = tpu.memref_slice %arg9[%dma_wait3A_43] : memref<512xi32, #tpu.memory_space<vmem>> -> memref<64xi32, #tpu.memory_space<vmem>>
    %dma_wait3A_45 = arith.constant 0 : i32
    %dma_wait3A_46 = arith.constant 0 : i32
    %dma_wait3A_47 = tpu.memref_slice %arg4[%dma_wait3A_45, %dma_wait3A_46] : memref<100000x128xf32, #tpu.memory_space<hbm>> -> memref<100000x128xf32, #tpu.memory_space<hbm>>
    tpu.wait_indirect_dma semaphore(%arg20 : memref<!tpu.dma_semaphore, #tpu.memory_space<semaphore_mem>>) src(%dma_wait3A_47 : memref<100000x128xf32, #tpu.memory_space<hbm>>) dst(%arg11 : memref<64x128xf32, #tpu.memory_space<vmem>>)
    %dma_wait3A_48 = arith.constant 0 : i32
    %dma_wait3A_49 = tpu.memref_slice %arg10[%dma_wait3A_48] : memref<512xi32, #tpu.memory_space<vmem>> -> memref<64xi32, #tpu.memory_space<vmem>>
    %dma_wait3A_50 = arith.constant 0 : i32
    %dma_wait3A_51 = arith.constant 0 : i32
    %dma_wait3A_52 = tpu.memref_slice %arg5[%dma_wait3A_50, %dma_wait3A_51] : memref<100000x128xf32, #tpu.memory_space<hbm>> -> memref<100000x128xf32, #tpu.memory_space<hbm>>
    tpu.wait_indirect_dma semaphore(%arg21 : memref<!tpu.dma_semaphore, #tpu.memory_space<semaphore_mem>>) src(%dma_wait3A_52 : memref<100000x128xf32, #tpu.memory_space<hbm>>) dst(%arg12 : memref<64x128xf32, #tpu.memory_space<vmem>>)
    %scan3A = arith.constant 0 : i32
    %scan3A_53 = arith.constant 4 : i32
    %scan3A_54 = arith.addi %scan3A, %scan3A_53 : i32
    %scan3A_55 = arith.constant 1 : i32
    scf.for %scan3A_218 = %scan3A to %scan3A_54 step %scan3A_55  : i32 {
      %mul3A_219 = arith.constant 16 : i32
      %mul3A_220 = arith.muli %scan3A_218, %mul3A_219 : i32
      %add3A_221 = vector.broadcast %mul3A_220 : i32 to vector<16xi32>
      %add3A_222 = arith.addi %add3A_221, %iota3A : vector<16xi32>
      %broadcast_in_dim3A_223 = arith.constant 0.000000e+00 : f32
      %broadcast_in_dim3A_224 = vector.broadcast %broadcast_in_dim3A_223 : f32 to vector<16xf32>
      %scan3A_225 = arith.constant 0 : i32
      %scan3A_226 = arith.constant 32 : i32
      %scan3A_227 = arith.addi %scan3A_225, %scan3A_226 : i32
      %scan3A_228 = arith.constant 8 : i32
      %scan3A_229:4 = scf.for %scan3A_248 = %scan3A_225 to %scan3A_227 step %scan3A_228 iter_args(%scan3A_249 = %broadcast_in_dim3A_224, %scan3A_250 = %broadcast_in_dim3A_224, %scan3A_251 = %broadcast_in_dim3A_224, %scan3A_252 = %broadcast_in_dim3A_224) -> (vector<16xf32>, vector<16xf32>, vector<16xf32>, vector<16xf32>)  : i32 {
        %mul3A_253 = arith.constant 4 : i32
        %mul3A_254 = arith.muli %mul3A_253, %scan3A_248 : i32
        %add3A_255 = vector.broadcast %mul3A_254 : i32 to vector<16xi32>
        %add3A_256 = arith.addi %iota3A, %add3A_255 : vector<16xi32>
        %and3A = arith.constant 127 : i32
        %and3A_257 = vector.broadcast %and3A : i32 to vector<16xi32>
        %and3A_258 = arith.andi %add3A_256, %and3A_257 : vector<16xi32>
        %mul3A_259 = arith.constant 4 : i32
        %mul3A_260 = arith.muli %mul3A_259, %scan3A_248 : i32
        %add3A_261 = vector.broadcast %mul3A_260 : i32 to vector<16xi32>
        %add3A_262 = arith.addi %iota3A, %add3A_261 : vector<16xi32>
        %add3A_263 = arith.constant 1 : i32
        %add3A_264 = vector.broadcast %add3A_263 : i32 to vector<16xi32>
        %add3A_265 = arith.addi %add3A_262, %add3A_264 : vector<16xi32>
        %and3A_266 = arith.constant 127 : i32
        %and3A_267 = vector.broadcast %and3A_266 : i32 to vector<16xi32>
        %and3A_268 = arith.andi %add3A_265, %and3A_267 : vector<16xi32>
        %mul3A_269 = arith.constant 4 : i32
        %mul3A_270 = arith.muli %mul3A_269, %scan3A_248 : i32
        %add3A_271 = vector.broadcast %mul3A_270 : i32 to vector<16xi32>
        %add3A_272 = arith.addi %iota3A, %add3A_271 : vector<16xi32>
        %add3A_273 = arith.constant 2 : i32
        %add3A_274 = vector.broadcast %add3A_273 : i32 to vector<16xi32>
        %add3A_275 = arith.addi %add3A_272, %add3A_274 : vector<16xi32>
        %and3A_276 = arith.constant 127 : i32
        %and3A_277 = vector.broadcast %and3A_276 : i32 to vector<16xi32>
        %and3A_278 = arith.andi %add3A_275, %and3A_277 : vector<16xi32>
        %mul3A_279 = arith.constant 4 : i32
        %mul3A_280 = arith.muli %mul3A_279, %scan3A_248 : i32
        %add3A_281 = vector.broadcast %mul3A_280 : i32 to vector<16xi32>
        %add3A_282 = arith.addi %iota3A, %add3A_281 : vector<16xi32>
        %add3A_283 = arith.constant 3 : i32
        %add3A_284 = vector.broadcast %add3A_283 : i32 to vector<16xi32>
        %add3A_285 = arith.addi %add3A_282, %add3A_284 : vector<16xi32>
        %and3A_286 = arith.constant 127 : i32
        %and3A_287 = vector.broadcast %and3A_286 : i32 to vector<16xi32>
        %and3A_288 = arith.andi %add3A_285, %and3A_287 : vector<16xi32>
        %gather3A_289 = tpu.vector_load_idx %arg11[%add3A_222, %and3A_258] : memref<64x128xf32, #tpu.memory_space<vmem>>[vector<16xi32>, vector<16xi32>], vector<16xf32>,
        %gather3A_290 = tpu.vector_load_idx %arg12[%add3A_222, %and3A_258] : memref<64x128xf32, #tpu.memory_space<vmem>>[vector<16xi32>, vector<16xi32>], vector<16xf32>,
        %mul3A_291 = arith.mulf %gather3A_289, %gather3A_290 : vector<16xf32>
        %add3A_292 = arith.addf %scan3A_249, %mul3A_291 : vector<16xf32>
        %gather3A_293 = tpu.vector_load_idx %arg11[%add3A_222, %and3A_268] : memref<64x128xf32, #tpu.memory_space<vmem>>[vector<16xi32>, vector<16xi32>], vector<16xf32>,
        %gather3A_294 = tpu.vector_load_idx %arg12[%add3A_222, %and3A_268] : memref<64x128xf32, #tpu.memory_space<vmem>>[vector<16xi32>, vector<16xi32>], vector<16xf32>,
        %mul3A_295 = arith.mulf %gather3A_293, %gather3A_294 : vector<16xf32>
        %add3A_296 = arith.addf %scan3A_250, %mul3A_295 : vector<16xf32>
        %gather3A_297 = tpu.vector_load_idx %arg11[%add3A_222, %and3A_278] : memref<64x128xf32, #tpu.memory_space<vmem>>[vector<16xi32>, vector<16xi32>], vector<16xf32>,
        %gather3A_298 = tpu.vector_load_idx %arg12[%add3A_222, %and3A_278] : memref<64x128xf32, #tpu.memory_space<vmem>>[vector<16xi32>, vector<16xi32>], vector<16xf32>,
        %mul3A_299 = arith.mulf %gather3A_297, %gather3A_298 : vector<16xf32>
        %add3A_300 = arith.addf %scan3A_251, %mul3A_299 : vector<16xf32>
        %gather3A_301 = tpu.vector_load_idx %arg11[%add3A_222, %and3A_288] : memref<64x128xf32, #tpu.memory_space<vmem>>[vector<16xi32>, vector<16xi32>], vector<16xf32>,
        %gather3A_302 = tpu.vector_load_idx %arg12[%add3A_222, %and3A_288] : memref<64x128xf32, #tpu.memory_space<vmem>>[vector<16xi32>, vector<16xi32>], vector<16xf32>,
        %mul3A_303 = arith.mulf %gather3A_301, %gather3A_302 : vector<16xf32>
        %add3A_304 = arith.addf %scan3A_252, %mul3A_303 : vector<16xf32>
        %scan3A_305 = arith.constant 1 : i32
        %scan3A_306 = arith.addi %scan3A_248, %scan3A_305 : i32
        %mul3A_307 = arith.constant 4 : i32
        %mul3A_308 = arith.muli %mul3A_307, %scan3A_306 : i32
        %add3A_309 = vector.broadcast %mul3A_308 : i32 to vector<16xi32>
        %add3A_310 = arith.addi %iota3A, %add3A_309 : vector<16xi32>
        %and3A_311 = arith.constant 127 : i32
        %and3A_312 = vector.broadcast %and3A_311 : i32 to vector<16xi32>
        %and3A_313 = arith.andi %add3A_310, %and3A_312 : vector<16xi32>
        %mul3A_314 = arith.constant 4 : i32
        %mul3A_315 = arith.muli %mul3A_314, %scan3A_306 : i32
        %add3A_316 = vector.broadcast %mul3A_315 : i32 to vector<16xi32>
        %add3A_317 = arith.addi %iota3A, %add3A_316 : vector<16xi32>
        %add3A_318 = arith.constant 1 : i32
        %add3A_319 = vector.broadcast %add3A_318 : i32 to vector<16xi32>
        %add3A_320 = arith.addi %add3A_317, %add3A_319 : vector<16xi32>
        %and3A_321 = arith.constant 127 : i32
        %and3A_322 = vector.broadcast %and3A_321 : i32 to vector<16xi32>
        %and3A_323 = arith.andi %add3A_320, %and3A_322 : vector<16xi32>
        %mul3A_324 = arith.constant 4 : i32
        %mul3A_325 = arith.muli %mul3A_324, %scan3A_306 : i32
        %add3A_326 = vector.broadcast %mul3A_325 : i32 to vector<16xi32>
        %add3A_327 = arith.addi %iota3A, %add3A_326 : vector<16xi32>
        %add3A_328 = arith.constant 2 : i32
        %add3A_329 = vector.broadcast %add3A_328 : i32 to vector<16xi32>
        %add3A_330 = arith.addi %add3A_327, %add3A_329 : vector<16xi32>
        %and3A_331 = arith.constant 127 : i32
        %and3A_332 = vector.broadcast %and3A_331 : i32 to vector<16xi32>
        %and3A_333 = arith.andi %add3A_330, %and3A_332 : vector<16xi32>
        %mul3A_334 = arith.constant 4 : i32
        %mul3A_335 = arith.muli %mul3A_334, %scan3A_306 : i32
        %add3A_336 = vector.broadcast %mul3A_335 : i32 to vector<16xi32>
        %add3A_337 = arith.addi %iota3A, %add3A_336 : vector<16xi32>
        %add3A_338 = arith.constant 3 : i32
        %add3A_339 = vector.broadcast %add3A_338 : i32 to vector<16xi32>
        %add3A_340 = arith.addi %add3A_337, %add3A_339 : vector<16xi32>
        %and3A_341 = arith.constant 127 : i32
        %and3A_342 = vector.broadcast %and3A_341 : i32 to vector<16xi32>
        %and3A_343 = arith.andi %add3A_340, %and3A_342 : vector<16xi32>
        %gather3A_344 = tpu.vector_load_idx %arg11[%add3A_222, %and3A_313] : memref<64x128xf32, #tpu.memory_space<vmem>>[vector<16xi32>, vector<16xi32>], vector<16xf32>,
        %gather3A_345 = tpu.vector_load_idx %arg12[%add3A_222, %and3A_313] : memref<64x128xf32, #tpu.memory_space<vmem>>[vector<16xi32>, vector<16xi32>], vector<16xf32>,
        %mul3A_346 = arith.mulf %gather3A_344, %gather3A_345 : vector<16xf32>
        %add3A_347 = arith.addf %add3A_292, %mul3A_346 : vector<16xf32>
        %gather3A_348 = tpu.vector_load_idx %arg11[%add3A_222, %and3A_323] : memref<64x128xf32, #tpu.memory_space<vmem>>[vector<16xi32>, vector<16xi32>], vector<16xf32>,
        %gather3A_349 = tpu.vector_load_idx %arg12[%add3A_222, %and3A_323] : memref<64x128xf32, #tpu.memory_space<vmem>>[vector<16xi32>, vector<16xi32>], vector<16xf32>,
        %mul3A_350 = arith.mulf %gather3A_348, %gather3A_349 : vector<16xf32>
        %add3A_351 = arith.addf %add3A_296, %mul3A_350 : vector<16xf32>
        %gather3A_352 = tpu.vector_load_idx %arg11[%add3A_222, %and3A_333] : memref<64x128xf32, #tpu.memory_space<vmem>>[vector<16xi32>, vector<16xi32>], vector<16xf32>,
        %gather3A_353 = tpu.vector_load_idx %arg12[%add3A_222, %and3A_333] : memref<64x128xf32, #tpu.memory_space<vmem>>[vector<16xi32>, vector<16xi32>], vector<16xf32>,
        %mul3A_354 = arith.mulf %gather3A_352, %gather3A_353 : vector<16xf32>
        %add3A_355 = arith.addf %add3A_300, %mul3A_354 : vector<16xf32>
        %gather3A_356 = tpu.vector_load_idx %arg11[%add3A_222, %and3A_343] : memref<64x128xf32, #tpu.memory_space<vmem>>[vector<16xi32>, vector<16xi32>], vector<16xf32>,
        %gather3A_357 = tpu.vector_load_idx %arg12[%add3A_222, %and3A_343] : memref<64x128xf32, #tpu.memory_space<vmem>>[vector<16xi32>, vector<16xi32>], vector<16xf32>,
        %mul3A_358 = arith.mulf %gather3A_356, %gather3A_357 : vector<16xf32>
        %add3A_359 = arith.addf %add3A_304, %mul3A_358 : vector<16xf32>
        %scan3A_360 = arith.constant 2 : i32
        %scan3A_361 = arith.addi %scan3A_248, %scan3A_360 : i32
        %mul3A_362 = arith.constant 4 : i32
        %mul3A_363 = arith.muli %mul3A_362, %scan3A_361 : i32
        %add3A_364 = vector.broadcast %mul3A_363 : i32 to vector<16xi32>
        %add3A_365 = arith.addi %iota3A, %add3A_364 : vector<16xi32>
        %and3A_366 = arith.constant 127 : i32
        %and3A_367 = vector.broadcast %and3A_366 : i32 to vector<16xi32>
        %and3A_368 = arith.andi %add3A_365, %and3A_367 : vector<16xi32>
        %mul3A_369 = arith.constant 4 : i32
        %mul3A_370 = arith.muli %mul3A_369, %scan3A_361 : i32
        %add3A_371 = vector.broadcast %mul3A_370 : i32 to vector<16xi32>
        %add3A_372 = arith.addi %iota3A, %add3A_371 : vector<16xi32>
        %add3A_373 = arith.constant 1 : i32
        %add3A_374 = vector.broadcast %add3A_373 : i32 to vector<16xi32>
        %add3A_375 = arith.addi %add3A_372, %add3A_374 : vector<16xi32>
        %and3A_376 = arith.constant 127 : i32
        %and3A_377 = vector.broadcast %and3A_376 : i32 to vector<16xi32>
        %and3A_378 = arith.andi %add3A_375, %and3A_377 : vector<16xi32>
        %mul3A_379 = arith.constant 4 : i32
        %mul3A_380 = arith.muli %mul3A_379, %scan3A_361 : i32
        %add3A_381 = vector.broadcast %mul3A_380 : i32 to vector<16xi32>
        %add3A_382 = arith.addi %iota3A, %add3A_381 : vector<16xi32>
        %add3A_383 = arith.constant 2 : i32
        %add3A_384 = vector.broadcast %add3A_383 : i32 to vector<16xi32>
        %add3A_385 = arith.addi %add3A_382, %add3A_384 : vector<16xi32>
        %and3A_386 = arith.constant 127 : i32
        %and3A_387 = vector.broadcast %and3A_386 : i32 to vector<16xi32>
        %and3A_388 = arith.andi %add3A_385, %and3A_387 : vector<16xi32>
        %mul3A_389 = arith.constant 4 : i32
        %mul3A_390 = arith.muli %mul3A_389, %scan3A_361 : i32
        %add3A_391 = vector.broadcast %mul3A_390 : i32 to vector<16xi32>
        %add3A_392 = arith.addi %iota3A, %add3A_391 : vector<16xi32>
        %add3A_393 = arith.constant 3 : i32
        %add3A_394 = vector.broadcast %add3A_393 : i32 to vector<16xi32>
        %add3A_395 = arith.addi %add3A_392, %add3A_394 : vector<16xi32>
        %and3A_396 = arith.constant 127 : i32
        %and3A_397 = vector.broadcast %and3A_396 : i32 to vector<16xi32>
        %and3A_398 = arith.andi %add3A_395, %and3A_397 : vector<16xi32>
        %gather3A_399 = tpu.vector_load_idx %arg11[%add3A_222, %and3A_368] : memref<64x128xf32, #tpu.memory_space<vmem>>[vector<16xi32>, vector<16xi32>], vector<16xf32>,
        %gather3A_400 = tpu.vector_load_idx %arg12[%add3A_222, %and3A_368] : memref<64x128xf32, #tpu.memory_space<vmem>>[vector<16xi32>, vector<16xi32>], vector<16xf32>,
        %mul3A_401 = arith.mulf %gather3A_399, %gather3A_400 : vector<16xf32>
        %add3A_402 = arith.addf %add3A_347, %mul3A_401 : vector<16xf32>
        %gather3A_403 = tpu.vector_load_idx %arg11[%add3A_222, %and3A_378] : memref<64x128xf32, #tpu.memory_space<vmem>>[vector<16xi32>, vector<16xi32>], vector<16xf32>,
        %gather3A_404 = tpu.vector_load_idx %arg12[%add3A_222, %and3A_378] : memref<64x128xf32, #tpu.memory_space<vmem>>[vector<16xi32>, vector<16xi32>], vector<16xf32>,
        %mul3A_405 = arith.mulf %gather3A_403, %gather3A_404 : vector<16xf32>
        %add3A_406 = arith.addf %add3A_351, %mul3A_405 : vector<16xf32>
        %gather3A_407 = tpu.vector_load_idx %arg11[%add3A_222, %and3A_388] : memref<64x128xf32, #tpu.memory_space<vmem>>[vector<16xi32>, vector<16xi32>], vector<16xf32>,
        %gather3A_408 = tpu.vector_load_idx %arg12[%add3A_222, %and3A_388] : memref<64x128xf32, #tpu.memory_space<vmem>>[vector<16xi32>, vector<16xi32>], vector<16xf32>,
        %mul3A_409 = arith.mulf %gather3A_407, %gather3A_408 : vector<16xf32>
        %add3A_410 = arith.addf %add3A_355, %mul3A_409 : vector<16xf32>
        %gather3A_411 = tpu.vector_load_idx %arg11[%add3A_222, %and3A_398] : memref<64x128xf32, #tpu.memory_space<vmem>>[vector<16xi32>, vector<16xi32>], vector<16xf32>,
        %gather3A_412 = tpu.vector_load_idx %arg12[%add3A_222, %and3A_398] : memref<64x128xf32, #tpu.memory_space<vmem>>[vector<16xi32>, vector<16xi32>], vector<16xf32>,
        %mul3A_413 = arith.mulf %gather3A_411, %gather3A_412 : vector<16xf32>
        %add3A_414 = arith.addf %add3A_359, %mul3A_413 : vector<16xf32>
        %scan3A_415 = arith.constant 3 : i32
        %scan3A_416 = arith.addi %scan3A_248, %scan3A_415 : i32
        %mul3A_417 = arith.constant 4 : i32
        %mul3A_418 = arith.muli %mul3A_417, %scan3A_416 : i32
        %add3A_419 = vector.broadcast %mul3A_418 : i32 to vector<16xi32>
        %add3A_420 = arith.addi %iota3A, %add3A_419 : vector<16xi32>
        %and3A_421 = arith.constant 127 : i32
        %and3A_422 = vector.broadcast %and3A_421 : i32 to vector<16xi32>
        %and3A_423 = arith.andi %add3A_420, %and3A_422 : vector<16xi32>
        %mul3A_424 = arith.constant 4 : i32
        %mul3A_425 = arith.muli %mul3A_424, %scan3A_416 : i32
        %add3A_426 = vector.broadcast %mul3A_425 : i32 to vector<16xi32>
        %add3A_427 = arith.addi %iota3A, %add3A_426 : vector<16xi32>
        %add3A_428 = arith.constant 1 : i32
        %add3A_429 = vector.broadcast %add3A_428 : i32 to vector<16xi32>
        %add3A_430 = arith.addi %add3A_427, %add3A_429 : vector<16xi32>
        %and3A_431 = arith.constant 127 : i32
        %and3A_432 = vector.broadcast %and3A_431 : i32 to vector<16xi32>
        %and3A_433 = arith.andi %add3A_430, %and3A_432 : vector<16xi32>
        %mul3A_434 = arith.constant 4 : i32
        %mul3A_435 = arith.muli %mul3A_434, %scan3A_416 : i32
        %add3A_436 = vector.broadcast %mul3A_435 : i32 to vector<16xi32>
        %add3A_437 = arith.addi %iota3A, %add3A_436 : vector<16xi32>
        %add3A_438 = arith.constant 2 : i32
        %add3A_439 = vector.broadcast %add3A_438 : i32 to vector<16xi32>
        %add3A_440 = arith.addi %add3A_437, %add3A_439 : vector<16xi32>
        %and3A_441 = arith.constant 127 : i32
        %and3A_442 = vector.broadcast %and3A_441 : i32 to vector<16xi32>
        %and3A_443 = arith.andi %add3A_440, %and3A_442 : vector<16xi32>
        %mul3A_444 = arith.constant 4 : i32
        %mul3A_445 = arith.muli %mul3A_444, %scan3A_416 : i32
        %add3A_446 = vector.broadcast %mul3A_445 : i32 to vector<16xi32>
        %add3A_447 = arith.addi %iota3A, %add3A_446 : vector<16xi32>
        %add3A_448 = arith.constant 3 : i32
        %add3A_449 = vector.broadcast %add3A_448 : i32 to vector<16xi32>
        %add3A_450 = arith.addi %add3A_447, %add3A_449 : vector<16xi32>
        %and3A_451 = arith.constant 127 : i32
        %and3A_452 = vector.broadcast %and3A_451 : i32 to vector<16xi32>
        %and3A_453 = arith.andi %add3A_450, %and3A_452 : vector<16xi32>
        %gather3A_454 = tpu.vector_load_idx %arg11[%add3A_222, %and3A_423] : memref<64x128xf32, #tpu.memory_space<vmem>>[vector<16xi32>, vector<16xi32>], vector<16xf32>,
        %gather3A_455 = tpu.vector_load_idx %arg12[%add3A_222, %and3A_423] : memref<64x128xf32, #tpu.memory_space<vmem>>[vector<16xi32>, vector<16xi32>], vector<16xf32>,
        %mul3A_456 = arith.mulf %gather3A_454, %gather3A_455 : vector<16xf32>
        %add3A_457 = arith.addf %add3A_402, %mul3A_456 : vector<16xf32>
        %gather3A_458 = tpu.vector_load_idx %arg11[%add3A_222, %and3A_433] : memref<64x128xf32, #tpu.memory_space<vmem>>[vector<16xi32>, vector<16xi32>], vector<16xf32>,
        %gather3A_459 = tpu.vector_load_idx %arg12[%add3A_222, %and3A_433] : memref<64x128xf32, #tpu.memory_space<vmem>>[vector<16xi32>, vector<16xi32>], vector<16xf32>,
        %mul3A_460 = arith.mulf %gather3A_458, %gather3A_459 : vector<16xf32>
        %add3A_461 = arith.addf %add3A_406, %mul3A_460 : vector<16xf32>
        %gather3A_462 = tpu.vector_load_idx %arg11[%add3A_222, %and3A_443] : memref<64x128xf32, #tpu.memory_space<vmem>>[vector<16xi32>, vector<16xi32>], vector<16xf32>,
        %gather3A_463 = tpu.vector_load_idx %arg12[%add3A_222, %and3A_443] : memref<64x128xf32, #tpu.memory_space<vmem>>[vector<16xi32>, vector<16xi32>], vector<16xf32>,
        %mul3A_464 = arith.mulf %gather3A_462, %gather3A_463 : vector<16xf32>
        %add3A_465 = arith.addf %add3A_410, %mul3A_464 : vector<16xf32>
        %gather3A_466 = tpu.vector_load_idx %arg11[%add3A_222, %and3A_453] : memref<64x128xf32, #tpu.memory_space<vmem>>[vector<16xi32>, vector<16xi32>], vector<16xf32>,
        %gather3A_467 = tpu.vector_load_idx %arg12[%add3A_222, %and3A_453] : memref<64x128xf32, #tpu.memory_space<vmem>>[vector<16xi32>, vector<16xi32>], vector<16xf32>,
        %mul3A_468 = arith.mulf %gather3A_466, %gather3A_467 : vector<16xf32>
        %add3A_469 = arith.addf %add3A_414, %mul3A_468 : vector<16xf32>
        %scan3A_470 = arith.constant 4 : i32
        %scan3A_471 = arith.addi %scan3A_248, %scan3A_470 : i32
        %mul3A_472 = arith.constant 4 : i32
        %mul3A_473 = arith.muli %mul3A_472, %scan3A_471 : i32
        %add3A_474 = vector.broadcast %mul3A_473 : i32 to vector<16xi32>
        %add3A_475 = arith.addi %iota3A, %add3A_474 : vector<16xi32>
        %and3A_476 = arith.constant 127 : i32
        %and3A_477 = vector.broadcast %and3A_476 : i32 to vector<16xi32>
        %and3A_478 = arith.andi %add3A_475, %and3A_477 : vector<16xi32>
        %mul3A_479 = arith.constant 4 : i32
        %mul3A_480 = arith.muli %mul3A_479, %scan3A_471 : i32
        %add3A_481 = vector.broadcast %mul3A_480 : i32 to vector<16xi32>
        %add3A_482 = arith.addi %iota3A, %add3A_481 : vector<16xi32>
        %add3A_483 = arith.constant 1 : i32
        %add3A_484 = vector.broadcast %add3A_483 : i32 to vector<16xi32>
        %add3A_485 = arith.addi %add3A_482, %add3A_484 : vector<16xi32>
        %and3A_486 = arith.constant 127 : i32
        %and3A_487 = vector.broadcast %and3A_486 : i32 to vector<16xi32>
        %and3A_488 = arith.andi %add3A_485, %and3A_487 : vector<16xi32>
        %mul3A_489 = arith.constant 4 : i32
        %mul3A_490 = arith.muli %mul3A_489, %scan3A_471 : i32
        %add3A_491 = vector.broadcast %mul3A_490 : i32 to vector<16xi32>
        %add3A_492 = arith.addi %iota3A, %add3A_491 : vector<16xi32>
        %add3A_493 = arith.constant 2 : i32
        %add3A_494 = vector.broadcast %add3A_493 : i32 to vector<16xi32>
        %add3A_495 = arith.addi %add3A_492, %add3A_494 : vector<16xi32>
        %and3A_496 = arith.constant 127 : i32
        %and3A_497 = vector.broadcast %and3A_496 : i32 to vector<16xi32>
        %and3A_498 = arith.andi %add3A_495, %and3A_497 : vector<16xi32>
        %mul3A_499 = arith.constant 4 : i32
        %mul3A_500 = arith.muli %mul3A_499, %scan3A_471 : i32
        %add3A_501 = vector.broadcast %mul3A_500 : i32 to vector<16xi32>
        %add3A_502 = arith.addi %iota3A, %add3A_501 : vector<16xi32>
        %add3A_503 = arith.constant 3 : i32
        %add3A_504 = vector.broadcast %add3A_503 : i32 to vector<16xi32>
        %add3A_505 = arith.addi %add3A_502, %add3A_504 : vector<16xi32>
        %and3A_506 = arith.constant 127 : i32
        %and3A_507 = vector.broadcast %and3A_506 : i32 to vector<16xi32>
        %and3A_508 = arith.andi %add3A_505, %and3A_507 : vector<16xi32>
        %gather3A_509 = tpu.vector_load_idx %arg11[%add3A_222, %and3A_478] : memref<64x128xf32, #tpu.memory_space<vmem>>[vector<16xi32>, vector<16xi32>], vector<16xf32>,
        %gather3A_510 = tpu.vector_load_idx %arg12[%add3A_222, %and3A_478] : memref<64x128xf32, #tpu.memory_space<vmem>>[vector<16xi32>, vector<16xi32>], vector<16xf32>,
        %mul3A_511 = arith.mulf %gather3A_509, %gather3A_510 : vector<16xf32>
        %add3A_512 = arith.addf %add3A_457, %mul3A_511 : vector<16xf32>
        %gather3A_513 = tpu.vector_load_idx %arg11[%add3A_222, %and3A_488] : memref<64x128xf32, #tpu.memory_space<vmem>>[vector<16xi32>, vector<16xi32>], vector<16xf32>,
        %gather3A_514 = tpu.vector_load_idx %arg12[%add3A_222, %and3A_488] : memref<64x128xf32, #tpu.memory_space<vmem>>[vector<16xi32>, vector<16xi32>], vector<16xf32>,
        %mul3A_515 = arith.mulf %gather3A_513, %gather3A_514 : vector<16xf32>
        %add3A_516 = arith.addf %add3A_461, %mul3A_515 : vector<16xf32>
        %gather3A_517 = tpu.vector_load_idx %arg11[%add3A_222, %and3A_498] : memref<64x128xf32, #tpu.memory_space<vmem>>[vector<16xi32>, vector<16xi32>], vector<16xf32>,
        %gather3A_518 = tpu.vector_load_idx %arg12[%add3A_222, %and3A_498] : memref<64x128xf32, #tpu.memory_space<vmem>>[vector<16xi32>, vector<16xi32>], vector<16xf32>,
        %mul3A_519 = arith.mulf %gather3A_517, %gather3A_518 : vector<16xf32>
        %add3A_520 = arith.addf %add3A_465, %mul3A_519 : vector<16xf32>
        %gather3A_521 = tpu.vector_load_idx %arg11[%add3A_222, %and3A_508] : memref<64x128xf32, #tpu.memory_space<vmem>>[vector<16xi32>, vector<16xi32>], vector<16xf32>,
        %gather3A_522 = tpu.vector_load_idx %arg12[%add3A_222, %and3A_508] : memref<64x128xf32, #tpu.memory_space<vmem>>[vector<16xi32>, vector<16xi32>], vector<16xf32>,
        %mul3A_523 = arith.mulf %gather3A_521, %gather3A_522 : vector<16xf32>
        %add3A_524 = arith.addf %add3A_469, %mul3A_523 : vector<16xf32>
        %scan3A_525 = arith.constant 5 : i32
        %scan3A_526 = arith.addi %scan3A_248, %scan3A_525 : i32
        %mul3A_527 = arith.constant 4 : i32
        %mul3A_528 = arith.muli %mul3A_527, %scan3A_526 : i32
        %add3A_529 = vector.broadcast %mul3A_528 : i32 to vector<16xi32>
        %add3A_530 = arith.addi %iota3A, %add3A_529 : vector<16xi32>
        %and3A_531 = arith.constant 127 : i32
        %and3A_532 = vector.broadcast %and3A_531 : i32 to vector<16xi32>
        %and3A_533 = arith.andi %add3A_530, %and3A_532 : vector<16xi32>
        %mul3A_534 = arith.constant 4 : i32
        %mul3A_535 = arith.muli %mul3A_534, %scan3A_526 : i32
        %add3A_536 = vector.broadcast %mul3A_535 : i32 to vector<16xi32>
        %add3A_537 = arith.addi %iota3A, %add3A_536 : vector<16xi32>
        %add3A_538 = arith.constant 1 : i32
        %add3A_539 = vector.broadcast %add3A_538 : i32 to vector<16xi32>
        %add3A_540 = arith.addi %add3A_537, %add3A_539 : vector<16xi32>
        %and3A_541 = arith.constant 127 : i32
        %and3A_542 = vector.broadcast %and3A_541 : i32 to vector<16xi32>
        %and3A_543 = arith.andi %add3A_540, %and3A_542 : vector<16xi32>
        %mul3A_544 = arith.constant 4 : i32
        %mul3A_545 = arith.muli %mul3A_544, %scan3A_526 : i32
        %add3A_546 = vector.broadcast %mul3A_545 : i32 to vector<16xi32>
        %add3A_547 = arith.addi %iota3A, %add3A_546 : vector<16xi32>
        %add3A_548 = arith.constant 2 : i32
        %add3A_549 = vector.broadcast %add3A_548 : i32 to vector<16xi32>
        %add3A_550 = arith.addi %add3A_547, %add3A_549 : vector<16xi32>
        %and3A_551 = arith.constant 127 : i32
        %and3A_552 = vector.broadcast %and3A_551 : i32 to vector<16xi32>
        %and3A_553 = arith.andi %add3A_550, %and3A_552 : vector<16xi32>
        %mul3A_554 = arith.constant 4 : i32
        %mul3A_555 = arith.muli %mul3A_554, %scan3A_526 : i32
        %add3A_556 = vector.broadcast %mul3A_555 : i32 to vector<16xi32>
        %add3A_557 = arith.addi %iota3A, %add3A_556 : vector<16xi32>
        %add3A_558 = arith.constant 3 : i32
        %add3A_559 = vector.broadcast %add3A_558 : i32 to vector<16xi32>
        %add3A_560 = arith.addi %add3A_557, %add3A_559 : vector<16xi32>
        %and3A_561 = arith.constant 127 : i32
        %and3A_562 = vector.broadcast %and3A_561 : i32 to vector<16xi32>
        %and3A_563 = arith.andi %add3A_560, %and3A_562 : vector<16xi32>
        %gather3A_564 = tpu.vector_load_idx %arg11[%add3A_222, %and3A_533] : memref<64x128xf32, #tpu.memory_space<vmem>>[vector<16xi32>, vector<16xi32>], vector<16xf32>,
        %gather3A_565 = tpu.vector_load_idx %arg12[%add3A_222, %and3A_533] : memref<64x128xf32, #tpu.memory_space<vmem>>[vector<16xi32>, vector<16xi32>], vector<16xf32>,
        %mul3A_566 = arith.mulf %gather3A_564, %gather3A_565 : vector<16xf32>
        %add3A_567 = arith.addf %add3A_512, %mul3A_566 : vector<16xf32>
        %gather3A_568 = tpu.vector_load_idx %arg11[%add3A_222, %and3A_543] : memref<64x128xf32, #tpu.memory_space<vmem>>[vector<16xi32>, vector<16xi32>], vector<16xf32>,
        %gather3A_569 = tpu.vector_load_idx %arg12[%add3A_222, %and3A_543] : memref<64x128xf32, #tpu.memory_space<vmem>>[vector<16xi32>, vector<16xi32>], vector<16xf32>,
        %mul3A_570 = arith.mulf %gather3A_568, %gather3A_569 : vector<16xf32>
        %add3A_571 = arith.addf %add3A_516, %mul3A_570 : vector<16xf32>
        %gather3A_572 = tpu.vector_load_idx %arg11[%add3A_222, %and3A_553] : memref<64x128xf32, #tpu.memory_space<vmem>>[vector<16xi32>, vector<16xi32>], vector<16xf32>,
        %gather3A_573 = tpu.vector_load_idx %arg12[%add3A_222, %and3A_553] : memref<64x128xf32, #tpu.memory_space<vmem>>[vector<16xi32>, vector<16xi32>], vector<16xf32>,
        %mul3A_574 = arith.mulf %gather3A_572, %gather3A_573 : vector<16xf32>
        %add3A_575 = arith.addf %add3A_520, %mul3A_574 : vector<16xf32>
        %gather3A_576 = tpu.vector_load_idx %arg11[%add3A_222, %and3A_563] : memref<64x128xf32, #tpu.memory_space<vmem>>[vector<16xi32>, vector<16xi32>], vector<16xf32>,
        %gather3A_577 = tpu.vector_load_idx %arg12[%add3A_222, %and3A_563] : memref<64x128xf32, #tpu.memory_space<vmem>>[vector<16xi32>, vector<16xi32>], vector<16xf32>,
        %mul3A_578 = arith.mulf %gather3A_576, %gather3A_577 : vector<16xf32>
        %add3A_579 = arith.addf %add3A_524, %mul3A_578 : vector<16xf32>
        %scan3A_580 = arith.constant 6 : i32
        %scan3A_581 = arith.addi %scan3A_248, %scan3A_580 : i32
        %mul3A_582 = arith.constant 4 : i32
        %mul3A_583 = arith.muli %mul3A_582, %scan3A_581 : i32
        %add3A_584 = vector.broadcast %mul3A_583 : i32 to vector<16xi32>
        %add3A_585 = arith.addi %iota3A, %add3A_584 : vector<16xi32>
        %and3A_586 = arith.constant 127 : i32
        %and3A_587 = vector.broadcast %and3A_586 : i32 to vector<16xi32>
        %and3A_588 = arith.andi %add3A_585, %and3A_587 : vector<16xi32>
        %mul3A_589 = arith.constant 4 : i32
        %mul3A_590 = arith.muli %mul3A_589, %scan3A_581 : i32
        %add3A_591 = vector.broadcast %mul3A_590 : i32 to vector<16xi32>
        %add3A_592 = arith.addi %iota3A, %add3A_591 : vector<16xi32>
        %add3A_593 = arith.constant 1 : i32
        %add3A_594 = vector.broadcast %add3A_593 : i32 to vector<16xi32>
        %add3A_595 = arith.addi %add3A_592, %add3A_594 : vector<16xi32>
        %and3A_596 = arith.constant 127 : i32
        %and3A_597 = vector.broadcast %and3A_596 : i32 to vector<16xi32>
        %and3A_598 = arith.andi %add3A_595, %and3A_597 : vector<16xi32>
        %mul3A_599 = arith.constant 4 : i32
        %mul3A_600 = arith.muli %mul3A_599, %scan3A_581 : i32
        %add3A_601 = vector.broadcast %mul3A_600 : i32 to vector<16xi32>
        %add3A_602 = arith.addi %iota3A, %add3A_601 : vector<16xi32>
        %add3A_603 = arith.constant 2 : i32
        %add3A_604 = vector.broadcast %add3A_603 : i32 to vector<16xi32>
        %add3A_605 = arith.addi %add3A_602, %add3A_604 : vector<16xi32>
        %and3A_606 = arith.constant 127 : i32
        %and3A_607 = vector.broadcast %and3A_606 : i32 to vector<16xi32>
        %and3A_608 = arith.andi %add3A_605, %and3A_607 : vector<16xi32>
        %mul3A_609 = arith.constant 4 : i32
        %mul3A_610 = arith.muli %mul3A_609, %scan3A_581 : i32
        %add3A_611 = vector.broadcast %mul3A_610 : i32 to vector<16xi32>
        %add3A_612 = arith.addi %iota3A, %add3A_611 : vector<16xi32>
        %add3A_613 = arith.constant 3 : i32
        %add3A_614 = vector.broadcast %add3A_613 : i32 to vector<16xi32>
        %add3A_615 = arith.addi %add3A_612, %add3A_614 : vector<16xi32>
        %and3A_616 = arith.constant 127 : i32
        %and3A_617 = vector.broadcast %and3A_616 : i32 to vector<16xi32>
        %and3A_618 = arith.andi %add3A_615, %and3A_617 : vector<16xi32>
        %gather3A_619 = tpu.vector_load_idx %arg11[%add3A_222, %and3A_588] : memref<64x128xf32, #tpu.memory_space<vmem>>[vector<16xi32>, vector<16xi32>], vector<16xf32>,
        %gather3A_620 = tpu.vector_load_idx %arg12[%add3A_222, %and3A_588] : memref<64x128xf32, #tpu.memory_space<vmem>>[vector<16xi32>, vector<16xi32>], vector<16xf32>,
        %mul3A_621 = arith.mulf %gather3A_619, %gather3A_620 : vector<16xf32>
        %add3A_622 = arith.addf %add3A_567, %mul3A_621 : vector<16xf32>
        %gather3A_623 = tpu.vector_load_idx %arg11[%add3A_222, %and3A_598] : memref<64x128xf32, #tpu.memory_space<vmem>>[vector<16xi32>, vector<16xi32>], vector<16xf32>,
        %gather3A_624 = tpu.vector_load_idx %arg12[%add3A_222, %and3A_598] : memref<64x128xf32, #tpu.memory_space<vmem>>[vector<16xi32>, vector<16xi32>], vector<16xf32>,
        %mul3A_625 = arith.mulf %gather3A_623, %gather3A_624 : vector<16xf32>
        %add3A_626 = arith.addf %add3A_571, %mul3A_625 : vector<16xf32>
        %gather3A_627 = tpu.vector_load_idx %arg11[%add3A_222, %and3A_608] : memref<64x128xf32, #tpu.memory_space<vmem>>[vector<16xi32>, vector<16xi32>], vector<16xf32>,
        %gather3A_628 = tpu.vector_load_idx %arg12[%add3A_222, %and3A_608] : memref<64x128xf32, #tpu.memory_space<vmem>>[vector<16xi32>, vector<16xi32>], vector<16xf32>,
        %mul3A_629 = arith.mulf %gather3A_627, %gather3A_628 : vector<16xf32>
        %add3A_630 = arith.addf %add3A_575, %mul3A_629 : vector<16xf32>
        %gather3A_631 = tpu.vector_load_idx %arg11[%add3A_222, %and3A_618] : memref<64x128xf32, #tpu.memory_space<vmem>>[vector<16xi32>, vector<16xi32>], vector<16xf32>,
        %gather3A_632 = tpu.vector_load_idx %arg12[%add3A_222, %and3A_618] : memref<64x128xf32, #tpu.memory_space<vmem>>[vector<16xi32>, vector<16xi32>], vector<16xf32>,
        %mul3A_633 = arith.mulf %gather3A_631, %gather3A_632 : vector<16xf32>
        %add3A_634 = arith.addf %add3A_579, %mul3A_633 : vector<16xf32>
        %scan3A_635 = arith.constant 7 : i32
        %scan3A_636 = arith.addi %scan3A_248, %scan3A_635 : i32
        %mul3A_637 = arith.constant 4 : i32
        %mul3A_638 = arith.muli %mul3A_637, %scan3A_636 : i32
        %add3A_639 = vector.broadcast %mul3A_638 : i32 to vector<16xi32>
        %add3A_640 = arith.addi %iota3A, %add3A_639 : vector<16xi32>
        %and3A_641 = arith.constant 127 : i32
        %and3A_642 = vector.broadcast %and3A_641 : i32 to vector<16xi32>
        %and3A_643 = arith.andi %add3A_640, %and3A_642 : vector<16xi32>
        %mul3A_644 = arith.constant 4 : i32
        %mul3A_645 = arith.muli %mul3A_644, %scan3A_636 : i32
        %add3A_646 = vector.broadcast %mul3A_645 : i32 to vector<16xi32>
        %add3A_647 = arith.addi %iota3A, %add3A_646 : vector<16xi32>
        %add3A_648 = arith.constant 1 : i32
        %add3A_649 = vector.broadcast %add3A_648 : i32 to vector<16xi32>
        %add3A_650 = arith.addi %add3A_647, %add3A_649 : vector<16xi32>
        %and3A_651 = arith.constant 127 : i32
        %and3A_652 = vector.broadcast %and3A_651 : i32 to vector<16xi32>
        %and3A_653 = arith.andi %add3A_650, %and3A_652 : vector<16xi32>
        %mul3A_654 = arith.constant 4 : i32
        %mul3A_655 = arith.muli %mul3A_654, %scan3A_636 : i32
        %add3A_656 = vector.broadcast %mul3A_655 : i32 to vector<16xi32>
        %add3A_657 = arith.addi %iota3A, %add3A_656 : vector<16xi32>
        %add3A_658 = arith.constant 2 : i32
        %add3A_659 = vector.broadcast %add3A_658 : i32 to vector<16xi32>
        %add3A_660 = arith.addi %add3A_657, %add3A_659 : vector<16xi32>
        %and3A_661 = arith.constant 127 : i32
        %and3A_662 = vector.broadcast %and3A_661 : i32 to vector<16xi32>
        %and3A_663 = arith.andi %add3A_660, %and3A_662 : vector<16xi32>
        %mul3A_664 = arith.constant 4 : i32
        %mul3A_665 = arith.muli %mul3A_664, %scan3A_636 : i32
        %add3A_666 = vector.broadcast %mul3A_665 : i32 to vector<16xi32>
        %add3A_667 = arith.addi %iota3A, %add3A_666 : vector<16xi32>
        %add3A_668 = arith.constant 3 : i32
        %add3A_669 = vector.broadcast %add3A_668 : i32 to vector<16xi32>
        %add3A_670 = arith.addi %add3A_667, %add3A_669 : vector<16xi32>
        %and3A_671 = arith.constant 127 : i32
        %and3A_672 = vector.broadcast %and3A_671 : i32 to vector<16xi32>
        %and3A_673 = arith.andi %add3A_670, %and3A_672 : vector<16xi32>
        %gather3A_674 = tpu.vector_load_idx %arg11[%add3A_222, %and3A_643] : memref<64x128xf32, #tpu.memory_space<vmem>>[vector<16xi32>, vector<16xi32>], vector<16xf32>,
        %gather3A_675 = tpu.vector_load_idx %arg12[%add3A_222, %and3A_643] : memref<64x128xf32, #tpu.memory_space<vmem>>[vector<16xi32>, vector<16xi32>], vector<16xf32>,
        %mul3A_676 = arith.mulf %gather3A_674, %gather3A_675 : vector<16xf32>
        %add3A_677 = arith.addf %add3A_622, %mul3A_676 : vector<16xf32>
        %gather3A_678 = tpu.vector_load_idx %arg11[%add3A_222, %and3A_653] : memref<64x128xf32, #tpu.memory_space<vmem>>[vector<16xi32>, vector<16xi32>], vector<16xf32>,
        %gather3A_679 = tpu.vector_load_idx %arg12[%add3A_222, %and3A_653] : memref<64x128xf32, #tpu.memory_space<vmem>>[vector<16xi32>, vector<16xi32>], vector<16xf32>,
        %mul3A_680 = arith.mulf %gather3A_678, %gather3A_679 : vector<16xf32>
        %add3A_681 = arith.addf %add3A_626, %mul3A_680 : vector<16xf32>
        %gather3A_682 = tpu.vector_load_idx %arg11[%add3A_222, %and3A_663] : memref<64x128xf32, #tpu.memory_space<vmem>>[vector<16xi32>, vector<16xi32>], vector<16xf32>,
        %gather3A_683 = tpu.vector_load_idx %arg12[%add3A_222, %and3A_663] : memref<64x128xf32, #tpu.memory_space<vmem>>[vector<16xi32>, vector<16xi32>], vector<16xf32>,
        %mul3A_684 = arith.mulf %gather3A_682, %gather3A_683 : vector<16xf32>
        %add3A_685 = arith.addf %add3A_630, %mul3A_684 : vector<16xf32>
        %gather3A_686 = tpu.vector_load_idx %arg11[%add3A_222, %and3A_673] : memref<64x128xf32, #tpu.memory_space<vmem>>[vector<16xi32>, vector<16xi32>], vector<16xf32>,
        %gather3A_687 = tpu.vector_load_idx %arg12[%add3A_222, %and3A_673] : memref<64x128xf32, #tpu.memory_space<vmem>>[vector<16xi32>, vector<16xi32>], vector<16xf32>,
        %mul3A_688 = arith.mulf %gather3A_686, %gather3A_687 : vector<16xf32>
        %add3A_689 = arith.addf %add3A_634, %mul3A_688 : vector<16xf32>
        scf.yield %add3A_677, %add3A_681, %add3A_685, %add3A_689 : vector<16xf32>, vector<16xf32>, vector<16xf32>, vector<16xf32>
      }
      %scan3A_230 = arith.constant 32 : i32
      %add3A_231 = arith.addf %scan3A_229#0, %scan3A_229#1 : vector<16xf32>
      %add3A_232 = arith.addf %scan3A_229#2, %scan3A_229#3 : vector<16xf32>
      %add3A_233 = arith.addf %add3A_231, %add3A_232 : vector<16xf32>
      %mul3A_234 = arith.mulf %add3A_233, %gather3A : vector<16xf32>
      %add3A_235 = arith.addf %mul3A_234, %gather3A_12 : vector<16xf32>
      %neg3A = arith.constant 0.000000e+00 : f32
      %neg3A_236 = vector.broadcast %neg3A : f32 to vector<16xf32>
      %neg3A_237 = arith.subf %neg3A_236, %add3A_235 : vector<16xf32>
      %exp3A = math.exp %neg3A_237 : vector<16xf32>
      %add3A_238 = arith.constant 1.000000e+00 : f32
      %add3A_239 = vector.broadcast %add3A_238 : f32 to vector<16xf32>
      %add3A_240 = arith.addf %add3A_239, %exp3A : vector<16xf32>
      %div3A = arith.constant 1.000000e+00 : f32
      %div3A_241 = vector.broadcast %div3A : f32 to vector<16xf32>
      %div3A_242 = arith.divf %div3A_241, %add3A_240 : vector<16xf32>
      %mul3A_243 = arith.constant 16 : i32
      %mul3A_244 = arith.muli %scan3A_218, %mul3A_243 : i32
      %add3A_245 = arith.constant 0 : i32
      %add3A_246 = arith.addi %add3A_245, %mul3A_244 : i32
      %swap3A = arith.index_cast %add3A_246 : i32 to index
      %swap3A_247 = tpu.vector_load %arg17[%swap3A] {strides = array<i32>} : memref<512xf32, #tpu.memory_space<vmem>>, vector<16xf32>,
      tpu.vector_store %arg17[%swap3A], %div3A_242 {strides = array<i32>} : memref<512xf32, #tpu.memory_space<vmem>>, vector<16xf32>,
    }
    %scan3A_56 = arith.constant 4 : i32
    %dma_start3A_57 = arith.constant 192 : i32
    %dma_start3A_58 = tpu.memref_slice %arg9[%dma_start3A_57] : memref<512xi32, #tpu.memory_space<vmem>> -> memref<64xi32, #tpu.memory_space<vmem>>
    %dma_start3A_59 = arith.constant 0 : i32
    %dma_start3A_60 = arith.constant 0 : i32
    %dma_start3A_61 = tpu.memref_slice %arg4[%dma_start3A_59, %dma_start3A_60] : memref<100000x128xf32, #tpu.memory_space<hbm>> -> memref<100000x128xf32, #tpu.memory_space<hbm>>
    tpu.enqueue_indirect_dma source(%dma_start3A_61 : memref<100000x128xf32, #tpu.memory_space<hbm>>) target(%arg11 : memref<64x128xf32, #tpu.memory_space<vmem>>) offsets(%dma_start3A_58 : memref<64xi32, #tpu.memory_space<vmem>>) semaphore(%arg20 : memref<!tpu.dma_semaphore, #tpu.memory_space<semaphore_mem>>)
    %dma_start3A_62 = arith.constant 192 : i32
    %dma_start3A_63 = tpu.memref_slice %arg10[%dma_start3A_62] : memref<512xi32, #tpu.memory_space<vmem>> -> memref<64xi32, #tpu.memory_space<vmem>>
    %dma_start3A_64 = arith.constant 0 : i32
    %dma_start3A_65 = arith.constant 0 : i32
    %dma_start3A_66 = tpu.memref_slice %arg5[%dma_start3A_64, %dma_start3A_65] : memref<100000x128xf32, #tpu.memory_space<hbm>> -> memref<100000x128xf32, #tpu.memory_space<hbm>>
    tpu.enqueue_indirect_dma source(%dma_start3A_66 : memref<100000x128xf32, #tpu.memory_space<hbm>>) target(%arg12 : memref<64x128xf32, #tpu.memory_space<vmem>>) offsets(%dma_start3A_63 : memref<64xi32, #tpu.memory_space<vmem>>) semaphore(%arg21 : memref<!tpu.dma_semaphore, #tpu.memory_space<semaphore_mem>>)
    %dma_wait3A_67 = arith.constant 64 : i32
    %dma_wait3A_68 = tpu.memref_slice %arg9[%dma_wait3A_67] : memref<512xi32, #tpu.memory_space<vmem>> -> memref<64xi32, #tpu.memory_space<vmem>>
    %dma_wait3A_69 = arith.constant 0 : i32
    %dma_wait3A_70 = arith.constant 0 : i32
    %dma_wait3A_71 = tpu.memref_slice %arg4[%dma_wait3A_69, %dma_wait3A_70] : memref<100000x128xf32, #tpu.memory_space<hbm>> -> memref<100000x128xf32, #tpu.memory_space<hbm>>
    tpu.wait_indirect_dma semaphore(%arg22 : memref<!tpu.dma_semaphore, #tpu.memory_space<semaphore_mem>>) src(%dma_wait3A_71 : memref<100000x128xf32, #tpu.memory_space<hbm>>) dst(%arg13 : memref<64x128xf32, #tpu.memory_space<vmem>>)
    %dma_wait3A_72 = arith.constant 64 : i32
    %dma_wait3A_73 = tpu.memref_slice %arg10[%dma_wait3A_72] : memref<512xi32, #tpu.memory_space<vmem>> -> memref<64xi32, #tpu.memory_space<vmem>>
    %dma_wait3A_74 = arith.constant 0 : i32
    %dma_wait3A_75 = arith.constant 0 : i32
    %dma_wait3A_76 = tpu.memref_slice %arg5[%dma_wait3A_74, %dma_wait3A_75] : memref<100000x128xf32, #tpu.memory_space<hbm>> -> memref<100000x128xf32, #tpu.memory_space<hbm>>
    tpu.wait_indirect_dma semaphore(%arg23 : memref<!tpu.dma_semaphore, #tpu.memory_space<semaphore_mem>>) src(%dma_wait3A_76 : memref<100000x128xf32, #tpu.memory_space<hbm>>) dst(%arg14 : memref<64x128xf32, #tpu.memory_space<vmem>>)
    %scan3A_77 = arith.constant 0 : i32
    %scan3A_78 = arith.constant 4 : i32
    %scan3A_79 = arith.addi %scan3A_77, %scan3A_78 : i32
    %scan3A_80 = arith.constant 1 : i32
    scf.for %scan3A_218 = %scan3A_77 to %scan3A_79 step %scan3A_80  : i32 {
      %mul3A_219 = arith.constant 16 : i32
      %mul3A_220 = arith.muli %scan3A_218, %mul3A_219 : i32
      %add3A_221 = vector.broadcast %mul3A_220 : i32 to vector<16xi32>
      %add3A_222 = arith.addi %add3A_221, %iota3A : vector<16xi32>
      %broadcast_in_dim3A_223 = arith.constant 0.000000e+00 : f32
      %broadcast_in_dim3A_224 = vector.broadcast %broadcast_in_dim3A_223 : f32 to vector<16xf32>
      %scan3A_225 = arith.constant 0 : i32
      %scan3A_226 = arith.constant 32 : i32
      %scan3A_227 = arith.addi %scan3A_225, %scan3A_226 : i32
      %scan3A_228 = arith.constant 8 : i32
      %scan3A_229:4 = scf.for %scan3A_248 = %scan3A_225 to %scan3A_227 step %scan3A_228 iter_args(%scan3A_249 = %broadcast_in_dim3A_224, %scan3A_250 = %broadcast_in_dim3A_224, %scan3A_251 = %broadcast_in_dim3A_224, %scan3A_252 = %broadcast_in_dim3A_224) -> (vector<16xf32>, vector<16xf32>, vector<16xf32>, vector<16xf32>)  : i32 {
        %mul3A_253 = arith.constant 4 : i32
        %mul3A_254 = arith.muli %mul3A_253, %scan3A_248 : i32
        %add3A_255 = vector.broadcast %mul3A_254 : i32 to vector<16xi32>
        %add3A_256 = arith.addi %iota3A, %add3A_255 : vector<16xi32>
        %and3A = arith.constant 127 : i32
        %and3A_257 = vector.broadcast %and3A : i32 to vector<16xi32>
        %and3A_258 = arith.andi %add3A_256, %and3A_257 : vector<16xi32>
        %mul3A_259 = arith.constant 4 : i32
        %mul3A_260 = arith.muli %mul3A_259, %scan3A_248 : i32
        %add3A_261 = vector.broadcast %mul3A_260 : i32 to vector<16xi32>
        %add3A_262 = arith.addi %iota3A, %add3A_261 : vector<16xi32>
        %add3A_263 = arith.constant 1 : i32
        %add3A_264 = vector.broadcast %add3A_263 : i32 to vector<16xi32>
        %add3A_265 = arith.addi %add3A_262, %add3A_264 : vector<16xi32>
        %and3A_266 = arith.constant 127 : i32
        %and3A_267 = vector.broadcast %and3A_266 : i32 to vector<16xi32>
        %and3A_268 = arith.andi %add3A_265, %and3A_267 : vector<16xi32>
        %mul3A_269 = arith.constant 4 : i32
        %mul3A_270 = arith.muli %mul3A_269, %scan3A_248 : i32
        %add3A_271 = vector.broadcast %mul3A_270 : i32 to vector<16xi32>
        %add3A_272 = arith.addi %iota3A, %add3A_271 : vector<16xi32>
        %add3A_273 = arith.constant 2 : i32
        %add3A_274 = vector.broadcast %add3A_273 : i32 to vector<16xi32>
        %add3A_275 = arith.addi %add3A_272, %add3A_274 : vector<16xi32>
        %and3A_276 = arith.constant 127 : i32
        %and3A_277 = vector.broadcast %and3A_276 : i32 to vector<16xi32>
        %and3A_278 = arith.andi %add3A_275, %and3A_277 : vector<16xi32>
        %mul3A_279 = arith.constant 4 : i32
        %mul3A_280 = arith.muli %mul3A_279, %scan3A_248 : i32
        %add3A_281 = vector.broadcast %mul3A_280 : i32 to vector<16xi32>
        %add3A_282 = arith.addi %iota3A, %add3A_281 : vector<16xi32>
        %add3A_283 = arith.constant 3 : i32
        %add3A_284 = vector.broadcast %add3A_283 : i32 to vector<16xi32>
        %add3A_285 = arith.addi %add3A_282, %add3A_284 : vector<16xi32>
        %and3A_286 = arith.constant 127 : i32
        %and3A_287 = vector.broadcast %and3A_286 : i32 to vector<16xi32>
        %and3A_288 = arith.andi %add3A_285, %and3A_287 : vector<16xi32>
        %gather3A_289 = tpu.vector_load_idx %arg13[%add3A_222, %and3A_258] : memref<64x128xf32, #tpu.memory_space<vmem>>[vector<16xi32>, vector<16xi32>], vector<16xf32>,
        %gather3A_290 = tpu.vector_load_idx %arg14[%add3A_222, %and3A_258] : memref<64x128xf32, #tpu.memory_space<vmem>>[vector<16xi32>, vector<16xi32>], vector<16xf32>,
        %mul3A_291 = arith.mulf %gather3A_289, %gather3A_290 : vector<16xf32>
        %add3A_292 = arith.addf %scan3A_249, %mul3A_291 : vector<16xf32>
        %gather3A_293 = tpu.vector_load_idx %arg13[%add3A_222, %and3A_268] : memref<64x128xf32, #tpu.memory_space<vmem>>[vector<16xi32>, vector<16xi32>], vector<16xf32>,
        %gather3A_294 = tpu.vector_load_idx %arg14[%add3A_222, %and3A_268] : memref<64x128xf32, #tpu.memory_space<vmem>>[vector<16xi32>, vector<16xi32>], vector<16xf32>,
        %mul3A_295 = arith.mulf %gather3A_293, %gather3A_294 : vector<16xf32>
        %add3A_296 = arith.addf %scan3A_250, %mul3A_295 : vector<16xf32>
        %gather3A_297 = tpu.vector_load_idx %arg13[%add3A_222, %and3A_278] : memref<64x128xf32, #tpu.memory_space<vmem>>[vector<16xi32>, vector<16xi32>], vector<16xf32>,
        %gather3A_298 = tpu.vector_load_idx %arg14[%add3A_222, %and3A_278] : memref<64x128xf32, #tpu.memory_space<vmem>>[vector<16xi32>, vector<16xi32>], vector<16xf32>,
        %mul3A_299 = arith.mulf %gather3A_297, %gather3A_298 : vector<16xf32>
        %add3A_300 = arith.addf %scan3A_251, %mul3A_299 : vector<16xf32>
        %gather3A_301 = tpu.vector_load_idx %arg13[%add3A_222, %and3A_288] : memref<64x128xf32, #tpu.memory_space<vmem>>[vector<16xi32>, vector<16xi32>], vector<16xf32>,
        %gather3A_302 = tpu.vector_load_idx %arg14[%add3A_222, %and3A_288] : memref<64x128xf32, #tpu.memory_space<vmem>>[vector<16xi32>, vector<16xi32>], vector<16xf32>,
        %mul3A_303 = arith.mulf %gather3A_301, %gather3A_302 : vector<16xf32>
        %add3A_304 = arith.addf %scan3A_252, %mul3A_303 : vector<16xf32>
        %scan3A_305 = arith.constant 1 : i32
        %scan3A_306 = arith.addi %scan3A_248, %scan3A_305 : i32
        %mul3A_307 = arith.constant 4 : i32
        %mul3A_308 = arith.muli %mul3A_307, %scan3A_306 : i32
        %add3A_309 = vector.broadcast %mul3A_308 : i32 to vector<16xi32>
        %add3A_310 = arith.addi %iota3A, %add3A_309 : vector<16xi32>
        %and3A_311 = arith.constant 127 : i32
        %and3A_312 = vector.broadcast %and3A_311 : i32 to vector<16xi32>
        %and3A_313 = arith.andi %add3A_310, %and3A_312 : vector<16xi32>
        %mul3A_314 = arith.constant 4 : i32
        %mul3A_315 = arith.muli %mul3A_314, %scan3A_306 : i32
        %add3A_316 = vector.broadcast %mul3A_315 : i32 to vector<16xi32>
        %add3A_317 = arith.addi %iota3A, %add3A_316 : vector<16xi32>
        %add3A_318 = arith.constant 1 : i32
        %add3A_319 = vector.broadcast %add3A_318 : i32 to vector<16xi32>
        %add3A_320 = arith.addi %add3A_317, %add3A_319 : vector<16xi32>
        %and3A_321 = arith.constant 127 : i32
        %and3A_322 = vector.broadcast %and3A_321 : i32 to vector<16xi32>
        %and3A_323 = arith.andi %add3A_320, %and3A_322 : vector<16xi32>
        %mul3A_324 = arith.constant 4 : i32
        %mul3A_325 = arith.muli %mul3A_324, %scan3A_306 : i32
        %add3A_326 = vector.broadcast %mul3A_325 : i32 to vector<16xi32>
        %add3A_327 = arith.addi %iota3A, %add3A_326 : vector<16xi32>
        %add3A_328 = arith.constant 2 : i32
        %add3A_329 = vector.broadcast %add3A_328 : i32 to vector<16xi32>
        %add3A_330 = arith.addi %add3A_327, %add3A_329 : vector<16xi32>
        %and3A_331 = arith.constant 127 : i32
        %and3A_332 = vector.broadcast %and3A_331 : i32 to vector<16xi32>
        %and3A_333 = arith.andi %add3A_330, %and3A_332 : vector<16xi32>
        %mul3A_334 = arith.constant 4 : i32
        %mul3A_335 = arith.muli %mul3A_334, %scan3A_306 : i32
        %add3A_336 = vector.broadcast %mul3A_335 : i32 to vector<16xi32>
        %add3A_337 = arith.addi %iota3A, %add3A_336 : vector<16xi32>
        %add3A_338 = arith.constant 3 : i32
        %add3A_339 = vector.broadcast %add3A_338 : i32 to vector<16xi32>
        %add3A_340 = arith.addi %add3A_337, %add3A_339 : vector<16xi32>
        %and3A_341 = arith.constant 127 : i32
        %and3A_342 = vector.broadcast %and3A_341 : i32 to vector<16xi32>
        %and3A_343 = arith.andi %add3A_340, %and3A_342 : vector<16xi32>
        %gather3A_344 = tpu.vector_load_idx %arg13[%add3A_222, %and3A_313] : memref<64x128xf32, #tpu.memory_space<vmem>>[vector<16xi32>, vector<16xi32>], vector<16xf32>,
        %gather3A_345 = tpu.vector_load_idx %arg14[%add3A_222, %and3A_313] : memref<64x128xf32, #tpu.memory_space<vmem>>[vector<16xi32>, vector<16xi32>], vector<16xf32>,
        %mul3A_346 = arith.mulf %gather3A_344, %gather3A_345 : vector<16xf32>
        %add3A_347 = arith.addf %add3A_292, %mul3A_346 : vector<16xf32>
        %gather3A_348 = tpu.vector_load_idx %arg13[%add3A_222, %and3A_323] : memref<64x128xf32, #tpu.memory_space<vmem>>[vector<16xi32>, vector<16xi32>], vector<16xf32>,
        %gather3A_349 = tpu.vector_load_idx %arg14[%add3A_222, %and3A_323] : memref<64x128xf32, #tpu.memory_space<vmem>>[vector<16xi32>, vector<16xi32>], vector<16xf32>,
        %mul3A_350 = arith.mulf %gather3A_348, %gather3A_349 : vector<16xf32>
        %add3A_351 = arith.addf %add3A_296, %mul3A_350 : vector<16xf32>
        %gather3A_352 = tpu.vector_load_idx %arg13[%add3A_222, %and3A_333] : memref<64x128xf32, #tpu.memory_space<vmem>>[vector<16xi32>, vector<16xi32>], vector<16xf32>,
        %gather3A_353 = tpu.vector_load_idx %arg14[%add3A_222, %and3A_333] : memref<64x128xf32, #tpu.memory_space<vmem>>[vector<16xi32>, vector<16xi32>], vector<16xf32>,
        %mul3A_354 = arith.mulf %gather3A_352, %gather3A_353 : vector<16xf32>
        %add3A_355 = arith.addf %add3A_300, %mul3A_354 : vector<16xf32>
        %gather3A_356 = tpu.vector_load_idx %arg13[%add3A_222, %and3A_343] : memref<64x128xf32, #tpu.memory_space<vmem>>[vector<16xi32>, vector<16xi32>], vector<16xf32>,
        %gather3A_357 = tpu.vector_load_idx %arg14[%add3A_222, %and3A_343] : memref<64x128xf32, #tpu.memory_space<vmem>>[vector<16xi32>, vector<16xi32>], vector<16xf32>,
        %mul3A_358 = arith.mulf %gather3A_356, %gather3A_357 : vector<16xf32>
        %add3A_359 = arith.addf %add3A_304, %mul3A_358 : vector<16xf32>
        %scan3A_360 = arith.constant 2 : i32
        %scan3A_361 = arith.addi %scan3A_248, %scan3A_360 : i32
        %mul3A_362 = arith.constant 4 : i32
        %mul3A_363 = arith.muli %mul3A_362, %scan3A_361 : i32
        %add3A_364 = vector.broadcast %mul3A_363 : i32 to vector<16xi32>
        %add3A_365 = arith.addi %iota3A, %add3A_364 : vector<16xi32>
        %and3A_366 = arith.constant 127 : i32
        %and3A_367 = vector.broadcast %and3A_366 : i32 to vector<16xi32>
        %and3A_368 = arith.andi %add3A_365, %and3A_367 : vector<16xi32>
        %mul3A_369 = arith.constant 4 : i32
        %mul3A_370 = arith.muli %mul3A_369, %scan3A_361 : i32
        %add3A_371 = vector.broadcast %mul3A_370 : i32 to vector<16xi32>
        %add3A_372 = arith.addi %iota3A, %add3A_371 : vector<16xi32>
        %add3A_373 = arith.constant 1 : i32
        %add3A_374 = vector.broadcast %add3A_373 : i32 to vector<16xi32>
        %add3A_375 = arith.addi %add3A_372, %add3A_374 : vector<16xi32>
        %and3A_376 = arith.constant 127 : i32
        %and3A_377 = vector.broadcast %and3A_376 : i32 to vector<16xi32>
        %and3A_378 = arith.andi %add3A_375, %and3A_377 : vector<16xi32>
        %mul3A_379 = arith.constant 4 : i32
        %mul3A_380 = arith.muli %mul3A_379, %scan3A_361 : i32
        %add3A_381 = vector.broadcast %mul3A_380 : i32 to vector<16xi32>
        %add3A_382 = arith.addi %iota3A, %add3A_381 : vector<16xi32>
        %add3A_383 = arith.constant 2 : i32
        %add3A_384 = vector.broadcast %add3A_383 : i32 to vector<16xi32>
        %add3A_385 = arith.addi %add3A_382, %add3A_384 : vector<16xi32>
        %and3A_386 = arith.constant 127 : i32
        %and3A_387 = vector.broadcast %and3A_386 : i32 to vector<16xi32>
        %and3A_388 = arith.andi %add3A_385, %and3A_387 : vector<16xi32>
        %mul3A_389 = arith.constant 4 : i32
        %mul3A_390 = arith.muli %mul3A_389, %scan3A_361 : i32
        %add3A_391 = vector.broadcast %mul3A_390 : i32 to vector<16xi32>
        %add3A_392 = arith.addi %iota3A, %add3A_391 : vector<16xi32>
        %add3A_393 = arith.constant 3 : i32
        %add3A_394 = vector.broadcast %add3A_393 : i32 to vector<16xi32>
        %add3A_395 = arith.addi %add3A_392, %add3A_394 : vector<16xi32>
        %and3A_396 = arith.constant 127 : i32
        %and3A_397 = vector.broadcast %and3A_396 : i32 to vector<16xi32>
        %and3A_398 = arith.andi %add3A_395, %and3A_397 : vector<16xi32>
        %gather3A_399 = tpu.vector_load_idx %arg13[%add3A_222, %and3A_368] : memref<64x128xf32, #tpu.memory_space<vmem>>[vector<16xi32>, vector<16xi32>], vector<16xf32>,
        %gather3A_400 = tpu.vector_load_idx %arg14[%add3A_222, %and3A_368] : memref<64x128xf32, #tpu.memory_space<vmem>>[vector<16xi32>, vector<16xi32>], vector<16xf32>,
        %mul3A_401 = arith.mulf %gather3A_399, %gather3A_400 : vector<16xf32>
        %add3A_402 = arith.addf %add3A_347, %mul3A_401 : vector<16xf32>
        %gather3A_403 = tpu.vector_load_idx %arg13[%add3A_222, %and3A_378] : memref<64x128xf32, #tpu.memory_space<vmem>>[vector<16xi32>, vector<16xi32>], vector<16xf32>,
        %gather3A_404 = tpu.vector_load_idx %arg14[%add3A_222, %and3A_378] : memref<64x128xf32, #tpu.memory_space<vmem>>[vector<16xi32>, vector<16xi32>], vector<16xf32>,
        %mul3A_405 = arith.mulf %gather3A_403, %gather3A_404 : vector<16xf32>
        %add3A_406 = arith.addf %add3A_351, %mul3A_405 : vector<16xf32>
        %gather3A_407 = tpu.vector_load_idx %arg13[%add3A_222, %and3A_388] : memref<64x128xf32, #tpu.memory_space<vmem>>[vector<16xi32>, vector<16xi32>], vector<16xf32>,
        %gather3A_408 = tpu.vector_load_idx %arg14[%add3A_222, %and3A_388] : memref<64x128xf32, #tpu.memory_space<vmem>>[vector<16xi32>, vector<16xi32>], vector<16xf32>,
        %mul3A_409 = arith.mulf %gather3A_407, %gather3A_408 : vector<16xf32>
        %add3A_410 = arith.addf %add3A_355, %mul3A_409 : vector<16xf32>
        %gather3A_411 = tpu.vector_load_idx %arg13[%add3A_222, %and3A_398] : memref<64x128xf32, #tpu.memory_space<vmem>>[vector<16xi32>, vector<16xi32>], vector<16xf32>,
        %gather3A_412 = tpu.vector_load_idx %arg14[%add3A_222, %and3A_398] : memref<64x128xf32, #tpu.memory_space<vmem>>[vector<16xi32>, vector<16xi32>], vector<16xf32>,
        %mul3A_413 = arith.mulf %gather3A_411, %gather3A_412 : vector<16xf32>
        %add3A_414 = arith.addf %add3A_359, %mul3A_413 : vector<16xf32>
        %scan3A_415 = arith.constant 3 : i32
        %scan3A_416 = arith.addi %scan3A_248, %scan3A_415 : i32
        %mul3A_417 = arith.constant 4 : i32
        %mul3A_418 = arith.muli %mul3A_417, %scan3A_416 : i32
        %add3A_419 = vector.broadcast %mul3A_418 : i32 to vector<16xi32>
        %add3A_420 = arith.addi %iota3A, %add3A_419 : vector<16xi32>
        %and3A_421 = arith.constant 127 : i32
        %and3A_422 = vector.broadcast %and3A_421 : i32 to vector<16xi32>
        %and3A_423 = arith.andi %add3A_420, %and3A_422 : vector<16xi32>
        %mul3A_424 = arith.constant 4 : i32
        %mul3A_425 = arith.muli %mul3A_424, %scan3A_416 : i32
        %add3A_426 = vector.broadcast %mul3A_425 : i32 to vector<16xi32>
        %add3A_427 = arith.addi %iota3A, %add3A_426 : vector<16xi32>
        %add3A_428 = arith.constant 1 : i32
        %add3A_429 = vector.broadcast %add3A_428 : i32 to vector<16xi32>
        %add3A_430 = arith.addi %add3A_427, %add3A_429 : vector<16xi32>
        %and3A_431 = arith.constant 127 : i32
        %and3A_432 = vector.broadcast %and3A_431 : i32 to vector<16xi32>
        %and3A_433 = arith.andi %add3A_430, %and3A_432 : vector<16xi32>
        %mul3A_434 = arith.constant 4 : i32
        %mul3A_435 = arith.muli %mul3A_434, %scan3A_416 : i32
        %add3A_436 = vector.broadcast %mul3A_435 : i32 to vector<16xi32>
        %add3A_437 = arith.addi %iota3A, %add3A_436 : vector<16xi32>
        %add3A_438 = arith.constant 2 : i32
        %add3A_439 = vector.broadcast %add3A_438 : i32 to vector<16xi32>
        %add3A_440 = arith.addi %add3A_437, %add3A_439 : vector<16xi32>
        %and3A_441 = arith.constant 127 : i32
        %and3A_442 = vector.broadcast %and3A_441 : i32 to vector<16xi32>
        %and3A_443 = arith.andi %add3A_440, %and3A_442 : vector<16xi32>
        %mul3A_444 = arith.constant 4 : i32
        %mul3A_445 = arith.muli %mul3A_444, %scan3A_416 : i32
        %add3A_446 = vector.broadcast %mul3A_445 : i32 to vector<16xi32>
        %add3A_447 = arith.addi %iota3A, %add3A_446 : vector<16xi32>
        %add3A_448 = arith.constant 3 : i32
        %add3A_449 = vector.broadcast %add3A_448 : i32 to vector<16xi32>
        %add3A_450 = arith.addi %add3A_447, %add3A_449 : vector<16xi32>
        %and3A_451 = arith.constant 127 : i32
        %and3A_452 = vector.broadcast %and3A_451 : i32 to vector<16xi32>
        %and3A_453 = arith.andi %add3A_450, %and3A_452 : vector<16xi32>
        %gather3A_454 = tpu.vector_load_idx %arg13[%add3A_222, %and3A_423] : memref<64x128xf32, #tpu.memory_space<vmem>>[vector<16xi32>, vector<16xi32>], vector<16xf32>,
        %gather3A_455 = tpu.vector_load_idx %arg14[%add3A_222, %and3A_423] : memref<64x128xf32, #tpu.memory_space<vmem>>[vector<16xi32>, vector<16xi32>], vector<16xf32>,
        %mul3A_456 = arith.mulf %gather3A_454, %gather3A_455 : vector<16xf32>
        %add3A_457 = arith.addf %add3A_402, %mul3A_456 : vector<16xf32>
        %gather3A_458 = tpu.vector_load_idx %arg13[%add3A_222, %and3A_433] : memref<64x128xf32, #tpu.memory_space<vmem>>[vector<16xi32>, vector<16xi32>], vector<16xf32>,
        %gather3A_459 = tpu.vector_load_idx %arg14[%add3A_222, %and3A_433] : memref<64x128xf32, #tpu.memory_space<vmem>>[vector<16xi32>, vector<16xi32>], vector<16xf32>,
        %mul3A_460 = arith.mulf %gather3A_458, %gather3A_459 : vector<16xf32>
        %add3A_461 = arith.addf %add3A_406, %mul3A_460 : vector<16xf32>
        %gather3A_462 = tpu.vector_load_idx %arg13[%add3A_222, %and3A_443] : memref<64x128xf32, #tpu.memory_space<vmem>>[vector<16xi32>, vector<16xi32>], vector<16xf32>,
        %gather3A_463 = tpu.vector_load_idx %arg14[%add3A_222, %and3A_443] : memref<64x128xf32, #tpu.memory_space<vmem>>[vector<16xi32>, vector<16xi32>], vector<16xf32>,
        %mul3A_464 = arith.mulf %gather3A_462, %gather3A_463 : vector<16xf32>
        %add3A_465 = arith.addf %add3A_410, %mul3A_464 : vector<16xf32>
        %gather3A_466 = tpu.vector_load_idx %arg13[%add3A_222, %and3A_453] : memref<64x128xf32, #tpu.memory_space<vmem>>[vector<16xi32>, vector<16xi32>], vector<16xf32>,
        %gather3A_467 = tpu.vector_load_idx %arg14[%add3A_222, %and3A_453] : memref<64x128xf32, #tpu.memory_space<vmem>>[vector<16xi32>, vector<16xi32>], vector<16xf32>,
        %mul3A_468 = arith.mulf %gather3A_466, %gather3A_467 : vector<16xf32>
        %add3A_469 = arith.addf %add3A_414, %mul3A_468 : vector<16xf32>
        %scan3A_470 = arith.constant 4 : i32
        %scan3A_471 = arith.addi %scan3A_248, %scan3A_470 : i32
        %mul3A_472 = arith.constant 4 : i32
        %mul3A_473 = arith.muli %mul3A_472, %scan3A_471 : i32
        %add3A_474 = vector.broadcast %mul3A_473 : i32 to vector<16xi32>
        %add3A_475 = arith.addi %iota3A, %add3A_474 : vector<16xi32>
        %and3A_476 = arith.constant 127 : i32
        %and3A_477 = vector.broadcast %and3A_476 : i32 to vector<16xi32>
        %and3A_478 = arith.andi %add3A_475, %and3A_477 : vector<16xi32>
        %mul3A_479 = arith.constant 4 : i32
        %mul3A_480 = arith.muli %mul3A_479, %scan3A_471 : i32
        %add3A_481 = vector.broadcast %mul3A_480 : i32 to vector<16xi32>
        %add3A_482 = arith.addi %iota3A, %add3A_481 : vector<16xi32>
        %add3A_483 = arith.constant 1 : i32
        %add3A_484 = vector.broadcast %add3A_483 : i32 to vector<16xi32>
        %add3A_485 = arith.addi %add3A_482, %add3A_484 : vector<16xi32>
        %and3A_486 = arith.constant 127 : i32
        %and3A_487 = vector.broadcast %and3A_486 : i32 to vector<16xi32>
        %and3A_488 = arith.andi %add3A_485, %and3A_487 : vector<16xi32>
        %mul3A_489 = arith.constant 4 : i32
        %mul3A_490 = arith.muli %mul3A_489, %scan3A_471 : i32
        %add3A_491 = vector.broadcast %mul3A_490 : i32 to vector<16xi32>
        %add3A_492 = arith.addi %iota3A, %add3A_491 : vector<16xi32>
        %add3A_493 = arith.constant 2 : i32
        %add3A_494 = vector.broadcast %add3A_493 : i32 to vector<16xi32>
        %add3A_495 = arith.addi %add3A_492, %add3A_494 : vector<16xi32>
        %and3A_496 = arith.constant 127 : i32
        %and3A_497 = vector.broadcast %and3A_496 : i32 to vector<16xi32>
        %and3A_498 = arith.andi %add3A_495, %and3A_497 : vector<16xi32>
        %mul3A_499 = arith.constant 4 : i32
        %mul3A_500 = arith.muli %mul3A_499, %scan3A_471 : i32
        %add3A_501 = vector.broadcast %mul3A_500 : i32 to vector<16xi32>
        %add3A_502 = arith.addi %iota3A, %add3A_501 : vector<16xi32>
        %add3A_503 = arith.constant 3 : i32
        %add3A_504 = vector.broadcast %add3A_503 : i32 to vector<16xi32>
        %add3A_505 = arith.addi %add3A_502, %add3A_504 : vector<16xi32>
        %and3A_506 = arith.constant 127 : i32
        %and3A_507 = vector.broadcast %and3A_506 : i32 to vector<16xi32>
        %and3A_508 = arith.andi %add3A_505, %and3A_507 : vector<16xi32>
        %gather3A_509 = tpu.vector_load_idx %arg13[%add3A_222, %and3A_478] : memref<64x128xf32, #tpu.memory_space<vmem>>[vector<16xi32>, vector<16xi32>], vector<16xf32>,
        %gather3A_510 = tpu.vector_load_idx %arg14[%add3A_222, %and3A_478] : memref<64x128xf32, #tpu.memory_space<vmem>>[vector<16xi32>, vector<16xi32>], vector<16xf32>,
        %mul3A_511 = arith.mulf %gather3A_509, %gather3A_510 : vector<16xf32>
        %add3A_512 = arith.addf %add3A_457, %mul3A_511 : vector<16xf32>
        %gather3A_513 = tpu.vector_load_idx %arg13[%add3A_222, %and3A_488] : memref<64x128xf32, #tpu.memory_space<vmem>>[vector<16xi32>, vector<16xi32>], vector<16xf32>,
        %gather3A_514 = tpu.vector_load_idx %arg14[%add3A_222, %and3A_488] : memref<64x128xf32, #tpu.memory_space<vmem>>[vector<16xi32>, vector<16xi32>], vector<16xf32>,
        %mul3A_515 = arith.mulf %gather3A_513, %gather3A_514 : vector<16xf32>
        %add3A_516 = arith.addf %add3A_461, %mul3A_515 : vector<16xf32>
        %gather3A_517 = tpu.vector_load_idx %arg13[%add3A_222, %and3A_498] : memref<64x128xf32, #tpu.memory_space<vmem>>[vector<16xi32>, vector<16xi32>], vector<16xf32>,
        %gather3A_518 = tpu.vector_load_idx %arg14[%add3A_222, %and3A_498] : memref<64x128xf32, #tpu.memory_space<vmem>>[vector<16xi32>, vector<16xi32>], vector<16xf32>,
        %mul3A_519 = arith.mulf %gather3A_517, %gather3A_518 : vector<16xf32>
        %add3A_520 = arith.addf %add3A_465, %mul3A_519 : vector<16xf32>
        %gather3A_521 = tpu.vector_load_idx %arg13[%add3A_222, %and3A_508] : memref<64x128xf32, #tpu.memory_space<vmem>>[vector<16xi32>, vector<16xi32>], vector<16xf32>,
        %gather3A_522 = tpu.vector_load_idx %arg14[%add3A_222, %and3A_508] : memref<64x128xf32, #tpu.memory_space<vmem>>[vector<16xi32>, vector<16xi32>], vector<16xf32>,
        %mul3A_523 = arith.mulf %gather3A_521, %gather3A_522 : vector<16xf32>
        %add3A_524 = arith.addf %add3A_469, %mul3A_523 : vector<16xf32>
        %scan3A_525 = arith.constant 5 : i32
        %scan3A_526 = arith.addi %scan3A_248, %scan3A_525 : i32
        %mul3A_527 = arith.constant 4 : i32
        %mul3A_528 = arith.muli %mul3A_527, %scan3A_526 : i32
        %add3A_529 = vector.broadcast %mul3A_528 : i32 to vector<16xi32>
        %add3A_530 = arith.addi %iota3A, %add3A_529 : vector<16xi32>
        %and3A_531 = arith.constant 127 : i32
        %and3A_532 = vector.broadcast %and3A_531 : i32 to vector<16xi32>
        %and3A_533 = arith.andi %add3A_530, %and3A_532 : vector<16xi32>
        %mul3A_534 = arith.constant 4 : i32
        %mul3A_535 = arith.muli %mul3A_534, %scan3A_526 : i32
        %add3A_536 = vector.broadcast %mul3A_535 : i32 to vector<16xi32>
        %add3A_537 = arith.addi %iota3A, %add3A_536 : vector<16xi32>
        %add3A_538 = arith.constant 1 : i32
        %add3A_539 = vector.broadcast %add3A_538 : i32 to vector<16xi32>
        %add3A_540 = arith.addi %add3A_537, %add3A_539 : vector<16xi32>
        %and3A_541 = arith.constant 127 : i32
        %and3A_542 = vector.broadcast %and3A_541 : i32 to vector<16xi32>
        %and3A_543 = arith.andi %add3A_540, %and3A_542 : vector<16xi32>
        %mul3A_544 = arith.constant 4 : i32
        %mul3A_545 = arith.muli %mul3A_544, %scan3A_526 : i32
        %add3A_546 = vector.broadcast %mul3A_545 : i32 to vector<16xi32>
        %add3A_547 = arith.addi %iota3A, %add3A_546 : vector<16xi32>
        %add3A_548 = arith.constant 2 : i32
        %add3A_549 = vector.broadcast %add3A_548 : i32 to vector<16xi32>
        %add3A_550 = arith.addi %add3A_547, %add3A_549 : vector<16xi32>
        %and3A_551 = arith.constant 127 : i32
        %and3A_552 = vector.broadcast %and3A_551 : i32 to vector<16xi32>
        %and3A_553 = arith.andi %add3A_550, %and3A_552 : vector<16xi32>
        %mul3A_554 = arith.constant 4 : i32
        %mul3A_555 = arith.muli %mul3A_554, %scan3A_526 : i32
        %add3A_556 = vector.broadcast %mul3A_555 : i32 to vector<16xi32>
        %add3A_557 = arith.addi %iota3A, %add3A_556 : vector<16xi32>
        %add3A_558 = arith.constant 3 : i32
        %add3A_559 = vector.broadcast %add3A_558 : i32 to vector<16xi32>
        %add3A_560 = arith.addi %add3A_557, %add3A_559 : vector<16xi32>
        %and3A_561 = arith.constant 127 : i32
        %and3A_562 = vector.broadcast %and3A_561 : i32 to vector<16xi32>
        %and3A_563 = arith.andi %add3A_560, %and3A_562 : vector<16xi32>
        %gather3A_564 = tpu.vector_load_idx %arg13[%add3A_222, %and3A_533] : memref<64x128xf32, #tpu.memory_space<vmem>>[vector<16xi32>, vector<16xi32>], vector<16xf32>,
        %gather3A_565 = tpu.vector_load_idx %arg14[%add3A_222, %and3A_533] : memref<64x128xf32, #tpu.memory_space<vmem>>[vector<16xi32>, vector<16xi32>], vector<16xf32>,
        %mul3A_566 = arith.mulf %gather3A_564, %gather3A_565 : vector<16xf32>
        %add3A_567 = arith.addf %add3A_512, %mul3A_566 : vector<16xf32>
        %gather3A_568 = tpu.vector_load_idx %arg13[%add3A_222, %and3A_543] : memref<64x128xf32, #tpu.memory_space<vmem>>[vector<16xi32>, vector<16xi32>], vector<16xf32>,
        %gather3A_569 = tpu.vector_load_idx %arg14[%add3A_222, %and3A_543] : memref<64x128xf32, #tpu.memory_space<vmem>>[vector<16xi32>, vector<16xi32>], vector<16xf32>,
        %mul3A_570 = arith.mulf %gather3A_568, %gather3A_569 : vector<16xf32>
        %add3A_571 = arith.addf %add3A_516, %mul3A_570 : vector<16xf32>
        %gather3A_572 = tpu.vector_load_idx %arg13[%add3A_222, %and3A_553] : memref<64x128xf32, #tpu.memory_space<vmem>>[vector<16xi32>, vector<16xi32>], vector<16xf32>,
        %gather3A_573 = tpu.vector_load_idx %arg14[%add3A_222, %and3A_553] : memref<64x128xf32, #tpu.memory_space<vmem>>[vector<16xi32>, vector<16xi32>], vector<16xf32>,
        %mul3A_574 = arith.mulf %gather3A_572, %gather3A_573 : vector<16xf32>
        %add3A_575 = arith.addf %add3A_520, %mul3A_574 : vector<16xf32>
        %gather3A_576 = tpu.vector_load_idx %arg13[%add3A_222, %and3A_563] : memref<64x128xf32, #tpu.memory_space<vmem>>[vector<16xi32>, vector<16xi32>], vector<16xf32>,
        %gather3A_577 = tpu.vector_load_idx %arg14[%add3A_222, %and3A_563] : memref<64x128xf32, #tpu.memory_space<vmem>>[vector<16xi32>, vector<16xi32>], vector<16xf32>,
        %mul3A_578 = arith.mulf %gather3A_576, %gather3A_577 : vector<16xf32>
        %add3A_579 = arith.addf %add3A_524, %mul3A_578 : vector<16xf32>
        %scan3A_580 = arith.constant 6 : i32
        %scan3A_581 = arith.addi %scan3A_248, %scan3A_580 : i32
        %mul3A_582 = arith.constant 4 : i32
        %mul3A_583 = arith.muli %mul3A_582, %scan3A_581 : i32
        %add3A_584 = vector.broadcast %mul3A_583 : i32 to vector<16xi32>
        %add3A_585 = arith.addi %iota3A, %add3A_584 : vector<16xi32>
        %and3A_586 = arith.constant 127 : i32
        %and3A_587 = vector.broadcast %and3A_586 : i32 to vector<16xi32>
        %and3A_588 = arith.andi %add3A_585, %and3A_587 : vector<16xi32>
        %mul3A_589 = arith.constant 4 : i32
        %mul3A_590 = arith.muli %mul3A_589, %scan3A_581 : i32
        %add3A_591 = vector.broadcast %mul3A_590 : i32 to vector<16xi32>
        %add3A_592 = arith.addi %iota3A, %add3A_591 : vector<16xi32>
        %add3A_593 = arith.constant 1 : i32
        %add3A_594 = vector.broadcast %add3A_593 : i32 to vector<16xi32>
        %add3A_595 = arith.addi %add3A_592, %add3A_594 : vector<16xi32>
        %and3A_596 = arith.constant 127 : i32
        %and3A_597 = vector.broadcast %and3A_596 : i32 to vector<16xi32>
        %and3A_598 = arith.andi %add3A_595, %and3A_597 : vector<16xi32>
        %mul3A_599 = arith.constant 4 : i32
        %mul3A_600 = arith.muli %mul3A_599, %scan3A_581 : i32
        %add3A_601 = vector.broadcast %mul3A_600 : i32 to vector<16xi32>
        %add3A_602 = arith.addi %iota3A, %add3A_601 : vector<16xi32>
        %add3A_603 = arith.constant 2 : i32
        %add3A_604 = vector.broadcast %add3A_603 : i32 to vector<16xi32>
        %add3A_605 = arith.addi %add3A_602, %add3A_604 : vector<16xi32>
        %and3A_606 = arith.constant 127 : i32
        %and3A_607 = vector.broadcast %and3A_606 : i32 to vector<16xi32>
        %and3A_608 = arith.andi %add3A_605, %and3A_607 : vector<16xi32>
        %mul3A_609 = arith.constant 4 : i32
        %mul3A_610 = arith.muli %mul3A_609, %scan3A_581 : i32
        %add3A_611 = vector.broadcast %mul3A_610 : i32 to vector<16xi32>
        %add3A_612 = arith.addi %iota3A, %add3A_611 : vector<16xi32>
        %add3A_613 = arith.constant 3 : i32
        %add3A_614 = vector.broadcast %add3A_613 : i32 to vector<16xi32>
        %add3A_615 = arith.addi %add3A_612, %add3A_614 : vector<16xi32>
        %and3A_616 = arith.constant 127 : i32
        %and3A_617 = vector.broadcast %and3A_616 : i32 to vector<16xi32>
        %and3A_618 = arith.andi %add3A_615, %and3A_617 : vector<16xi32>
        %gather3A_619 = tpu.vector_load_idx %arg13[%add3A_222, %and3A_588] : memref<64x128xf32, #tpu.memory_space<vmem>>[vector<16xi32>, vector<16xi32>], vector<16xf32>,
        %gather3A_620 = tpu.vector_load_idx %arg14[%add3A_222, %and3A_588] : memref<64x128xf32, #tpu.memory_space<vmem>>[vector<16xi32>, vector<16xi32>], vector<16xf32>,
        %mul3A_621 = arith.mulf %gather3A_619, %gather3A_620 : vector<16xf32>
        %add3A_622 = arith.addf %add3A_567, %mul3A_621 : vector<16xf32>
        %gather3A_623 = tpu.vector_load_idx %arg13[%add3A_222, %and3A_598] : memref<64x128xf32, #tpu.memory_space<vmem>>[vector<16xi32>, vector<16xi32>], vector<16xf32>,
        %gather3A_624 = tpu.vector_load_idx %arg14[%add3A_222, %and3A_598] : memref<64x128xf32, #tpu.memory_space<vmem>>[vector<16xi32>, vector<16xi32>], vector<16xf32>,
        %mul3A_625 = arith.mulf %gather3A_623, %gather3A_624 : vector<16xf32>
        %add3A_626 = arith.addf %add3A_571, %mul3A_625 : vector<16xf32>
        %gather3A_627 = tpu.vector_load_idx %arg13[%add3A_222, %and3A_608] : memref<64x128xf32, #tpu.memory_space<vmem>>[vector<16xi32>, vector<16xi32>], vector<16xf32>,
        %gather3A_628 = tpu.vector_load_idx %arg14[%add3A_222, %and3A_608] : memref<64x128xf32, #tpu.memory_space<vmem>>[vector<16xi32>, vector<16xi32>], vector<16xf32>,
        %mul3A_629 = arith.mulf %gather3A_627, %gather3A_628 : vector<16xf32>
        %add3A_630 = arith.addf %add3A_575, %mul3A_629 : vector<16xf32>
        %gather3A_631 = tpu.vector_load_idx %arg13[%add3A_222, %and3A_618] : memref<64x128xf32, #tpu.memory_space<vmem>>[vector<16xi32>, vector<16xi32>], vector<16xf32>,
        %gather3A_632 = tpu.vector_load_idx %arg14[%add3A_222, %and3A_618] : memref<64x128xf32, #tpu.memory_space<vmem>>[vector<16xi32>, vector<16xi32>], vector<16xf32>,
        %mul3A_633 = arith.mulf %gather3A_631, %gather3A_632 : vector<16xf32>
        %add3A_634 = arith.addf %add3A_579, %mul3A_633 : vector<16xf32>
        %scan3A_635 = arith.constant 7 : i32
        %scan3A_636 = arith.addi %scan3A_248, %scan3A_635 : i32
        %mul3A_637 = arith.constant 4 : i32
        %mul3A_638 = arith.muli %mul3A_637, %scan3A_636 : i32
        %add3A_639 = vector.broadcast %mul3A_638 : i32 to vector<16xi32>
        %add3A_640 = arith.addi %iota3A, %add3A_639 : vector<16xi32>
        %and3A_641 = arith.constant 127 : i32
        %and3A_642 = vector.broadcast %and3A_641 : i32 to vector<16xi32>
        %and3A_643 = arith.andi %add3A_640, %and3A_642 : vector<16xi32>
        %mul3A_644 = arith.constant 4 : i32
        %mul3A_645 = arith.muli %mul3A_644, %scan3A_636 : i32
        %add3A_646 = vector.broadcast %mul3A_645 : i32 to vector<16xi32>
        %add3A_647 = arith.addi %iota3A, %add3A_646 : vector<16xi32>
        %add3A_648 = arith.constant 1 : i32
        %add3A_649 = vector.broadcast %add3A_648 : i32 to vector<16xi32>
        %add3A_650 = arith.addi %add3A_647, %add3A_649 : vector<16xi32>
        %and3A_651 = arith.constant 127 : i32
        %and3A_652 = vector.broadcast %and3A_651 : i32 to vector<16xi32>
        %and3A_653 = arith.andi %add3A_650, %and3A_652 : vector<16xi32>
        %mul3A_654 = arith.constant 4 : i32
        %mul3A_655 = arith.muli %mul3A_654, %scan3A_636 : i32
        %add3A_656 = vector.broadcast %mul3A_655 : i32 to vector<16xi32>
        %add3A_657 = arith.addi %iota3A, %add3A_656 : vector<16xi32>
        %add3A_658 = arith.constant 2 : i32
        %add3A_659 = vector.broadcast %add3A_658 : i32 to vector<16xi32>
        %add3A_660 = arith.addi %add3A_657, %add3A_659 : vector<16xi32>
        %and3A_661 = arith.constant 127 : i32
        %and3A_662 = vector.broadcast %and3A_661 : i32 to vector<16xi32>
        %and3A_663 = arith.andi %add3A_660, %and3A_662 : vector<16xi32>
        %mul3A_664 = arith.constant 4 : i32
        %mul3A_665 = arith.muli %mul3A_664, %scan3A_636 : i32
        %add3A_666 = vector.broadcast %mul3A_665 : i32 to vector<16xi32>
        %add3A_667 = arith.addi %iota3A, %add3A_666 : vector<16xi32>
        %add3A_668 = arith.constant 3 : i32
        %add3A_669 = vector.broadcast %add3A_668 : i32 to vector<16xi32>
        %add3A_670 = arith.addi %add3A_667, %add3A_669 : vector<16xi32>
        %and3A_671 = arith.constant 127 : i32
        %and3A_672 = vector.broadcast %and3A_671 : i32 to vector<16xi32>
        %and3A_673 = arith.andi %add3A_670, %and3A_672 : vector<16xi32>
        %gather3A_674 = tpu.vector_load_idx %arg13[%add3A_222, %and3A_643] : memref<64x128xf32, #tpu.memory_space<vmem>>[vector<16xi32>, vector<16xi32>], vector<16xf32>,
        %gather3A_675 = tpu.vector_load_idx %arg14[%add3A_222, %and3A_643] : memref<64x128xf32, #tpu.memory_space<vmem>>[vector<16xi32>, vector<16xi32>], vector<16xf32>,
        %mul3A_676 = arith.mulf %gather3A_674, %gather3A_675 : vector<16xf32>
        %add3A_677 = arith.addf %add3A_622, %mul3A_676 : vector<16xf32>
        %gather3A_678 = tpu.vector_load_idx %arg13[%add3A_222, %and3A_653] : memref<64x128xf32, #tpu.memory_space<vmem>>[vector<16xi32>, vector<16xi32>], vector<16xf32>,
        %gather3A_679 = tpu.vector_load_idx %arg14[%add3A_222, %and3A_653] : memref<64x128xf32, #tpu.memory_space<vmem>>[vector<16xi32>, vector<16xi32>], vector<16xf32>,
        %mul3A_680 = arith.mulf %gather3A_678, %gather3A_679 : vector<16xf32>
        %add3A_681 = arith.addf %add3A_626, %mul3A_680 : vector<16xf32>
        %gather3A_682 = tpu.vector_load_idx %arg13[%add3A_222, %and3A_663] : memref<64x128xf32, #tpu.memory_space<vmem>>[vector<16xi32>, vector<16xi32>], vector<16xf32>,
        %gather3A_683 = tpu.vector_load_idx %arg14[%add3A_222, %and3A_663] : memref<64x128xf32, #tpu.memory_space<vmem>>[vector<16xi32>, vector<16xi32>], vector<16xf32>,
        %mul3A_684 = arith.mulf %gather3A_682, %gather3A_683 : vector<16xf32>
        %add3A_685 = arith.addf %add3A_630, %mul3A_684 : vector<16xf32>
        %gather3A_686 = tpu.vector_load_idx %arg13[%add3A_222, %and3A_673] : memref<64x128xf32, #tpu.memory_space<vmem>>[vector<16xi32>, vector<16xi32>], vector<16xf32>,
        %gather3A_687 = tpu.vector_load_idx %arg14[%add3A_222, %and3A_673] : memref<64x128xf32, #tpu.memory_space<vmem>>[vector<16xi32>, vector<16xi32>], vector<16xf32>,
        %mul3A_688 = arith.mulf %gather3A_686, %gather3A_687 : vector<16xf32>
        %add3A_689 = arith.addf %add3A_634, %mul3A_688 : vector<16xf32>
        scf.yield %add3A_677, %add3A_681, %add3A_685, %add3A_689 : vector<16xf32>, vector<16xf32>, vector<16xf32>, vector<16xf32>
      }
      %scan3A_230 = arith.constant 32 : i32
      %add3A_231 = arith.addf %scan3A_229#0, %scan3A_229#1 : vector<16xf32>
      %add3A_232 = arith.addf %scan3A_229#2, %scan3A_229#3 : vector<16xf32>
      %add3A_233 = arith.addf %add3A_231, %add3A_232 : vector<16xf32>
      %mul3A_234 = arith.mulf %add3A_233, %gather3A : vector<16xf32>
      %add3A_235 = arith.addf %mul3A_234, %gather3A_12 : vector<16xf32>
      %neg3A = arith.constant 0.000000e+00 : f32
      %neg3A_236 = vector.broadcast %neg3A : f32 to vector<16xf32>
      %neg3A_237 = arith.subf %neg3A_236, %add3A_235 : vector<16xf32>
      %exp3A = math.exp %neg3A_237 : vector<16xf32>
      %add3A_238 = arith.constant 1.000000e+00 : f32
      %add3A_239 = vector.broadcast %add3A_238 : f32 to vector<16xf32>
      %add3A_240 = arith.addf %add3A_239, %exp3A : vector<16xf32>
      %div3A = arith.constant 1.000000e+00 : f32
      %div3A_241 = vector.broadcast %div3A : f32 to vector<16xf32>
      %div3A_242 = arith.divf %div3A_241, %add3A_240 : vector<16xf32>
      %mul3A_243 = arith.constant 16 : i32
      %mul3A_244 = arith.muli %scan3A_218, %mul3A_243 : i32
      %add3A_245 = arith.constant 64 : i32
      %add3A_246 = arith.addi %add3A_245, %mul3A_244 : i32
      %swap3A = arith.index_cast %add3A_246 : i32 to index
      %swap3A_247 = tpu.vector_load %arg17[%swap3A] {strides = array<i32>} : memref<512xf32, #tpu.memory_space<vmem>>, vector<16xf32>,
      tpu.vector_store %arg17[%swap3A], %div3A_242 {strides = array<i32>} : memref<512xf32, #tpu.memory_space<vmem>>, vector<16xf32>,
    }
    %scan3A_81 = arith.constant 4 : i32
    %dma_start3A_82 = arith.constant 256 : i32
    %dma_start3A_83 = tpu.memref_slice %arg9[%dma_start3A_82] : memref<512xi32, #tpu.memory_space<vmem>> -> memref<64xi32, #tpu.memory_space<vmem>>
    %dma_start3A_84 = arith.constant 0 : i32
    %dma_start3A_85 = arith.constant 0 : i32
    %dma_start3A_86 = tpu.memref_slice %arg4[%dma_start3A_84, %dma_start3A_85] : memref<100000x128xf32, #tpu.memory_space<hbm>> -> memref<100000x128xf32, #tpu.memory_space<hbm>>
    tpu.enqueue_indirect_dma source(%dma_start3A_86 : memref<100000x128xf32, #tpu.memory_space<hbm>>) target(%arg13 : memref<64x128xf32, #tpu.memory_space<vmem>>) offsets(%dma_start3A_83 : memref<64xi32, #tpu.memory_space<vmem>>) semaphore(%arg22 : memref<!tpu.dma_semaphore, #tpu.memory_space<semaphore_mem>>)
    %dma_start3A_87 = arith.constant 256 : i32
    %dma_start3A_88 = tpu.memref_slice %arg10[%dma_start3A_87] : memref<512xi32, #tpu.memory_space<vmem>> -> memref<64xi32, #tpu.memory_space<vmem>>
    %dma_start3A_89 = arith.constant 0 : i32
    %dma_start3A_90 = arith.constant 0 : i32
    %dma_start3A_91 = tpu.memref_slice %arg5[%dma_start3A_89, %dma_start3A_90] : memref<100000x128xf32, #tpu.memory_space<hbm>> -> memref<100000x128xf32, #tpu.memory_space<hbm>>
    tpu.enqueue_indirect_dma source(%dma_start3A_91 : memref<100000x128xf32, #tpu.memory_space<hbm>>) target(%arg14 : memref<64x128xf32, #tpu.memory_space<vmem>>) offsets(%dma_start3A_88 : memref<64xi32, #tpu.memory_space<vmem>>) semaphore(%arg23 : memref<!tpu.dma_semaphore, #tpu.memory_space<semaphore_mem>>)
    %dma_wait3A_92 = arith.constant 128 : i32
    %dma_wait3A_93 = tpu.memref_slice %arg9[%dma_wait3A_92] : memref<512xi32, #tpu.memory_space<vmem>> -> memref<64xi32, #tpu.memory_space<vmem>>
    %dma_wait3A_94 = arith.constant 0 : i32
    %dma_wait3A_95 = arith.constant 0 : i32
    %dma_wait3A_96 = tpu.memref_slice %arg4[%dma_wait3A_94, %dma_wait3A_95] : memref<100000x128xf32, #tpu.memory_space<hbm>> -> memref<100000x128xf32, #tpu.memory_space<hbm>>
    tpu.wait_indirect_dma semaphore(%arg24 : memref<!tpu.dma_semaphore, #tpu.memory_space<semaphore_mem>>) src(%dma_wait3A_96 : memref<100000x128xf32, #tpu.memory_space<hbm>>) dst(%arg15 : memref<64x128xf32, #tpu.memory_space<vmem>>)
    %dma_wait3A_97 = arith.constant 128 : i32
    %dma_wait3A_98 = tpu.memref_slice %arg10[%dma_wait3A_97] : memref<512xi32, #tpu.memory_space<vmem>> -> memref<64xi32, #tpu.memory_space<vmem>>
    %dma_wait3A_99 = arith.constant 0 : i32
    %dma_wait3A_100 = arith.constant 0 : i32
    %dma_wait3A_101 = tpu.memref_slice %arg5[%dma_wait3A_99, %dma_wait3A_100] : memref<100000x128xf32, #tpu.memory_space<hbm>> -> memref<100000x128xf32, #tpu.memory_space<hbm>>
    tpu.wait_indirect_dma semaphore(%arg25 : memref<!tpu.dma_semaphore, #tpu.memory_space<semaphore_mem>>) src(%dma_wait3A_101 : memref<100000x128xf32, #tpu.memory_space<hbm>>) dst(%arg16 : memref<64x128xf32, #tpu.memory_space<vmem>>)
    %scan3A_102 = arith.constant 0 : i32
    %scan3A_103 = arith.constant 4 : i32
    %scan3A_104 = arith.addi %scan3A_102, %scan3A_103 : i32
    %scan3A_105 = arith.constant 1 : i32
    scf.for %scan3A_218 = %scan3A_102 to %scan3A_104 step %scan3A_105  : i32 {
      %mul3A_219 = arith.constant 16 : i32
      %mul3A_220 = arith.muli %scan3A_218, %mul3A_219 : i32
      %add3A_221 = vector.broadcast %mul3A_220 : i32 to vector<16xi32>
      %add3A_222 = arith.addi %add3A_221, %iota3A : vector<16xi32>
      %broadcast_in_dim3A_223 = arith.constant 0.000000e+00 : f32
      %broadcast_in_dim3A_224 = vector.broadcast %broadcast_in_dim3A_223 : f32 to vector<16xf32>
      %scan3A_225 = arith.constant 0 : i32
      %scan3A_226 = arith.constant 32 : i32
      %scan3A_227 = arith.addi %scan3A_225, %scan3A_226 : i32
      %scan3A_228 = arith.constant 8 : i32
      %scan3A_229:4 = scf.for %scan3A_248 = %scan3A_225 to %scan3A_227 step %scan3A_228 iter_args(%scan3A_249 = %broadcast_in_dim3A_224, %scan3A_250 = %broadcast_in_dim3A_224, %scan3A_251 = %broadcast_in_dim3A_224, %scan3A_252 = %broadcast_in_dim3A_224) -> (vector<16xf32>, vector<16xf32>, vector<16xf32>, vector<16xf32>)  : i32 {
        %mul3A_253 = arith.constant 4 : i32
        %mul3A_254 = arith.muli %mul3A_253, %scan3A_248 : i32
        %add3A_255 = vector.broadcast %mul3A_254 : i32 to vector<16xi32>
        %add3A_256 = arith.addi %iota3A, %add3A_255 : vector<16xi32>
        %and3A = arith.constant 127 : i32
        %and3A_257 = vector.broadcast %and3A : i32 to vector<16xi32>
        %and3A_258 = arith.andi %add3A_256, %and3A_257 : vector<16xi32>
        %mul3A_259 = arith.constant 4 : i32
        %mul3A_260 = arith.muli %mul3A_259, %scan3A_248 : i32
        %add3A_261 = vector.broadcast %mul3A_260 : i32 to vector<16xi32>
        %add3A_262 = arith.addi %iota3A, %add3A_261 : vector<16xi32>
        %add3A_263 = arith.constant 1 : i32
        %add3A_264 = vector.broadcast %add3A_263 : i32 to vector<16xi32>
        %add3A_265 = arith.addi %add3A_262, %add3A_264 : vector<16xi32>
        %and3A_266 = arith.constant 127 : i32
        %and3A_267 = vector.broadcast %and3A_266 : i32 to vector<16xi32>
        %and3A_268 = arith.andi %add3A_265, %and3A_267 : vector<16xi32>
        %mul3A_269 = arith.constant 4 : i32
        %mul3A_270 = arith.muli %mul3A_269, %scan3A_248 : i32
        %add3A_271 = vector.broadcast %mul3A_270 : i32 to vector<16xi32>
        %add3A_272 = arith.addi %iota3A, %add3A_271 : vector<16xi32>
        %add3A_273 = arith.constant 2 : i32
        %add3A_274 = vector.broadcast %add3A_273 : i32 to vector<16xi32>
        %add3A_275 = arith.addi %add3A_272, %add3A_274 : vector<16xi32>
        %and3A_276 = arith.constant 127 : i32
        %and3A_277 = vector.broadcast %and3A_276 : i32 to vector<16xi32>
        %and3A_278 = arith.andi %add3A_275, %and3A_277 : vector<16xi32>
        %mul3A_279 = arith.constant 4 : i32
        %mul3A_280 = arith.muli %mul3A_279, %scan3A_248 : i32
        %add3A_281 = vector.broadcast %mul3A_280 : i32 to vector<16xi32>
        %add3A_282 = arith.addi %iota3A, %add3A_281 : vector<16xi32>
        %add3A_283 = arith.constant 3 : i32
        %add3A_284 = vector.broadcast %add3A_283 : i32 to vector<16xi32>
        %add3A_285 = arith.addi %add3A_282, %add3A_284 : vector<16xi32>
        %and3A_286 = arith.constant 127 : i32
        %and3A_287 = vector.broadcast %and3A_286 : i32 to vector<16xi32>
        %and3A_288 = arith.andi %add3A_285, %and3A_287 : vector<16xi32>
        %gather3A_289 = tpu.vector_load_idx %arg15[%add3A_222, %and3A_258] : memref<64x128xf32, #tpu.memory_space<vmem>>[vector<16xi32>, vector<16xi32>], vector<16xf32>,
        %gather3A_290 = tpu.vector_load_idx %arg16[%add3A_222, %and3A_258] : memref<64x128xf32, #tpu.memory_space<vmem>>[vector<16xi32>, vector<16xi32>], vector<16xf32>,
        %mul3A_291 = arith.mulf %gather3A_289, %gather3A_290 : vector<16xf32>
        %add3A_292 = arith.addf %scan3A_249, %mul3A_291 : vector<16xf32>
        %gather3A_293 = tpu.vector_load_idx %arg15[%add3A_222, %and3A_268] : memref<64x128xf32, #tpu.memory_space<vmem>>[vector<16xi32>, vector<16xi32>], vector<16xf32>,
        %gather3A_294 = tpu.vector_load_idx %arg16[%add3A_222, %and3A_268] : memref<64x128xf32, #tpu.memory_space<vmem>>[vector<16xi32>, vector<16xi32>], vector<16xf32>,
        %mul3A_295 = arith.mulf %gather3A_293, %gather3A_294 : vector<16xf32>
        %add3A_296 = arith.addf %scan3A_250, %mul3A_295 : vector<16xf32>
        %gather3A_297 = tpu.vector_load_idx %arg15[%add3A_222, %and3A_278] : memref<64x128xf32, #tpu.memory_space<vmem>>[vector<16xi32>, vector<16xi32>], vector<16xf32>,
        %gather3A_298 = tpu.vector_load_idx %arg16[%add3A_222, %and3A_278] : memref<64x128xf32, #tpu.memory_space<vmem>>[vector<16xi32>, vector<16xi32>], vector<16xf32>,
        %mul3A_299 = arith.mulf %gather3A_297, %gather3A_298 : vector<16xf32>
        %add3A_300 = arith.addf %scan3A_251, %mul3A_299 : vector<16xf32>
        %gather3A_301 = tpu.vector_load_idx %arg15[%add3A_222, %and3A_288] : memref<64x128xf32, #tpu.memory_space<vmem>>[vector<16xi32>, vector<16xi32>], vector<16xf32>,
        %gather3A_302 = tpu.vector_load_idx %arg16[%add3A_222, %and3A_288] : memref<64x128xf32, #tpu.memory_space<vmem>>[vector<16xi32>, vector<16xi32>], vector<16xf32>,
        %mul3A_303 = arith.mulf %gather3A_301, %gather3A_302 : vector<16xf32>
        %add3A_304 = arith.addf %scan3A_252, %mul3A_303 : vector<16xf32>
        %scan3A_305 = arith.constant 1 : i32
        %scan3A_306 = arith.addi %scan3A_248, %scan3A_305 : i32
        %mul3A_307 = arith.constant 4 : i32
        %mul3A_308 = arith.muli %mul3A_307, %scan3A_306 : i32
        %add3A_309 = vector.broadcast %mul3A_308 : i32 to vector<16xi32>
        %add3A_310 = arith.addi %iota3A, %add3A_309 : vector<16xi32>
        %and3A_311 = arith.constant 127 : i32
        %and3A_312 = vector.broadcast %and3A_311 : i32 to vector<16xi32>
        %and3A_313 = arith.andi %add3A_310, %and3A_312 : vector<16xi32>
        %mul3A_314 = arith.constant 4 : i32
        %mul3A_315 = arith.muli %mul3A_314, %scan3A_306 : i32
        %add3A_316 = vector.broadcast %mul3A_315 : i32 to vector<16xi32>
        %add3A_317 = arith.addi %iota3A, %add3A_316 : vector<16xi32>
        %add3A_318 = arith.constant 1 : i32
        %add3A_319 = vector.broadcast %add3A_318 : i32 to vector<16xi32>
        %add3A_320 = arith.addi %add3A_317, %add3A_319 : vector<16xi32>
        %and3A_321 = arith.constant 127 : i32
        %and3A_322 = vector.broadcast %and3A_321 : i32 to vector<16xi32>
        %and3A_323 = arith.andi %add3A_320, %and3A_322 : vector<16xi32>
        %mul3A_324 = arith.constant 4 : i32
        %mul3A_325 = arith.muli %mul3A_324, %scan3A_306 : i32
        %add3A_326 = vector.broadcast %mul3A_325 : i32 to vector<16xi32>
        %add3A_327 = arith.addi %iota3A, %add3A_326 : vector<16xi32>
        %add3A_328 = arith.constant 2 : i32
        %add3A_329 = vector.broadcast %add3A_328 : i32 to vector<16xi32>
        %add3A_330 = arith.addi %add3A_327, %add3A_329 : vector<16xi32>
        %and3A_331 = arith.constant 127 : i32
        %and3A_332 = vector.broadcast %and3A_331 : i32 to vector<16xi32>
        %and3A_333 = arith.andi %add3A_330, %and3A_332 : vector<16xi32>
        %mul3A_334 = arith.constant 4 : i32
        %mul3A_335 = arith.muli %mul3A_334, %scan3A_306 : i32
        %add3A_336 = vector.broadcast %mul3A_335 : i32 to vector<16xi32>
        %add3A_337 = arith.addi %iota3A, %add3A_336 : vector<16xi32>
        %add3A_338 = arith.constant 3 : i32
        %add3A_339 = vector.broadcast %add3A_338 : i32 to vector<16xi32>
        %add3A_340 = arith.addi %add3A_337, %add3A_339 : vector<16xi32>
        %and3A_341 = arith.constant 127 : i32
        %and3A_342 = vector.broadcast %and3A_341 : i32 to vector<16xi32>
        %and3A_343 = arith.andi %add3A_340, %and3A_342 : vector<16xi32>
        %gather3A_344 = tpu.vector_load_idx %arg15[%add3A_222, %and3A_313] : memref<64x128xf32, #tpu.memory_space<vmem>>[vector<16xi32>, vector<16xi32>], vector<16xf32>,
        %gather3A_345 = tpu.vector_load_idx %arg16[%add3A_222, %and3A_313] : memref<64x128xf32, #tpu.memory_space<vmem>>[vector<16xi32>, vector<16xi32>], vector<16xf32>,
        %mul3A_346 = arith.mulf %gather3A_344, %gather3A_345 : vector<16xf32>
        %add3A_347 = arith.addf %add3A_292, %mul3A_346 : vector<16xf32>
        %gather3A_348 = tpu.vector_load_idx %arg15[%add3A_222, %and3A_323] : memref<64x128xf32, #tpu.memory_space<vmem>>[vector<16xi32>, vector<16xi32>], vector<16xf32>,
        %gather3A_349 = tpu.vector_load_idx %arg16[%add3A_222, %and3A_323] : memref<64x128xf32, #tpu.memory_space<vmem>>[vector<16xi32>, vector<16xi32>], vector<16xf32>,
        %mul3A_350 = arith.mulf %gather3A_348, %gather3A_349 : vector<16xf32>
        %add3A_351 = arith.addf %add3A_296, %mul3A_350 : vector<16xf32>
        %gather3A_352 = tpu.vector_load_idx %arg15[%add3A_222, %and3A_333] : memref<64x128xf32, #tpu.memory_space<vmem>>[vector<16xi32>, vector<16xi32>], vector<16xf32>,
        %gather3A_353 = tpu.vector_load_idx %arg16[%add3A_222, %and3A_333] : memref<64x128xf32, #tpu.memory_space<vmem>>[vector<16xi32>, vector<16xi32>], vector<16xf32>,
        %mul3A_354 = arith.mulf %gather3A_352, %gather3A_353 : vector<16xf32>
        %add3A_355 = arith.addf %add3A_300, %mul3A_354 : vector<16xf32>
        %gather3A_356 = tpu.vector_load_idx %arg15[%add3A_222, %and3A_343] : memref<64x128xf32, #tpu.memory_space<vmem>>[vector<16xi32>, vector<16xi32>], vector<16xf32>,
        %gather3A_357 = tpu.vector_load_idx %arg16[%add3A_222, %and3A_343] : memref<64x128xf32, #tpu.memory_space<vmem>>[vector<16xi32>, vector<16xi32>], vector<16xf32>,
        %mul3A_358 = arith.mulf %gather3A_356, %gather3A_357 : vector<16xf32>
        %add3A_359 = arith.addf %add3A_304, %mul3A_358 : vector<16xf32>
        %scan3A_360 = arith.constant 2 : i32
        %scan3A_361 = arith.addi %scan3A_248, %scan3A_360 : i32
        %mul3A_362 = arith.constant 4 : i32
        %mul3A_363 = arith.muli %mul3A_362, %scan3A_361 : i32
        %add3A_364 = vector.broadcast %mul3A_363 : i32 to vector<16xi32>
        %add3A_365 = arith.addi %iota3A, %add3A_364 : vector<16xi32>
        %and3A_366 = arith.constant 127 : i32
        %and3A_367 = vector.broadcast %and3A_366 : i32 to vector<16xi32>
        %and3A_368 = arith.andi %add3A_365, %and3A_367 : vector<16xi32>
        %mul3A_369 = arith.constant 4 : i32
        %mul3A_370 = arith.muli %mul3A_369, %scan3A_361 : i32
        %add3A_371 = vector.broadcast %mul3A_370 : i32 to vector<16xi32>
        %add3A_372 = arith.addi %iota3A, %add3A_371 : vector<16xi32>
        %add3A_373 = arith.constant 1 : i32
        %add3A_374 = vector.broadcast %add3A_373 : i32 to vector<16xi32>
        %add3A_375 = arith.addi %add3A_372, %add3A_374 : vector<16xi32>
        %and3A_376 = arith.constant 127 : i32
        %and3A_377 = vector.broadcast %and3A_376 : i32 to vector<16xi32>
        %and3A_378 = arith.andi %add3A_375, %and3A_377 : vector<16xi32>
        %mul3A_379 = arith.constant 4 : i32
        %mul3A_380 = arith.muli %mul3A_379, %scan3A_361 : i32
        %add3A_381 = vector.broadcast %mul3A_380 : i32 to vector<16xi32>
        %add3A_382 = arith.addi %iota3A, %add3A_381 : vector<16xi32>
        %add3A_383 = arith.constant 2 : i32
        %add3A_384 = vector.broadcast %add3A_383 : i32 to vector<16xi32>
        %add3A_385 = arith.addi %add3A_382, %add3A_384 : vector<16xi32>
        %and3A_386 = arith.constant 127 : i32
        %and3A_387 = vector.broadcast %and3A_386 : i32 to vector<16xi32>
        %and3A_388 = arith.andi %add3A_385, %and3A_387 : vector<16xi32>
        %mul3A_389 = arith.constant 4 : i32
        %mul3A_390 = arith.muli %mul3A_389, %scan3A_361 : i32
        %add3A_391 = vector.broadcast %mul3A_390 : i32 to vector<16xi32>
        %add3A_392 = arith.addi %iota3A, %add3A_391 : vector<16xi32>
        %add3A_393 = arith.constant 3 : i32
        %add3A_394 = vector.broadcast %add3A_393 : i32 to vector<16xi32>
        %add3A_395 = arith.addi %add3A_392, %add3A_394 : vector<16xi32>
        %and3A_396 = arith.constant 127 : i32
        %and3A_397 = vector.broadcast %and3A_396 : i32 to vector<16xi32>
        %and3A_398 = arith.andi %add3A_395, %and3A_397 : vector<16xi32>
        %gather3A_399 = tpu.vector_load_idx %arg15[%add3A_222, %and3A_368] : memref<64x128xf32, #tpu.memory_space<vmem>>[vector<16xi32>, vector<16xi32>], vector<16xf32>,
        %gather3A_400 = tpu.vector_load_idx %arg16[%add3A_222, %and3A_368] : memref<64x128xf32, #tpu.memory_space<vmem>>[vector<16xi32>, vector<16xi32>], vector<16xf32>,
        %mul3A_401 = arith.mulf %gather3A_399, %gather3A_400 : vector<16xf32>
        %add3A_402 = arith.addf %add3A_347, %mul3A_401 : vector<16xf32>
        %gather3A_403 = tpu.vector_load_idx %arg15[%add3A_222, %and3A_378] : memref<64x128xf32, #tpu.memory_space<vmem>>[vector<16xi32>, vector<16xi32>], vector<16xf32>,
        %gather3A_404 = tpu.vector_load_idx %arg16[%add3A_222, %and3A_378] : memref<64x128xf32, #tpu.memory_space<vmem>>[vector<16xi32>, vector<16xi32>], vector<16xf32>,
        %mul3A_405 = arith.mulf %gather3A_403, %gather3A_404 : vector<16xf32>
        %add3A_406 = arith.addf %add3A_351, %mul3A_405 : vector<16xf32>
        %gather3A_407 = tpu.vector_load_idx %arg15[%add3A_222, %and3A_388] : memref<64x128xf32, #tpu.memory_space<vmem>>[vector<16xi32>, vector<16xi32>], vector<16xf32>,
        %gather3A_408 = tpu.vector_load_idx %arg16[%add3A_222, %and3A_388] : memref<64x128xf32, #tpu.memory_space<vmem>>[vector<16xi32>, vector<16xi32>], vector<16xf32>,
        %mul3A_409 = arith.mulf %gather3A_407, %gather3A_408 : vector<16xf32>
        %add3A_410 = arith.addf %add3A_355, %mul3A_409 : vector<16xf32>
        %gather3A_411 = tpu.vector_load_idx %arg15[%add3A_222, %and3A_398] : memref<64x128xf32, #tpu.memory_space<vmem>>[vector<16xi32>, vector<16xi32>], vector<16xf32>,
        %gather3A_412 = tpu.vector_load_idx %arg16[%add3A_222, %and3A_398] : memref<64x128xf32, #tpu.memory_space<vmem>>[vector<16xi32>, vector<16xi32>], vector<16xf32>,
        %mul3A_413 = arith.mulf %gather3A_411, %gather3A_412 : vector<16xf32>
        %add3A_414 = arith.addf %add3A_359, %mul3A_413 : vector<16xf32>
        %scan3A_415 = arith.constant 3 : i32
        %scan3A_416 = arith.addi %scan3A_248, %scan3A_415 : i32
        %mul3A_417 = arith.constant 4 : i32
        %mul3A_418 = arith.muli %mul3A_417, %scan3A_416 : i32
        %add3A_419 = vector.broadcast %mul3A_418 : i32 to vector<16xi32>
        %add3A_420 = arith.addi %iota3A, %add3A_419 : vector<16xi32>
        %and3A_421 = arith.constant 127 : i32
        %and3A_422 = vector.broadcast %and3A_421 : i32 to vector<16xi32>
        %and3A_423 = arith.andi %add3A_420, %and3A_422 : vector<16xi32>
        %mul3A_424 = arith.constant 4 : i32
        %mul3A_425 = arith.muli %mul3A_424, %scan3A_416 : i32
        %add3A_426 = vector.broadcast %mul3A_425 : i32 to vector<16xi32>
        %add3A_427 = arith.addi %iota3A, %add3A_426 : vector<16xi32>
        %add3A_428 = arith.constant 1 : i32
        %add3A_429 = vector.broadcast %add3A_428 : i32 to vector<16xi32>
        %add3A_430 = arith.addi %add3A_427, %add3A_429 : vector<16xi32>
        %and3A_431 = arith.constant 127 : i32
        %and3A_432 = vector.broadcast %and3A_431 : i32 to vector<16xi32>
        %and3A_433 = arith.andi %add3A_430, %and3A_432 : vector<16xi32>
        %mul3A_434 = arith.constant 4 : i32
        %mul3A_435 = arith.muli %mul3A_434, %scan3A_416 : i32
        %add3A_436 = vector.broadcast %mul3A_435 : i32 to vector<16xi32>
        %add3A_437 = arith.addi %iota3A, %add3A_436 : vector<16xi32>
        %add3A_438 = arith.constant 2 : i32
        %add3A_439 = vector.broadcast %add3A_438 : i32 to vector<16xi32>
        %add3A_440 = arith.addi %add3A_437, %add3A_439 : vector<16xi32>
        %and3A_441 = arith.constant 127 : i32
        %and3A_442 = vector.broadcast %and3A_441 : i32 to vector<16xi32>
        %and3A_443 = arith.andi %add3A_440, %and3A_442 : vector<16xi32>
        %mul3A_444 = arith.constant 4 : i32
        %mul3A_445 = arith.muli %mul3A_444, %scan3A_416 : i32
        %add3A_446 = vector.broadcast %mul3A_445 : i32 to vector<16xi32>
        %add3A_447 = arith.addi %iota3A, %add3A_446 : vector<16xi32>
        %add3A_448 = arith.constant 3 : i32
        %add3A_449 = vector.broadcast %add3A_448 : i32 to vector<16xi32>
        %add3A_450 = arith.addi %add3A_447, %add3A_449 : vector<16xi32>
        %and3A_451 = arith.constant 127 : i32
        %and3A_452 = vector.broadcast %and3A_451 : i32 to vector<16xi32>
        %and3A_453 = arith.andi %add3A_450, %and3A_452 : vector<16xi32>
        %gather3A_454 = tpu.vector_load_idx %arg15[%add3A_222, %and3A_423] : memref<64x128xf32, #tpu.memory_space<vmem>>[vector<16xi32>, vector<16xi32>], vector<16xf32>,
        %gather3A_455 = tpu.vector_load_idx %arg16[%add3A_222, %and3A_423] : memref<64x128xf32, #tpu.memory_space<vmem>>[vector<16xi32>, vector<16xi32>], vector<16xf32>,
        %mul3A_456 = arith.mulf %gather3A_454, %gather3A_455 : vector<16xf32>
        %add3A_457 = arith.addf %add3A_402, %mul3A_456 : vector<16xf32>
        %gather3A_458 = tpu.vector_load_idx %arg15[%add3A_222, %and3A_433] : memref<64x128xf32, #tpu.memory_space<vmem>>[vector<16xi32>, vector<16xi32>], vector<16xf32>,
        %gather3A_459 = tpu.vector_load_idx %arg16[%add3A_222, %and3A_433] : memref<64x128xf32, #tpu.memory_space<vmem>>[vector<16xi32>, vector<16xi32>], vector<16xf32>,
        %mul3A_460 = arith.mulf %gather3A_458, %gather3A_459 : vector<16xf32>
        %add3A_461 = arith.addf %add3A_406, %mul3A_460 : vector<16xf32>
        %gather3A_462 = tpu.vector_load_idx %arg15[%add3A_222, %and3A_443] : memref<64x128xf32, #tpu.memory_space<vmem>>[vector<16xi32>, vector<16xi32>], vector<16xf32>,
        %gather3A_463 = tpu.vector_load_idx %arg16[%add3A_222, %and3A_443] : memref<64x128xf32, #tpu.memory_space<vmem>>[vector<16xi32>, vector<16xi32>], vector<16xf32>,
        %mul3A_464 = arith.mulf %gather3A_462, %gather3A_463 : vector<16xf32>
        %add3A_465 = arith.addf %add3A_410, %mul3A_464 : vector<16xf32>
        %gather3A_466 = tpu.vector_load_idx %arg15[%add3A_222, %and3A_453] : memref<64x128xf32, #tpu.memory_space<vmem>>[vector<16xi32>, vector<16xi32>], vector<16xf32>,
        %gather3A_467 = tpu.vector_load_idx %arg16[%add3A_222, %and3A_453] : memref<64x128xf32, #tpu.memory_space<vmem>>[vector<16xi32>, vector<16xi32>], vector<16xf32>,
        %mul3A_468 = arith.mulf %gather3A_466, %gather3A_467 : vector<16xf32>
        %add3A_469 = arith.addf %add3A_414, %mul3A_468 : vector<16xf32>
        %scan3A_470 = arith.constant 4 : i32
        %scan3A_471 = arith.addi %scan3A_248, %scan3A_470 : i32
        %mul3A_472 = arith.constant 4 : i32
        %mul3A_473 = arith.muli %mul3A_472, %scan3A_471 : i32
        %add3A_474 = vector.broadcast %mul3A_473 : i32 to vector<16xi32>
        %add3A_475 = arith.addi %iota3A, %add3A_474 : vector<16xi32>
        %and3A_476 = arith.constant 127 : i32
        %and3A_477 = vector.broadcast %and3A_476 : i32 to vector<16xi32>
        %and3A_478 = arith.andi %add3A_475, %and3A_477 : vector<16xi32>
        %mul3A_479 = arith.constant 4 : i32
        %mul3A_480 = arith.muli %mul3A_479, %scan3A_471 : i32
        %add3A_481 = vector.broadcast %mul3A_480 : i32 to vector<16xi32>
        %add3A_482 = arith.addi %iota3A, %add3A_481 : vector<16xi32>
        %add3A_483 = arith.constant 1 : i32
        %add3A_484 = vector.broadcast %add3A_483 : i32 to vector<16xi32>
        %add3A_485 = arith.addi %add3A_482, %add3A_484 : vector<16xi32>
        %and3A_486 = arith.constant 127 : i32
        %and3A_487 = vector.broadcast %and3A_486 : i32 to vector<16xi32>
        %and3A_488 = arith.andi %add3A_485, %and3A_487 : vector<16xi32>
        %mul3A_489 = arith.constant 4 : i32
        %mul3A_490 = arith.muli %mul3A_489, %scan3A_471 : i32
        %add3A_491 = vector.broadcast %mul3A_490 : i32 to vector<16xi32>
        %add3A_492 = arith.addi %iota3A, %add3A_491 : vector<16xi32>
        %add3A_493 = arith.constant 2 : i32
        %add3A_494 = vector.broadcast %add3A_493 : i32 to vector<16xi32>
        %add3A_495 = arith.addi %add3A_492, %add3A_494 : vector<16xi32>
        %and3A_496 = arith.constant 127 : i32
        %and3A_497 = vector.broadcast %and3A_496 : i32 to vector<16xi32>
        %and3A_498 = arith.andi %add3A_495, %and3A_497 : vector<16xi32>
        %mul3A_499 = arith.constant 4 : i32
        %mul3A_500 = arith.muli %mul3A_499, %scan3A_471 : i32
        %add3A_501 = vector.broadcast %mul3A_500 : i32 to vector<16xi32>
        %add3A_502 = arith.addi %iota3A, %add3A_501 : vector<16xi32>
        %add3A_503 = arith.constant 3 : i32
        %add3A_504 = vector.broadcast %add3A_503 : i32 to vector<16xi32>
        %add3A_505 = arith.addi %add3A_502, %add3A_504 : vector<16xi32>
        %and3A_506 = arith.constant 127 : i32
        %and3A_507 = vector.broadcast %and3A_506 : i32 to vector<16xi32>
        %and3A_508 = arith.andi %add3A_505, %and3A_507 : vector<16xi32>
        %gather3A_509 = tpu.vector_load_idx %arg15[%add3A_222, %and3A_478] : memref<64x128xf32, #tpu.memory_space<vmem>>[vector<16xi32>, vector<16xi32>], vector<16xf32>,
        %gather3A_510 = tpu.vector_load_idx %arg16[%add3A_222, %and3A_478] : memref<64x128xf32, #tpu.memory_space<vmem>>[vector<16xi32>, vector<16xi32>], vector<16xf32>,
        %mul3A_511 = arith.mulf %gather3A_509, %gather3A_510 : vector<16xf32>
        %add3A_512 = arith.addf %add3A_457, %mul3A_511 : vector<16xf32>
        %gather3A_513 = tpu.vector_load_idx %arg15[%add3A_222, %and3A_488] : memref<64x128xf32, #tpu.memory_space<vmem>>[vector<16xi32>, vector<16xi32>], vector<16xf32>,
        %gather3A_514 = tpu.vector_load_idx %arg16[%add3A_222, %and3A_488] : memref<64x128xf32, #tpu.memory_space<vmem>>[vector<16xi32>, vector<16xi32>], vector<16xf32>,
        %mul3A_515 = arith.mulf %gather3A_513, %gather3A_514 : vector<16xf32>
        %add3A_516 = arith.addf %add3A_461, %mul3A_515 : vector<16xf32>
        %gather3A_517 = tpu.vector_load_idx %arg15[%add3A_222, %and3A_498] : memref<64x128xf32, #tpu.memory_space<vmem>>[vector<16xi32>, vector<16xi32>], vector<16xf32>,
        %gather3A_518 = tpu.vector_load_idx %arg16[%add3A_222, %and3A_498] : memref<64x128xf32, #tpu.memory_space<vmem>>[vector<16xi32>, vector<16xi32>], vector<16xf32>,
        %mul3A_519 = arith.mulf %gather3A_517, %gather3A_518 : vector<16xf32>
        %add3A_520 = arith.addf %add3A_465, %mul3A_519 : vector<16xf32>
        %gather3A_521 = tpu.vector_load_idx %arg15[%add3A_222, %and3A_508] : memref<64x128xf32, #tpu.memory_space<vmem>>[vector<16xi32>, vector<16xi32>], vector<16xf32>,
        %gather3A_522 = tpu.vector_load_idx %arg16[%add3A_222, %and3A_508] : memref<64x128xf32, #tpu.memory_space<vmem>>[vector<16xi32>, vector<16xi32>], vector<16xf32>,
        %mul3A_523 = arith.mulf %gather3A_521, %gather3A_522 : vector<16xf32>
        %add3A_524 = arith.addf %add3A_469, %mul3A_523 : vector<16xf32>
        %scan3A_525 = arith.constant 5 : i32
        %scan3A_526 = arith.addi %scan3A_248, %scan3A_525 : i32
        %mul3A_527 = arith.constant 4 : i32
        %mul3A_528 = arith.muli %mul3A_527, %scan3A_526 : i32
        %add3A_529 = vector.broadcast %mul3A_528 : i32 to vector<16xi32>
        %add3A_530 = arith.addi %iota3A, %add3A_529 : vector<16xi32>
        %and3A_531 = arith.constant 127 : i32
        %and3A_532 = vector.broadcast %and3A_531 : i32 to vector<16xi32>
        %and3A_533 = arith.andi %add3A_530, %and3A_532 : vector<16xi32>
        %mul3A_534 = arith.constant 4 : i32
        %mul3A_535 = arith.muli %mul3A_534, %scan3A_526 : i32
        %add3A_536 = vector.broadcast %mul3A_535 : i32 to vector<16xi32>
        %add3A_537 = arith.addi %iota3A, %add3A_536 : vector<16xi32>
        %add3A_538 = arith.constant 1 : i32
        %add3A_539 = vector.broadcast %add3A_538 : i32 to vector<16xi32>
        %add3A_540 = arith.addi %add3A_537, %add3A_539 : vector<16xi32>
        %and3A_541 = arith.constant 127 : i32
        %and3A_542 = vector.broadcast %and3A_541 : i32 to vector<16xi32>
        %and3A_543 = arith.andi %add3A_540, %and3A_542 : vector<16xi32>
        %mul3A_544 = arith.constant 4 : i32
        %mul3A_545 = arith.muli %mul3A_544, %scan3A_526 : i32
        %add3A_546 = vector.broadcast %mul3A_545 : i32 to vector<16xi32>
        %add3A_547 = arith.addi %iota3A, %add3A_546 : vector<16xi32>
        %add3A_548 = arith.constant 2 : i32
        %add3A_549 = vector.broadcast %add3A_548 : i32 to vector<16xi32>
        %add3A_550 = arith.addi %add3A_547, %add3A_549 : vector<16xi32>
        %and3A_551 = arith.constant 127 : i32
        %and3A_552 = vector.broadcast %and3A_551 : i32 to vector<16xi32>
        %and3A_553 = arith.andi %add3A_550, %and3A_552 : vector<16xi32>
        %mul3A_554 = arith.constant 4 : i32
        %mul3A_555 = arith.muli %mul3A_554, %scan3A_526 : i32
        %add3A_556 = vector.broadcast %mul3A_555 : i32 to vector<16xi32>
        %add3A_557 = arith.addi %iota3A, %add3A_556 : vector<16xi32>
        %add3A_558 = arith.constant 3 : i32
        %add3A_559 = vector.broadcast %add3A_558 : i32 to vector<16xi32>
        %add3A_560 = arith.addi %add3A_557, %add3A_559 : vector<16xi32>
        %and3A_561 = arith.constant 127 : i32
        %and3A_562 = vector.broadcast %and3A_561 : i32 to vector<16xi32>
        %and3A_563 = arith.andi %add3A_560, %and3A_562 : vector<16xi32>
        %gather3A_564 = tpu.vector_load_idx %arg15[%add3A_222, %and3A_533] : memref<64x128xf32, #tpu.memory_space<vmem>>[vector<16xi32>, vector<16xi32>], vector<16xf32>,
        %gather3A_565 = tpu.vector_load_idx %arg16[%add3A_222, %and3A_533] : memref<64x128xf32, #tpu.memory_space<vmem>>[vector<16xi32>, vector<16xi32>], vector<16xf32>,
        %mul3A_566 = arith.mulf %gather3A_564, %gather3A_565 : vector<16xf32>
        %add3A_567 = arith.addf %add3A_512, %mul3A_566 : vector<16xf32>
        %gather3A_568 = tpu.vector_load_idx %arg15[%add3A_222, %and3A_543] : memref<64x128xf32, #tpu.memory_space<vmem>>[vector<16xi32>, vector<16xi32>], vector<16xf32>,
        %gather3A_569 = tpu.vector_load_idx %arg16[%add3A_222, %and3A_543] : memref<64x128xf32, #tpu.memory_space<vmem>>[vector<16xi32>, vector<16xi32>], vector<16xf32>,
        %mul3A_570 = arith.mulf %gather3A_568, %gather3A_569 : vector<16xf32>
        %add3A_571 = arith.addf %add3A_516, %mul3A_570 : vector<16xf32>
        %gather3A_572 = tpu.vector_load_idx %arg15[%add3A_222, %and3A_553] : memref<64x128xf32, #tpu.memory_space<vmem>>[vector<16xi32>, vector<16xi32>], vector<16xf32>,
        %gather3A_573 = tpu.vector_load_idx %arg16[%add3A_222, %and3A_553] : memref<64x128xf32, #tpu.memory_space<vmem>>[vector<16xi32>, vector<16xi32>], vector<16xf32>,
        %mul3A_574 = arith.mulf %gather3A_572, %gather3A_573 : vector<16xf32>
        %add3A_575 = arith.addf %add3A_520, %mul3A_574 : vector<16xf32>
        %gather3A_576 = tpu.vector_load_idx %arg15[%add3A_222, %and3A_563] : memref<64x128xf32, #tpu.memory_space<vmem>>[vector<16xi32>, vector<16xi32>], vector<16xf32>,
        %gather3A_577 = tpu.vector_load_idx %arg16[%add3A_222, %and3A_563] : memref<64x128xf32, #tpu.memory_space<vmem>>[vector<16xi32>, vector<16xi32>], vector<16xf32>,
        %mul3A_578 = arith.mulf %gather3A_576, %gather3A_577 : vector<16xf32>
        %add3A_579 = arith.addf %add3A_524, %mul3A_578 : vector<16xf32>
        %scan3A_580 = arith.constant 6 : i32
        %scan3A_581 = arith.addi %scan3A_248, %scan3A_580 : i32
        %mul3A_582 = arith.constant 4 : i32
        %mul3A_583 = arith.muli %mul3A_582, %scan3A_581 : i32
        %add3A_584 = vector.broadcast %mul3A_583 : i32 to vector<16xi32>
        %add3A_585 = arith.addi %iota3A, %add3A_584 : vector<16xi32>
        %and3A_586 = arith.constant 127 : i32
        %and3A_587 = vector.broadcast %and3A_586 : i32 to vector<16xi32>
        %and3A_588 = arith.andi %add3A_585, %and3A_587 : vector<16xi32>
        %mul3A_589 = arith.constant 4 : i32
        %mul3A_590 = arith.muli %mul3A_589, %scan3A_581 : i32
        %add3A_591 = vector.broadcast %mul3A_590 : i32 to vector<16xi32>
        %add3A_592 = arith.addi %iota3A, %add3A_591 : vector<16xi32>
        %add3A_593 = arith.constant 1 : i32
        %add3A_594 = vector.broadcast %add3A_593 : i32 to vector<16xi32>
        %add3A_595 = arith.addi %add3A_592, %add3A_594 : vector<16xi32>
        %and3A_596 = arith.constant 127 : i32
        %and3A_597 = vector.broadcast %and3A_596 : i32 to vector<16xi32>
        %and3A_598 = arith.andi %add3A_595, %and3A_597 : vector<16xi32>
        %mul3A_599 = arith.constant 4 : i32
        %mul3A_600 = arith.muli %mul3A_599, %scan3A_581 : i32
        %add3A_601 = vector.broadcast %mul3A_600 : i32 to vector<16xi32>
        %add3A_602 = arith.addi %iota3A, %add3A_601 : vector<16xi32>
        %add3A_603 = arith.constant 2 : i32
        %add3A_604 = vector.broadcast %add3A_603 : i32 to vector<16xi32>
        %add3A_605 = arith.addi %add3A_602, %add3A_604 : vector<16xi32>
        %and3A_606 = arith.constant 127 : i32
        %and3A_607 = vector.broadcast %and3A_606 : i32 to vector<16xi32>
        %and3A_608 = arith.andi %add3A_605, %and3A_607 : vector<16xi32>
        %mul3A_609 = arith.constant 4 : i32
        %mul3A_610 = arith.muli %mul3A_609, %scan3A_581 : i32
        %add3A_611 = vector.broadcast %mul3A_610 : i32 to vector<16xi32>
        %add3A_612 = arith.addi %iota3A, %add3A_611 : vector<16xi32>
        %add3A_613 = arith.constant 3 : i32
        %add3A_614 = vector.broadcast %add3A_613 : i32 to vector<16xi32>
        %add3A_615 = arith.addi %add3A_612, %add3A_614 : vector<16xi32>
        %and3A_616 = arith.constant 127 : i32
        %and3A_617 = vector.broadcast %and3A_616 : i32 to vector<16xi32>
        %and3A_618 = arith.andi %add3A_615, %and3A_617 : vector<16xi32>
        %gather3A_619 = tpu.vector_load_idx %arg15[%add3A_222, %and3A_588] : memref<64x128xf32, #tpu.memory_space<vmem>>[vector<16xi32>, vector<16xi32>], vector<16xf32>,
        %gather3A_620 = tpu.vector_load_idx %arg16[%add3A_222, %and3A_588] : memref<64x128xf32, #tpu.memory_space<vmem>>[vector<16xi32>, vector<16xi32>], vector<16xf32>,
        %mul3A_621 = arith.mulf %gather3A_619, %gather3A_620 : vector<16xf32>
        %add3A_622 = arith.addf %add3A_567, %mul3A_621 : vector<16xf32>
        %gather3A_623 = tpu.vector_load_idx %arg15[%add3A_222, %and3A_598] : memref<64x128xf32, #tpu.memory_space<vmem>>[vector<16xi32>, vector<16xi32>], vector<16xf32>,
        %gather3A_624 = tpu.vector_load_idx %arg16[%add3A_222, %and3A_598] : memref<64x128xf32, #tpu.memory_space<vmem>>[vector<16xi32>, vector<16xi32>], vector<16xf32>,
        %mul3A_625 = arith.mulf %gather3A_623, %gather3A_624 : vector<16xf32>
        %add3A_626 = arith.addf %add3A_571, %mul3A_625 : vector<16xf32>
        %gather3A_627 = tpu.vector_load_idx %arg15[%add3A_222, %and3A_608] : memref<64x128xf32, #tpu.memory_space<vmem>>[vector<16xi32>, vector<16xi32>], vector<16xf32>,
        %gather3A_628 = tpu.vector_load_idx %arg16[%add3A_222, %and3A_608] : memref<64x128xf32, #tpu.memory_space<vmem>>[vector<16xi32>, vector<16xi32>], vector<16xf32>,
        %mul3A_629 = arith.mulf %gather3A_627, %gather3A_628 : vector<16xf32>
        %add3A_630 = arith.addf %add3A_575, %mul3A_629 : vector<16xf32>
        %gather3A_631 = tpu.vector_load_idx %arg15[%add3A_222, %and3A_618] : memref<64x128xf32, #tpu.memory_space<vmem>>[vector<16xi32>, vector<16xi32>], vector<16xf32>,
        %gather3A_632 = tpu.vector_load_idx %arg16[%add3A_222, %and3A_618] : memref<64x128xf32, #tpu.memory_space<vmem>>[vector<16xi32>, vector<16xi32>], vector<16xf32>,
        %mul3A_633 = arith.mulf %gather3A_631, %gather3A_632 : vector<16xf32>
        %add3A_634 = arith.addf %add3A_579, %mul3A_633 : vector<16xf32>
        %scan3A_635 = arith.constant 7 : i32
        %scan3A_636 = arith.addi %scan3A_248, %scan3A_635 : i32
        %mul3A_637 = arith.constant 4 : i32
        %mul3A_638 = arith.muli %mul3A_637, %scan3A_636 : i32
        %add3A_639 = vector.broadcast %mul3A_638 : i32 to vector<16xi32>
        %add3A_640 = arith.addi %iota3A, %add3A_639 : vector<16xi32>
        %and3A_641 = arith.constant 127 : i32
        %and3A_642 = vector.broadcast %and3A_641 : i32 to vector<16xi32>
        %and3A_643 = arith.andi %add3A_640, %and3A_642 : vector<16xi32>
        %mul3A_644 = arith.constant 4 : i32
        %mul3A_645 = arith.muli %mul3A_644, %scan3A_636 : i32
        %add3A_646 = vector.broadcast %mul3A_645 : i32 to vector<16xi32>
        %add3A_647 = arith.addi %iota3A, %add3A_646 : vector<16xi32>
        %add3A_648 = arith.constant 1 : i32
        %add3A_649 = vector.broadcast %add3A_648 : i32 to vector<16xi32>
        %add3A_650 = arith.addi %add3A_647, %add3A_649 : vector<16xi32>
        %and3A_651 = arith.constant 127 : i32
        %and3A_652 = vector.broadcast %and3A_651 : i32 to vector<16xi32>
        %and3A_653 = arith.andi %add3A_650, %and3A_652 : vector<16xi32>
        %mul3A_654 = arith.constant 4 : i32
        %mul3A_655 = arith.muli %mul3A_654, %scan3A_636 : i32
        %add3A_656 = vector.broadcast %mul3A_655 : i32 to vector<16xi32>
        %add3A_657 = arith.addi %iota3A, %add3A_656 : vector<16xi32>
        %add3A_658 = arith.constant 2 : i32
        %add3A_659 = vector.broadcast %add3A_658 : i32 to vector<16xi32>
        %add3A_660 = arith.addi %add3A_657, %add3A_659 : vector<16xi32>
        %and3A_661 = arith.constant 127 : i32
        %and3A_662 = vector.broadcast %and3A_661 : i32 to vector<16xi32>
        %and3A_663 = arith.andi %add3A_660, %and3A_662 : vector<16xi32>
        %mul3A_664 = arith.constant 4 : i32
        %mul3A_665 = arith.muli %mul3A_664, %scan3A_636 : i32
        %add3A_666 = vector.broadcast %mul3A_665 : i32 to vector<16xi32>
        %add3A_667 = arith.addi %iota3A, %add3A_666 : vector<16xi32>
        %add3A_668 = arith.constant 3 : i32
        %add3A_669 = vector.broadcast %add3A_668 : i32 to vector<16xi32>
        %add3A_670 = arith.addi %add3A_667, %add3A_669 : vector<16xi32>
        %and3A_671 = arith.constant 127 : i32
        %and3A_672 = vector.broadcast %and3A_671 : i32 to vector<16xi32>
        %and3A_673 = arith.andi %add3A_670, %and3A_672 : vector<16xi32>
        %gather3A_674 = tpu.vector_load_idx %arg15[%add3A_222, %and3A_643] : memref<64x128xf32, #tpu.memory_space<vmem>>[vector<16xi32>, vector<16xi32>], vector<16xf32>,
        %gather3A_675 = tpu.vector_load_idx %arg16[%add3A_222, %and3A_643] : memref<64x128xf32, #tpu.memory_space<vmem>>[vector<16xi32>, vector<16xi32>], vector<16xf32>,
        %mul3A_676 = arith.mulf %gather3A_674, %gather3A_675 : vector<16xf32>
        %add3A_677 = arith.addf %add3A_622, %mul3A_676 : vector<16xf32>
        %gather3A_678 = tpu.vector_load_idx %arg15[%add3A_222, %and3A_653] : memref<64x128xf32, #tpu.memory_space<vmem>>[vector<16xi32>, vector<16xi32>], vector<16xf32>,
        %gather3A_679 = tpu.vector_load_idx %arg16[%add3A_222, %and3A_653] : memref<64x128xf32, #tpu.memory_space<vmem>>[vector<16xi32>, vector<16xi32>], vector<16xf32>,
        %mul3A_680 = arith.mulf %gather3A_678, %gather3A_679 : vector<16xf32>
        %add3A_681 = arith.addf %add3A_626, %mul3A_680 : vector<16xf32>
        %gather3A_682 = tpu.vector_load_idx %arg15[%add3A_222, %and3A_663] : memref<64x128xf32, #tpu.memory_space<vmem>>[vector<16xi32>, vector<16xi32>], vector<16xf32>,
        %gather3A_683 = tpu.vector_load_idx %arg16[%add3A_222, %and3A_663] : memref<64x128xf32, #tpu.memory_space<vmem>>[vector<16xi32>, vector<16xi32>], vector<16xf32>,
        %mul3A_684 = arith.mulf %gather3A_682, %gather3A_683 : vector<16xf32>
        %add3A_685 = arith.addf %add3A_630, %mul3A_684 : vector<16xf32>
        %gather3A_686 = tpu.vector_load_idx %arg15[%add3A_222, %and3A_673] : memref<64x128xf32, #tpu.memory_space<vmem>>[vector<16xi32>, vector<16xi32>], vector<16xf32>,
        %gather3A_687 = tpu.vector_load_idx %arg16[%add3A_222, %and3A_673] : memref<64x128xf32, #tpu.memory_space<vmem>>[vector<16xi32>, vector<16xi32>], vector<16xf32>,
        %mul3A_688 = arith.mulf %gather3A_686, %gather3A_687 : vector<16xf32>
        %add3A_689 = arith.addf %add3A_634, %mul3A_688 : vector<16xf32>
        scf.yield %add3A_677, %add3A_681, %add3A_685, %add3A_689 : vector<16xf32>, vector<16xf32>, vector<16xf32>, vector<16xf32>
      }
      %scan3A_230 = arith.constant 32 : i32
      %add3A_231 = arith.addf %scan3A_229#0, %scan3A_229#1 : vector<16xf32>
      %add3A_232 = arith.addf %scan3A_229#2, %scan3A_229#3 : vector<16xf32>
      %add3A_233 = arith.addf %add3A_231, %add3A_232 : vector<16xf32>
      %mul3A_234 = arith.mulf %add3A_233, %gather3A : vector<16xf32>
      %add3A_235 = arith.addf %mul3A_234, %gather3A_12 : vector<16xf32>
      %neg3A = arith.constant 0.000000e+00 : f32
      %neg3A_236 = vector.broadcast %neg3A : f32 to vector<16xf32>
      %neg3A_237 = arith.subf %neg3A_236, %add3A_235 : vector<16xf32>
      %exp3A = math.exp %neg3A_237 : vector<16xf32>
      %add3A_238 = arith.constant 1.000000e+00 : f32
      %add3A_239 = vector.broadcast %add3A_238 : f32 to vector<16xf32>
      %add3A_240 = arith.addf %add3A_239, %exp3A : vector<16xf32>
      %div3A = arith.constant 1.000000e+00 : f32
      %div3A_241 = vector.broadcast %div3A : f32 to vector<16xf32>
      %div3A_242 = arith.divf %div3A_241, %add3A_240 : vector<16xf32>
      %mul3A_243 = arith.constant 16 : i32
      %mul3A_244 = arith.muli %scan3A_218, %mul3A_243 : i32
      %add3A_245 = arith.constant 128 : i32
      %add3A_246 = arith.addi %add3A_245, %mul3A_244 : i32
      %swap3A = arith.index_cast %add3A_246 : i32 to index
      %swap3A_247 = tpu.vector_load %arg17[%swap3A] {strides = array<i32>} : memref<512xf32, #tpu.memory_space<vmem>>, vector<16xf32>,
      tpu.vector_store %arg17[%swap3A], %div3A_242 {strides = array<i32>} : memref<512xf32, #tpu.memory_space<vmem>>, vector<16xf32>,
    }
    %scan3A_106 = arith.constant 4 : i32
    %dma_start3A_107 = arith.constant 320 : i32
    %dma_start3A_108 = tpu.memref_slice %arg9[%dma_start3A_107] : memref<512xi32, #tpu.memory_space<vmem>> -> memref<64xi32, #tpu.memory_space<vmem>>
    %dma_start3A_109 = arith.constant 0 : i32
    %dma_start3A_110 = arith.constant 0 : i32
    %dma_start3A_111 = tpu.memref_slice %arg4[%dma_start3A_109, %dma_start3A_110] : memref<100000x128xf32, #tpu.memory_space<hbm>> -> memref<100000x128xf32, #tpu.memory_space<hbm>>
    tpu.enqueue_indirect_dma source(%dma_start3A_111 : memref<100000x128xf32, #tpu.memory_space<hbm>>) target(%arg15 : memref<64x128xf32, #tpu.memory_space<vmem>>) offsets(%dma_start3A_108 : memref<64xi32, #tpu.memory_space<vmem>>) semaphore(%arg24 : memref<!tpu.dma_semaphore, #tpu.memory_space<semaphore_mem>>)
    %dma_start3A_112 = arith.constant 320 : i32
    %dma_start3A_113 = tpu.memref_slice %arg10[%dma_start3A_112] : memref<512xi32, #tpu.memory_space<vmem>> -> memref<64xi32, #tpu.memory_space<vmem>>
    %dma_start3A_114 = arith.constant 0 : i32
    %dma_start3A_115 = arith.constant 0 : i32
    %dma_start3A_116 = tpu.memref_slice %arg5[%dma_start3A_114, %dma_start3A_115] : memref<100000x128xf32, #tpu.memory_space<hbm>> -> memref<100000x128xf32, #tpu.memory_space<hbm>>
    tpu.enqueue_indirect_dma source(%dma_start3A_116 : memref<100000x128xf32, #tpu.memory_space<hbm>>) target(%arg16 : memref<64x128xf32, #tpu.memory_space<vmem>>) offsets(%dma_start3A_113 : memref<64xi32, #tpu.memory_space<vmem>>) semaphore(%arg25 : memref<!tpu.dma_semaphore, #tpu.memory_space<semaphore_mem>>)
    %dma_wait3A_117 = arith.constant 192 : i32
    %dma_wait3A_118 = tpu.memref_slice %arg9[%dma_wait3A_117] : memref<512xi32, #tpu.memory_space<vmem>> -> memref<64xi32, #tpu.memory_space<vmem>>
    %dma_wait3A_119 = arith.constant 0 : i32
    %dma_wait3A_120 = arith.constant 0 : i32
    %dma_wait3A_121 = tpu.memref_slice %arg4[%dma_wait3A_119, %dma_wait3A_120] : memref<100000x128xf32, #tpu.memory_space<hbm>> -> memref<100000x128xf32, #tpu.memory_space<hbm>>
    tpu.wait_indirect_dma semaphore(%arg20 : memref<!tpu.dma_semaphore, #tpu.memory_space<semaphore_mem>>) src(%dma_wait3A_121 : memref<100000x128xf32, #tpu.memory_space<hbm>>) dst(%arg11 : memref<64x128xf32, #tpu.memory_space<vmem>>)
    %dma_wait3A_122 = arith.constant 192 : i32
    %dma_wait3A_123 = tpu.memref_slice %arg10[%dma_wait3A_122] : memref<512xi32, #tpu.memory_space<vmem>> -> memref<64xi32, #tpu.memory_space<vmem>>
    %dma_wait3A_124 = arith.constant 0 : i32
    %dma_wait3A_125 = arith.constant 0 : i32
    %dma_wait3A_126 = tpu.memref_slice %arg5[%dma_wait3A_124, %dma_wait3A_125] : memref<100000x128xf32, #tpu.memory_space<hbm>> -> memref<100000x128xf32, #tpu.memory_space<hbm>>
    tpu.wait_indirect_dma semaphore(%arg21 : memref<!tpu.dma_semaphore, #tpu.memory_space<semaphore_mem>>) src(%dma_wait3A_126 : memref<100000x128xf32, #tpu.memory_space<hbm>>) dst(%arg12 : memref<64x128xf32, #tpu.memory_space<vmem>>)
    %scan3A_127 = arith.constant 0 : i32
    %scan3A_128 = arith.constant 4 : i32
    %scan3A_129 = arith.addi %scan3A_127, %scan3A_128 : i32
    %scan3A_130 = arith.constant 1 : i32
    scf.for %scan3A_218 = %scan3A_127 to %scan3A_129 step %scan3A_130  : i32 {
      %mul3A_219 = arith.constant 16 : i32
      %mul3A_220 = arith.muli %scan3A_218, %mul3A_219 : i32
      %add3A_221 = vector.broadcast %mul3A_220 : i32 to vector<16xi32>
      %add3A_222 = arith.addi %add3A_221, %iota3A : vector<16xi32>
      %broadcast_in_dim3A_223 = arith.constant 0.000000e+00 : f32
      %broadcast_in_dim3A_224 = vector.broadcast %broadcast_in_dim3A_223 : f32 to vector<16xf32>
      %scan3A_225 = arith.constant 0 : i32
      %scan3A_226 = arith.constant 32 : i32
      %scan3A_227 = arith.addi %scan3A_225, %scan3A_226 : i32
      %scan3A_228 = arith.constant 8 : i32
      %scan3A_229:4 = scf.for %scan3A_248 = %scan3A_225 to %scan3A_227 step %scan3A_228 iter_args(%scan3A_249 = %broadcast_in_dim3A_224, %scan3A_250 = %broadcast_in_dim3A_224, %scan3A_251 = %broadcast_in_dim3A_224, %scan3A_252 = %broadcast_in_dim3A_224) -> (vector<16xf32>, vector<16xf32>, vector<16xf32>, vector<16xf32>)  : i32 {
        %mul3A_253 = arith.constant 4 : i32
        %mul3A_254 = arith.muli %mul3A_253, %scan3A_248 : i32
        %add3A_255 = vector.broadcast %mul3A_254 : i32 to vector<16xi32>
        %add3A_256 = arith.addi %iota3A, %add3A_255 : vector<16xi32>
        %and3A = arith.constant 127 : i32
        %and3A_257 = vector.broadcast %and3A : i32 to vector<16xi32>
        %and3A_258 = arith.andi %add3A_256, %and3A_257 : vector<16xi32>
        %mul3A_259 = arith.constant 4 : i32
        %mul3A_260 = arith.muli %mul3A_259, %scan3A_248 : i32
        %add3A_261 = vector.broadcast %mul3A_260 : i32 to vector<16xi32>
        %add3A_262 = arith.addi %iota3A, %add3A_261 : vector<16xi32>
        %add3A_263 = arith.constant 1 : i32
        %add3A_264 = vector.broadcast %add3A_263 : i32 to vector<16xi32>
        %add3A_265 = arith.addi %add3A_262, %add3A_264 : vector<16xi32>
        %and3A_266 = arith.constant 127 : i32
        %and3A_267 = vector.broadcast %and3A_266 : i32 to vector<16xi32>
        %and3A_268 = arith.andi %add3A_265, %and3A_267 : vector<16xi32>
        %mul3A_269 = arith.constant 4 : i32
        %mul3A_270 = arith.muli %mul3A_269, %scan3A_248 : i32
        %add3A_271 = vector.broadcast %mul3A_270 : i32 to vector<16xi32>
        %add3A_272 = arith.addi %iota3A, %add3A_271 : vector<16xi32>
        %add3A_273 = arith.constant 2 : i32
        %add3A_274 = vector.broadcast %add3A_273 : i32 to vector<16xi32>
        %add3A_275 = arith.addi %add3A_272, %add3A_274 : vector<16xi32>
        %and3A_276 = arith.constant 127 : i32
        %and3A_277 = vector.broadcast %and3A_276 : i32 to vector<16xi32>
        %and3A_278 = arith.andi %add3A_275, %and3A_277 : vector<16xi32>
        %mul3A_279 = arith.constant 4 : i32
        %mul3A_280 = arith.muli %mul3A_279, %scan3A_248 : i32
        %add3A_281 = vector.broadcast %mul3A_280 : i32 to vector<16xi32>
        %add3A_282 = arith.addi %iota3A, %add3A_281 : vector<16xi32>
        %add3A_283 = arith.constant 3 : i32
        %add3A_284 = vector.broadcast %add3A_283 : i32 to vector<16xi32>
        %add3A_285 = arith.addi %add3A_282, %add3A_284 : vector<16xi32>
        %and3A_286 = arith.constant 127 : i32
        %and3A_287 = vector.broadcast %and3A_286 : i32 to vector<16xi32>
        %and3A_288 = arith.andi %add3A_285, %and3A_287 : vector<16xi32>
        %gather3A_289 = tpu.vector_load_idx %arg11[%add3A_222, %and3A_258] : memref<64x128xf32, #tpu.memory_space<vmem>>[vector<16xi32>, vector<16xi32>], vector<16xf32>,
        %gather3A_290 = tpu.vector_load_idx %arg12[%add3A_222, %and3A_258] : memref<64x128xf32, #tpu.memory_space<vmem>>[vector<16xi32>, vector<16xi32>], vector<16xf32>,
        %mul3A_291 = arith.mulf %gather3A_289, %gather3A_290 : vector<16xf32>
        %add3A_292 = arith.addf %scan3A_249, %mul3A_291 : vector<16xf32>
        %gather3A_293 = tpu.vector_load_idx %arg11[%add3A_222, %and3A_268] : memref<64x128xf32, #tpu.memory_space<vmem>>[vector<16xi32>, vector<16xi32>], vector<16xf32>,
        %gather3A_294 = tpu.vector_load_idx %arg12[%add3A_222, %and3A_268] : memref<64x128xf32, #tpu.memory_space<vmem>>[vector<16xi32>, vector<16xi32>], vector<16xf32>,
        %mul3A_295 = arith.mulf %gather3A_293, %gather3A_294 : vector<16xf32>
        %add3A_296 = arith.addf %scan3A_250, %mul3A_295 : vector<16xf32>
        %gather3A_297 = tpu.vector_load_idx %arg11[%add3A_222, %and3A_278] : memref<64x128xf32, #tpu.memory_space<vmem>>[vector<16xi32>, vector<16xi32>], vector<16xf32>,
        %gather3A_298 = tpu.vector_load_idx %arg12[%add3A_222, %and3A_278] : memref<64x128xf32, #tpu.memory_space<vmem>>[vector<16xi32>, vector<16xi32>], vector<16xf32>,
        %mul3A_299 = arith.mulf %gather3A_297, %gather3A_298 : vector<16xf32>
        %add3A_300 = arith.addf %scan3A_251, %mul3A_299 : vector<16xf32>
        %gather3A_301 = tpu.vector_load_idx %arg11[%add3A_222, %and3A_288] : memref<64x128xf32, #tpu.memory_space<vmem>>[vector<16xi32>, vector<16xi32>], vector<16xf32>,
        %gather3A_302 = tpu.vector_load_idx %arg12[%add3A_222, %and3A_288] : memref<64x128xf32, #tpu.memory_space<vmem>>[vector<16xi32>, vector<16xi32>], vector<16xf32>,
        %mul3A_303 = arith.mulf %gather3A_301, %gather3A_302 : vector<16xf32>
        %add3A_304 = arith.addf %scan3A_252, %mul3A_303 : vector<16xf32>
        %scan3A_305 = arith.constant 1 : i32
        %scan3A_306 = arith.addi %scan3A_248, %scan3A_305 : i32
        %mul3A_307 = arith.constant 4 : i32
        %mul3A_308 = arith.muli %mul3A_307, %scan3A_306 : i32
        %add3A_309 = vector.broadcast %mul3A_308 : i32 to vector<16xi32>
        %add3A_310 = arith.addi %iota3A, %add3A_309 : vector<16xi32>
        %and3A_311 = arith.constant 127 : i32
        %and3A_312 = vector.broadcast %and3A_311 : i32 to vector<16xi32>
        %and3A_313 = arith.andi %add3A_310, %and3A_312 : vector<16xi32>
        %mul3A_314 = arith.constant 4 : i32
        %mul3A_315 = arith.muli %mul3A_314, %scan3A_306 : i32
        %add3A_316 = vector.broadcast %mul3A_315 : i32 to vector<16xi32>
        %add3A_317 = arith.addi %iota3A, %add3A_316 : vector<16xi32>
        %add3A_318 = arith.constant 1 : i32
        %add3A_319 = vector.broadcast %add3A_318 : i32 to vector<16xi32>
        %add3A_320 = arith.addi %add3A_317, %add3A_319 : vector<16xi32>
        %and3A_321 = arith.constant 127 : i32
        %and3A_322 = vector.broadcast %and3A_321 : i32 to vector<16xi32>
        %and3A_323 = arith.andi %add3A_320, %and3A_322 : vector<16xi32>
        %mul3A_324 = arith.constant 4 : i32
        %mul3A_325 = arith.muli %mul3A_324, %scan3A_306 : i32
        %add3A_326 = vector.broadcast %mul3A_325 : i32 to vector<16xi32>
        %add3A_327 = arith.addi %iota3A, %add3A_326 : vector<16xi32>
        %add3A_328 = arith.constant 2 : i32
        %add3A_329 = vector.broadcast %add3A_328 : i32 to vector<16xi32>
        %add3A_330 = arith.addi %add3A_327, %add3A_329 : vector<16xi32>
        %and3A_331 = arith.constant 127 : i32
        %and3A_332 = vector.broadcast %and3A_331 : i32 to vector<16xi32>
        %and3A_333 = arith.andi %add3A_330, %and3A_332 : vector<16xi32>
        %mul3A_334 = arith.constant 4 : i32
        %mul3A_335 = arith.muli %mul3A_334, %scan3A_306 : i32
        %add3A_336 = vector.broadcast %mul3A_335 : i32 to vector<16xi32>
        %add3A_337 = arith.addi %iota3A, %add3A_336 : vector<16xi32>
        %add3A_338 = arith.constant 3 : i32
        %add3A_339 = vector.broadcast %add3A_338 : i32 to vector<16xi32>
        %add3A_340 = arith.addi %add3A_337, %add3A_339 : vector<16xi32>
        %and3A_341 = arith.constant 127 : i32
        %and3A_342 = vector.broadcast %and3A_341 : i32 to vector<16xi32>
        %and3A_343 = arith.andi %add3A_340, %and3A_342 : vector<16xi32>
        %gather3A_344 = tpu.vector_load_idx %arg11[%add3A_222, %and3A_313] : memref<64x128xf32, #tpu.memory_space<vmem>>[vector<16xi32>, vector<16xi32>], vector<16xf32>,
        %gather3A_345 = tpu.vector_load_idx %arg12[%add3A_222, %and3A_313] : memref<64x128xf32, #tpu.memory_space<vmem>>[vector<16xi32>, vector<16xi32>], vector<16xf32>,
        %mul3A_346 = arith.mulf %gather3A_344, %gather3A_345 : vector<16xf32>
        %add3A_347 = arith.addf %add3A_292, %mul3A_346 : vector<16xf32>
        %gather3A_348 = tpu.vector_load_idx %arg11[%add3A_222, %and3A_323] : memref<64x128xf32, #tpu.memory_space<vmem>>[vector<16xi32>, vector<16xi32>], vector<16xf32>,
        %gather3A_349 = tpu.vector_load_idx %arg12[%add3A_222, %and3A_323] : memref<64x128xf32, #tpu.memory_space<vmem>>[vector<16xi32>, vector<16xi32>], vector<16xf32>,
        %mul3A_350 = arith.mulf %gather3A_348, %gather3A_349 : vector<16xf32>
        %add3A_351 = arith.addf %add3A_296, %mul3A_350 : vector<16xf32>
        %gather3A_352 = tpu.vector_load_idx %arg11[%add3A_222, %and3A_333] : memref<64x128xf32, #tpu.memory_space<vmem>>[vector<16xi32>, vector<16xi32>], vector<16xf32>,
        %gather3A_353 = tpu.vector_load_idx %arg12[%add3A_222, %and3A_333] : memref<64x128xf32, #tpu.memory_space<vmem>>[vector<16xi32>, vector<16xi32>], vector<16xf32>,
        %mul3A_354 = arith.mulf %gather3A_352, %gather3A_353 : vector<16xf32>
        %add3A_355 = arith.addf %add3A_300, %mul3A_354 : vector<16xf32>
        %gather3A_356 = tpu.vector_load_idx %arg11[%add3A_222, %and3A_343] : memref<64x128xf32, #tpu.memory_space<vmem>>[vector<16xi32>, vector<16xi32>], vector<16xf32>,
        %gather3A_357 = tpu.vector_load_idx %arg12[%add3A_222, %and3A_343] : memref<64x128xf32, #tpu.memory_space<vmem>>[vector<16xi32>, vector<16xi32>], vector<16xf32>,
        %mul3A_358 = arith.mulf %gather3A_356, %gather3A_357 : vector<16xf32>
        %add3A_359 = arith.addf %add3A_304, %mul3A_358 : vector<16xf32>
        %scan3A_360 = arith.constant 2 : i32
        %scan3A_361 = arith.addi %scan3A_248, %scan3A_360 : i32
        %mul3A_362 = arith.constant 4 : i32
        %mul3A_363 = arith.muli %mul3A_362, %scan3A_361 : i32
        %add3A_364 = vector.broadcast %mul3A_363 : i32 to vector<16xi32>
        %add3A_365 = arith.addi %iota3A, %add3A_364 : vector<16xi32>
        %and3A_366 = arith.constant 127 : i32
        %and3A_367 = vector.broadcast %and3A_366 : i32 to vector<16xi32>
        %and3A_368 = arith.andi %add3A_365, %and3A_367 : vector<16xi32>
        %mul3A_369 = arith.constant 4 : i32
        %mul3A_370 = arith.muli %mul3A_369, %scan3A_361 : i32
        %add3A_371 = vector.broadcast %mul3A_370 : i32 to vector<16xi32>
        %add3A_372 = arith.addi %iota3A, %add3A_371 : vector<16xi32>
        %add3A_373 = arith.constant 1 : i32
        %add3A_374 = vector.broadcast %add3A_373 : i32 to vector<16xi32>
        %add3A_375 = arith.addi %add3A_372, %add3A_374 : vector<16xi32>
        %and3A_376 = arith.constant 127 : i32
        %and3A_377 = vector.broadcast %and3A_376 : i32 to vector<16xi32>
        %and3A_378 = arith.andi %add3A_375, %and3A_377 : vector<16xi32>
        %mul3A_379 = arith.constant 4 : i32
        %mul3A_380 = arith.muli %mul3A_379, %scan3A_361 : i32
        %add3A_381 = vector.broadcast %mul3A_380 : i32 to vector<16xi32>
        %add3A_382 = arith.addi %iota3A, %add3A_381 : vector<16xi32>
        %add3A_383 = arith.constant 2 : i32
        %add3A_384 = vector.broadcast %add3A_383 : i32 to vector<16xi32>
        %add3A_385 = arith.addi %add3A_382, %add3A_384 : vector<16xi32>
        %and3A_386 = arith.constant 127 : i32
        %and3A_387 = vector.broadcast %and3A_386 : i32 to vector<16xi32>
        %and3A_388 = arith.andi %add3A_385, %and3A_387 : vector<16xi32>
        %mul3A_389 = arith.constant 4 : i32
        %mul3A_390 = arith.muli %mul3A_389, %scan3A_361 : i32
        %add3A_391 = vector.broadcast %mul3A_390 : i32 to vector<16xi32>
        %add3A_392 = arith.addi %iota3A, %add3A_391 : vector<16xi32>
        %add3A_393 = arith.constant 3 : i32
        %add3A_394 = vector.broadcast %add3A_393 : i32 to vector<16xi32>
        %add3A_395 = arith.addi %add3A_392, %add3A_394 : vector<16xi32>
        %and3A_396 = arith.constant 127 : i32
        %and3A_397 = vector.broadcast %and3A_396 : i32 to vector<16xi32>
        %and3A_398 = arith.andi %add3A_395, %and3A_397 : vector<16xi32>
        %gather3A_399 = tpu.vector_load_idx %arg11[%add3A_222, %and3A_368] : memref<64x128xf32, #tpu.memory_space<vmem>>[vector<16xi32>, vector<16xi32>], vector<16xf32>,
        %gather3A_400 = tpu.vector_load_idx %arg12[%add3A_222, %and3A_368] : memref<64x128xf32, #tpu.memory_space<vmem>>[vector<16xi32>, vector<16xi32>], vector<16xf32>,
        %mul3A_401 = arith.mulf %gather3A_399, %gather3A_400 : vector<16xf32>
        %add3A_402 = arith.addf %add3A_347, %mul3A_401 : vector<16xf32>
        %gather3A_403 = tpu.vector_load_idx %arg11[%add3A_222, %and3A_378] : memref<64x128xf32, #tpu.memory_space<vmem>>[vector<16xi32>, vector<16xi32>], vector<16xf32>,
        %gather3A_404 = tpu.vector_load_idx %arg12[%add3A_222, %and3A_378] : memref<64x128xf32, #tpu.memory_space<vmem>>[vector<16xi32>, vector<16xi32>], vector<16xf32>,
        %mul3A_405 = arith.mulf %gather3A_403, %gather3A_404 : vector<16xf32>
        %add3A_406 = arith.addf %add3A_351, %mul3A_405 : vector<16xf32>
        %gather3A_407 = tpu.vector_load_idx %arg11[%add3A_222, %and3A_388] : memref<64x128xf32, #tpu.memory_space<vmem>>[vector<16xi32>, vector<16xi32>], vector<16xf32>,
        %gather3A_408 = tpu.vector_load_idx %arg12[%add3A_222, %and3A_388] : memref<64x128xf32, #tpu.memory_space<vmem>>[vector<16xi32>, vector<16xi32>], vector<16xf32>,
        %mul3A_409 = arith.mulf %gather3A_407, %gather3A_408 : vector<16xf32>
        %add3A_410 = arith.addf %add3A_355, %mul3A_409 : vector<16xf32>
        %gather3A_411 = tpu.vector_load_idx %arg11[%add3A_222, %and3A_398] : memref<64x128xf32, #tpu.memory_space<vmem>>[vector<16xi32>, vector<16xi32>], vector<16xf32>,
        %gather3A_412 = tpu.vector_load_idx %arg12[%add3A_222, %and3A_398] : memref<64x128xf32, #tpu.memory_space<vmem>>[vector<16xi32>, vector<16xi32>], vector<16xf32>,
        %mul3A_413 = arith.mulf %gather3A_411, %gather3A_412 : vector<16xf32>
        %add3A_414 = arith.addf %add3A_359, %mul3A_413 : vector<16xf32>
        %scan3A_415 = arith.constant 3 : i32
        %scan3A_416 = arith.addi %scan3A_248, %scan3A_415 : i32
        %mul3A_417 = arith.constant 4 : i32
        %mul3A_418 = arith.muli %mul3A_417, %scan3A_416 : i32
        %add3A_419 = vector.broadcast %mul3A_418 : i32 to vector<16xi32>
        %add3A_420 = arith.addi %iota3A, %add3A_419 : vector<16xi32>
        %and3A_421 = arith.constant 127 : i32
        %and3A_422 = vector.broadcast %and3A_421 : i32 to vector<16xi32>
        %and3A_423 = arith.andi %add3A_420, %and3A_422 : vector<16xi32>
        %mul3A_424 = arith.constant 4 : i32
        %mul3A_425 = arith.muli %mul3A_424, %scan3A_416 : i32
        %add3A_426 = vector.broadcast %mul3A_425 : i32 to vector<16xi32>
        %add3A_427 = arith.addi %iota3A, %add3A_426 : vector<16xi32>
        %add3A_428 = arith.constant 1 : i32
        %add3A_429 = vector.broadcast %add3A_428 : i32 to vector<16xi32>
        %add3A_430 = arith.addi %add3A_427, %add3A_429 : vector<16xi32>
        %and3A_431 = arith.constant 127 : i32
        %and3A_432 = vector.broadcast %and3A_431 : i32 to vector<16xi32>
        %and3A_433 = arith.andi %add3A_430, %and3A_432 : vector<16xi32>
        %mul3A_434 = arith.constant 4 : i32
        %mul3A_435 = arith.muli %mul3A_434, %scan3A_416 : i32
        %add3A_436 = vector.broadcast %mul3A_435 : i32 to vector<16xi32>
        %add3A_437 = arith.addi %iota3A, %add3A_436 : vector<16xi32>
        %add3A_438 = arith.constant 2 : i32
        %add3A_439 = vector.broadcast %add3A_438 : i32 to vector<16xi32>
        %add3A_440 = arith.addi %add3A_437, %add3A_439 : vector<16xi32>
        %and3A_441 = arith.constant 127 : i32
        %and3A_442 = vector.broadcast %and3A_441 : i32 to vector<16xi32>
        %and3A_443 = arith.andi %add3A_440, %and3A_442 : vector<16xi32>
        %mul3A_444 = arith.constant 4 : i32
        %mul3A_445 = arith.muli %mul3A_444, %scan3A_416 : i32
        %add3A_446 = vector.broadcast %mul3A_445 : i32 to vector<16xi32>
        %add3A_447 = arith.addi %iota3A, %add3A_446 : vector<16xi32>
        %add3A_448 = arith.constant 3 : i32
        %add3A_449 = vector.broadcast %add3A_448 : i32 to vector<16xi32>
        %add3A_450 = arith.addi %add3A_447, %add3A_449 : vector<16xi32>
        %and3A_451 = arith.constant 127 : i32
        %and3A_452 = vector.broadcast %and3A_451 : i32 to vector<16xi32>
        %and3A_453 = arith.andi %add3A_450, %and3A_452 : vector<16xi32>
        %gather3A_454 = tpu.vector_load_idx %arg11[%add3A_222, %and3A_423] : memref<64x128xf32, #tpu.memory_space<vmem>>[vector<16xi32>, vector<16xi32>], vector<16xf32>,
        %gather3A_455 = tpu.vector_load_idx %arg12[%add3A_222, %and3A_423] : memref<64x128xf32, #tpu.memory_space<vmem>>[vector<16xi32>, vector<16xi32>], vector<16xf32>,
        %mul3A_456 = arith.mulf %gather3A_454, %gather3A_455 : vector<16xf32>
        %add3A_457 = arith.addf %add3A_402, %mul3A_456 : vector<16xf32>
        %gather3A_458 = tpu.vector_load_idx %arg11[%add3A_222, %and3A_433] : memref<64x128xf32, #tpu.memory_space<vmem>>[vector<16xi32>, vector<16xi32>], vector<16xf32>,
        %gather3A_459 = tpu.vector_load_idx %arg12[%add3A_222, %and3A_433] : memref<64x128xf32, #tpu.memory_space<vmem>>[vector<16xi32>, vector<16xi32>], vector<16xf32>,
        %mul3A_460 = arith.mulf %gather3A_458, %gather3A_459 : vector<16xf32>
        %add3A_461 = arith.addf %add3A_406, %mul3A_460 : vector<16xf32>
        %gather3A_462 = tpu.vector_load_idx %arg11[%add3A_222, %and3A_443] : memref<64x128xf32, #tpu.memory_space<vmem>>[vector<16xi32>, vector<16xi32>], vector<16xf32>,
        %gather3A_463 = tpu.vector_load_idx %arg12[%add3A_222, %and3A_443] : memref<64x128xf32, #tpu.memory_space<vmem>>[vector<16xi32>, vector<16xi32>], vector<16xf32>,
        %mul3A_464 = arith.mulf %gather3A_462, %gather3A_463 : vector<16xf32>
        %add3A_465 = arith.addf %add3A_410, %mul3A_464 : vector<16xf32>
        %gather3A_466 = tpu.vector_load_idx %arg11[%add3A_222, %and3A_453] : memref<64x128xf32, #tpu.memory_space<vmem>>[vector<16xi32>, vector<16xi32>], vector<16xf32>,
        %gather3A_467 = tpu.vector_load_idx %arg12[%add3A_222, %and3A_453] : memref<64x128xf32, #tpu.memory_space<vmem>>[vector<16xi32>, vector<16xi32>], vector<16xf32>,
        %mul3A_468 = arith.mulf %gather3A_466, %gather3A_467 : vector<16xf32>
        %add3A_469 = arith.addf %add3A_414, %mul3A_468 : vector<16xf32>
        %scan3A_470 = arith.constant 4 : i32
        %scan3A_471 = arith.addi %scan3A_248, %scan3A_470 : i32
        %mul3A_472 = arith.constant 4 : i32
        %mul3A_473 = arith.muli %mul3A_472, %scan3A_471 : i32
        %add3A_474 = vector.broadcast %mul3A_473 : i32 to vector<16xi32>
        %add3A_475 = arith.addi %iota3A, %add3A_474 : vector<16xi32>
        %and3A_476 = arith.constant 127 : i32
        %and3A_477 = vector.broadcast %and3A_476 : i32 to vector<16xi32>
        %and3A_478 = arith.andi %add3A_475, %and3A_477 : vector<16xi32>
        %mul3A_479 = arith.constant 4 : i32
        %mul3A_480 = arith.muli %mul3A_479, %scan3A_471 : i32
        %add3A_481 = vector.broadcast %mul3A_480 : i32 to vector<16xi32>
        %add3A_482 = arith.addi %iota3A, %add3A_481 : vector<16xi32>
        %add3A_483 = arith.constant 1 : i32
        %add3A_484 = vector.broadcast %add3A_483 : i32 to vector<16xi32>
        %add3A_485 = arith.addi %add3A_482, %add3A_484 : vector<16xi32>
        %and3A_486 = arith.constant 127 : i32
        %and3A_487 = vector.broadcast %and3A_486 : i32 to vector<16xi32>
        %and3A_488 = arith.andi %add3A_485, %and3A_487 : vector<16xi32>
        %mul3A_489 = arith.constant 4 : i32
        %mul3A_490 = arith.muli %mul3A_489, %scan3A_471 : i32
        %add3A_491 = vector.broadcast %mul3A_490 : i32 to vector<16xi32>
        %add3A_492 = arith.addi %iota3A, %add3A_491 : vector<16xi32>
        %add3A_493 = arith.constant 2 : i32
        %add3A_494 = vector.broadcast %add3A_493 : i32 to vector<16xi32>
        %add3A_495 = arith.addi %add3A_492, %add3A_494 : vector<16xi32>
        %and3A_496 = arith.constant 127 : i32
        %and3A_497 = vector.broadcast %and3A_496 : i32 to vector<16xi32>
        %and3A_498 = arith.andi %add3A_495, %and3A_497 : vector<16xi32>
        %mul3A_499 = arith.constant 4 : i32
        %mul3A_500 = arith.muli %mul3A_499, %scan3A_471 : i32
        %add3A_501 = vector.broadcast %mul3A_500 : i32 to vector<16xi32>
        %add3A_502 = arith.addi %iota3A, %add3A_501 : vector<16xi32>
        %add3A_503 = arith.constant 3 : i32
        %add3A_504 = vector.broadcast %add3A_503 : i32 to vector<16xi32>
        %add3A_505 = arith.addi %add3A_502, %add3A_504 : vector<16xi32>
        %and3A_506 = arith.constant 127 : i32
        %and3A_507 = vector.broadcast %and3A_506 : i32 to vector<16xi32>
        %and3A_508 = arith.andi %add3A_505, %and3A_507 : vector<16xi32>
        %gather3A_509 = tpu.vector_load_idx %arg11[%add3A_222, %and3A_478] : memref<64x128xf32, #tpu.memory_space<vmem>>[vector<16xi32>, vector<16xi32>], vector<16xf32>,
        %gather3A_510 = tpu.vector_load_idx %arg12[%add3A_222, %and3A_478] : memref<64x128xf32, #tpu.memory_space<vmem>>[vector<16xi32>, vector<16xi32>], vector<16xf32>,
        %mul3A_511 = arith.mulf %gather3A_509, %gather3A_510 : vector<16xf32>
        %add3A_512 = arith.addf %add3A_457, %mul3A_511 : vector<16xf32>
        %gather3A_513 = tpu.vector_load_idx %arg11[%add3A_222, %and3A_488] : memref<64x128xf32, #tpu.memory_space<vmem>>[vector<16xi32>, vector<16xi32>], vector<16xf32>,
        %gather3A_514 = tpu.vector_load_idx %arg12[%add3A_222, %and3A_488] : memref<64x128xf32, #tpu.memory_space<vmem>>[vector<16xi32>, vector<16xi32>], vector<16xf32>,
        %mul3A_515 = arith.mulf %gather3A_513, %gather3A_514 : vector<16xf32>
        %add3A_516 = arith.addf %add3A_461, %mul3A_515 : vector<16xf32>
        %gather3A_517 = tpu.vector_load_idx %arg11[%add3A_222, %and3A_498] : memref<64x128xf32, #tpu.memory_space<vmem>>[vector<16xi32>, vector<16xi32>], vector<16xf32>,
        %gather3A_518 = tpu.vector_load_idx %arg12[%add3A_222, %and3A_498] : memref<64x128xf32, #tpu.memory_space<vmem>>[vector<16xi32>, vector<16xi32>], vector<16xf32>,
        %mul3A_519 = arith.mulf %gather3A_517, %gather3A_518 : vector<16xf32>
        %add3A_520 = arith.addf %add3A_465, %mul3A_519 : vector<16xf32>
        %gather3A_521 = tpu.vector_load_idx %arg11[%add3A_222, %and3A_508] : memref<64x128xf32, #tpu.memory_space<vmem>>[vector<16xi32>, vector<16xi32>], vector<16xf32>,
        %gather3A_522 = tpu.vector_load_idx %arg12[%add3A_222, %and3A_508] : memref<64x128xf32, #tpu.memory_space<vmem>>[vector<16xi32>, vector<16xi32>], vector<16xf32>,
        %mul3A_523 = arith.mulf %gather3A_521, %gather3A_522 : vector<16xf32>
        %add3A_524 = arith.addf %add3A_469, %mul3A_523 : vector<16xf32>
        %scan3A_525 = arith.constant 5 : i32
        %scan3A_526 = arith.addi %scan3A_248, %scan3A_525 : i32
        %mul3A_527 = arith.constant 4 : i32
        %mul3A_528 = arith.muli %mul3A_527, %scan3A_526 : i32
        %add3A_529 = vector.broadcast %mul3A_528 : i32 to vector<16xi32>
        %add3A_530 = arith.addi %iota3A, %add3A_529 : vector<16xi32>
        %and3A_531 = arith.constant 127 : i32
        %and3A_532 = vector.broadcast %and3A_531 : i32 to vector<16xi32>
        %and3A_533 = arith.andi %add3A_530, %and3A_532 : vector<16xi32>
        %mul3A_534 = arith.constant 4 : i32
        %mul3A_535 = arith.muli %mul3A_534, %scan3A_526 : i32
        %add3A_536 = vector.broadcast %mul3A_535 : i32 to vector<16xi32>
        %add3A_537 = arith.addi %iota3A, %add3A_536 : vector<16xi32>
        %add3A_538 = arith.constant 1 : i32
        %add3A_539 = vector.broadcast %add3A_538 : i32 to vector<16xi32>
        %add3A_540 = arith.addi %add3A_537, %add3A_539 : vector<16xi32>
        %and3A_541 = arith.constant 127 : i32
        %and3A_542 = vector.broadcast %and3A_541 : i32 to vector<16xi32>
        %and3A_543 = arith.andi %add3A_540, %and3A_542 : vector<16xi32>
        %mul3A_544 = arith.constant 4 : i32
        %mul3A_545 = arith.muli %mul3A_544, %scan3A_526 : i32
        %add3A_546 = vector.broadcast %mul3A_545 : i32 to vector<16xi32>
        %add3A_547 = arith.addi %iota3A, %add3A_546 : vector<16xi32>
        %add3A_548 = arith.constant 2 : i32
        %add3A_549 = vector.broadcast %add3A_548 : i32 to vector<16xi32>
        %add3A_550 = arith.addi %add3A_547, %add3A_549 : vector<16xi32>
        %and3A_551 = arith.constant 127 : i32
        %and3A_552 = vector.broadcast %and3A_551 : i32 to vector<16xi32>
        %and3A_553 = arith.andi %add3A_550, %and3A_552 : vector<16xi32>
        %mul3A_554 = arith.constant 4 : i32
        %mul3A_555 = arith.muli %mul3A_554, %scan3A_526 : i32
        %add3A_556 = vector.broadcast %mul3A_555 : i32 to vector<16xi32>
        %add3A_557 = arith.addi %iota3A, %add3A_556 : vector<16xi32>
        %add3A_558 = arith.constant 3 : i32
        %add3A_559 = vector.broadcast %add3A_558 : i32 to vector<16xi32>
        %add3A_560 = arith.addi %add3A_557, %add3A_559 : vector<16xi32>
        %and3A_561 = arith.constant 127 : i32
        %and3A_562 = vector.broadcast %and3A_561 : i32 to vector<16xi32>
        %and3A_563 = arith.andi %add3A_560, %and3A_562 : vector<16xi32>
        %gather3A_564 = tpu.vector_load_idx %arg11[%add3A_222, %and3A_533] : memref<64x128xf32, #tpu.memory_space<vmem>>[vector<16xi32>, vector<16xi32>], vector<16xf32>,
        %gather3A_565 = tpu.vector_load_idx %arg12[%add3A_222, %and3A_533] : memref<64x128xf32, #tpu.memory_space<vmem>>[vector<16xi32>, vector<16xi32>], vector<16xf32>,
        %mul3A_566 = arith.mulf %gather3A_564, %gather3A_565 : vector<16xf32>
        %add3A_567 = arith.addf %add3A_512, %mul3A_566 : vector<16xf32>
        %gather3A_568 = tpu.vector_load_idx %arg11[%add3A_222, %and3A_543] : memref<64x128xf32, #tpu.memory_space<vmem>>[vector<16xi32>, vector<16xi32>], vector<16xf32>,
        %gather3A_569 = tpu.vector_load_idx %arg12[%add3A_222, %and3A_543] : memref<64x128xf32, #tpu.memory_space<vmem>>[vector<16xi32>, vector<16xi32>], vector<16xf32>,
        %mul3A_570 = arith.mulf %gather3A_568, %gather3A_569 : vector<16xf32>
        %add3A_571 = arith.addf %add3A_516, %mul3A_570 : vector<16xf32>
        %gather3A_572 = tpu.vector_load_idx %arg11[%add3A_222, %and3A_553] : memref<64x128xf32, #tpu.memory_space<vmem>>[vector<16xi32>, vector<16xi32>], vector<16xf32>,
        %gather3A_573 = tpu.vector_load_idx %arg12[%add3A_222, %and3A_553] : memref<64x128xf32, #tpu.memory_space<vmem>>[vector<16xi32>, vector<16xi32>], vector<16xf32>,
        %mul3A_574 = arith.mulf %gather3A_572, %gather3A_573 : vector<16xf32>
        %add3A_575 = arith.addf %add3A_520, %mul3A_574 : vector<16xf32>
        %gather3A_576 = tpu.vector_load_idx %arg11[%add3A_222, %and3A_563] : memref<64x128xf32, #tpu.memory_space<vmem>>[vector<16xi32>, vector<16xi32>], vector<16xf32>,
        %gather3A_577 = tpu.vector_load_idx %arg12[%add3A_222, %and3A_563] : memref<64x128xf32, #tpu.memory_space<vmem>>[vector<16xi32>, vector<16xi32>], vector<16xf32>,
        %mul3A_578 = arith.mulf %gather3A_576, %gather3A_577 : vector<16xf32>
        %add3A_579 = arith.addf %add3A_524, %mul3A_578 : vector<16xf32>
        %scan3A_580 = arith.constant 6 : i32
        %scan3A_581 = arith.addi %scan3A_248, %scan3A_580 : i32
        %mul3A_582 = arith.constant 4 : i32
        %mul3A_583 = arith.muli %mul3A_582, %scan3A_581 : i32
        %add3A_584 = vector.broadcast %mul3A_583 : i32 to vector<16xi32>
        %add3A_585 = arith.addi %iota3A, %add3A_584 : vector<16xi32>
        %and3A_586 = arith.constant 127 : i32
        %and3A_587 = vector.broadcast %and3A_586 : i32 to vector<16xi32>
        %and3A_588 = arith.andi %add3A_585, %and3A_587 : vector<16xi32>
        %mul3A_589 = arith.constant 4 : i32
        %mul3A_590 = arith.muli %mul3A_589, %scan3A_581 : i32
        %add3A_591 = vector.broadcast %mul3A_590 : i32 to vector<16xi32>
        %add3A_592 = arith.addi %iota3A, %add3A_591 : vector<16xi32>
        %add3A_593 = arith.constant 1 : i32
        %add3A_594 = vector.broadcast %add3A_593 : i32 to vector<16xi32>
        %add3A_595 = arith.addi %add3A_592, %add3A_594 : vector<16xi32>
        %and3A_596 = arith.constant 127 : i32
        %and3A_597 = vector.broadcast %and3A_596 : i32 to vector<16xi32>
        %and3A_598 = arith.andi %add3A_595, %and3A_597 : vector<16xi32>
        %mul3A_599 = arith.constant 4 : i32
        %mul3A_600 = arith.muli %mul3A_599, %scan3A_581 : i32
        %add3A_601 = vector.broadcast %mul3A_600 : i32 to vector<16xi32>
        %add3A_602 = arith.addi %iota3A, %add3A_601 : vector<16xi32>
        %add3A_603 = arith.constant 2 : i32
        %add3A_604 = vector.broadcast %add3A_603 : i32 to vector<16xi32>
        %add3A_605 = arith.addi %add3A_602, %add3A_604 : vector<16xi32>
        %and3A_606 = arith.constant 127 : i32
        %and3A_607 = vector.broadcast %and3A_606 : i32 to vector<16xi32>
        %and3A_608 = arith.andi %add3A_605, %and3A_607 : vector<16xi32>
        %mul3A_609 = arith.constant 4 : i32
        %mul3A_610 = arith.muli %mul3A_609, %scan3A_581 : i32
        %add3A_611 = vector.broadcast %mul3A_610 : i32 to vector<16xi32>
        %add3A_612 = arith.addi %iota3A, %add3A_611 : vector<16xi32>
        %add3A_613 = arith.constant 3 : i32
        %add3A_614 = vector.broadcast %add3A_613 : i32 to vector<16xi32>
        %add3A_615 = arith.addi %add3A_612, %add3A_614 : vector<16xi32>
        %and3A_616 = arith.constant 127 : i32
        %and3A_617 = vector.broadcast %and3A_616 : i32 to vector<16xi32>
        %and3A_618 = arith.andi %add3A_615, %and3A_617 : vector<16xi32>
        %gather3A_619 = tpu.vector_load_idx %arg11[%add3A_222, %and3A_588] : memref<64x128xf32, #tpu.memory_space<vmem>>[vector<16xi32>, vector<16xi32>], vector<16xf32>,
        %gather3A_620 = tpu.vector_load_idx %arg12[%add3A_222, %and3A_588] : memref<64x128xf32, #tpu.memory_space<vmem>>[vector<16xi32>, vector<16xi32>], vector<16xf32>,
        %mul3A_621 = arith.mulf %gather3A_619, %gather3A_620 : vector<16xf32>
        %add3A_622 = arith.addf %add3A_567, %mul3A_621 : vector<16xf32>
        %gather3A_623 = tpu.vector_load_idx %arg11[%add3A_222, %and3A_598] : memref<64x128xf32, #tpu.memory_space<vmem>>[vector<16xi32>, vector<16xi32>], vector<16xf32>,
        %gather3A_624 = tpu.vector_load_idx %arg12[%add3A_222, %and3A_598] : memref<64x128xf32, #tpu.memory_space<vmem>>[vector<16xi32>, vector<16xi32>], vector<16xf32>,
        %mul3A_625 = arith.mulf %gather3A_623, %gather3A_624 : vector<16xf32>
        %add3A_626 = arith.addf %add3A_571, %mul3A_625 : vector<16xf32>
        %gather3A_627 = tpu.vector_load_idx %arg11[%add3A_222, %and3A_608] : memref<64x128xf32, #tpu.memory_space<vmem>>[vector<16xi32>, vector<16xi32>], vector<16xf32>,
        %gather3A_628 = tpu.vector_load_idx %arg12[%add3A_222, %and3A_608] : memref<64x128xf32, #tpu.memory_space<vmem>>[vector<16xi32>, vector<16xi32>], vector<16xf32>,
        %mul3A_629 = arith.mulf %gather3A_627, %gather3A_628 : vector<16xf32>
        %add3A_630 = arith.addf %add3A_575, %mul3A_629 : vector<16xf32>
        %gather3A_631 = tpu.vector_load_idx %arg11[%add3A_222, %and3A_618] : memref<64x128xf32, #tpu.memory_space<vmem>>[vector<16xi32>, vector<16xi32>], vector<16xf32>,
        %gather3A_632 = tpu.vector_load_idx %arg12[%add3A_222, %and3A_618] : memref<64x128xf32, #tpu.memory_space<vmem>>[vector<16xi32>, vector<16xi32>], vector<16xf32>,
        %mul3A_633 = arith.mulf %gather3A_631, %gather3A_632 : vector<16xf32>
        %add3A_634 = arith.addf %add3A_579, %mul3A_633 : vector<16xf32>
        %scan3A_635 = arith.constant 7 : i32
        %scan3A_636 = arith.addi %scan3A_248, %scan3A_635 : i32
        %mul3A_637 = arith.constant 4 : i32
        %mul3A_638 = arith.muli %mul3A_637, %scan3A_636 : i32
        %add3A_639 = vector.broadcast %mul3A_638 : i32 to vector<16xi32>
        %add3A_640 = arith.addi %iota3A, %add3A_639 : vector<16xi32>
        %and3A_641 = arith.constant 127 : i32
        %and3A_642 = vector.broadcast %and3A_641 : i32 to vector<16xi32>
        %and3A_643 = arith.andi %add3A_640, %and3A_642 : vector<16xi32>
        %mul3A_644 = arith.constant 4 : i32
        %mul3A_645 = arith.muli %mul3A_644, %scan3A_636 : i32
        %add3A_646 = vector.broadcast %mul3A_645 : i32 to vector<16xi32>
        %add3A_647 = arith.addi %iota3A, %add3A_646 : vector<16xi32>
        %add3A_648 = arith.constant 1 : i32
        %add3A_649 = vector.broadcast %add3A_648 : i32 to vector<16xi32>
        %add3A_650 = arith.addi %add3A_647, %add3A_649 : vector<16xi32>
        %and3A_651 = arith.constant 127 : i32
        %and3A_652 = vector.broadcast %and3A_651 : i32 to vector<16xi32>
        %and3A_653 = arith.andi %add3A_650, %and3A_652 : vector<16xi32>
        %mul3A_654 = arith.constant 4 : i32
        %mul3A_655 = arith.muli %mul3A_654, %scan3A_636 : i32
        %add3A_656 = vector.broadcast %mul3A_655 : i32 to vector<16xi32>
        %add3A_657 = arith.addi %iota3A, %add3A_656 : vector<16xi32>
        %add3A_658 = arith.constant 2 : i32
        %add3A_659 = vector.broadcast %add3A_658 : i32 to vector<16xi32>
        %add3A_660 = arith.addi %add3A_657, %add3A_659 : vector<16xi32>
        %and3A_661 = arith.constant 127 : i32
        %and3A_662 = vector.broadcast %and3A_661 : i32 to vector<16xi32>
        %and3A_663 = arith.andi %add3A_660, %and3A_662 : vector<16xi32>
        %mul3A_664 = arith.constant 4 : i32
        %mul3A_665 = arith.muli %mul3A_664, %scan3A_636 : i32
        %add3A_666 = vector.broadcast %mul3A_665 : i32 to vector<16xi32>
        %add3A_667 = arith.addi %iota3A, %add3A_666 : vector<16xi32>
        %add3A_668 = arith.constant 3 : i32
        %add3A_669 = vector.broadcast %add3A_668 : i32 to vector<16xi32>
        %add3A_670 = arith.addi %add3A_667, %add3A_669 : vector<16xi32>
        %and3A_671 = arith.constant 127 : i32
        %and3A_672 = vector.broadcast %and3A_671 : i32 to vector<16xi32>
        %and3A_673 = arith.andi %add3A_670, %and3A_672 : vector<16xi32>
        %gather3A_674 = tpu.vector_load_idx %arg11[%add3A_222, %and3A_643] : memref<64x128xf32, #tpu.memory_space<vmem>>[vector<16xi32>, vector<16xi32>], vector<16xf32>,
        %gather3A_675 = tpu.vector_load_idx %arg12[%add3A_222, %and3A_643] : memref<64x128xf32, #tpu.memory_space<vmem>>[vector<16xi32>, vector<16xi32>], vector<16xf32>,
        %mul3A_676 = arith.mulf %gather3A_674, %gather3A_675 : vector<16xf32>
        %add3A_677 = arith.addf %add3A_622, %mul3A_676 : vector<16xf32>
        %gather3A_678 = tpu.vector_load_idx %arg11[%add3A_222, %and3A_653] : memref<64x128xf32, #tpu.memory_space<vmem>>[vector<16xi32>, vector<16xi32>], vector<16xf32>,
        %gather3A_679 = tpu.vector_load_idx %arg12[%add3A_222, %and3A_653] : memref<64x128xf32, #tpu.memory_space<vmem>>[vector<16xi32>, vector<16xi32>], vector<16xf32>,
        %mul3A_680 = arith.mulf %gather3A_678, %gather3A_679 : vector<16xf32>
        %add3A_681 = arith.addf %add3A_626, %mul3A_680 : vector<16xf32>
        %gather3A_682 = tpu.vector_load_idx %arg11[%add3A_222, %and3A_663] : memref<64x128xf32, #tpu.memory_space<vmem>>[vector<16xi32>, vector<16xi32>], vector<16xf32>,
        %gather3A_683 = tpu.vector_load_idx %arg12[%add3A_222, %and3A_663] : memref<64x128xf32, #tpu.memory_space<vmem>>[vector<16xi32>, vector<16xi32>], vector<16xf32>,
        %mul3A_684 = arith.mulf %gather3A_682, %gather3A_683 : vector<16xf32>
        %add3A_685 = arith.addf %add3A_630, %mul3A_684 : vector<16xf32>
        %gather3A_686 = tpu.vector_load_idx %arg11[%add3A_222, %and3A_673] : memref<64x128xf32, #tpu.memory_space<vmem>>[vector<16xi32>, vector<16xi32>], vector<16xf32>,
        %gather3A_687 = tpu.vector_load_idx %arg12[%add3A_222, %and3A_673] : memref<64x128xf32, #tpu.memory_space<vmem>>[vector<16xi32>, vector<16xi32>], vector<16xf32>,
        %mul3A_688 = arith.mulf %gather3A_686, %gather3A_687 : vector<16xf32>
        %add3A_689 = arith.addf %add3A_634, %mul3A_688 : vector<16xf32>
        scf.yield %add3A_677, %add3A_681, %add3A_685, %add3A_689 : vector<16xf32>, vector<16xf32>, vector<16xf32>, vector<16xf32>
      }
      %scan3A_230 = arith.constant 32 : i32
      %add3A_231 = arith.addf %scan3A_229#0, %scan3A_229#1 : vector<16xf32>
      %add3A_232 = arith.addf %scan3A_229#2, %scan3A_229#3 : vector<16xf32>
      %add3A_233 = arith.addf %add3A_231, %add3A_232 : vector<16xf32>
      %mul3A_234 = arith.mulf %add3A_233, %gather3A : vector<16xf32>
      %add3A_235 = arith.addf %mul3A_234, %gather3A_12 : vector<16xf32>
      %neg3A = arith.constant 0.000000e+00 : f32
      %neg3A_236 = vector.broadcast %neg3A : f32 to vector<16xf32>
      %neg3A_237 = arith.subf %neg3A_236, %add3A_235 : vector<16xf32>
      %exp3A = math.exp %neg3A_237 : vector<16xf32>
      %add3A_238 = arith.constant 1.000000e+00 : f32
      %add3A_239 = vector.broadcast %add3A_238 : f32 to vector<16xf32>
      %add3A_240 = arith.addf %add3A_239, %exp3A : vector<16xf32>
      %div3A = arith.constant 1.000000e+00 : f32
      %div3A_241 = vector.broadcast %div3A : f32 to vector<16xf32>
      %div3A_242 = arith.divf %div3A_241, %add3A_240 : vector<16xf32>
      %mul3A_243 = arith.constant 16 : i32
      %mul3A_244 = arith.muli %scan3A_218, %mul3A_243 : i32
      %add3A_245 = arith.constant 192 : i32
      %add3A_246 = arith.addi %add3A_245, %mul3A_244 : i32
      %swap3A = arith.index_cast %add3A_246 : i32 to index
      %swap3A_247 = tpu.vector_load %arg17[%swap3A] {strides = array<i32>} : memref<512xf32, #tpu.memory_space<vmem>>, vector<16xf32>,
      tpu.vector_store %arg17[%swap3A], %div3A_242 {strides = array<i32>} : memref<512xf32, #tpu.memory_space<vmem>>, vector<16xf32>,
    }
    %scan3A_131 = arith.constant 4 : i32
    %dma_start3A_132 = arith.constant 384 : i32
    %dma_start3A_133 = tpu.memref_slice %arg9[%dma_start3A_132] : memref<512xi32, #tpu.memory_space<vmem>> -> memref<64xi32, #tpu.memory_space<vmem>>
    %dma_start3A_134 = arith.constant 0 : i32
    %dma_start3A_135 = arith.constant 0 : i32
    %dma_start3A_136 = tpu.memref_slice %arg4[%dma_start3A_134, %dma_start3A_135] : memref<100000x128xf32, #tpu.memory_space<hbm>> -> memref<100000x128xf32, #tpu.memory_space<hbm>>
    tpu.enqueue_indirect_dma source(%dma_start3A_136 : memref<100000x128xf32, #tpu.memory_space<hbm>>) target(%arg11 : memref<64x128xf32, #tpu.memory_space<vmem>>) offsets(%dma_start3A_133 : memref<64xi32, #tpu.memory_space<vmem>>) semaphore(%arg20 : memref<!tpu.dma_semaphore, #tpu.memory_space<semaphore_mem>>)
    %dma_start3A_137 = arith.constant 384 : i32
    %dma_start3A_138 = tpu.memref_slice %arg10[%dma_start3A_137] : memref<512xi32, #tpu.memory_space<vmem>> -> memref<64xi32, #tpu.memory_space<vmem>>
    %dma_start3A_139 = arith.constant 0 : i32
    %dma_start3A_140 = arith.constant 0 : i32
    %dma_start3A_141 = tpu.memref_slice %arg5[%dma_start3A_139, %dma_start3A_140] : memref<100000x128xf32, #tpu.memory_space<hbm>> -> memref<100000x128xf32, #tpu.memory_space<hbm>>
    tpu.enqueue_indirect_dma source(%dma_start3A_141 : memref<100000x128xf32, #tpu.memory_space<hbm>>) target(%arg12 : memref<64x128xf32, #tpu.memory_space<vmem>>) offsets(%dma_start3A_138 : memref<64xi32, #tpu.memory_space<vmem>>) semaphore(%arg21 : memref<!tpu.dma_semaphore, #tpu.memory_space<semaphore_mem>>)
    %dma_wait3A_142 = arith.constant 256 : i32
    %dma_wait3A_143 = tpu.memref_slice %arg9[%dma_wait3A_142] : memref<512xi32, #tpu.memory_space<vmem>> -> memref<64xi32, #tpu.memory_space<vmem>>
    %dma_wait3A_144 = arith.constant 0 : i32
    %dma_wait3A_145 = arith.constant 0 : i32
    %dma_wait3A_146 = tpu.memref_slice %arg4[%dma_wait3A_144, %dma_wait3A_145] : memref<100000x128xf32, #tpu.memory_space<hbm>> -> memref<100000x128xf32, #tpu.memory_space<hbm>>
    tpu.wait_indirect_dma semaphore(%arg22 : memref<!tpu.dma_semaphore, #tpu.memory_space<semaphore_mem>>) src(%dma_wait3A_146 : memref<100000x128xf32, #tpu.memory_space<hbm>>) dst(%arg13 : memref<64x128xf32, #tpu.memory_space<vmem>>)
    %dma_wait3A_147 = arith.constant 256 : i32
    %dma_wait3A_148 = tpu.memref_slice %arg10[%dma_wait3A_147] : memref<512xi32, #tpu.memory_space<vmem>> -> memref<64xi32, #tpu.memory_space<vmem>>
    %dma_wait3A_149 = arith.constant 0 : i32
    %dma_wait3A_150 = arith.constant 0 : i32
    %dma_wait3A_151 = tpu.memref_slice %arg5[%dma_wait3A_149, %dma_wait3A_150] : memref<100000x128xf32, #tpu.memory_space<hbm>> -> memref<100000x128xf32, #tpu.memory_space<hbm>>
    tpu.wait_indirect_dma semaphore(%arg23 : memref<!tpu.dma_semaphore, #tpu.memory_space<semaphore_mem>>) src(%dma_wait3A_151 : memref<100000x128xf32, #tpu.memory_space<hbm>>) dst(%arg14 : memref<64x128xf32, #tpu.memory_space<vmem>>)
    %scan3A_152 = arith.constant 0 : i32
    %scan3A_153 = arith.constant 4 : i32
    %scan3A_154 = arith.addi %scan3A_152, %scan3A_153 : i32
    %scan3A_155 = arith.constant 1 : i32
    scf.for %scan3A_218 = %scan3A_152 to %scan3A_154 step %scan3A_155  : i32 {
      %mul3A_219 = arith.constant 16 : i32
      %mul3A_220 = arith.muli %scan3A_218, %mul3A_219 : i32
      %add3A_221 = vector.broadcast %mul3A_220 : i32 to vector<16xi32>
      %add3A_222 = arith.addi %add3A_221, %iota3A : vector<16xi32>
      %broadcast_in_dim3A_223 = arith.constant 0.000000e+00 : f32
      %broadcast_in_dim3A_224 = vector.broadcast %broadcast_in_dim3A_223 : f32 to vector<16xf32>
      %scan3A_225 = arith.constant 0 : i32
      %scan3A_226 = arith.constant 32 : i32
      %scan3A_227 = arith.addi %scan3A_225, %scan3A_226 : i32
      %scan3A_228 = arith.constant 8 : i32
      %scan3A_229:4 = scf.for %scan3A_248 = %scan3A_225 to %scan3A_227 step %scan3A_228 iter_args(%scan3A_249 = %broadcast_in_dim3A_224, %scan3A_250 = %broadcast_in_dim3A_224, %scan3A_251 = %broadcast_in_dim3A_224, %scan3A_252 = %broadcast_in_dim3A_224) -> (vector<16xf32>, vector<16xf32>, vector<16xf32>, vector<16xf32>)  : i32 {
        %mul3A_253 = arith.constant 4 : i32
        %mul3A_254 = arith.muli %mul3A_253, %scan3A_248 : i32
        %add3A_255 = vector.broadcast %mul3A_254 : i32 to vector<16xi32>
        %add3A_256 = arith.addi %iota3A, %add3A_255 : vector<16xi32>
        %and3A = arith.constant 127 : i32
        %and3A_257 = vector.broadcast %and3A : i32 to vector<16xi32>
        %and3A_258 = arith.andi %add3A_256, %and3A_257 : vector<16xi32>
        %mul3A_259 = arith.constant 4 : i32
        %mul3A_260 = arith.muli %mul3A_259, %scan3A_248 : i32
        %add3A_261 = vector.broadcast %mul3A_260 : i32 to vector<16xi32>
        %add3A_262 = arith.addi %iota3A, %add3A_261 : vector<16xi32>
        %add3A_263 = arith.constant 1 : i32
        %add3A_264 = vector.broadcast %add3A_263 : i32 to vector<16xi32>
        %add3A_265 = arith.addi %add3A_262, %add3A_264 : vector<16xi32>
        %and3A_266 = arith.constant 127 : i32
        %and3A_267 = vector.broadcast %and3A_266 : i32 to vector<16xi32>
        %and3A_268 = arith.andi %add3A_265, %and3A_267 : vector<16xi32>
        %mul3A_269 = arith.constant 4 : i32
        %mul3A_270 = arith.muli %mul3A_269, %scan3A_248 : i32
        %add3A_271 = vector.broadcast %mul3A_270 : i32 to vector<16xi32>
        %add3A_272 = arith.addi %iota3A, %add3A_271 : vector<16xi32>
        %add3A_273 = arith.constant 2 : i32
        %add3A_274 = vector.broadcast %add3A_273 : i32 to vector<16xi32>
        %add3A_275 = arith.addi %add3A_272, %add3A_274 : vector<16xi32>
        %and3A_276 = arith.constant 127 : i32
        %and3A_277 = vector.broadcast %and3A_276 : i32 to vector<16xi32>
        %and3A_278 = arith.andi %add3A_275, %and3A_277 : vector<16xi32>
        %mul3A_279 = arith.constant 4 : i32
        %mul3A_280 = arith.muli %mul3A_279, %scan3A_248 : i32
        %add3A_281 = vector.broadcast %mul3A_280 : i32 to vector<16xi32>
        %add3A_282 = arith.addi %iota3A, %add3A_281 : vector<16xi32>
        %add3A_283 = arith.constant 3 : i32
        %add3A_284 = vector.broadcast %add3A_283 : i32 to vector<16xi32>
        %add3A_285 = arith.addi %add3A_282, %add3A_284 : vector<16xi32>
        %and3A_286 = arith.constant 127 : i32
        %and3A_287 = vector.broadcast %and3A_286 : i32 to vector<16xi32>
        %and3A_288 = arith.andi %add3A_285, %and3A_287 : vector<16xi32>
        %gather3A_289 = tpu.vector_load_idx %arg13[%add3A_222, %and3A_258] : memref<64x128xf32, #tpu.memory_space<vmem>>[vector<16xi32>, vector<16xi32>], vector<16xf32>,
        %gather3A_290 = tpu.vector_load_idx %arg14[%add3A_222, %and3A_258] : memref<64x128xf32, #tpu.memory_space<vmem>>[vector<16xi32>, vector<16xi32>], vector<16xf32>,
        %mul3A_291 = arith.mulf %gather3A_289, %gather3A_290 : vector<16xf32>
        %add3A_292 = arith.addf %scan3A_249, %mul3A_291 : vector<16xf32>
        %gather3A_293 = tpu.vector_load_idx %arg13[%add3A_222, %and3A_268] : memref<64x128xf32, #tpu.memory_space<vmem>>[vector<16xi32>, vector<16xi32>], vector<16xf32>,
        %gather3A_294 = tpu.vector_load_idx %arg14[%add3A_222, %and3A_268] : memref<64x128xf32, #tpu.memory_space<vmem>>[vector<16xi32>, vector<16xi32>], vector<16xf32>,
        %mul3A_295 = arith.mulf %gather3A_293, %gather3A_294 : vector<16xf32>
        %add3A_296 = arith.addf %scan3A_250, %mul3A_295 : vector<16xf32>
        %gather3A_297 = tpu.vector_load_idx %arg13[%add3A_222, %and3A_278] : memref<64x128xf32, #tpu.memory_space<vmem>>[vector<16xi32>, vector<16xi32>], vector<16xf32>,
        %gather3A_298 = tpu.vector_load_idx %arg14[%add3A_222, %and3A_278] : memref<64x128xf32, #tpu.memory_space<vmem>>[vector<16xi32>, vector<16xi32>], vector<16xf32>,
        %mul3A_299 = arith.mulf %gather3A_297, %gather3A_298 : vector<16xf32>
        %add3A_300 = arith.addf %scan3A_251, %mul3A_299 : vector<16xf32>
        %gather3A_301 = tpu.vector_load_idx %arg13[%add3A_222, %and3A_288] : memref<64x128xf32, #tpu.memory_space<vmem>>[vector<16xi32>, vector<16xi32>], vector<16xf32>,
        %gather3A_302 = tpu.vector_load_idx %arg14[%add3A_222, %and3A_288] : memref<64x128xf32, #tpu.memory_space<vmem>>[vector<16xi32>, vector<16xi32>], vector<16xf32>,
        %mul3A_303 = arith.mulf %gather3A_301, %gather3A_302 : vector<16xf32>
        %add3A_304 = arith.addf %scan3A_252, %mul3A_303 : vector<16xf32>
        %scan3A_305 = arith.constant 1 : i32
        %scan3A_306 = arith.addi %scan3A_248, %scan3A_305 : i32
        %mul3A_307 = arith.constant 4 : i32
        %mul3A_308 = arith.muli %mul3A_307, %scan3A_306 : i32
        %add3A_309 = vector.broadcast %mul3A_308 : i32 to vector<16xi32>
        %add3A_310 = arith.addi %iota3A, %add3A_309 : vector<16xi32>
        %and3A_311 = arith.constant 127 : i32
        %and3A_312 = vector.broadcast %and3A_311 : i32 to vector<16xi32>
        %and3A_313 = arith.andi %add3A_310, %and3A_312 : vector<16xi32>
        %mul3A_314 = arith.constant 4 : i32
        %mul3A_315 = arith.muli %mul3A_314, %scan3A_306 : i32
        %add3A_316 = vector.broadcast %mul3A_315 : i32 to vector<16xi32>
        %add3A_317 = arith.addi %iota3A, %add3A_316 : vector<16xi32>
        %add3A_318 = arith.constant 1 : i32
        %add3A_319 = vector.broadcast %add3A_318 : i32 to vector<16xi32>
        %add3A_320 = arith.addi %add3A_317, %add3A_319 : vector<16xi32>
        %and3A_321 = arith.constant 127 : i32
        %and3A_322 = vector.broadcast %and3A_321 : i32 to vector<16xi32>
        %and3A_323 = arith.andi %add3A_320, %and3A_322 : vector<16xi32>
        %mul3A_324 = arith.constant 4 : i32
        %mul3A_325 = arith.muli %mul3A_324, %scan3A_306 : i32
        %add3A_326 = vector.broadcast %mul3A_325 : i32 to vector<16xi32>
        %add3A_327 = arith.addi %iota3A, %add3A_326 : vector<16xi32>
        %add3A_328 = arith.constant 2 : i32
        %add3A_329 = vector.broadcast %add3A_328 : i32 to vector<16xi32>
        %add3A_330 = arith.addi %add3A_327, %add3A_329 : vector<16xi32>
        %and3A_331 = arith.constant 127 : i32
        %and3A_332 = vector.broadcast %and3A_331 : i32 to vector<16xi32>
        %and3A_333 = arith.andi %add3A_330, %and3A_332 : vector<16xi32>
        %mul3A_334 = arith.constant 4 : i32
        %mul3A_335 = arith.muli %mul3A_334, %scan3A_306 : i32
        %add3A_336 = vector.broadcast %mul3A_335 : i32 to vector<16xi32>
        %add3A_337 = arith.addi %iota3A, %add3A_336 : vector<16xi32>
        %add3A_338 = arith.constant 3 : i32
        %add3A_339 = vector.broadcast %add3A_338 : i32 to vector<16xi32>
        %add3A_340 = arith.addi %add3A_337, %add3A_339 : vector<16xi32>
        %and3A_341 = arith.constant 127 : i32
        %and3A_342 = vector.broadcast %and3A_341 : i32 to vector<16xi32>
        %and3A_343 = arith.andi %add3A_340, %and3A_342 : vector<16xi32>
        %gather3A_344 = tpu.vector_load_idx %arg13[%add3A_222, %and3A_313] : memref<64x128xf32, #tpu.memory_space<vmem>>[vector<16xi32>, vector<16xi32>], vector<16xf32>,
        %gather3A_345 = tpu.vector_load_idx %arg14[%add3A_222, %and3A_313] : memref<64x128xf32, #tpu.memory_space<vmem>>[vector<16xi32>, vector<16xi32>], vector<16xf32>,
        %mul3A_346 = arith.mulf %gather3A_344, %gather3A_345 : vector<16xf32>
        %add3A_347 = arith.addf %add3A_292, %mul3A_346 : vector<16xf32>
        %gather3A_348 = tpu.vector_load_idx %arg13[%add3A_222, %and3A_323] : memref<64x128xf32, #tpu.memory_space<vmem>>[vector<16xi32>, vector<16xi32>], vector<16xf32>,
        %gather3A_349 = tpu.vector_load_idx %arg14[%add3A_222, %and3A_323] : memref<64x128xf32, #tpu.memory_space<vmem>>[vector<16xi32>, vector<16xi32>], vector<16xf32>,
        %mul3A_350 = arith.mulf %gather3A_348, %gather3A_349 : vector<16xf32>
        %add3A_351 = arith.addf %add3A_296, %mul3A_350 : vector<16xf32>
        %gather3A_352 = tpu.vector_load_idx %arg13[%add3A_222, %and3A_333] : memref<64x128xf32, #tpu.memory_space<vmem>>[vector<16xi32>, vector<16xi32>], vector<16xf32>,
        %gather3A_353 = tpu.vector_load_idx %arg14[%add3A_222, %and3A_333] : memref<64x128xf32, #tpu.memory_space<vmem>>[vector<16xi32>, vector<16xi32>], vector<16xf32>,
        %mul3A_354 = arith.mulf %gather3A_352, %gather3A_353 : vector<16xf32>
        %add3A_355 = arith.addf %add3A_300, %mul3A_354 : vector<16xf32>
        %gather3A_356 = tpu.vector_load_idx %arg13[%add3A_222, %and3A_343] : memref<64x128xf32, #tpu.memory_space<vmem>>[vector<16xi32>, vector<16xi32>], vector<16xf32>,
        %gather3A_357 = tpu.vector_load_idx %arg14[%add3A_222, %and3A_343] : memref<64x128xf32, #tpu.memory_space<vmem>>[vector<16xi32>, vector<16xi32>], vector<16xf32>,
        %mul3A_358 = arith.mulf %gather3A_356, %gather3A_357 : vector<16xf32>
        %add3A_359 = arith.addf %add3A_304, %mul3A_358 : vector<16xf32>
        %scan3A_360 = arith.constant 2 : i32
        %scan3A_361 = arith.addi %scan3A_248, %scan3A_360 : i32
        %mul3A_362 = arith.constant 4 : i32
        %mul3A_363 = arith.muli %mul3A_362, %scan3A_361 : i32
        %add3A_364 = vector.broadcast %mul3A_363 : i32 to vector<16xi32>
        %add3A_365 = arith.addi %iota3A, %add3A_364 : vector<16xi32>
        %and3A_366 = arith.constant 127 : i32
        %and3A_367 = vector.broadcast %and3A_366 : i32 to vector<16xi32>
        %and3A_368 = arith.andi %add3A_365, %and3A_367 : vector<16xi32>
        %mul3A_369 = arith.constant 4 : i32
        %mul3A_370 = arith.muli %mul3A_369, %scan3A_361 : i32
        %add3A_371 = vector.broadcast %mul3A_370 : i32 to vector<16xi32>
        %add3A_372 = arith.addi %iota3A, %add3A_371 : vector<16xi32>
        %add3A_373 = arith.constant 1 : i32
        %add3A_374 = vector.broadcast %add3A_373 : i32 to vector<16xi32>
        %add3A_375 = arith.addi %add3A_372, %add3A_374 : vector<16xi32>
        %and3A_376 = arith.constant 127 : i32
        %and3A_377 = vector.broadcast %and3A_376 : i32 to vector<16xi32>
        %and3A_378 = arith.andi %add3A_375, %and3A_377 : vector<16xi32>
        %mul3A_379 = arith.constant 4 : i32
        %mul3A_380 = arith.muli %mul3A_379, %scan3A_361 : i32
        %add3A_381 = vector.broadcast %mul3A_380 : i32 to vector<16xi32>
        %add3A_382 = arith.addi %iota3A, %add3A_381 : vector<16xi32>
        %add3A_383 = arith.constant 2 : i32
        %add3A_384 = vector.broadcast %add3A_383 : i32 to vector<16xi32>
        %add3A_385 = arith.addi %add3A_382, %add3A_384 : vector<16xi32>
        %and3A_386 = arith.constant 127 : i32
        %and3A_387 = vector.broadcast %and3A_386 : i32 to vector<16xi32>
        %and3A_388 = arith.andi %add3A_385, %and3A_387 : vector<16xi32>
        %mul3A_389 = arith.constant 4 : i32
        %mul3A_390 = arith.muli %mul3A_389, %scan3A_361 : i32
        %add3A_391 = vector.broadcast %mul3A_390 : i32 to vector<16xi32>
        %add3A_392 = arith.addi %iota3A, %add3A_391 : vector<16xi32>
        %add3A_393 = arith.constant 3 : i32
        %add3A_394 = vector.broadcast %add3A_393 : i32 to vector<16xi32>
        %add3A_395 = arith.addi %add3A_392, %add3A_394 : vector<16xi32>
        %and3A_396 = arith.constant 127 : i32
        %and3A_397 = vector.broadcast %and3A_396 : i32 to vector<16xi32>
        %and3A_398 = arith.andi %add3A_395, %and3A_397 : vector<16xi32>
        %gather3A_399 = tpu.vector_load_idx %arg13[%add3A_222, %and3A_368] : memref<64x128xf32, #tpu.memory_space<vmem>>[vector<16xi32>, vector<16xi32>], vector<16xf32>,
        %gather3A_400 = tpu.vector_load_idx %arg14[%add3A_222, %and3A_368] : memref<64x128xf32, #tpu.memory_space<vmem>>[vector<16xi32>, vector<16xi32>], vector<16xf32>,
        %mul3A_401 = arith.mulf %gather3A_399, %gather3A_400 : vector<16xf32>
        %add3A_402 = arith.addf %add3A_347, %mul3A_401 : vector<16xf32>
        %gather3A_403 = tpu.vector_load_idx %arg13[%add3A_222, %and3A_378] : memref<64x128xf32, #tpu.memory_space<vmem>>[vector<16xi32>, vector<16xi32>], vector<16xf32>,
        %gather3A_404 = tpu.vector_load_idx %arg14[%add3A_222, %and3A_378] : memref<64x128xf32, #tpu.memory_space<vmem>>[vector<16xi32>, vector<16xi32>], vector<16xf32>,
        %mul3A_405 = arith.mulf %gather3A_403, %gather3A_404 : vector<16xf32>
        %add3A_406 = arith.addf %add3A_351, %mul3A_405 : vector<16xf32>
        %gather3A_407 = tpu.vector_load_idx %arg13[%add3A_222, %and3A_388] : memref<64x128xf32, #tpu.memory_space<vmem>>[vector<16xi32>, vector<16xi32>], vector<16xf32>,
        %gather3A_408 = tpu.vector_load_idx %arg14[%add3A_222, %and3A_388] : memref<64x128xf32, #tpu.memory_space<vmem>>[vector<16xi32>, vector<16xi32>], vector<16xf32>,
        %mul3A_409 = arith.mulf %gather3A_407, %gather3A_408 : vector<16xf32>
        %add3A_410 = arith.addf %add3A_355, %mul3A_409 : vector<16xf32>
        %gather3A_411 = tpu.vector_load_idx %arg13[%add3A_222, %and3A_398] : memref<64x128xf32, #tpu.memory_space<vmem>>[vector<16xi32>, vector<16xi32>], vector<16xf32>,
        %gather3A_412 = tpu.vector_load_idx %arg14[%add3A_222, %and3A_398] : memref<64x128xf32, #tpu.memory_space<vmem>>[vector<16xi32>, vector<16xi32>], vector<16xf32>,
        %mul3A_413 = arith.mulf %gather3A_411, %gather3A_412 : vector<16xf32>
        %add3A_414 = arith.addf %add3A_359, %mul3A_413 : vector<16xf32>
        %scan3A_415 = arith.constant 3 : i32
        %scan3A_416 = arith.addi %scan3A_248, %scan3A_415 : i32
        %mul3A_417 = arith.constant 4 : i32
        %mul3A_418 = arith.muli %mul3A_417, %scan3A_416 : i32
        %add3A_419 = vector.broadcast %mul3A_418 : i32 to vector<16xi32>
        %add3A_420 = arith.addi %iota3A, %add3A_419 : vector<16xi32>
        %and3A_421 = arith.constant 127 : i32
        %and3A_422 = vector.broadcast %and3A_421 : i32 to vector<16xi32>
        %and3A_423 = arith.andi %add3A_420, %and3A_422 : vector<16xi32>
        %mul3A_424 = arith.constant 4 : i32
        %mul3A_425 = arith.muli %mul3A_424, %scan3A_416 : i32
        %add3A_426 = vector.broadcast %mul3A_425 : i32 to vector<16xi32>
        %add3A_427 = arith.addi %iota3A, %add3A_426 : vector<16xi32>
        %add3A_428 = arith.constant 1 : i32
        %add3A_429 = vector.broadcast %add3A_428 : i32 to vector<16xi32>
        %add3A_430 = arith.addi %add3A_427, %add3A_429 : vector<16xi32>
        %and3A_431 = arith.constant 127 : i32
        %and3A_432 = vector.broadcast %and3A_431 : i32 to vector<16xi32>
        %and3A_433 = arith.andi %add3A_430, %and3A_432 : vector<16xi32>
        %mul3A_434 = arith.constant 4 : i32
        %mul3A_435 = arith.muli %mul3A_434, %scan3A_416 : i32
        %add3A_436 = vector.broadcast %mul3A_435 : i32 to vector<16xi32>
        %add3A_437 = arith.addi %iota3A, %add3A_436 : vector<16xi32>
        %add3A_438 = arith.constant 2 : i32
        %add3A_439 = vector.broadcast %add3A_438 : i32 to vector<16xi32>
        %add3A_440 = arith.addi %add3A_437, %add3A_439 : vector<16xi32>
        %and3A_441 = arith.constant 127 : i32
        %and3A_442 = vector.broadcast %and3A_441 : i32 to vector<16xi32>
        %and3A_443 = arith.andi %add3A_440, %and3A_442 : vector<16xi32>
        %mul3A_444 = arith.constant 4 : i32
        %mul3A_445 = arith.muli %mul3A_444, %scan3A_416 : i32
        %add3A_446 = vector.broadcast %mul3A_445 : i32 to vector<16xi32>
        %add3A_447 = arith.addi %iota3A, %add3A_446 : vector<16xi32>
        %add3A_448 = arith.constant 3 : i32
        %add3A_449 = vector.broadcast %add3A_448 : i32 to vector<16xi32>
        %add3A_450 = arith.addi %add3A_447, %add3A_449 : vector<16xi32>
        %and3A_451 = arith.constant 127 : i32
        %and3A_452 = vector.broadcast %and3A_451 : i32 to vector<16xi32>
        %and3A_453 = arith.andi %add3A_450, %and3A_452 : vector<16xi32>
        %gather3A_454 = tpu.vector_load_idx %arg13[%add3A_222, %and3A_423] : memref<64x128xf32, #tpu.memory_space<vmem>>[vector<16xi32>, vector<16xi32>], vector<16xf32>,
        %gather3A_455 = tpu.vector_load_idx %arg14[%add3A_222, %and3A_423] : memref<64x128xf32, #tpu.memory_space<vmem>>[vector<16xi32>, vector<16xi32>], vector<16xf32>,
        %mul3A_456 = arith.mulf %gather3A_454, %gather3A_455 : vector<16xf32>
        %add3A_457 = arith.addf %add3A_402, %mul3A_456 : vector<16xf32>
        %gather3A_458 = tpu.vector_load_idx %arg13[%add3A_222, %and3A_433] : memref<64x128xf32, #tpu.memory_space<vmem>>[vector<16xi32>, vector<16xi32>], vector<16xf32>,
        %gather3A_459 = tpu.vector_load_idx %arg14[%add3A_222, %and3A_433] : memref<64x128xf32, #tpu.memory_space<vmem>>[vector<16xi32>, vector<16xi32>], vector<16xf32>,
        %mul3A_460 = arith.mulf %gather3A_458, %gather3A_459 : vector<16xf32>
        %add3A_461 = arith.addf %add3A_406, %mul3A_460 : vector<16xf32>
        %gather3A_462 = tpu.vector_load_idx %arg13[%add3A_222, %and3A_443] : memref<64x128xf32, #tpu.memory_space<vmem>>[vector<16xi32>, vector<16xi32>], vector<16xf32>,
        %gather3A_463 = tpu.vector_load_idx %arg14[%add3A_222, %and3A_443] : memref<64x128xf32, #tpu.memory_space<vmem>>[vector<16xi32>, vector<16xi32>], vector<16xf32>,
        %mul3A_464 = arith.mulf %gather3A_462, %gather3A_463 : vector<16xf32>
        %add3A_465 = arith.addf %add3A_410, %mul3A_464 : vector<16xf32>
        %gather3A_466 = tpu.vector_load_idx %arg13[%add3A_222, %and3A_453] : memref<64x128xf32, #tpu.memory_space<vmem>>[vector<16xi32>, vector<16xi32>], vector<16xf32>,
        %gather3A_467 = tpu.vector_load_idx %arg14[%add3A_222, %and3A_453] : memref<64x128xf32, #tpu.memory_space<vmem>>[vector<16xi32>, vector<16xi32>], vector<16xf32>,
        %mul3A_468 = arith.mulf %gather3A_466, %gather3A_467 : vector<16xf32>
        %add3A_469 = arith.addf %add3A_414, %mul3A_468 : vector<16xf32>
        %scan3A_470 = arith.constant 4 : i32
        %scan3A_471 = arith.addi %scan3A_248, %scan3A_470 : i32
        %mul3A_472 = arith.constant 4 : i32
        %mul3A_473 = arith.muli %mul3A_472, %scan3A_471 : i32
        %add3A_474 = vector.broadcast %mul3A_473 : i32 to vector<16xi32>
        %add3A_475 = arith.addi %iota3A, %add3A_474 : vector<16xi32>
        %and3A_476 = arith.constant 127 : i32
        %and3A_477 = vector.broadcast %and3A_476 : i32 to vector<16xi32>
        %and3A_478 = arith.andi %add3A_475, %and3A_477 : vector<16xi32>
        %mul3A_479 = arith.constant 4 : i32
        %mul3A_480 = arith.muli %mul3A_479, %scan3A_471 : i32
        %add3A_481 = vector.broadcast %mul3A_480 : i32 to vector<16xi32>
        %add3A_482 = arith.addi %iota3A, %add3A_481 : vector<16xi32>
        %add3A_483 = arith.constant 1 : i32
        %add3A_484 = vector.broadcast %add3A_483 : i32 to vector<16xi32>
        %add3A_485 = arith.addi %add3A_482, %add3A_484 : vector<16xi32>
        %and3A_486 = arith.constant 127 : i32
        %and3A_487 = vector.broadcast %and3A_486 : i32 to vector<16xi32>
        %and3A_488 = arith.andi %add3A_485, %and3A_487 : vector<16xi32>
        %mul3A_489 = arith.constant 4 : i32
        %mul3A_490 = arith.muli %mul3A_489, %scan3A_471 : i32
        %add3A_491 = vector.broadcast %mul3A_490 : i32 to vector<16xi32>
        %add3A_492 = arith.addi %iota3A, %add3A_491 : vector<16xi32>
        %add3A_493 = arith.constant 2 : i32
        %add3A_494 = vector.broadcast %add3A_493 : i32 to vector<16xi32>
        %add3A_495 = arith.addi %add3A_492, %add3A_494 : vector<16xi32>
        %and3A_496 = arith.constant 127 : i32
        %and3A_497 = vector.broadcast %and3A_496 : i32 to vector<16xi32>
        %and3A_498 = arith.andi %add3A_495, %and3A_497 : vector<16xi32>
        %mul3A_499 = arith.constant 4 : i32
        %mul3A_500 = arith.muli %mul3A_499, %scan3A_471 : i32
        %add3A_501 = vector.broadcast %mul3A_500 : i32 to vector<16xi32>
        %add3A_502 = arith.addi %iota3A, %add3A_501 : vector<16xi32>
        %add3A_503 = arith.constant 3 : i32
        %add3A_504 = vector.broadcast %add3A_503 : i32 to vector<16xi32>
        %add3A_505 = arith.addi %add3A_502, %add3A_504 : vector<16xi32>
        %and3A_506 = arith.constant 127 : i32
        %and3A_507 = vector.broadcast %and3A_506 : i32 to vector<16xi32>
        %and3A_508 = arith.andi %add3A_505, %and3A_507 : vector<16xi32>
        %gather3A_509 = tpu.vector_load_idx %arg13[%add3A_222, %and3A_478] : memref<64x128xf32, #tpu.memory_space<vmem>>[vector<16xi32>, vector<16xi32>], vector<16xf32>,
        %gather3A_510 = tpu.vector_load_idx %arg14[%add3A_222, %and3A_478] : memref<64x128xf32, #tpu.memory_space<vmem>>[vector<16xi32>, vector<16xi32>], vector<16xf32>,
        %mul3A_511 = arith.mulf %gather3A_509, %gather3A_510 : vector<16xf32>
        %add3A_512 = arith.addf %add3A_457, %mul3A_511 : vector<16xf32>
        %gather3A_513 = tpu.vector_load_idx %arg13[%add3A_222, %and3A_488] : memref<64x128xf32, #tpu.memory_space<vmem>>[vector<16xi32>, vector<16xi32>], vector<16xf32>,
        %gather3A_514 = tpu.vector_load_idx %arg14[%add3A_222, %and3A_488] : memref<64x128xf32, #tpu.memory_space<vmem>>[vector<16xi32>, vector<16xi32>], vector<16xf32>,
        %mul3A_515 = arith.mulf %gather3A_513, %gather3A_514 : vector<16xf32>
        %add3A_516 = arith.addf %add3A_461, %mul3A_515 : vector<16xf32>
        %gather3A_517 = tpu.vector_load_idx %arg13[%add3A_222, %and3A_498] : memref<64x128xf32, #tpu.memory_space<vmem>>[vector<16xi32>, vector<16xi32>], vector<16xf32>,
        %gather3A_518 = tpu.vector_load_idx %arg14[%add3A_222, %and3A_498] : memref<64x128xf32, #tpu.memory_space<vmem>>[vector<16xi32>, vector<16xi32>], vector<16xf32>,
        %mul3A_519 = arith.mulf %gather3A_517, %gather3A_518 : vector<16xf32>
        %add3A_520 = arith.addf %add3A_465, %mul3A_519 : vector<16xf32>
        %gather3A_521 = tpu.vector_load_idx %arg13[%add3A_222, %and3A_508] : memref<64x128xf32, #tpu.memory_space<vmem>>[vector<16xi32>, vector<16xi32>], vector<16xf32>,
        %gather3A_522 = tpu.vector_load_idx %arg14[%add3A_222, %and3A_508] : memref<64x128xf32, #tpu.memory_space<vmem>>[vector<16xi32>, vector<16xi32>], vector<16xf32>,
        %mul3A_523 = arith.mulf %gather3A_521, %gather3A_522 : vector<16xf32>
        %add3A_524 = arith.addf %add3A_469, %mul3A_523 : vector<16xf32>
        %scan3A_525 = arith.constant 5 : i32
        %scan3A_526 = arith.addi %scan3A_248, %scan3A_525 : i32
        %mul3A_527 = arith.constant 4 : i32
        %mul3A_528 = arith.muli %mul3A_527, %scan3A_526 : i32
        %add3A_529 = vector.broadcast %mul3A_528 : i32 to vector<16xi32>
        %add3A_530 = arith.addi %iota3A, %add3A_529 : vector<16xi32>
        %and3A_531 = arith.constant 127 : i32
        %and3A_532 = vector.broadcast %and3A_531 : i32 to vector<16xi32>
        %and3A_533 = arith.andi %add3A_530, %and3A_532 : vector<16xi32>
        %mul3A_534 = arith.constant 4 : i32
        %mul3A_535 = arith.muli %mul3A_534, %scan3A_526 : i32
        %add3A_536 = vector.broadcast %mul3A_535 : i32 to vector<16xi32>
        %add3A_537 = arith.addi %iota3A, %add3A_536 : vector<16xi32>
        %add3A_538 = arith.constant 1 : i32
        %add3A_539 = vector.broadcast %add3A_538 : i32 to vector<16xi32>
        %add3A_540 = arith.addi %add3A_537, %add3A_539 : vector<16xi32>
        %and3A_541 = arith.constant 127 : i32
        %and3A_542 = vector.broadcast %and3A_541 : i32 to vector<16xi32>
        %and3A_543 = arith.andi %add3A_540, %and3A_542 : vector<16xi32>
        %mul3A_544 = arith.constant 4 : i32
        %mul3A_545 = arith.muli %mul3A_544, %scan3A_526 : i32
        %add3A_546 = vector.broadcast %mul3A_545 : i32 to vector<16xi32>
        %add3A_547 = arith.addi %iota3A, %add3A_546 : vector<16xi32>
        %add3A_548 = arith.constant 2 : i32
        %add3A_549 = vector.broadcast %add3A_548 : i32 to vector<16xi32>
        %add3A_550 = arith.addi %add3A_547, %add3A_549 : vector<16xi32>
        %and3A_551 = arith.constant 127 : i32
        %and3A_552 = vector.broadcast %and3A_551 : i32 to vector<16xi32>
        %and3A_553 = arith.andi %add3A_550, %and3A_552 : vector<16xi32>
        %mul3A_554 = arith.constant 4 : i32
        %mul3A_555 = arith.muli %mul3A_554, %scan3A_526 : i32
        %add3A_556 = vector.broadcast %mul3A_555 : i32 to vector<16xi32>
        %add3A_557 = arith.addi %iota3A, %add3A_556 : vector<16xi32>
        %add3A_558 = arith.constant 3 : i32
        %add3A_559 = vector.broadcast %add3A_558 : i32 to vector<16xi32>
        %add3A_560 = arith.addi %add3A_557, %add3A_559 : vector<16xi32>
        %and3A_561 = arith.constant 127 : i32
        %and3A_562 = vector.broadcast %and3A_561 : i32 to vector<16xi32>
        %and3A_563 = arith.andi %add3A_560, %and3A_562 : vector<16xi32>
        %gather3A_564 = tpu.vector_load_idx %arg13[%add3A_222, %and3A_533] : memref<64x128xf32, #tpu.memory_space<vmem>>[vector<16xi32>, vector<16xi32>], vector<16xf32>,
        %gather3A_565 = tpu.vector_load_idx %arg14[%add3A_222, %and3A_533] : memref<64x128xf32, #tpu.memory_space<vmem>>[vector<16xi32>, vector<16xi32>], vector<16xf32>,
        %mul3A_566 = arith.mulf %gather3A_564, %gather3A_565 : vector<16xf32>
        %add3A_567 = arith.addf %add3A_512, %mul3A_566 : vector<16xf32>
        %gather3A_568 = tpu.vector_load_idx %arg13[%add3A_222, %and3A_543] : memref<64x128xf32, #tpu.memory_space<vmem>>[vector<16xi32>, vector<16xi32>], vector<16xf32>,
        %gather3A_569 = tpu.vector_load_idx %arg14[%add3A_222, %and3A_543] : memref<64x128xf32, #tpu.memory_space<vmem>>[vector<16xi32>, vector<16xi32>], vector<16xf32>,
        %mul3A_570 = arith.mulf %gather3A_568, %gather3A_569 : vector<16xf32>
        %add3A_571 = arith.addf %add3A_516, %mul3A_570 : vector<16xf32>
        %gather3A_572 = tpu.vector_load_idx %arg13[%add3A_222, %and3A_553] : memref<64x128xf32, #tpu.memory_space<vmem>>[vector<16xi32>, vector<16xi32>], vector<16xf32>,
        %gather3A_573 = tpu.vector_load_idx %arg14[%add3A_222, %and3A_553] : memref<64x128xf32, #tpu.memory_space<vmem>>[vector<16xi32>, vector<16xi32>], vector<16xf32>,
        %mul3A_574 = arith.mulf %gather3A_572, %gather3A_573 : vector<16xf32>
        %add3A_575 = arith.addf %add3A_520, %mul3A_574 : vector<16xf32>
        %gather3A_576 = tpu.vector_load_idx %arg13[%add3A_222, %and3A_563] : memref<64x128xf32, #tpu.memory_space<vmem>>[vector<16xi32>, vector<16xi32>], vector<16xf32>,
        %gather3A_577 = tpu.vector_load_idx %arg14[%add3A_222, %and3A_563] : memref<64x128xf32, #tpu.memory_space<vmem>>[vector<16xi32>, vector<16xi32>], vector<16xf32>,
        %mul3A_578 = arith.mulf %gather3A_576, %gather3A_577 : vector<16xf32>
        %add3A_579 = arith.addf %add3A_524, %mul3A_578 : vector<16xf32>
        %scan3A_580 = arith.constant 6 : i32
        %scan3A_581 = arith.addi %scan3A_248, %scan3A_580 : i32
        %mul3A_582 = arith.constant 4 : i32
        %mul3A_583 = arith.muli %mul3A_582, %scan3A_581 : i32
        %add3A_584 = vector.broadcast %mul3A_583 : i32 to vector<16xi32>
        %add3A_585 = arith.addi %iota3A, %add3A_584 : vector<16xi32>
        %and3A_586 = arith.constant 127 : i32
        %and3A_587 = vector.broadcast %and3A_586 : i32 to vector<16xi32>
        %and3A_588 = arith.andi %add3A_585, %and3A_587 : vector<16xi32>
        %mul3A_589 = arith.constant 4 : i32
        %mul3A_590 = arith.muli %mul3A_589, %scan3A_581 : i32
        %add3A_591 = vector.broadcast %mul3A_590 : i32 to vector<16xi32>
        %add3A_592 = arith.addi %iota3A, %add3A_591 : vector<16xi32>
        %add3A_593 = arith.constant 1 : i32
        %add3A_594 = vector.broadcast %add3A_593 : i32 to vector<16xi32>
        %add3A_595 = arith.addi %add3A_592, %add3A_594 : vector<16xi32>
        %and3A_596 = arith.constant 127 : i32
        %and3A_597 = vector.broadcast %and3A_596 : i32 to vector<16xi32>
        %and3A_598 = arith.andi %add3A_595, %and3A_597 : vector<16xi32>
        %mul3A_599 = arith.constant 4 : i32
        %mul3A_600 = arith.muli %mul3A_599, %scan3A_581 : i32
        %add3A_601 = vector.broadcast %mul3A_600 : i32 to vector<16xi32>
        %add3A_602 = arith.addi %iota3A, %add3A_601 : vector<16xi32>
        %add3A_603 = arith.constant 2 : i32
        %add3A_604 = vector.broadcast %add3A_603 : i32 to vector<16xi32>
        %add3A_605 = arith.addi %add3A_602, %add3A_604 : vector<16xi32>
        %and3A_606 = arith.constant 127 : i32
        %and3A_607 = vector.broadcast %and3A_606 : i32 to vector<16xi32>
        %and3A_608 = arith.andi %add3A_605, %and3A_607 : vector<16xi32>
        %mul3A_609 = arith.constant 4 : i32
        %mul3A_610 = arith.muli %mul3A_609, %scan3A_581 : i32
        %add3A_611 = vector.broadcast %mul3A_610 : i32 to vector<16xi32>
        %add3A_612 = arith.addi %iota3A, %add3A_611 : vector<16xi32>
        %add3A_613 = arith.constant 3 : i32
        %add3A_614 = vector.broadcast %add3A_613 : i32 to vector<16xi32>
        %add3A_615 = arith.addi %add3A_612, %add3A_614 : vector<16xi32>
        %and3A_616 = arith.constant 127 : i32
        %and3A_617 = vector.broadcast %and3A_616 : i32 to vector<16xi32>
        %and3A_618 = arith.andi %add3A_615, %and3A_617 : vector<16xi32>
        %gather3A_619 = tpu.vector_load_idx %arg13[%add3A_222, %and3A_588] : memref<64x128xf32, #tpu.memory_space<vmem>>[vector<16xi32>, vector<16xi32>], vector<16xf32>,
        %gather3A_620 = tpu.vector_load_idx %arg14[%add3A_222, %and3A_588] : memref<64x128xf32, #tpu.memory_space<vmem>>[vector<16xi32>, vector<16xi32>], vector<16xf32>,
        %mul3A_621 = arith.mulf %gather3A_619, %gather3A_620 : vector<16xf32>
        %add3A_622 = arith.addf %add3A_567, %mul3A_621 : vector<16xf32>
        %gather3A_623 = tpu.vector_load_idx %arg13[%add3A_222, %and3A_598] : memref<64x128xf32, #tpu.memory_space<vmem>>[vector<16xi32>, vector<16xi32>], vector<16xf32>,
        %gather3A_624 = tpu.vector_load_idx %arg14[%add3A_222, %and3A_598] : memref<64x128xf32, #tpu.memory_space<vmem>>[vector<16xi32>, vector<16xi32>], vector<16xf32>,
        %mul3A_625 = arith.mulf %gather3A_623, %gather3A_624 : vector<16xf32>
        %add3A_626 = arith.addf %add3A_571, %mul3A_625 : vector<16xf32>
        %gather3A_627 = tpu.vector_load_idx %arg13[%add3A_222, %and3A_608] : memref<64x128xf32, #tpu.memory_space<vmem>>[vector<16xi32>, vector<16xi32>], vector<16xf32>,
        %gather3A_628 = tpu.vector_load_idx %arg14[%add3A_222, %and3A_608] : memref<64x128xf32, #tpu.memory_space<vmem>>[vector<16xi32>, vector<16xi32>], vector<16xf32>,
        %mul3A_629 = arith.mulf %gather3A_627, %gather3A_628 : vector<16xf32>
        %add3A_630 = arith.addf %add3A_575, %mul3A_629 : vector<16xf32>
        %gather3A_631 = tpu.vector_load_idx %arg13[%add3A_222, %and3A_618] : memref<64x128xf32, #tpu.memory_space<vmem>>[vector<16xi32>, vector<16xi32>], vector<16xf32>,
        %gather3A_632 = tpu.vector_load_idx %arg14[%add3A_222, %and3A_618] : memref<64x128xf32, #tpu.memory_space<vmem>>[vector<16xi32>, vector<16xi32>], vector<16xf32>,
        %mul3A_633 = arith.mulf %gather3A_631, %gather3A_632 : vector<16xf32>
        %add3A_634 = arith.addf %add3A_579, %mul3A_633 : vector<16xf32>
        %scan3A_635 = arith.constant 7 : i32
        %scan3A_636 = arith.addi %scan3A_248, %scan3A_635 : i32
        %mul3A_637 = arith.constant 4 : i32
        %mul3A_638 = arith.muli %mul3A_637, %scan3A_636 : i32
        %add3A_639 = vector.broadcast %mul3A_638 : i32 to vector<16xi32>
        %add3A_640 = arith.addi %iota3A, %add3A_639 : vector<16xi32>
        %and3A_641 = arith.constant 127 : i32
        %and3A_642 = vector.broadcast %and3A_641 : i32 to vector<16xi32>
        %and3A_643 = arith.andi %add3A_640, %and3A_642 : vector<16xi32>
        %mul3A_644 = arith.constant 4 : i32
        %mul3A_645 = arith.muli %mul3A_644, %scan3A_636 : i32
        %add3A_646 = vector.broadcast %mul3A_645 : i32 to vector<16xi32>
        %add3A_647 = arith.addi %iota3A, %add3A_646 : vector<16xi32>
        %add3A_648 = arith.constant 1 : i32
        %add3A_649 = vector.broadcast %add3A_648 : i32 to vector<16xi32>
        %add3A_650 = arith.addi %add3A_647, %add3A_649 : vector<16xi32>
        %and3A_651 = arith.constant 127 : i32
        %and3A_652 = vector.broadcast %and3A_651 : i32 to vector<16xi32>
        %and3A_653 = arith.andi %add3A_650, %and3A_652 : vector<16xi32>
        %mul3A_654 = arith.constant 4 : i32
        %mul3A_655 = arith.muli %mul3A_654, %scan3A_636 : i32
        %add3A_656 = vector.broadcast %mul3A_655 : i32 to vector<16xi32>
        %add3A_657 = arith.addi %iota3A, %add3A_656 : vector<16xi32>
        %add3A_658 = arith.constant 2 : i32
        %add3A_659 = vector.broadcast %add3A_658 : i32 to vector<16xi32>
        %add3A_660 = arith.addi %add3A_657, %add3A_659 : vector<16xi32>
        %and3A_661 = arith.constant 127 : i32
        %and3A_662 = vector.broadcast %and3A_661 : i32 to vector<16xi32>
        %and3A_663 = arith.andi %add3A_660, %and3A_662 : vector<16xi32>
        %mul3A_664 = arith.constant 4 : i32
        %mul3A_665 = arith.muli %mul3A_664, %scan3A_636 : i32
        %add3A_666 = vector.broadcast %mul3A_665 : i32 to vector<16xi32>
        %add3A_667 = arith.addi %iota3A, %add3A_666 : vector<16xi32>
        %add3A_668 = arith.constant 3 : i32
        %add3A_669 = vector.broadcast %add3A_668 : i32 to vector<16xi32>
        %add3A_670 = arith.addi %add3A_667, %add3A_669 : vector<16xi32>
        %and3A_671 = arith.constant 127 : i32
        %and3A_672 = vector.broadcast %and3A_671 : i32 to vector<16xi32>
        %and3A_673 = arith.andi %add3A_670, %and3A_672 : vector<16xi32>
        %gather3A_674 = tpu.vector_load_idx %arg13[%add3A_222, %and3A_643] : memref<64x128xf32, #tpu.memory_space<vmem>>[vector<16xi32>, vector<16xi32>], vector<16xf32>,
        %gather3A_675 = tpu.vector_load_idx %arg14[%add3A_222, %and3A_643] : memref<64x128xf32, #tpu.memory_space<vmem>>[vector<16xi32>, vector<16xi32>], vector<16xf32>,
        %mul3A_676 = arith.mulf %gather3A_674, %gather3A_675 : vector<16xf32>
        %add3A_677 = arith.addf %add3A_622, %mul3A_676 : vector<16xf32>
        %gather3A_678 = tpu.vector_load_idx %arg13[%add3A_222, %and3A_653] : memref<64x128xf32, #tpu.memory_space<vmem>>[vector<16xi32>, vector<16xi32>], vector<16xf32>,
        %gather3A_679 = tpu.vector_load_idx %arg14[%add3A_222, %and3A_653] : memref<64x128xf32, #tpu.memory_space<vmem>>[vector<16xi32>, vector<16xi32>], vector<16xf32>,
        %mul3A_680 = arith.mulf %gather3A_678, %gather3A_679 : vector<16xf32>
        %add3A_681 = arith.addf %add3A_626, %mul3A_680 : vector<16xf32>
        %gather3A_682 = tpu.vector_load_idx %arg13[%add3A_222, %and3A_663] : memref<64x128xf32, #tpu.memory_space<vmem>>[vector<16xi32>, vector<16xi32>], vector<16xf32>,
        %gather3A_683 = tpu.vector_load_idx %arg14[%add3A_222, %and3A_663] : memref<64x128xf32, #tpu.memory_space<vmem>>[vector<16xi32>, vector<16xi32>], vector<16xf32>,
        %mul3A_684 = arith.mulf %gather3A_682, %gather3A_683 : vector<16xf32>
        %add3A_685 = arith.addf %add3A_630, %mul3A_684 : vector<16xf32>
        %gather3A_686 = tpu.vector_load_idx %arg13[%add3A_222, %and3A_673] : memref<64x128xf32, #tpu.memory_space<vmem>>[vector<16xi32>, vector<16xi32>], vector<16xf32>,
        %gather3A_687 = tpu.vector_load_idx %arg14[%add3A_222, %and3A_673] : memref<64x128xf32, #tpu.memory_space<vmem>>[vector<16xi32>, vector<16xi32>], vector<16xf32>,
        %mul3A_688 = arith.mulf %gather3A_686, %gather3A_687 : vector<16xf32>
        %add3A_689 = arith.addf %add3A_634, %mul3A_688 : vector<16xf32>
        scf.yield %add3A_677, %add3A_681, %add3A_685, %add3A_689 : vector<16xf32>, vector<16xf32>, vector<16xf32>, vector<16xf32>
      }
      %scan3A_230 = arith.constant 32 : i32
      %add3A_231 = arith.addf %scan3A_229#0, %scan3A_229#1 : vector<16xf32>
      %add3A_232 = arith.addf %scan3A_229#2, %scan3A_229#3 : vector<16xf32>
      %add3A_233 = arith.addf %add3A_231, %add3A_232 : vector<16xf32>
      %mul3A_234 = arith.mulf %add3A_233, %gather3A : vector<16xf32>
      %add3A_235 = arith.addf %mul3A_234, %gather3A_12 : vector<16xf32>
      %neg3A = arith.constant 0.000000e+00 : f32
      %neg3A_236 = vector.broadcast %neg3A : f32 to vector<16xf32>
      %neg3A_237 = arith.subf %neg3A_236, %add3A_235 : vector<16xf32>
      %exp3A = math.exp %neg3A_237 : vector<16xf32>
      %add3A_238 = arith.constant 1.000000e+00 : f32
      %add3A_239 = vector.broadcast %add3A_238 : f32 to vector<16xf32>
      %add3A_240 = arith.addf %add3A_239, %exp3A : vector<16xf32>
      %div3A = arith.constant 1.000000e+00 : f32
      %div3A_241 = vector.broadcast %div3A : f32 to vector<16xf32>
      %div3A_242 = arith.divf %div3A_241, %add3A_240 : vector<16xf32>
      %mul3A_243 = arith.constant 16 : i32
      %mul3A_244 = arith.muli %scan3A_218, %mul3A_243 : i32
      %add3A_245 = arith.constant 256 : i32
      %add3A_246 = arith.addi %add3A_245, %mul3A_244 : i32
      %swap3A = arith.index_cast %add3A_246 : i32 to index
      %swap3A_247 = tpu.vector_load %arg17[%swap3A] {strides = array<i32>} : memref<512xf32, #tpu.memory_space<vmem>>, vector<16xf32>,
      tpu.vector_store %arg17[%swap3A], %div3A_242 {strides = array<i32>} : memref<512xf32, #tpu.memory_space<vmem>>, vector<16xf32>,
    }
    %scan3A_156 = arith.constant 4 : i32
    %dma_start3A_157 = arith.constant 448 : i32
    %dma_start3A_158 = tpu.memref_slice %arg9[%dma_start3A_157] : memref<512xi32, #tpu.memory_space<vmem>> -> memref<64xi32, #tpu.memory_space<vmem>>
    %dma_start3A_159 = arith.constant 0 : i32
    %dma_start3A_160 = arith.constant 0 : i32
    %dma_start3A_161 = tpu.memref_slice %arg4[%dma_start3A_159, %dma_start3A_160] : memref<100000x128xf32, #tpu.memory_space<hbm>> -> memref<100000x128xf32, #tpu.memory_space<hbm>>
    tpu.enqueue_indirect_dma source(%dma_start3A_161 : memref<100000x128xf32, #tpu.memory_space<hbm>>) target(%arg13 : memref<64x128xf32, #tpu.memory_space<vmem>>) offsets(%dma_start3A_158 : memref<64xi32, #tpu.memory_space<vmem>>) semaphore(%arg22 : memref<!tpu.dma_semaphore, #tpu.memory_space<semaphore_mem>>)
    %dma_start3A_162 = arith.constant 448 : i32
    %dma_start3A_163 = tpu.memref_slice %arg10[%dma_start3A_162] : memref<512xi32, #tpu.memory_space<vmem>> -> memref<64xi32, #tpu.memory_space<vmem>>
    %dma_start3A_164 = arith.constant 0 : i32
    %dma_start3A_165 = arith.constant 0 : i32
    %dma_start3A_166 = tpu.memref_slice %arg5[%dma_start3A_164, %dma_start3A_165] : memref<100000x128xf32, #tpu.memory_space<hbm>> -> memref<100000x128xf32, #tpu.memory_space<hbm>>
    tpu.enqueue_indirect_dma source(%dma_start3A_166 : memref<100000x128xf32, #tpu.memory_space<hbm>>) target(%arg14 : memref<64x128xf32, #tpu.memory_space<vmem>>) offsets(%dma_start3A_163 : memref<64xi32, #tpu.memory_space<vmem>>) semaphore(%arg23 : memref<!tpu.dma_semaphore, #tpu.memory_space<semaphore_mem>>)
    %dma_wait3A_167 = arith.constant 320 : i32
    %dma_wait3A_168 = tpu.memref_slice %arg9[%dma_wait3A_167] : memref<512xi32, #tpu.memory_space<vmem>> -> memref<64xi32, #tpu.memory_space<vmem>>
    %dma_wait3A_169 = arith.constant 0 : i32
    %dma_wait3A_170 = arith.constant 0 : i32
    %dma_wait3A_171 = tpu.memref_slice %arg4[%dma_wait3A_169, %dma_wait3A_170] : memref<100000x128xf32, #tpu.memory_space<hbm>> -> memref<100000x128xf32, #tpu.memory_space<hbm>>
    tpu.wait_indirect_dma semaphore(%arg24 : memref<!tpu.dma_semaphore, #tpu.memory_space<semaphore_mem>>) src(%dma_wait3A_171 : memref<100000x128xf32, #tpu.memory_space<hbm>>) dst(%arg15 : memref<64x128xf32, #tpu.memory_space<vmem>>)
    %dma_wait3A_172 = arith.constant 320 : i32
    %dma_wait3A_173 = tpu.memref_slice %arg10[%dma_wait3A_172] : memref<512xi32, #tpu.memory_space<vmem>> -> memref<64xi32, #tpu.memory_space<vmem>>
    %dma_wait3A_174 = arith.constant 0 : i32
    %dma_wait3A_175 = arith.constant 0 : i32
    %dma_wait3A_176 = tpu.memref_slice %arg5[%dma_wait3A_174, %dma_wait3A_175] : memref<100000x128xf32, #tpu.memory_space<hbm>> -> memref<100000x128xf32, #tpu.memory_space<hbm>>
    tpu.wait_indirect_dma semaphore(%arg25 : memref<!tpu.dma_semaphore, #tpu.memory_space<semaphore_mem>>) src(%dma_wait3A_176 : memref<100000x128xf32, #tpu.memory_space<hbm>>) dst(%arg16 : memref<64x128xf32, #tpu.memory_space<vmem>>)
    %scan3A_177 = arith.constant 0 : i32
    %scan3A_178 = arith.constant 4 : i32
    %scan3A_179 = arith.addi %scan3A_177, %scan3A_178 : i32
    %scan3A_180 = arith.constant 1 : i32
    scf.for %scan3A_218 = %scan3A_177 to %scan3A_179 step %scan3A_180  : i32 {
      %mul3A_219 = arith.constant 16 : i32
      %mul3A_220 = arith.muli %scan3A_218, %mul3A_219 : i32
      %add3A_221 = vector.broadcast %mul3A_220 : i32 to vector<16xi32>
      %add3A_222 = arith.addi %add3A_221, %iota3A : vector<16xi32>
      %broadcast_in_dim3A_223 = arith.constant 0.000000e+00 : f32
      %broadcast_in_dim3A_224 = vector.broadcast %broadcast_in_dim3A_223 : f32 to vector<16xf32>
      %scan3A_225 = arith.constant 0 : i32
      %scan3A_226 = arith.constant 32 : i32
      %scan3A_227 = arith.addi %scan3A_225, %scan3A_226 : i32
      %scan3A_228 = arith.constant 8 : i32
      %scan3A_229:4 = scf.for %scan3A_248 = %scan3A_225 to %scan3A_227 step %scan3A_228 iter_args(%scan3A_249 = %broadcast_in_dim3A_224, %scan3A_250 = %broadcast_in_dim3A_224, %scan3A_251 = %broadcast_in_dim3A_224, %scan3A_252 = %broadcast_in_dim3A_224) -> (vector<16xf32>, vector<16xf32>, vector<16xf32>, vector<16xf32>)  : i32 {
        %mul3A_253 = arith.constant 4 : i32
        %mul3A_254 = arith.muli %mul3A_253, %scan3A_248 : i32
        %add3A_255 = vector.broadcast %mul3A_254 : i32 to vector<16xi32>
        %add3A_256 = arith.addi %iota3A, %add3A_255 : vector<16xi32>
        %and3A = arith.constant 127 : i32
        %and3A_257 = vector.broadcast %and3A : i32 to vector<16xi32>
        %and3A_258 = arith.andi %add3A_256, %and3A_257 : vector<16xi32>
        %mul3A_259 = arith.constant 4 : i32
        %mul3A_260 = arith.muli %mul3A_259, %scan3A_248 : i32
        %add3A_261 = vector.broadcast %mul3A_260 : i32 to vector<16xi32>
        %add3A_262 = arith.addi %iota3A, %add3A_261 : vector<16xi32>
        %add3A_263 = arith.constant 1 : i32
        %add3A_264 = vector.broadcast %add3A_263 : i32 to vector<16xi32>
        %add3A_265 = arith.addi %add3A_262, %add3A_264 : vector<16xi32>
        %and3A_266 = arith.constant 127 : i32
        %and3A_267 = vector.broadcast %and3A_266 : i32 to vector<16xi32>
        %and3A_268 = arith.andi %add3A_265, %and3A_267 : vector<16xi32>
        %mul3A_269 = arith.constant 4 : i32
        %mul3A_270 = arith.muli %mul3A_269, %scan3A_248 : i32
        %add3A_271 = vector.broadcast %mul3A_270 : i32 to vector<16xi32>
        %add3A_272 = arith.addi %iota3A, %add3A_271 : vector<16xi32>
        %add3A_273 = arith.constant 2 : i32
        %add3A_274 = vector.broadcast %add3A_273 : i32 to vector<16xi32>
        %add3A_275 = arith.addi %add3A_272, %add3A_274 : vector<16xi32>
        %and3A_276 = arith.constant 127 : i32
        %and3A_277 = vector.broadcast %and3A_276 : i32 to vector<16xi32>
        %and3A_278 = arith.andi %add3A_275, %and3A_277 : vector<16xi32>
        %mul3A_279 = arith.constant 4 : i32
        %mul3A_280 = arith.muli %mul3A_279, %scan3A_248 : i32
        %add3A_281 = vector.broadcast %mul3A_280 : i32 to vector<16xi32>
        %add3A_282 = arith.addi %iota3A, %add3A_281 : vector<16xi32>
        %add3A_283 = arith.constant 3 : i32
        %add3A_284 = vector.broadcast %add3A_283 : i32 to vector<16xi32>
        %add3A_285 = arith.addi %add3A_282, %add3A_284 : vector<16xi32>
        %and3A_286 = arith.constant 127 : i32
        %and3A_287 = vector.broadcast %and3A_286 : i32 to vector<16xi32>
        %and3A_288 = arith.andi %add3A_285, %and3A_287 : vector<16xi32>
        %gather3A_289 = tpu.vector_load_idx %arg15[%add3A_222, %and3A_258] : memref<64x128xf32, #tpu.memory_space<vmem>>[vector<16xi32>, vector<16xi32>], vector<16xf32>,
        %gather3A_290 = tpu.vector_load_idx %arg16[%add3A_222, %and3A_258] : memref<64x128xf32, #tpu.memory_space<vmem>>[vector<16xi32>, vector<16xi32>], vector<16xf32>,
        %mul3A_291 = arith.mulf %gather3A_289, %gather3A_290 : vector<16xf32>
        %add3A_292 = arith.addf %scan3A_249, %mul3A_291 : vector<16xf32>
        %gather3A_293 = tpu.vector_load_idx %arg15[%add3A_222, %and3A_268] : memref<64x128xf32, #tpu.memory_space<vmem>>[vector<16xi32>, vector<16xi32>], vector<16xf32>,
        %gather3A_294 = tpu.vector_load_idx %arg16[%add3A_222, %and3A_268] : memref<64x128xf32, #tpu.memory_space<vmem>>[vector<16xi32>, vector<16xi32>], vector<16xf32>,
        %mul3A_295 = arith.mulf %gather3A_293, %gather3A_294 : vector<16xf32>
        %add3A_296 = arith.addf %scan3A_250, %mul3A_295 : vector<16xf32>
        %gather3A_297 = tpu.vector_load_idx %arg15[%add3A_222, %and3A_278] : memref<64x128xf32, #tpu.memory_space<vmem>>[vector<16xi32>, vector<16xi32>], vector<16xf32>,
        %gather3A_298 = tpu.vector_load_idx %arg16[%add3A_222, %and3A_278] : memref<64x128xf32, #tpu.memory_space<vmem>>[vector<16xi32>, vector<16xi32>], vector<16xf32>,
        %mul3A_299 = arith.mulf %gather3A_297, %gather3A_298 : vector<16xf32>
        %add3A_300 = arith.addf %scan3A_251, %mul3A_299 : vector<16xf32>
        %gather3A_301 = tpu.vector_load_idx %arg15[%add3A_222, %and3A_288] : memref<64x128xf32, #tpu.memory_space<vmem>>[vector<16xi32>, vector<16xi32>], vector<16xf32>,
        %gather3A_302 = tpu.vector_load_idx %arg16[%add3A_222, %and3A_288] : memref<64x128xf32, #tpu.memory_space<vmem>>[vector<16xi32>, vector<16xi32>], vector<16xf32>,
        %mul3A_303 = arith.mulf %gather3A_301, %gather3A_302 : vector<16xf32>
        %add3A_304 = arith.addf %scan3A_252, %mul3A_303 : vector<16xf32>
        %scan3A_305 = arith.constant 1 : i32
        %scan3A_306 = arith.addi %scan3A_248, %scan3A_305 : i32
        %mul3A_307 = arith.constant 4 : i32
        %mul3A_308 = arith.muli %mul3A_307, %scan3A_306 : i32
        %add3A_309 = vector.broadcast %mul3A_308 : i32 to vector<16xi32>
        %add3A_310 = arith.addi %iota3A, %add3A_309 : vector<16xi32>
        %and3A_311 = arith.constant 127 : i32
        %and3A_312 = vector.broadcast %and3A_311 : i32 to vector<16xi32>
        %and3A_313 = arith.andi %add3A_310, %and3A_312 : vector<16xi32>
        %mul3A_314 = arith.constant 4 : i32
        %mul3A_315 = arith.muli %mul3A_314, %scan3A_306 : i32
        %add3A_316 = vector.broadcast %mul3A_315 : i32 to vector<16xi32>
        %add3A_317 = arith.addi %iota3A, %add3A_316 : vector<16xi32>
        %add3A_318 = arith.constant 1 : i32
        %add3A_319 = vector.broadcast %add3A_318 : i32 to vector<16xi32>
        %add3A_320 = arith.addi %add3A_317, %add3A_319 : vector<16xi32>
        %and3A_321 = arith.constant 127 : i32
        %and3A_322 = vector.broadcast %and3A_321 : i32 to vector<16xi32>
        %and3A_323 = arith.andi %add3A_320, %and3A_322 : vector<16xi32>
        %mul3A_324 = arith.constant 4 : i32
        %mul3A_325 = arith.muli %mul3A_324, %scan3A_306 : i32
        %add3A_326 = vector.broadcast %mul3A_325 : i32 to vector<16xi32>
        %add3A_327 = arith.addi %iota3A, %add3A_326 : vector<16xi32>
        %add3A_328 = arith.constant 2 : i32
        %add3A_329 = vector.broadcast %add3A_328 : i32 to vector<16xi32>
        %add3A_330 = arith.addi %add3A_327, %add3A_329 : vector<16xi32>
        %and3A_331 = arith.constant 127 : i32
        %and3A_332 = vector.broadcast %and3A_331 : i32 to vector<16xi32>
        %and3A_333 = arith.andi %add3A_330, %and3A_332 : vector<16xi32>
        %mul3A_334 = arith.constant 4 : i32
        %mul3A_335 = arith.muli %mul3A_334, %scan3A_306 : i32
        %add3A_336 = vector.broadcast %mul3A_335 : i32 to vector<16xi32>
        %add3A_337 = arith.addi %iota3A, %add3A_336 : vector<16xi32>
        %add3A_338 = arith.constant 3 : i32
        %add3A_339 = vector.broadcast %add3A_338 : i32 to vector<16xi32>
        %add3A_340 = arith.addi %add3A_337, %add3A_339 : vector<16xi32>
        %and3A_341 = arith.constant 127 : i32
        %and3A_342 = vector.broadcast %and3A_341 : i32 to vector<16xi32>
        %and3A_343 = arith.andi %add3A_340, %and3A_342 : vector<16xi32>
        %gather3A_344 = tpu.vector_load_idx %arg15[%add3A_222, %and3A_313] : memref<64x128xf32, #tpu.memory_space<vmem>>[vector<16xi32>, vector<16xi32>], vector<16xf32>,
        %gather3A_345 = tpu.vector_load_idx %arg16[%add3A_222, %and3A_313] : memref<64x128xf32, #tpu.memory_space<vmem>>[vector<16xi32>, vector<16xi32>], vector<16xf32>,
        %mul3A_346 = arith.mulf %gather3A_344, %gather3A_345 : vector<16xf32>
        %add3A_347 = arith.addf %add3A_292, %mul3A_346 : vector<16xf32>
        %gather3A_348 = tpu.vector_load_idx %arg15[%add3A_222, %and3A_323] : memref<64x128xf32, #tpu.memory_space<vmem>>[vector<16xi32>, vector<16xi32>], vector<16xf32>,
        %gather3A_349 = tpu.vector_load_idx %arg16[%add3A_222, %and3A_323] : memref<64x128xf32, #tpu.memory_space<vmem>>[vector<16xi32>, vector<16xi32>], vector<16xf32>,
        %mul3A_350 = arith.mulf %gather3A_348, %gather3A_349 : vector<16xf32>
        %add3A_351 = arith.addf %add3A_296, %mul3A_350 : vector<16xf32>
        %gather3A_352 = tpu.vector_load_idx %arg15[%add3A_222, %and3A_333] : memref<64x128xf32, #tpu.memory_space<vmem>>[vector<16xi32>, vector<16xi32>], vector<16xf32>,
        %gather3A_353 = tpu.vector_load_idx %arg16[%add3A_222, %and3A_333] : memref<64x128xf32, #tpu.memory_space<vmem>>[vector<16xi32>, vector<16xi32>], vector<16xf32>,
        %mul3A_354 = arith.mulf %gather3A_352, %gather3A_353 : vector<16xf32>
        %add3A_355 = arith.addf %add3A_300, %mul3A_354 : vector<16xf32>
        %gather3A_356 = tpu.vector_load_idx %arg15[%add3A_222, %and3A_343] : memref<64x128xf32, #tpu.memory_space<vmem>>[vector<16xi32>, vector<16xi32>], vector<16xf32>,
        %gather3A_357 = tpu.vector_load_idx %arg16[%add3A_222, %and3A_343] : memref<64x128xf32, #tpu.memory_space<vmem>>[vector<16xi32>, vector<16xi32>], vector<16xf32>,
        %mul3A_358 = arith.mulf %gather3A_356, %gather3A_357 : vector<16xf32>
        %add3A_359 = arith.addf %add3A_304, %mul3A_358 : vector<16xf32>
        %scan3A_360 = arith.constant 2 : i32
        %scan3A_361 = arith.addi %scan3A_248, %scan3A_360 : i32
        %mul3A_362 = arith.constant 4 : i32
        %mul3A_363 = arith.muli %mul3A_362, %scan3A_361 : i32
        %add3A_364 = vector.broadcast %mul3A_363 : i32 to vector<16xi32>
        %add3A_365 = arith.addi %iota3A, %add3A_364 : vector<16xi32>
        %and3A_366 = arith.constant 127 : i32
        %and3A_367 = vector.broadcast %and3A_366 : i32 to vector<16xi32>
        %and3A_368 = arith.andi %add3A_365, %and3A_367 : vector<16xi32>
        %mul3A_369 = arith.constant 4 : i32
        %mul3A_370 = arith.muli %mul3A_369, %scan3A_361 : i32
        %add3A_371 = vector.broadcast %mul3A_370 : i32 to vector<16xi32>
        %add3A_372 = arith.addi %iota3A, %add3A_371 : vector<16xi32>
        %add3A_373 = arith.constant 1 : i32
        %add3A_374 = vector.broadcast %add3A_373 : i32 to vector<16xi32>
        %add3A_375 = arith.addi %add3A_372, %add3A_374 : vector<16xi32>
        %and3A_376 = arith.constant 127 : i32
        %and3A_377 = vector.broadcast %and3A_376 : i32 to vector<16xi32>
        %and3A_378 = arith.andi %add3A_375, %and3A_377 : vector<16xi32>
        %mul3A_379 = arith.constant 4 : i32
        %mul3A_380 = arith.muli %mul3A_379, %scan3A_361 : i32
        %add3A_381 = vector.broadcast %mul3A_380 : i32 to vector<16xi32>
        %add3A_382 = arith.addi %iota3A, %add3A_381 : vector<16xi32>
        %add3A_383 = arith.constant 2 : i32
        %add3A_384 = vector.broadcast %add3A_383 : i32 to vector<16xi32>
        %add3A_385 = arith.addi %add3A_382, %add3A_384 : vector<16xi32>
        %and3A_386 = arith.constant 127 : i32
        %and3A_387 = vector.broadcast %and3A_386 : i32 to vector<16xi32>
        %and3A_388 = arith.andi %add3A_385, %and3A_387 : vector<16xi32>
        %mul3A_389 = arith.constant 4 : i32
        %mul3A_390 = arith.muli %mul3A_389, %scan3A_361 : i32
        %add3A_391 = vector.broadcast %mul3A_390 : i32 to vector<16xi32>
        %add3A_392 = arith.addi %iota3A, %add3A_391 : vector<16xi32>
        %add3A_393 = arith.constant 3 : i32
        %add3A_394 = vector.broadcast %add3A_393 : i32 to vector<16xi32>
        %add3A_395 = arith.addi %add3A_392, %add3A_394 : vector<16xi32>
        %and3A_396 = arith.constant 127 : i32
        %and3A_397 = vector.broadcast %and3A_396 : i32 to vector<16xi32>
        %and3A_398 = arith.andi %add3A_395, %and3A_397 : vector<16xi32>
        %gather3A_399 = tpu.vector_load_idx %arg15[%add3A_222, %and3A_368] : memref<64x128xf32, #tpu.memory_space<vmem>>[vector<16xi32>, vector<16xi32>], vector<16xf32>,
        %gather3A_400 = tpu.vector_load_idx %arg16[%add3A_222, %and3A_368] : memref<64x128xf32, #tpu.memory_space<vmem>>[vector<16xi32>, vector<16xi32>], vector<16xf32>,
        %mul3A_401 = arith.mulf %gather3A_399, %gather3A_400 : vector<16xf32>
        %add3A_402 = arith.addf %add3A_347, %mul3A_401 : vector<16xf32>
        %gather3A_403 = tpu.vector_load_idx %arg15[%add3A_222, %and3A_378] : memref<64x128xf32, #tpu.memory_space<vmem>>[vector<16xi32>, vector<16xi32>], vector<16xf32>,
        %gather3A_404 = tpu.vector_load_idx %arg16[%add3A_222, %and3A_378] : memref<64x128xf32, #tpu.memory_space<vmem>>[vector<16xi32>, vector<16xi32>], vector<16xf32>,
        %mul3A_405 = arith.mulf %gather3A_403, %gather3A_404 : vector<16xf32>
        %add3A_406 = arith.addf %add3A_351, %mul3A_405 : vector<16xf32>
        %gather3A_407 = tpu.vector_load_idx %arg15[%add3A_222, %and3A_388] : memref<64x128xf32, #tpu.memory_space<vmem>>[vector<16xi32>, vector<16xi32>], vector<16xf32>,
        %gather3A_408 = tpu.vector_load_idx %arg16[%add3A_222, %and3A_388] : memref<64x128xf32, #tpu.memory_space<vmem>>[vector<16xi32>, vector<16xi32>], vector<16xf32>,
        %mul3A_409 = arith.mulf %gather3A_407, %gather3A_408 : vector<16xf32>
        %add3A_410 = arith.addf %add3A_355, %mul3A_409 : vector<16xf32>
        %gather3A_411 = tpu.vector_load_idx %arg15[%add3A_222, %and3A_398] : memref<64x128xf32, #tpu.memory_space<vmem>>[vector<16xi32>, vector<16xi32>], vector<16xf32>,
        %gather3A_412 = tpu.vector_load_idx %arg16[%add3A_222, %and3A_398] : memref<64x128xf32, #tpu.memory_space<vmem>>[vector<16xi32>, vector<16xi32>], vector<16xf32>,
        %mul3A_413 = arith.mulf %gather3A_411, %gather3A_412 : vector<16xf32>
        %add3A_414 = arith.addf %add3A_359, %mul3A_413 : vector<16xf32>
        %scan3A_415 = arith.constant 3 : i32
        %scan3A_416 = arith.addi %scan3A_248, %scan3A_415 : i32
        %mul3A_417 = arith.constant 4 : i32
        %mul3A_418 = arith.muli %mul3A_417, %scan3A_416 : i32
        %add3A_419 = vector.broadcast %mul3A_418 : i32 to vector<16xi32>
        %add3A_420 = arith.addi %iota3A, %add3A_419 : vector<16xi32>
        %and3A_421 = arith.constant 127 : i32
        %and3A_422 = vector.broadcast %and3A_421 : i32 to vector<16xi32>
        %and3A_423 = arith.andi %add3A_420, %and3A_422 : vector<16xi32>
        %mul3A_424 = arith.constant 4 : i32
        %mul3A_425 = arith.muli %mul3A_424, %scan3A_416 : i32
        %add3A_426 = vector.broadcast %mul3A_425 : i32 to vector<16xi32>
        %add3A_427 = arith.addi %iota3A, %add3A_426 : vector<16xi32>
        %add3A_428 = arith.constant 1 : i32
        %add3A_429 = vector.broadcast %add3A_428 : i32 to vector<16xi32>
        %add3A_430 = arith.addi %add3A_427, %add3A_429 : vector<16xi32>
        %and3A_431 = arith.constant 127 : i32
        %and3A_432 = vector.broadcast %and3A_431 : i32 to vector<16xi32>
        %and3A_433 = arith.andi %add3A_430, %and3A_432 : vector<16xi32>
        %mul3A_434 = arith.constant 4 : i32
        %mul3A_435 = arith.muli %mul3A_434, %scan3A_416 : i32
        %add3A_436 = vector.broadcast %mul3A_435 : i32 to vector<16xi32>
        %add3A_437 = arith.addi %iota3A, %add3A_436 : vector<16xi32>
        %add3A_438 = arith.constant 2 : i32
        %add3A_439 = vector.broadcast %add3A_438 : i32 to vector<16xi32>
        %add3A_440 = arith.addi %add3A_437, %add3A_439 : vector<16xi32>
        %and3A_441 = arith.constant 127 : i32
        %and3A_442 = vector.broadcast %and3A_441 : i32 to vector<16xi32>
        %and3A_443 = arith.andi %add3A_440, %and3A_442 : vector<16xi32>
        %mul3A_444 = arith.constant 4 : i32
        %mul3A_445 = arith.muli %mul3A_444, %scan3A_416 : i32
        %add3A_446 = vector.broadcast %mul3A_445 : i32 to vector<16xi32>
        %add3A_447 = arith.addi %iota3A, %add3A_446 : vector<16xi32>
        %add3A_448 = arith.constant 3 : i32
        %add3A_449 = vector.broadcast %add3A_448 : i32 to vector<16xi32>
        %add3A_450 = arith.addi %add3A_447, %add3A_449 : vector<16xi32>
        %and3A_451 = arith.constant 127 : i32
        %and3A_452 = vector.broadcast %and3A_451 : i32 to vector<16xi32>
        %and3A_453 = arith.andi %add3A_450, %and3A_452 : vector<16xi32>
        %gather3A_454 = tpu.vector_load_idx %arg15[%add3A_222, %and3A_423] : memref<64x128xf32, #tpu.memory_space<vmem>>[vector<16xi32>, vector<16xi32>], vector<16xf32>,
        %gather3A_455 = tpu.vector_load_idx %arg16[%add3A_222, %and3A_423] : memref<64x128xf32, #tpu.memory_space<vmem>>[vector<16xi32>, vector<16xi32>], vector<16xf32>,
        %mul3A_456 = arith.mulf %gather3A_454, %gather3A_455 : vector<16xf32>
        %add3A_457 = arith.addf %add3A_402, %mul3A_456 : vector<16xf32>
        %gather3A_458 = tpu.vector_load_idx %arg15[%add3A_222, %and3A_433] : memref<64x128xf32, #tpu.memory_space<vmem>>[vector<16xi32>, vector<16xi32>], vector<16xf32>,
        %gather3A_459 = tpu.vector_load_idx %arg16[%add3A_222, %and3A_433] : memref<64x128xf32, #tpu.memory_space<vmem>>[vector<16xi32>, vector<16xi32>], vector<16xf32>,
        %mul3A_460 = arith.mulf %gather3A_458, %gather3A_459 : vector<16xf32>
        %add3A_461 = arith.addf %add3A_406, %mul3A_460 : vector<16xf32>
        %gather3A_462 = tpu.vector_load_idx %arg15[%add3A_222, %and3A_443] : memref<64x128xf32, #tpu.memory_space<vmem>>[vector<16xi32>, vector<16xi32>], vector<16xf32>,
        %gather3A_463 = tpu.vector_load_idx %arg16[%add3A_222, %and3A_443] : memref<64x128xf32, #tpu.memory_space<vmem>>[vector<16xi32>, vector<16xi32>], vector<16xf32>,
        %mul3A_464 = arith.mulf %gather3A_462, %gather3A_463 : vector<16xf32>
        %add3A_465 = arith.addf %add3A_410, %mul3A_464 : vector<16xf32>
        %gather3A_466 = tpu.vector_load_idx %arg15[%add3A_222, %and3A_453] : memref<64x128xf32, #tpu.memory_space<vmem>>[vector<16xi32>, vector<16xi32>], vector<16xf32>,
        %gather3A_467 = tpu.vector_load_idx %arg16[%add3A_222, %and3A_453] : memref<64x128xf32, #tpu.memory_space<vmem>>[vector<16xi32>, vector<16xi32>], vector<16xf32>,
        %mul3A_468 = arith.mulf %gather3A_466, %gather3A_467 : vector<16xf32>
        %add3A_469 = arith.addf %add3A_414, %mul3A_468 : vector<16xf32>
        %scan3A_470 = arith.constant 4 : i32
        %scan3A_471 = arith.addi %scan3A_248, %scan3A_470 : i32
        %mul3A_472 = arith.constant 4 : i32
        %mul3A_473 = arith.muli %mul3A_472, %scan3A_471 : i32
        %add3A_474 = vector.broadcast %mul3A_473 : i32 to vector<16xi32>
        %add3A_475 = arith.addi %iota3A, %add3A_474 : vector<16xi32>
        %and3A_476 = arith.constant 127 : i32
        %and3A_477 = vector.broadcast %and3A_476 : i32 to vector<16xi32>
        %and3A_478 = arith.andi %add3A_475, %and3A_477 : vector<16xi32>
        %mul3A_479 = arith.constant 4 : i32
        %mul3A_480 = arith.muli %mul3A_479, %scan3A_471 : i32
        %add3A_481 = vector.broadcast %mul3A_480 : i32 to vector<16xi32>
        %add3A_482 = arith.addi %iota3A, %add3A_481 : vector<16xi32>
        %add3A_483 = arith.constant 1 : i32
        %add3A_484 = vector.broadcast %add3A_483 : i32 to vector<16xi32>
        %add3A_485 = arith.addi %add3A_482, %add3A_484 : vector<16xi32>
        %and3A_486 = arith.constant 127 : i32
        %and3A_487 = vector.broadcast %and3A_486 : i32 to vector<16xi32>
        %and3A_488 = arith.andi %add3A_485, %and3A_487 : vector<16xi32>
        %mul3A_489 = arith.constant 4 : i32
        %mul3A_490 = arith.muli %mul3A_489, %scan3A_471 : i32
        %add3A_491 = vector.broadcast %mul3A_490 : i32 to vector<16xi32>
        %add3A_492 = arith.addi %iota3A, %add3A_491 : vector<16xi32>
        %add3A_493 = arith.constant 2 : i32
        %add3A_494 = vector.broadcast %add3A_493 : i32 to vector<16xi32>
        %add3A_495 = arith.addi %add3A_492, %add3A_494 : vector<16xi32>
        %and3A_496 = arith.constant 127 : i32
        %and3A_497 = vector.broadcast %and3A_496 : i32 to vector<16xi32>
        %and3A_498 = arith.andi %add3A_495, %and3A_497 : vector<16xi32>
        %mul3A_499 = arith.constant 4 : i32
        %mul3A_500 = arith.muli %mul3A_499, %scan3A_471 : i32
        %add3A_501 = vector.broadcast %mul3A_500 : i32 to vector<16xi32>
        %add3A_502 = arith.addi %iota3A, %add3A_501 : vector<16xi32>
        %add3A_503 = arith.constant 3 : i32
        %add3A_504 = vector.broadcast %add3A_503 : i32 to vector<16xi32>
        %add3A_505 = arith.addi %add3A_502, %add3A_504 : vector<16xi32>
        %and3A_506 = arith.constant 127 : i32
        %and3A_507 = vector.broadcast %and3A_506 : i32 to vector<16xi32>
        %and3A_508 = arith.andi %add3A_505, %and3A_507 : vector<16xi32>
        %gather3A_509 = tpu.vector_load_idx %arg15[%add3A_222, %and3A_478] : memref<64x128xf32, #tpu.memory_space<vmem>>[vector<16xi32>, vector<16xi32>], vector<16xf32>,
        %gather3A_510 = tpu.vector_load_idx %arg16[%add3A_222, %and3A_478] : memref<64x128xf32, #tpu.memory_space<vmem>>[vector<16xi32>, vector<16xi32>], vector<16xf32>,
        %mul3A_511 = arith.mulf %gather3A_509, %gather3A_510 : vector<16xf32>
        %add3A_512 = arith.addf %add3A_457, %mul3A_511 : vector<16xf32>
        %gather3A_513 = tpu.vector_load_idx %arg15[%add3A_222, %and3A_488] : memref<64x128xf32, #tpu.memory_space<vmem>>[vector<16xi32>, vector<16xi32>], vector<16xf32>,
        %gather3A_514 = tpu.vector_load_idx %arg16[%add3A_222, %and3A_488] : memref<64x128xf32, #tpu.memory_space<vmem>>[vector<16xi32>, vector<16xi32>], vector<16xf32>,
        %mul3A_515 = arith.mulf %gather3A_513, %gather3A_514 : vector<16xf32>
        %add3A_516 = arith.addf %add3A_461, %mul3A_515 : vector<16xf32>
        %gather3A_517 = tpu.vector_load_idx %arg15[%add3A_222, %and3A_498] : memref<64x128xf32, #tpu.memory_space<vmem>>[vector<16xi32>, vector<16xi32>], vector<16xf32>,
        %gather3A_518 = tpu.vector_load_idx %arg16[%add3A_222, %and3A_498] : memref<64x128xf32, #tpu.memory_space<vmem>>[vector<16xi32>, vector<16xi32>], vector<16xf32>,
        %mul3A_519 = arith.mulf %gather3A_517, %gather3A_518 : vector<16xf32>
        %add3A_520 = arith.addf %add3A_465, %mul3A_519 : vector<16xf32>
        %gather3A_521 = tpu.vector_load_idx %arg15[%add3A_222, %and3A_508] : memref<64x128xf32, #tpu.memory_space<vmem>>[vector<16xi32>, vector<16xi32>], vector<16xf32>,
        %gather3A_522 = tpu.vector_load_idx %arg16[%add3A_222, %and3A_508] : memref<64x128xf32, #tpu.memory_space<vmem>>[vector<16xi32>, vector<16xi32>], vector<16xf32>,
        %mul3A_523 = arith.mulf %gather3A_521, %gather3A_522 : vector<16xf32>
        %add3A_524 = arith.addf %add3A_469, %mul3A_523 : vector<16xf32>
        %scan3A_525 = arith.constant 5 : i32
        %scan3A_526 = arith.addi %scan3A_248, %scan3A_525 : i32
        %mul3A_527 = arith.constant 4 : i32
        %mul3A_528 = arith.muli %mul3A_527, %scan3A_526 : i32
        %add3A_529 = vector.broadcast %mul3A_528 : i32 to vector<16xi32>
        %add3A_530 = arith.addi %iota3A, %add3A_529 : vector<16xi32>
        %and3A_531 = arith.constant 127 : i32
        %and3A_532 = vector.broadcast %and3A_531 : i32 to vector<16xi32>
        %and3A_533 = arith.andi %add3A_530, %and3A_532 : vector<16xi32>
        %mul3A_534 = arith.constant 4 : i32
        %mul3A_535 = arith.muli %mul3A_534, %scan3A_526 : i32
        %add3A_536 = vector.broadcast %mul3A_535 : i32 to vector<16xi32>
        %add3A_537 = arith.addi %iota3A, %add3A_536 : vector<16xi32>
        %add3A_538 = arith.constant 1 : i32
        %add3A_539 = vector.broadcast %add3A_538 : i32 to vector<16xi32>
        %add3A_540 = arith.addi %add3A_537, %add3A_539 : vector<16xi32>
        %and3A_541 = arith.constant 127 : i32
        %and3A_542 = vector.broadcast %and3A_541 : i32 to vector<16xi32>
        %and3A_543 = arith.andi %add3A_540, %and3A_542 : vector<16xi32>
        %mul3A_544 = arith.constant 4 : i32
        %mul3A_545 = arith.muli %mul3A_544, %scan3A_526 : i32
        %add3A_546 = vector.broadcast %mul3A_545 : i32 to vector<16xi32>
        %add3A_547 = arith.addi %iota3A, %add3A_546 : vector<16xi32>
        %add3A_548 = arith.constant 2 : i32
        %add3A_549 = vector.broadcast %add3A_548 : i32 to vector<16xi32>
        %add3A_550 = arith.addi %add3A_547, %add3A_549 : vector<16xi32>
        %and3A_551 = arith.constant 127 : i32
        %and3A_552 = vector.broadcast %and3A_551 : i32 to vector<16xi32>
        %and3A_553 = arith.andi %add3A_550, %and3A_552 : vector<16xi32>
        %mul3A_554 = arith.constant 4 : i32
        %mul3A_555 = arith.muli %mul3A_554, %scan3A_526 : i32
        %add3A_556 = vector.broadcast %mul3A_555 : i32 to vector<16xi32>
        %add3A_557 = arith.addi %iota3A, %add3A_556 : vector<16xi32>
        %add3A_558 = arith.constant 3 : i32
        %add3A_559 = vector.broadcast %add3A_558 : i32 to vector<16xi32>
        %add3A_560 = arith.addi %add3A_557, %add3A_559 : vector<16xi32>
        %and3A_561 = arith.constant 127 : i32
        %and3A_562 = vector.broadcast %and3A_561 : i32 to vector<16xi32>
        %and3A_563 = arith.andi %add3A_560, %and3A_562 : vector<16xi32>
        %gather3A_564 = tpu.vector_load_idx %arg15[%add3A_222, %and3A_533] : memref<64x128xf32, #tpu.memory_space<vmem>>[vector<16xi32>, vector<16xi32>], vector<16xf32>,
        %gather3A_565 = tpu.vector_load_idx %arg16[%add3A_222, %and3A_533] : memref<64x128xf32, #tpu.memory_space<vmem>>[vector<16xi32>, vector<16xi32>], vector<16xf32>,
        %mul3A_566 = arith.mulf %gather3A_564, %gather3A_565 : vector<16xf32>
        %add3A_567 = arith.addf %add3A_512, %mul3A_566 : vector<16xf32>
        %gather3A_568 = tpu.vector_load_idx %arg15[%add3A_222, %and3A_543] : memref<64x128xf32, #tpu.memory_space<vmem>>[vector<16xi32>, vector<16xi32>], vector<16xf32>,
        %gather3A_569 = tpu.vector_load_idx %arg16[%add3A_222, %and3A_543] : memref<64x128xf32, #tpu.memory_space<vmem>>[vector<16xi32>, vector<16xi32>], vector<16xf32>,
        %mul3A_570 = arith.mulf %gather3A_568, %gather3A_569 : vector<16xf32>
        %add3A_571 = arith.addf %add3A_516, %mul3A_570 : vector<16xf32>
        %gather3A_572 = tpu.vector_load_idx %arg15[%add3A_222, %and3A_553] : memref<64x128xf32, #tpu.memory_space<vmem>>[vector<16xi32>, vector<16xi32>], vector<16xf32>,
        %gather3A_573 = tpu.vector_load_idx %arg16[%add3A_222, %and3A_553] : memref<64x128xf32, #tpu.memory_space<vmem>>[vector<16xi32>, vector<16xi32>], vector<16xf32>,
        %mul3A_574 = arith.mulf %gather3A_572, %gather3A_573 : vector<16xf32>
        %add3A_575 = arith.addf %add3A_520, %mul3A_574 : vector<16xf32>
        %gather3A_576 = tpu.vector_load_idx %arg15[%add3A_222, %and3A_563] : memref<64x128xf32, #tpu.memory_space<vmem>>[vector<16xi32>, vector<16xi32>], vector<16xf32>,
        %gather3A_577 = tpu.vector_load_idx %arg16[%add3A_222, %and3A_563] : memref<64x128xf32, #tpu.memory_space<vmem>>[vector<16xi32>, vector<16xi32>], vector<16xf32>,
        %mul3A_578 = arith.mulf %gather3A_576, %gather3A_577 : vector<16xf32>
        %add3A_579 = arith.addf %add3A_524, %mul3A_578 : vector<16xf32>
        %scan3A_580 = arith.constant 6 : i32
        %scan3A_581 = arith.addi %scan3A_248, %scan3A_580 : i32
        %mul3A_582 = arith.constant 4 : i32
        %mul3A_583 = arith.muli %mul3A_582, %scan3A_581 : i32
        %add3A_584 = vector.broadcast %mul3A_583 : i32 to vector<16xi32>
        %add3A_585 = arith.addi %iota3A, %add3A_584 : vector<16xi32>
        %and3A_586 = arith.constant 127 : i32
        %and3A_587 = vector.broadcast %and3A_586 : i32 to vector<16xi32>
        %and3A_588 = arith.andi %add3A_585, %and3A_587 : vector<16xi32>
        %mul3A_589 = arith.constant 4 : i32
        %mul3A_590 = arith.muli %mul3A_589, %scan3A_581 : i32
        %add3A_591 = vector.broadcast %mul3A_590 : i32 to vector<16xi32>
        %add3A_592 = arith.addi %iota3A, %add3A_591 : vector<16xi32>
        %add3A_593 = arith.constant 1 : i32
        %add3A_594 = vector.broadcast %add3A_593 : i32 to vector<16xi32>
        %add3A_595 = arith.addi %add3A_592, %add3A_594 : vector<16xi32>
        %and3A_596 = arith.constant 127 : i32
        %and3A_597 = vector.broadcast %and3A_596 : i32 to vector<16xi32>
        %and3A_598 = arith.andi %add3A_595, %and3A_597 : vector<16xi32>
        %mul3A_599 = arith.constant 4 : i32
        %mul3A_600 = arith.muli %mul3A_599, %scan3A_581 : i32
        %add3A_601 = vector.broadcast %mul3A_600 : i32 to vector<16xi32>
        %add3A_602 = arith.addi %iota3A, %add3A_601 : vector<16xi32>
        %add3A_603 = arith.constant 2 : i32
        %add3A_604 = vector.broadcast %add3A_603 : i32 to vector<16xi32>
        %add3A_605 = arith.addi %add3A_602, %add3A_604 : vector<16xi32>
        %and3A_606 = arith.constant 127 : i32
        %and3A_607 = vector.broadcast %and3A_606 : i32 to vector<16xi32>
        %and3A_608 = arith.andi %add3A_605, %and3A_607 : vector<16xi32>
        %mul3A_609 = arith.constant 4 : i32
        %mul3A_610 = arith.muli %mul3A_609, %scan3A_581 : i32
        %add3A_611 = vector.broadcast %mul3A_610 : i32 to vector<16xi32>
        %add3A_612 = arith.addi %iota3A, %add3A_611 : vector<16xi32>
        %add3A_613 = arith.constant 3 : i32
        %add3A_614 = vector.broadcast %add3A_613 : i32 to vector<16xi32>
        %add3A_615 = arith.addi %add3A_612, %add3A_614 : vector<16xi32>
        %and3A_616 = arith.constant 127 : i32
        %and3A_617 = vector.broadcast %and3A_616 : i32 to vector<16xi32>
        %and3A_618 = arith.andi %add3A_615, %and3A_617 : vector<16xi32>
        %gather3A_619 = tpu.vector_load_idx %arg15[%add3A_222, %and3A_588] : memref<64x128xf32, #tpu.memory_space<vmem>>[vector<16xi32>, vector<16xi32>], vector<16xf32>,
        %gather3A_620 = tpu.vector_load_idx %arg16[%add3A_222, %and3A_588] : memref<64x128xf32, #tpu.memory_space<vmem>>[vector<16xi32>, vector<16xi32>], vector<16xf32>,
        %mul3A_621 = arith.mulf %gather3A_619, %gather3A_620 : vector<16xf32>
        %add3A_622 = arith.addf %add3A_567, %mul3A_621 : vector<16xf32>
        %gather3A_623 = tpu.vector_load_idx %arg15[%add3A_222, %and3A_598] : memref<64x128xf32, #tpu.memory_space<vmem>>[vector<16xi32>, vector<16xi32>], vector<16xf32>,
        %gather3A_624 = tpu.vector_load_idx %arg16[%add3A_222, %and3A_598] : memref<64x128xf32, #tpu.memory_space<vmem>>[vector<16xi32>, vector<16xi32>], vector<16xf32>,
        %mul3A_625 = arith.mulf %gather3A_623, %gather3A_624 : vector<16xf32>
        %add3A_626 = arith.addf %add3A_571, %mul3A_625 : vector<16xf32>
        %gather3A_627 = tpu.vector_load_idx %arg15[%add3A_222, %and3A_608] : memref<64x128xf32, #tpu.memory_space<vmem>>[vector<16xi32>, vector<16xi32>], vector<16xf32>,
        %gather3A_628 = tpu.vector_load_idx %arg16[%add3A_222, %and3A_608] : memref<64x128xf32, #tpu.memory_space<vmem>>[vector<16xi32>, vector<16xi32>], vector<16xf32>,
        %mul3A_629 = arith.mulf %gather3A_627, %gather3A_628 : vector<16xf32>
        %add3A_630 = arith.addf %add3A_575, %mul3A_629 : vector<16xf32>
        %gather3A_631 = tpu.vector_load_idx %arg15[%add3A_222, %and3A_618] : memref<64x128xf32, #tpu.memory_space<vmem>>[vector<16xi32>, vector<16xi32>], vector<16xf32>,
        %gather3A_632 = tpu.vector_load_idx %arg16[%add3A_222, %and3A_618] : memref<64x128xf32, #tpu.memory_space<vmem>>[vector<16xi32>, vector<16xi32>], vector<16xf32>,
        %mul3A_633 = arith.mulf %gather3A_631, %gather3A_632 : vector<16xf32>
        %add3A_634 = arith.addf %add3A_579, %mul3A_633 : vector<16xf32>
        %scan3A_635 = arith.constant 7 : i32
        %scan3A_636 = arith.addi %scan3A_248, %scan3A_635 : i32
        %mul3A_637 = arith.constant 4 : i32
        %mul3A_638 = arith.muli %mul3A_637, %scan3A_636 : i32
        %add3A_639 = vector.broadcast %mul3A_638 : i32 to vector<16xi32>
        %add3A_640 = arith.addi %iota3A, %add3A_639 : vector<16xi32>
        %and3A_641 = arith.constant 127 : i32
        %and3A_642 = vector.broadcast %and3A_641 : i32 to vector<16xi32>
        %and3A_643 = arith.andi %add3A_640, %and3A_642 : vector<16xi32>
        %mul3A_644 = arith.constant 4 : i32
        %mul3A_645 = arith.muli %mul3A_644, %scan3A_636 : i32
        %add3A_646 = vector.broadcast %mul3A_645 : i32 to vector<16xi32>
        %add3A_647 = arith.addi %iota3A, %add3A_646 : vector<16xi32>
        %add3A_648 = arith.constant 1 : i32
        %add3A_649 = vector.broadcast %add3A_648 : i32 to vector<16xi32>
        %add3A_650 = arith.addi %add3A_647, %add3A_649 : vector<16xi32>
        %and3A_651 = arith.constant 127 : i32
        %and3A_652 = vector.broadcast %and3A_651 : i32 to vector<16xi32>
        %and3A_653 = arith.andi %add3A_650, %and3A_652 : vector<16xi32>
        %mul3A_654 = arith.constant 4 : i32
        %mul3A_655 = arith.muli %mul3A_654, %scan3A_636 : i32
        %add3A_656 = vector.broadcast %mul3A_655 : i32 to vector<16xi32>
        %add3A_657 = arith.addi %iota3A, %add3A_656 : vector<16xi32>
        %add3A_658 = arith.constant 2 : i32
        %add3A_659 = vector.broadcast %add3A_658 : i32 to vector<16xi32>
        %add3A_660 = arith.addi %add3A_657, %add3A_659 : vector<16xi32>
        %and3A_661 = arith.constant 127 : i32
        %and3A_662 = vector.broadcast %and3A_661 : i32 to vector<16xi32>
        %and3A_663 = arith.andi %add3A_660, %and3A_662 : vector<16xi32>
        %mul3A_664 = arith.constant 4 : i32
        %mul3A_665 = arith.muli %mul3A_664, %scan3A_636 : i32
        %add3A_666 = vector.broadcast %mul3A_665 : i32 to vector<16xi32>
        %add3A_667 = arith.addi %iota3A, %add3A_666 : vector<16xi32>
        %add3A_668 = arith.constant 3 : i32
        %add3A_669 = vector.broadcast %add3A_668 : i32 to vector<16xi32>
        %add3A_670 = arith.addi %add3A_667, %add3A_669 : vector<16xi32>
        %and3A_671 = arith.constant 127 : i32
        %and3A_672 = vector.broadcast %and3A_671 : i32 to vector<16xi32>
        %and3A_673 = arith.andi %add3A_670, %and3A_672 : vector<16xi32>
        %gather3A_674 = tpu.vector_load_idx %arg15[%add3A_222, %and3A_643] : memref<64x128xf32, #tpu.memory_space<vmem>>[vector<16xi32>, vector<16xi32>], vector<16xf32>,
        %gather3A_675 = tpu.vector_load_idx %arg16[%add3A_222, %and3A_643] : memref<64x128xf32, #tpu.memory_space<vmem>>[vector<16xi32>, vector<16xi32>], vector<16xf32>,
        %mul3A_676 = arith.mulf %gather3A_674, %gather3A_675 : vector<16xf32>
        %add3A_677 = arith.addf %add3A_622, %mul3A_676 : vector<16xf32>
        %gather3A_678 = tpu.vector_load_idx %arg15[%add3A_222, %and3A_653] : memref<64x128xf32, #tpu.memory_space<vmem>>[vector<16xi32>, vector<16xi32>], vector<16xf32>,
        %gather3A_679 = tpu.vector_load_idx %arg16[%add3A_222, %and3A_653] : memref<64x128xf32, #tpu.memory_space<vmem>>[vector<16xi32>, vector<16xi32>], vector<16xf32>,
        %mul3A_680 = arith.mulf %gather3A_678, %gather3A_679 : vector<16xf32>
        %add3A_681 = arith.addf %add3A_626, %mul3A_680 : vector<16xf32>
        %gather3A_682 = tpu.vector_load_idx %arg15[%add3A_222, %and3A_663] : memref<64x128xf32, #tpu.memory_space<vmem>>[vector<16xi32>, vector<16xi32>], vector<16xf32>,
        %gather3A_683 = tpu.vector_load_idx %arg16[%add3A_222, %and3A_663] : memref<64x128xf32, #tpu.memory_space<vmem>>[vector<16xi32>, vector<16xi32>], vector<16xf32>,
        %mul3A_684 = arith.mulf %gather3A_682, %gather3A_683 : vector<16xf32>
        %add3A_685 = arith.addf %add3A_630, %mul3A_684 : vector<16xf32>
        %gather3A_686 = tpu.vector_load_idx %arg15[%add3A_222, %and3A_673] : memref<64x128xf32, #tpu.memory_space<vmem>>[vector<16xi32>, vector<16xi32>], vector<16xf32>,
        %gather3A_687 = tpu.vector_load_idx %arg16[%add3A_222, %and3A_673] : memref<64x128xf32, #tpu.memory_space<vmem>>[vector<16xi32>, vector<16xi32>], vector<16xf32>,
        %mul3A_688 = arith.mulf %gather3A_686, %gather3A_687 : vector<16xf32>
        %add3A_689 = arith.addf %add3A_634, %mul3A_688 : vector<16xf32>
        scf.yield %add3A_677, %add3A_681, %add3A_685, %add3A_689 : vector<16xf32>, vector<16xf32>, vector<16xf32>, vector<16xf32>
      }
      %scan3A_230 = arith.constant 32 : i32
      %add3A_231 = arith.addf %scan3A_229#0, %scan3A_229#1 : vector<16xf32>
      %add3A_232 = arith.addf %scan3A_229#2, %scan3A_229#3 : vector<16xf32>
      %add3A_233 = arith.addf %add3A_231, %add3A_232 : vector<16xf32>
      %mul3A_234 = arith.mulf %add3A_233, %gather3A : vector<16xf32>
      %add3A_235 = arith.addf %mul3A_234, %gather3A_12 : vector<16xf32>
      %neg3A = arith.constant 0.000000e+00 : f32
      %neg3A_236 = vector.broadcast %neg3A : f32 to vector<16xf32>
      %neg3A_237 = arith.subf %neg3A_236, %add3A_235 : vector<16xf32>
      %exp3A = math.exp %neg3A_237 : vector<16xf32>
      %add3A_238 = arith.constant 1.000000e+00 : f32
      %add3A_239 = vector.broadcast %add3A_238 : f32 to vector<16xf32>
      %add3A_240 = arith.addf %add3A_239, %exp3A : vector<16xf32>
      %div3A = arith.constant 1.000000e+00 : f32
      %div3A_241 = vector.broadcast %div3A : f32 to vector<16xf32>
      %div3A_242 = arith.divf %div3A_241, %add3A_240 : vector<16xf32>
      %mul3A_243 = arith.constant 16 : i32
      %mul3A_244 = arith.muli %scan3A_218, %mul3A_243 : i32
      %add3A_245 = arith.constant 320 : i32
      %add3A_246 = arith.addi %add3A_245, %mul3A_244 : i32
      %swap3A = arith.index_cast %add3A_246 : i32 to index
      %swap3A_247 = tpu.vector_load %arg17[%swap3A] {strides = array<i32>} : memref<512xf32, #tpu.memory_space<vmem>>, vector<16xf32>,
      tpu.vector_store %arg17[%swap3A], %div3A_242 {strides = array<i32>} : memref<512xf32, #tpu.memory_space<vmem>>, vector<16xf32>,
    }
    %scan3A_181 = arith.constant 4 : i32
    %dma_wait3A_182 = arith.constant 384 : i32
    %dma_wait3A_183 = tpu.memref_slice %arg9[%dma_wait3A_182] : memref<512xi32, #tpu.memory_space<vmem>> -> memref<64xi32, #tpu.memory_space<vmem>>
    %dma_wait3A_184 = arith.constant 0 : i32
    %dma_wait3A_185 = arith.constant 0 : i32
    %dma_wait3A_186 = tpu.memref_slice %arg4[%dma_wait3A_184, %dma_wait3A_185] : memref<100000x128xf32, #tpu.memory_space<hbm>> -> memref<100000x128xf32, #tpu.memory_space<hbm>>
    tpu.wait_indirect_dma semaphore(%arg20 : memref<!tpu.dma_semaphore, #tpu.memory_space<semaphore_mem>>) src(%dma_wait3A_186 : memref<100000x128xf32, #tpu.memory_space<hbm>>) dst(%arg11 : memref<64x128xf32, #tpu.memory_space<vmem>>)
    %dma_wait3A_187 = arith.constant 384 : i32
    %dma_wait3A_188 = tpu.memref_slice %arg10[%dma_wait3A_187] : memref<512xi32, #tpu.memory_space<vmem>> -> memref<64xi32, #tpu.memory_space<vmem>>
    %dma_wait3A_189 = arith.constant 0 : i32
    %dma_wait3A_190 = arith.constant 0 : i32
    %dma_wait3A_191 = tpu.memref_slice %arg5[%dma_wait3A_189, %dma_wait3A_190] : memref<100000x128xf32, #tpu.memory_space<hbm>> -> memref<100000x128xf32, #tpu.memory_space<hbm>>
    tpu.wait_indirect_dma semaphore(%arg21 : memref<!tpu.dma_semaphore, #tpu.memory_space<semaphore_mem>>) src(%dma_wait3A_191 : memref<100000x128xf32, #tpu.memory_space<hbm>>) dst(%arg12 : memref<64x128xf32, #tpu.memory_space<vmem>>)
    %scan3A_192 = arith.constant 0 : i32
    %scan3A_193 = arith.constant 4 : i32
    %scan3A_194 = arith.addi %scan3A_192, %scan3A_193 : i32
    %scan3A_195 = arith.constant 1 : i32
    scf.for %scan3A_218 = %scan3A_192 to %scan3A_194 step %scan3A_195  : i32 {
      %mul3A_219 = arith.constant 16 : i32
      %mul3A_220 = arith.muli %scan3A_218, %mul3A_219 : i32
      %add3A_221 = vector.broadcast %mul3A_220 : i32 to vector<16xi32>
      %add3A_222 = arith.addi %add3A_221, %iota3A : vector<16xi32>
      %broadcast_in_dim3A_223 = arith.constant 0.000000e+00 : f32
      %broadcast_in_dim3A_224 = vector.broadcast %broadcast_in_dim3A_223 : f32 to vector<16xf32>
      %scan3A_225 = arith.constant 0 : i32
      %scan3A_226 = arith.constant 32 : i32
      %scan3A_227 = arith.addi %scan3A_225, %scan3A_226 : i32
      %scan3A_228 = arith.constant 8 : i32
      %scan3A_229:4 = scf.for %scan3A_248 = %scan3A_225 to %scan3A_227 step %scan3A_228 iter_args(%scan3A_249 = %broadcast_in_dim3A_224, %scan3A_250 = %broadcast_in_dim3A_224, %scan3A_251 = %broadcast_in_dim3A_224, %scan3A_252 = %broadcast_in_dim3A_224) -> (vector<16xf32>, vector<16xf32>, vector<16xf32>, vector<16xf32>)  : i32 {
        %mul3A_253 = arith.constant 4 : i32
        %mul3A_254 = arith.muli %mul3A_253, %scan3A_248 : i32
        %add3A_255 = vector.broadcast %mul3A_254 : i32 to vector<16xi32>
        %add3A_256 = arith.addi %iota3A, %add3A_255 : vector<16xi32>
        %and3A = arith.constant 127 : i32
        %and3A_257 = vector.broadcast %and3A : i32 to vector<16xi32>
        %and3A_258 = arith.andi %add3A_256, %and3A_257 : vector<16xi32>
        %mul3A_259 = arith.constant 4 : i32
        %mul3A_260 = arith.muli %mul3A_259, %scan3A_248 : i32
        %add3A_261 = vector.broadcast %mul3A_260 : i32 to vector<16xi32>
        %add3A_262 = arith.addi %iota3A, %add3A_261 : vector<16xi32>
        %add3A_263 = arith.constant 1 : i32
        %add3A_264 = vector.broadcast %add3A_263 : i32 to vector<16xi32>
        %add3A_265 = arith.addi %add3A_262, %add3A_264 : vector<16xi32>
        %and3A_266 = arith.constant 127 : i32
        %and3A_267 = vector.broadcast %and3A_266 : i32 to vector<16xi32>
        %and3A_268 = arith.andi %add3A_265, %and3A_267 : vector<16xi32>
        %mul3A_269 = arith.constant 4 : i32
        %mul3A_270 = arith.muli %mul3A_269, %scan3A_248 : i32
        %add3A_271 = vector.broadcast %mul3A_270 : i32 to vector<16xi32>
        %add3A_272 = arith.addi %iota3A, %add3A_271 : vector<16xi32>
        %add3A_273 = arith.constant 2 : i32
        %add3A_274 = vector.broadcast %add3A_273 : i32 to vector<16xi32>
        %add3A_275 = arith.addi %add3A_272, %add3A_274 : vector<16xi32>
        %and3A_276 = arith.constant 127 : i32
        %and3A_277 = vector.broadcast %and3A_276 : i32 to vector<16xi32>
        %and3A_278 = arith.andi %add3A_275, %and3A_277 : vector<16xi32>
        %mul3A_279 = arith.constant 4 : i32
        %mul3A_280 = arith.muli %mul3A_279, %scan3A_248 : i32
        %add3A_281 = vector.broadcast %mul3A_280 : i32 to vector<16xi32>
        %add3A_282 = arith.addi %iota3A, %add3A_281 : vector<16xi32>
        %add3A_283 = arith.constant 3 : i32
        %add3A_284 = vector.broadcast %add3A_283 : i32 to vector<16xi32>
        %add3A_285 = arith.addi %add3A_282, %add3A_284 : vector<16xi32>
        %and3A_286 = arith.constant 127 : i32
        %and3A_287 = vector.broadcast %and3A_286 : i32 to vector<16xi32>
        %and3A_288 = arith.andi %add3A_285, %and3A_287 : vector<16xi32>
        %gather3A_289 = tpu.vector_load_idx %arg11[%add3A_222, %and3A_258] : memref<64x128xf32, #tpu.memory_space<vmem>>[vector<16xi32>, vector<16xi32>], vector<16xf32>,
        %gather3A_290 = tpu.vector_load_idx %arg12[%add3A_222, %and3A_258] : memref<64x128xf32, #tpu.memory_space<vmem>>[vector<16xi32>, vector<16xi32>], vector<16xf32>,
        %mul3A_291 = arith.mulf %gather3A_289, %gather3A_290 : vector<16xf32>
        %add3A_292 = arith.addf %scan3A_249, %mul3A_291 : vector<16xf32>
        %gather3A_293 = tpu.vector_load_idx %arg11[%add3A_222, %and3A_268] : memref<64x128xf32, #tpu.memory_space<vmem>>[vector<16xi32>, vector<16xi32>], vector<16xf32>,
        %gather3A_294 = tpu.vector_load_idx %arg12[%add3A_222, %and3A_268] : memref<64x128xf32, #tpu.memory_space<vmem>>[vector<16xi32>, vector<16xi32>], vector<16xf32>,
        %mul3A_295 = arith.mulf %gather3A_293, %gather3A_294 : vector<16xf32>
        %add3A_296 = arith.addf %scan3A_250, %mul3A_295 : vector<16xf32>
        %gather3A_297 = tpu.vector_load_idx %arg11[%add3A_222, %and3A_278] : memref<64x128xf32, #tpu.memory_space<vmem>>[vector<16xi32>, vector<16xi32>], vector<16xf32>,
        %gather3A_298 = tpu.vector_load_idx %arg12[%add3A_222, %and3A_278] : memref<64x128xf32, #tpu.memory_space<vmem>>[vector<16xi32>, vector<16xi32>], vector<16xf32>,
        %mul3A_299 = arith.mulf %gather3A_297, %gather3A_298 : vector<16xf32>
        %add3A_300 = arith.addf %scan3A_251, %mul3A_299 : vector<16xf32>
        %gather3A_301 = tpu.vector_load_idx %arg11[%add3A_222, %and3A_288] : memref<64x128xf32, #tpu.memory_space<vmem>>[vector<16xi32>, vector<16xi32>], vector<16xf32>,
        %gather3A_302 = tpu.vector_load_idx %arg12[%add3A_222, %and3A_288] : memref<64x128xf32, #tpu.memory_space<vmem>>[vector<16xi32>, vector<16xi32>], vector<16xf32>,
        %mul3A_303 = arith.mulf %gather3A_301, %gather3A_302 : vector<16xf32>
        %add3A_304 = arith.addf %scan3A_252, %mul3A_303 : vector<16xf32>
        %scan3A_305 = arith.constant 1 : i32
        %scan3A_306 = arith.addi %scan3A_248, %scan3A_305 : i32
        %mul3A_307 = arith.constant 4 : i32
        %mul3A_308 = arith.muli %mul3A_307, %scan3A_306 : i32
        %add3A_309 = vector.broadcast %mul3A_308 : i32 to vector<16xi32>
        %add3A_310 = arith.addi %iota3A, %add3A_309 : vector<16xi32>
        %and3A_311 = arith.constant 127 : i32
        %and3A_312 = vector.broadcast %and3A_311 : i32 to vector<16xi32>
        %and3A_313 = arith.andi %add3A_310, %and3A_312 : vector<16xi32>
        %mul3A_314 = arith.constant 4 : i32
        %mul3A_315 = arith.muli %mul3A_314, %scan3A_306 : i32
        %add3A_316 = vector.broadcast %mul3A_315 : i32 to vector<16xi32>
        %add3A_317 = arith.addi %iota3A, %add3A_316 : vector<16xi32>
        %add3A_318 = arith.constant 1 : i32
        %add3A_319 = vector.broadcast %add3A_318 : i32 to vector<16xi32>
        %add3A_320 = arith.addi %add3A_317, %add3A_319 : vector<16xi32>
        %and3A_321 = arith.constant 127 : i32
        %and3A_322 = vector.broadcast %and3A_321 : i32 to vector<16xi32>
        %and3A_323 = arith.andi %add3A_320, %and3A_322 : vector<16xi32>
        %mul3A_324 = arith.constant 4 : i32
        %mul3A_325 = arith.muli %mul3A_324, %scan3A_306 : i32
        %add3A_326 = vector.broadcast %mul3A_325 : i32 to vector<16xi32>
        %add3A_327 = arith.addi %iota3A, %add3A_326 : vector<16xi32>
        %add3A_328 = arith.constant 2 : i32
        %add3A_329 = vector.broadcast %add3A_328 : i32 to vector<16xi32>
        %add3A_330 = arith.addi %add3A_327, %add3A_329 : vector<16xi32>
        %and3A_331 = arith.constant 127 : i32
        %and3A_332 = vector.broadcast %and3A_331 : i32 to vector<16xi32>
        %and3A_333 = arith.andi %add3A_330, %and3A_332 : vector<16xi32>
        %mul3A_334 = arith.constant 4 : i32
        %mul3A_335 = arith.muli %mul3A_334, %scan3A_306 : i32
        %add3A_336 = vector.broadcast %mul3A_335 : i32 to vector<16xi32>
        %add3A_337 = arith.addi %iota3A, %add3A_336 : vector<16xi32>
        %add3A_338 = arith.constant 3 : i32
        %add3A_339 = vector.broadcast %add3A_338 : i32 to vector<16xi32>
        %add3A_340 = arith.addi %add3A_337, %add3A_339 : vector<16xi32>
        %and3A_341 = arith.constant 127 : i32
        %and3A_342 = vector.broadcast %and3A_341 : i32 to vector<16xi32>
        %and3A_343 = arith.andi %add3A_340, %and3A_342 : vector<16xi32>
        %gather3A_344 = tpu.vector_load_idx %arg11[%add3A_222, %and3A_313] : memref<64x128xf32, #tpu.memory_space<vmem>>[vector<16xi32>, vector<16xi32>], vector<16xf32>,
        %gather3A_345 = tpu.vector_load_idx %arg12[%add3A_222, %and3A_313] : memref<64x128xf32, #tpu.memory_space<vmem>>[vector<16xi32>, vector<16xi32>], vector<16xf32>,
        %mul3A_346 = arith.mulf %gather3A_344, %gather3A_345 : vector<16xf32>
        %add3A_347 = arith.addf %add3A_292, %mul3A_346 : vector<16xf32>
        %gather3A_348 = tpu.vector_load_idx %arg11[%add3A_222, %and3A_323] : memref<64x128xf32, #tpu.memory_space<vmem>>[vector<16xi32>, vector<16xi32>], vector<16xf32>,
        %gather3A_349 = tpu.vector_load_idx %arg12[%add3A_222, %and3A_323] : memref<64x128xf32, #tpu.memory_space<vmem>>[vector<16xi32>, vector<16xi32>], vector<16xf32>,
        %mul3A_350 = arith.mulf %gather3A_348, %gather3A_349 : vector<16xf32>
        %add3A_351 = arith.addf %add3A_296, %mul3A_350 : vector<16xf32>
        %gather3A_352 = tpu.vector_load_idx %arg11[%add3A_222, %and3A_333] : memref<64x128xf32, #tpu.memory_space<vmem>>[vector<16xi32>, vector<16xi32>], vector<16xf32>,
        %gather3A_353 = tpu.vector_load_idx %arg12[%add3A_222, %and3A_333] : memref<64x128xf32, #tpu.memory_space<vmem>>[vector<16xi32>, vector<16xi32>], vector<16xf32>,
        %mul3A_354 = arith.mulf %gather3A_352, %gather3A_353 : vector<16xf32>
        %add3A_355 = arith.addf %add3A_300, %mul3A_354 : vector<16xf32>
        %gather3A_356 = tpu.vector_load_idx %arg11[%add3A_222, %and3A_343] : memref<64x128xf32, #tpu.memory_space<vmem>>[vector<16xi32>, vector<16xi32>], vector<16xf32>,
        %gather3A_357 = tpu.vector_load_idx %arg12[%add3A_222, %and3A_343] : memref<64x128xf32, #tpu.memory_space<vmem>>[vector<16xi32>, vector<16xi32>], vector<16xf32>,
        %mul3A_358 = arith.mulf %gather3A_356, %gather3A_357 : vector<16xf32>
        %add3A_359 = arith.addf %add3A_304, %mul3A_358 : vector<16xf32>
        %scan3A_360 = arith.constant 2 : i32
        %scan3A_361 = arith.addi %scan3A_248, %scan3A_360 : i32
        %mul3A_362 = arith.constant 4 : i32
        %mul3A_363 = arith.muli %mul3A_362, %scan3A_361 : i32
        %add3A_364 = vector.broadcast %mul3A_363 : i32 to vector<16xi32>
        %add3A_365 = arith.addi %iota3A, %add3A_364 : vector<16xi32>
        %and3A_366 = arith.constant 127 : i32
        %and3A_367 = vector.broadcast %and3A_366 : i32 to vector<16xi32>
        %and3A_368 = arith.andi %add3A_365, %and3A_367 : vector<16xi32>
        %mul3A_369 = arith.constant 4 : i32
        %mul3A_370 = arith.muli %mul3A_369, %scan3A_361 : i32
        %add3A_371 = vector.broadcast %mul3A_370 : i32 to vector<16xi32>
        %add3A_372 = arith.addi %iota3A, %add3A_371 : vector<16xi32>
        %add3A_373 = arith.constant 1 : i32
        %add3A_374 = vector.broadcast %add3A_373 : i32 to vector<16xi32>
        %add3A_375 = arith.addi %add3A_372, %add3A_374 : vector<16xi32>
        %and3A_376 = arith.constant 127 : i32
        %and3A_377 = vector.broadcast %and3A_376 : i32 to vector<16xi32>
        %and3A_378 = arith.andi %add3A_375, %and3A_377 : vector<16xi32>
        %mul3A_379 = arith.constant 4 : i32
        %mul3A_380 = arith.muli %mul3A_379, %scan3A_361 : i32
        %add3A_381 = vector.broadcast %mul3A_380 : i32 to vector<16xi32>
        %add3A_382 = arith.addi %iota3A, %add3A_381 : vector<16xi32>
        %add3A_383 = arith.constant 2 : i32
        %add3A_384 = vector.broadcast %add3A_383 : i32 to vector<16xi32>
        %add3A_385 = arith.addi %add3A_382, %add3A_384 : vector<16xi32>
        %and3A_386 = arith.constant 127 : i32
        %and3A_387 = vector.broadcast %and3A_386 : i32 to vector<16xi32>
        %and3A_388 = arith.andi %add3A_385, %and3A_387 : vector<16xi32>
        %mul3A_389 = arith.constant 4 : i32
        %mul3A_390 = arith.muli %mul3A_389, %scan3A_361 : i32
        %add3A_391 = vector.broadcast %mul3A_390 : i32 to vector<16xi32>
        %add3A_392 = arith.addi %iota3A, %add3A_391 : vector<16xi32>
        %add3A_393 = arith.constant 3 : i32
        %add3A_394 = vector.broadcast %add3A_393 : i32 to vector<16xi32>
        %add3A_395 = arith.addi %add3A_392, %add3A_394 : vector<16xi32>
        %and3A_396 = arith.constant 127 : i32
        %and3A_397 = vector.broadcast %and3A_396 : i32 to vector<16xi32>
        %and3A_398 = arith.andi %add3A_395, %and3A_397 : vector<16xi32>
        %gather3A_399 = tpu.vector_load_idx %arg11[%add3A_222, %and3A_368] : memref<64x128xf32, #tpu.memory_space<vmem>>[vector<16xi32>, vector<16xi32>], vector<16xf32>,
        %gather3A_400 = tpu.vector_load_idx %arg12[%add3A_222, %and3A_368] : memref<64x128xf32, #tpu.memory_space<vmem>>[vector<16xi32>, vector<16xi32>], vector<16xf32>,
        %mul3A_401 = arith.mulf %gather3A_399, %gather3A_400 : vector<16xf32>
        %add3A_402 = arith.addf %add3A_347, %mul3A_401 : vector<16xf32>
        %gather3A_403 = tpu.vector_load_idx %arg11[%add3A_222, %and3A_378] : memref<64x128xf32, #tpu.memory_space<vmem>>[vector<16xi32>, vector<16xi32>], vector<16xf32>,
        %gather3A_404 = tpu.vector_load_idx %arg12[%add3A_222, %and3A_378] : memref<64x128xf32, #tpu.memory_space<vmem>>[vector<16xi32>, vector<16xi32>], vector<16xf32>,
        %mul3A_405 = arith.mulf %gather3A_403, %gather3A_404 : vector<16xf32>
        %add3A_406 = arith.addf %add3A_351, %mul3A_405 : vector<16xf32>
        %gather3A_407 = tpu.vector_load_idx %arg11[%add3A_222, %and3A_388] : memref<64x128xf32, #tpu.memory_space<vmem>>[vector<16xi32>, vector<16xi32>], vector<16xf32>,
        %gather3A_408 = tpu.vector_load_idx %arg12[%add3A_222, %and3A_388] : memref<64x128xf32, #tpu.memory_space<vmem>>[vector<16xi32>, vector<16xi32>], vector<16xf32>,
        %mul3A_409 = arith.mulf %gather3A_407, %gather3A_408 : vector<16xf32>
        %add3A_410 = arith.addf %add3A_355, %mul3A_409 : vector<16xf32>
        %gather3A_411 = tpu.vector_load_idx %arg11[%add3A_222, %and3A_398] : memref<64x128xf32, #tpu.memory_space<vmem>>[vector<16xi32>, vector<16xi32>], vector<16xf32>,
        %gather3A_412 = tpu.vector_load_idx %arg12[%add3A_222, %and3A_398] : memref<64x128xf32, #tpu.memory_space<vmem>>[vector<16xi32>, vector<16xi32>], vector<16xf32>,
        %mul3A_413 = arith.mulf %gather3A_411, %gather3A_412 : vector<16xf32>
        %add3A_414 = arith.addf %add3A_359, %mul3A_413 : vector<16xf32>
        %scan3A_415 = arith.constant 3 : i32
        %scan3A_416 = arith.addi %scan3A_248, %scan3A_415 : i32
        %mul3A_417 = arith.constant 4 : i32
        %mul3A_418 = arith.muli %mul3A_417, %scan3A_416 : i32
        %add3A_419 = vector.broadcast %mul3A_418 : i32 to vector<16xi32>
        %add3A_420 = arith.addi %iota3A, %add3A_419 : vector<16xi32>
        %and3A_421 = arith.constant 127 : i32
        %and3A_422 = vector.broadcast %and3A_421 : i32 to vector<16xi32>
        %and3A_423 = arith.andi %add3A_420, %and3A_422 : vector<16xi32>
        %mul3A_424 = arith.constant 4 : i32
        %mul3A_425 = arith.muli %mul3A_424, %scan3A_416 : i32
        %add3A_426 = vector.broadcast %mul3A_425 : i32 to vector<16xi32>
        %add3A_427 = arith.addi %iota3A, %add3A_426 : vector<16xi32>
        %add3A_428 = arith.constant 1 : i32
        %add3A_429 = vector.broadcast %add3A_428 : i32 to vector<16xi32>
        %add3A_430 = arith.addi %add3A_427, %add3A_429 : vector<16xi32>
        %and3A_431 = arith.constant 127 : i32
        %and3A_432 = vector.broadcast %and3A_431 : i32 to vector<16xi32>
        %and3A_433 = arith.andi %add3A_430, %and3A_432 : vector<16xi32>
        %mul3A_434 = arith.constant 4 : i32
        %mul3A_435 = arith.muli %mul3A_434, %scan3A_416 : i32
        %add3A_436 = vector.broadcast %mul3A_435 : i32 to vector<16xi32>
        %add3A_437 = arith.addi %iota3A, %add3A_436 : vector<16xi32>
        %add3A_438 = arith.constant 2 : i32
        %add3A_439 = vector.broadcast %add3A_438 : i32 to vector<16xi32>
        %add3A_440 = arith.addi %add3A_437, %add3A_439 : vector<16xi32>
        %and3A_441 = arith.constant 127 : i32
        %and3A_442 = vector.broadcast %and3A_441 : i32 to vector<16xi32>
        %and3A_443 = arith.andi %add3A_440, %and3A_442 : vector<16xi32>
        %mul3A_444 = arith.constant 4 : i32
        %mul3A_445 = arith.muli %mul3A_444, %scan3A_416 : i32
        %add3A_446 = vector.broadcast %mul3A_445 : i32 to vector<16xi32>
        %add3A_447 = arith.addi %iota3A, %add3A_446 : vector<16xi32>
        %add3A_448 = arith.constant 3 : i32
        %add3A_449 = vector.broadcast %add3A_448 : i32 to vector<16xi32>
        %add3A_450 = arith.addi %add3A_447, %add3A_449 : vector<16xi32>
        %and3A_451 = arith.constant 127 : i32
        %and3A_452 = vector.broadcast %and3A_451 : i32 to vector<16xi32>
        %and3A_453 = arith.andi %add3A_450, %and3A_452 : vector<16xi32>
        %gather3A_454 = tpu.vector_load_idx %arg11[%add3A_222, %and3A_423] : memref<64x128xf32, #tpu.memory_space<vmem>>[vector<16xi32>, vector<16xi32>], vector<16xf32>,
        %gather3A_455 = tpu.vector_load_idx %arg12[%add3A_222, %and3A_423] : memref<64x128xf32, #tpu.memory_space<vmem>>[vector<16xi32>, vector<16xi32>], vector<16xf32>,
        %mul3A_456 = arith.mulf %gather3A_454, %gather3A_455 : vector<16xf32>
        %add3A_457 = arith.addf %add3A_402, %mul3A_456 : vector<16xf32>
        %gather3A_458 = tpu.vector_load_idx %arg11[%add3A_222, %and3A_433] : memref<64x128xf32, #tpu.memory_space<vmem>>[vector<16xi32>, vector<16xi32>], vector<16xf32>,
        %gather3A_459 = tpu.vector_load_idx %arg12[%add3A_222, %and3A_433] : memref<64x128xf32, #tpu.memory_space<vmem>>[vector<16xi32>, vector<16xi32>], vector<16xf32>,
        %mul3A_460 = arith.mulf %gather3A_458, %gather3A_459 : vector<16xf32>
        %add3A_461 = arith.addf %add3A_406, %mul3A_460 : vector<16xf32>
        %gather3A_462 = tpu.vector_load_idx %arg11[%add3A_222, %and3A_443] : memref<64x128xf32, #tpu.memory_space<vmem>>[vector<16xi32>, vector<16xi32>], vector<16xf32>,
        %gather3A_463 = tpu.vector_load_idx %arg12[%add3A_222, %and3A_443] : memref<64x128xf32, #tpu.memory_space<vmem>>[vector<16xi32>, vector<16xi32>], vector<16xf32>,
        %mul3A_464 = arith.mulf %gather3A_462, %gather3A_463 : vector<16xf32>
        %add3A_465 = arith.addf %add3A_410, %mul3A_464 : vector<16xf32>
        %gather3A_466 = tpu.vector_load_idx %arg11[%add3A_222, %and3A_453] : memref<64x128xf32, #tpu.memory_space<vmem>>[vector<16xi32>, vector<16xi32>], vector<16xf32>,
        %gather3A_467 = tpu.vector_load_idx %arg12[%add3A_222, %and3A_453] : memref<64x128xf32, #tpu.memory_space<vmem>>[vector<16xi32>, vector<16xi32>], vector<16xf32>,
        %mul3A_468 = arith.mulf %gather3A_466, %gather3A_467 : vector<16xf32>
        %add3A_469 = arith.addf %add3A_414, %mul3A_468 : vector<16xf32>
        %scan3A_470 = arith.constant 4 : i32
        %scan3A_471 = arith.addi %scan3A_248, %scan3A_470 : i32
        %mul3A_472 = arith.constant 4 : i32
        %mul3A_473 = arith.muli %mul3A_472, %scan3A_471 : i32
        %add3A_474 = vector.broadcast %mul3A_473 : i32 to vector<16xi32>
        %add3A_475 = arith.addi %iota3A, %add3A_474 : vector<16xi32>
        %and3A_476 = arith.constant 127 : i32
        %and3A_477 = vector.broadcast %and3A_476 : i32 to vector<16xi32>
        %and3A_478 = arith.andi %add3A_475, %and3A_477 : vector<16xi32>
        %mul3A_479 = arith.constant 4 : i32
        %mul3A_480 = arith.muli %mul3A_479, %scan3A_471 : i32
        %add3A_481 = vector.broadcast %mul3A_480 : i32 to vector<16xi32>
        %add3A_482 = arith.addi %iota3A, %add3A_481 : vector<16xi32>
        %add3A_483 = arith.constant 1 : i32
        %add3A_484 = vector.broadcast %add3A_483 : i32 to vector<16xi32>
        %add3A_485 = arith.addi %add3A_482, %add3A_484 : vector<16xi32>
        %and3A_486 = arith.constant 127 : i32
        %and3A_487 = vector.broadcast %and3A_486 : i32 to vector<16xi32>
        %and3A_488 = arith.andi %add3A_485, %and3A_487 : vector<16xi32>
        %mul3A_489 = arith.constant 4 : i32
        %mul3A_490 = arith.muli %mul3A_489, %scan3A_471 : i32
        %add3A_491 = vector.broadcast %mul3A_490 : i32 to vector<16xi32>
        %add3A_492 = arith.addi %iota3A, %add3A_491 : vector<16xi32>
        %add3A_493 = arith.constant 2 : i32
        %add3A_494 = vector.broadcast %add3A_493 : i32 to vector<16xi32>
        %add3A_495 = arith.addi %add3A_492, %add3A_494 : vector<16xi32>
        %and3A_496 = arith.constant 127 : i32
        %and3A_497 = vector.broadcast %and3A_496 : i32 to vector<16xi32>
        %and3A_498 = arith.andi %add3A_495, %and3A_497 : vector<16xi32>
        %mul3A_499 = arith.constant 4 : i32
        %mul3A_500 = arith.muli %mul3A_499, %scan3A_471 : i32
        %add3A_501 = vector.broadcast %mul3A_500 : i32 to vector<16xi32>
        %add3A_502 = arith.addi %iota3A, %add3A_501 : vector<16xi32>
        %add3A_503 = arith.constant 3 : i32
        %add3A_504 = vector.broadcast %add3A_503 : i32 to vector<16xi32>
        %add3A_505 = arith.addi %add3A_502, %add3A_504 : vector<16xi32>
        %and3A_506 = arith.constant 127 : i32
        %and3A_507 = vector.broadcast %and3A_506 : i32 to vector<16xi32>
        %and3A_508 = arith.andi %add3A_505, %and3A_507 : vector<16xi32>
        %gather3A_509 = tpu.vector_load_idx %arg11[%add3A_222, %and3A_478] : memref<64x128xf32, #tpu.memory_space<vmem>>[vector<16xi32>, vector<16xi32>], vector<16xf32>,
        %gather3A_510 = tpu.vector_load_idx %arg12[%add3A_222, %and3A_478] : memref<64x128xf32, #tpu.memory_space<vmem>>[vector<16xi32>, vector<16xi32>], vector<16xf32>,
        %mul3A_511 = arith.mulf %gather3A_509, %gather3A_510 : vector<16xf32>
        %add3A_512 = arith.addf %add3A_457, %mul3A_511 : vector<16xf32>
        %gather3A_513 = tpu.vector_load_idx %arg11[%add3A_222, %and3A_488] : memref<64x128xf32, #tpu.memory_space<vmem>>[vector<16xi32>, vector<16xi32>], vector<16xf32>,
        %gather3A_514 = tpu.vector_load_idx %arg12[%add3A_222, %and3A_488] : memref<64x128xf32, #tpu.memory_space<vmem>>[vector<16xi32>, vector<16xi32>], vector<16xf32>,
        %mul3A_515 = arith.mulf %gather3A_513, %gather3A_514 : vector<16xf32>
        %add3A_516 = arith.addf %add3A_461, %mul3A_515 : vector<16xf32>
        %gather3A_517 = tpu.vector_load_idx %arg11[%add3A_222, %and3A_498] : memref<64x128xf32, #tpu.memory_space<vmem>>[vector<16xi32>, vector<16xi32>], vector<16xf32>,
        %gather3A_518 = tpu.vector_load_idx %arg12[%add3A_222, %and3A_498] : memref<64x128xf32, #tpu.memory_space<vmem>>[vector<16xi32>, vector<16xi32>], vector<16xf32>,
        %mul3A_519 = arith.mulf %gather3A_517, %gather3A_518 : vector<16xf32>
        %add3A_520 = arith.addf %add3A_465, %mul3A_519 : vector<16xf32>
        %gather3A_521 = tpu.vector_load_idx %arg11[%add3A_222, %and3A_508] : memref<64x128xf32, #tpu.memory_space<vmem>>[vector<16xi32>, vector<16xi32>], vector<16xf32>,
        %gather3A_522 = tpu.vector_load_idx %arg12[%add3A_222, %and3A_508] : memref<64x128xf32, #tpu.memory_space<vmem>>[vector<16xi32>, vector<16xi32>], vector<16xf32>,
        %mul3A_523 = arith.mulf %gather3A_521, %gather3A_522 : vector<16xf32>
        %add3A_524 = arith.addf %add3A_469, %mul3A_523 : vector<16xf32>
        %scan3A_525 = arith.constant 5 : i32
        %scan3A_526 = arith.addi %scan3A_248, %scan3A_525 : i32
        %mul3A_527 = arith.constant 4 : i32
        %mul3A_528 = arith.muli %mul3A_527, %scan3A_526 : i32
        %add3A_529 = vector.broadcast %mul3A_528 : i32 to vector<16xi32>
        %add3A_530 = arith.addi %iota3A, %add3A_529 : vector<16xi32>
        %and3A_531 = arith.constant 127 : i32
        %and3A_532 = vector.broadcast %and3A_531 : i32 to vector<16xi32>
        %and3A_533 = arith.andi %add3A_530, %and3A_532 : vector<16xi32>
        %mul3A_534 = arith.constant 4 : i32
        %mul3A_535 = arith.muli %mul3A_534, %scan3A_526 : i32
        %add3A_536 = vector.broadcast %mul3A_535 : i32 to vector<16xi32>
        %add3A_537 = arith.addi %iota3A, %add3A_536 : vector<16xi32>
        %add3A_538 = arith.constant 1 : i32
        %add3A_539 = vector.broadcast %add3A_538 : i32 to vector<16xi32>
        %add3A_540 = arith.addi %add3A_537, %add3A_539 : vector<16xi32>
        %and3A_541 = arith.constant 127 : i32
        %and3A_542 = vector.broadcast %and3A_541 : i32 to vector<16xi32>
        %and3A_543 = arith.andi %add3A_540, %and3A_542 : vector<16xi32>
        %mul3A_544 = arith.constant 4 : i32
        %mul3A_545 = arith.muli %mul3A_544, %scan3A_526 : i32
        %add3A_546 = vector.broadcast %mul3A_545 : i32 to vector<16xi32>
        %add3A_547 = arith.addi %iota3A, %add3A_546 : vector<16xi32>
        %add3A_548 = arith.constant 2 : i32
        %add3A_549 = vector.broadcast %add3A_548 : i32 to vector<16xi32>
        %add3A_550 = arith.addi %add3A_547, %add3A_549 : vector<16xi32>
        %and3A_551 = arith.constant 127 : i32
        %and3A_552 = vector.broadcast %and3A_551 : i32 to vector<16xi32>
        %and3A_553 = arith.andi %add3A_550, %and3A_552 : vector<16xi32>
        %mul3A_554 = arith.constant 4 : i32
        %mul3A_555 = arith.muli %mul3A_554, %scan3A_526 : i32
        %add3A_556 = vector.broadcast %mul3A_555 : i32 to vector<16xi32>
        %add3A_557 = arith.addi %iota3A, %add3A_556 : vector<16xi32>
        %add3A_558 = arith.constant 3 : i32
        %add3A_559 = vector.broadcast %add3A_558 : i32 to vector<16xi32>
        %add3A_560 = arith.addi %add3A_557, %add3A_559 : vector<16xi32>
        %and3A_561 = arith.constant 127 : i32
        %and3A_562 = vector.broadcast %and3A_561 : i32 to vector<16xi32>
        %and3A_563 = arith.andi %add3A_560, %and3A_562 : vector<16xi32>
        %gather3A_564 = tpu.vector_load_idx %arg11[%add3A_222, %and3A_533] : memref<64x128xf32, #tpu.memory_space<vmem>>[vector<16xi32>, vector<16xi32>], vector<16xf32>,
        %gather3A_565 = tpu.vector_load_idx %arg12[%add3A_222, %and3A_533] : memref<64x128xf32, #tpu.memory_space<vmem>>[vector<16xi32>, vector<16xi32>], vector<16xf32>,
        %mul3A_566 = arith.mulf %gather3A_564, %gather3A_565 : vector<16xf32>
        %add3A_567 = arith.addf %add3A_512, %mul3A_566 : vector<16xf32>
        %gather3A_568 = tpu.vector_load_idx %arg11[%add3A_222, %and3A_543] : memref<64x128xf32, #tpu.memory_space<vmem>>[vector<16xi32>, vector<16xi32>], vector<16xf32>,
        %gather3A_569 = tpu.vector_load_idx %arg12[%add3A_222, %and3A_543] : memref<64x128xf32, #tpu.memory_space<vmem>>[vector<16xi32>, vector<16xi32>], vector<16xf32>,
        %mul3A_570 = arith.mulf %gather3A_568, %gather3A_569 : vector<16xf32>
        %add3A_571 = arith.addf %add3A_516, %mul3A_570 : vector<16xf32>
        %gather3A_572 = tpu.vector_load_idx %arg11[%add3A_222, %and3A_553] : memref<64x128xf32, #tpu.memory_space<vmem>>[vector<16xi32>, vector<16xi32>], vector<16xf32>,
        %gather3A_573 = tpu.vector_load_idx %arg12[%add3A_222, %and3A_553] : memref<64x128xf32, #tpu.memory_space<vmem>>[vector<16xi32>, vector<16xi32>], vector<16xf32>,
        %mul3A_574 = arith.mulf %gather3A_572, %gather3A_573 : vector<16xf32>
        %add3A_575 = arith.addf %add3A_520, %mul3A_574 : vector<16xf32>
        %gather3A_576 = tpu.vector_load_idx %arg11[%add3A_222, %and3A_563] : memref<64x128xf32, #tpu.memory_space<vmem>>[vector<16xi32>, vector<16xi32>], vector<16xf32>,
        %gather3A_577 = tpu.vector_load_idx %arg12[%add3A_222, %and3A_563] : memref<64x128xf32, #tpu.memory_space<vmem>>[vector<16xi32>, vector<16xi32>], vector<16xf32>,
        %mul3A_578 = arith.mulf %gather3A_576, %gather3A_577 : vector<16xf32>
        %add3A_579 = arith.addf %add3A_524, %mul3A_578 : vector<16xf32>
        %scan3A_580 = arith.constant 6 : i32
        %scan3A_581 = arith.addi %scan3A_248, %scan3A_580 : i32
        %mul3A_582 = arith.constant 4 : i32
        %mul3A_583 = arith.muli %mul3A_582, %scan3A_581 : i32
        %add3A_584 = vector.broadcast %mul3A_583 : i32 to vector<16xi32>
        %add3A_585 = arith.addi %iota3A, %add3A_584 : vector<16xi32>
        %and3A_586 = arith.constant 127 : i32
        %and3A_587 = vector.broadcast %and3A_586 : i32 to vector<16xi32>
        %and3A_588 = arith.andi %add3A_585, %and3A_587 : vector<16xi32>
        %mul3A_589 = arith.constant 4 : i32
        %mul3A_590 = arith.muli %mul3A_589, %scan3A_581 : i32
        %add3A_591 = vector.broadcast %mul3A_590 : i32 to vector<16xi32>
        %add3A_592 = arith.addi %iota3A, %add3A_591 : vector<16xi32>
        %add3A_593 = arith.constant 1 : i32
        %add3A_594 = vector.broadcast %add3A_593 : i32 to vector<16xi32>
        %add3A_595 = arith.addi %add3A_592, %add3A_594 : vector<16xi32>
        %and3A_596 = arith.constant 127 : i32
        %and3A_597 = vector.broadcast %and3A_596 : i32 to vector<16xi32>
        %and3A_598 = arith.andi %add3A_595, %and3A_597 : vector<16xi32>
        %mul3A_599 = arith.constant 4 : i32
        %mul3A_600 = arith.muli %mul3A_599, %scan3A_581 : i32
        %add3A_601 = vector.broadcast %mul3A_600 : i32 to vector<16xi32>
        %add3A_602 = arith.addi %iota3A, %add3A_601 : vector<16xi32>
        %add3A_603 = arith.constant 2 : i32
        %add3A_604 = vector.broadcast %add3A_603 : i32 to vector<16xi32>
        %add3A_605 = arith.addi %add3A_602, %add3A_604 : vector<16xi32>
        %and3A_606 = arith.constant 127 : i32
        %and3A_607 = vector.broadcast %and3A_606 : i32 to vector<16xi32>
        %and3A_608 = arith.andi %add3A_605, %and3A_607 : vector<16xi32>
        %mul3A_609 = arith.constant 4 : i32
        %mul3A_610 = arith.muli %mul3A_609, %scan3A_581 : i32
        %add3A_611 = vector.broadcast %mul3A_610 : i32 to vector<16xi32>
        %add3A_612 = arith.addi %iota3A, %add3A_611 : vector<16xi32>
        %add3A_613 = arith.constant 3 : i32
        %add3A_614 = vector.broadcast %add3A_613 : i32 to vector<16xi32>
        %add3A_615 = arith.addi %add3A_612, %add3A_614 : vector<16xi32>
        %and3A_616 = arith.constant 127 : i32
        %and3A_617 = vector.broadcast %and3A_616 : i32 to vector<16xi32>
        %and3A_618 = arith.andi %add3A_615, %and3A_617 : vector<16xi32>
        %gather3A_619 = tpu.vector_load_idx %arg11[%add3A_222, %and3A_588] : memref<64x128xf32, #tpu.memory_space<vmem>>[vector<16xi32>, vector<16xi32>], vector<16xf32>,
        %gather3A_620 = tpu.vector_load_idx %arg12[%add3A_222, %and3A_588] : memref<64x128xf32, #tpu.memory_space<vmem>>[vector<16xi32>, vector<16xi32>], vector<16xf32>,
        %mul3A_621 = arith.mulf %gather3A_619, %gather3A_620 : vector<16xf32>
        %add3A_622 = arith.addf %add3A_567, %mul3A_621 : vector<16xf32>
        %gather3A_623 = tpu.vector_load_idx %arg11[%add3A_222, %and3A_598] : memref<64x128xf32, #tpu.memory_space<vmem>>[vector<16xi32>, vector<16xi32>], vector<16xf32>,
        %gather3A_624 = tpu.vector_load_idx %arg12[%add3A_222, %and3A_598] : memref<64x128xf32, #tpu.memory_space<vmem>>[vector<16xi32>, vector<16xi32>], vector<16xf32>,
        %mul3A_625 = arith.mulf %gather3A_623, %gather3A_624 : vector<16xf32>
        %add3A_626 = arith.addf %add3A_571, %mul3A_625 : vector<16xf32>
        %gather3A_627 = tpu.vector_load_idx %arg11[%add3A_222, %and3A_608] : memref<64x128xf32, #tpu.memory_space<vmem>>[vector<16xi32>, vector<16xi32>], vector<16xf32>,
        %gather3A_628 = tpu.vector_load_idx %arg12[%add3A_222, %and3A_608] : memref<64x128xf32, #tpu.memory_space<vmem>>[vector<16xi32>, vector<16xi32>], vector<16xf32>,
        %mul3A_629 = arith.mulf %gather3A_627, %gather3A_628 : vector<16xf32>
        %add3A_630 = arith.addf %add3A_575, %mul3A_629 : vector<16xf32>
        %gather3A_631 = tpu.vector_load_idx %arg11[%add3A_222, %and3A_618] : memref<64x128xf32, #tpu.memory_space<vmem>>[vector<16xi32>, vector<16xi32>], vector<16xf32>,
        %gather3A_632 = tpu.vector_load_idx %arg12[%add3A_222, %and3A_618] : memref<64x128xf32, #tpu.memory_space<vmem>>[vector<16xi32>, vector<16xi32>], vector<16xf32>,
        %mul3A_633 = arith.mulf %gather3A_631, %gather3A_632 : vector<16xf32>
        %add3A_634 = arith.addf %add3A_579, %mul3A_633 : vector<16xf32>
        %scan3A_635 = arith.constant 7 : i32
        %scan3A_636 = arith.addi %scan3A_248, %scan3A_635 : i32
        %mul3A_637 = arith.constant 4 : i32
        %mul3A_638 = arith.muli %mul3A_637, %scan3A_636 : i32
        %add3A_639 = vector.broadcast %mul3A_638 : i32 to vector<16xi32>
        %add3A_640 = arith.addi %iota3A, %add3A_639 : vector<16xi32>
        %and3A_641 = arith.constant 127 : i32
        %and3A_642 = vector.broadcast %and3A_641 : i32 to vector<16xi32>
        %and3A_643 = arith.andi %add3A_640, %and3A_642 : vector<16xi32>
        %mul3A_644 = arith.constant 4 : i32
        %mul3A_645 = arith.muli %mul3A_644, %scan3A_636 : i32
        %add3A_646 = vector.broadcast %mul3A_645 : i32 to vector<16xi32>
        %add3A_647 = arith.addi %iota3A, %add3A_646 : vector<16xi32>
        %add3A_648 = arith.constant 1 : i32
        %add3A_649 = vector.broadcast %add3A_648 : i32 to vector<16xi32>
        %add3A_650 = arith.addi %add3A_647, %add3A_649 : vector<16xi32>
        %and3A_651 = arith.constant 127 : i32
        %and3A_652 = vector.broadcast %and3A_651 : i32 to vector<16xi32>
        %and3A_653 = arith.andi %add3A_650, %and3A_652 : vector<16xi32>
        %mul3A_654 = arith.constant 4 : i32
        %mul3A_655 = arith.muli %mul3A_654, %scan3A_636 : i32
        %add3A_656 = vector.broadcast %mul3A_655 : i32 to vector<16xi32>
        %add3A_657 = arith.addi %iota3A, %add3A_656 : vector<16xi32>
        %add3A_658 = arith.constant 2 : i32
        %add3A_659 = vector.broadcast %add3A_658 : i32 to vector<16xi32>
        %add3A_660 = arith.addi %add3A_657, %add3A_659 : vector<16xi32>
        %and3A_661 = arith.constant 127 : i32
        %and3A_662 = vector.broadcast %and3A_661 : i32 to vector<16xi32>
        %and3A_663 = arith.andi %add3A_660, %and3A_662 : vector<16xi32>
        %mul3A_664 = arith.constant 4 : i32
        %mul3A_665 = arith.muli %mul3A_664, %scan3A_636 : i32
        %add3A_666 = vector.broadcast %mul3A_665 : i32 to vector<16xi32>
        %add3A_667 = arith.addi %iota3A, %add3A_666 : vector<16xi32>
        %add3A_668 = arith.constant 3 : i32
        %add3A_669 = vector.broadcast %add3A_668 : i32 to vector<16xi32>
        %add3A_670 = arith.addi %add3A_667, %add3A_669 : vector<16xi32>
        %and3A_671 = arith.constant 127 : i32
        %and3A_672 = vector.broadcast %and3A_671 : i32 to vector<16xi32>
        %and3A_673 = arith.andi %add3A_670, %and3A_672 : vector<16xi32>
        %gather3A_674 = tpu.vector_load_idx %arg11[%add3A_222, %and3A_643] : memref<64x128xf32, #tpu.memory_space<vmem>>[vector<16xi32>, vector<16xi32>], vector<16xf32>,
        %gather3A_675 = tpu.vector_load_idx %arg12[%add3A_222, %and3A_643] : memref<64x128xf32, #tpu.memory_space<vmem>>[vector<16xi32>, vector<16xi32>], vector<16xf32>,
        %mul3A_676 = arith.mulf %gather3A_674, %gather3A_675 : vector<16xf32>
        %add3A_677 = arith.addf %add3A_622, %mul3A_676 : vector<16xf32>
        %gather3A_678 = tpu.vector_load_idx %arg11[%add3A_222, %and3A_653] : memref<64x128xf32, #tpu.memory_space<vmem>>[vector<16xi32>, vector<16xi32>], vector<16xf32>,
        %gather3A_679 = tpu.vector_load_idx %arg12[%add3A_222, %and3A_653] : memref<64x128xf32, #tpu.memory_space<vmem>>[vector<16xi32>, vector<16xi32>], vector<16xf32>,
        %mul3A_680 = arith.mulf %gather3A_678, %gather3A_679 : vector<16xf32>
        %add3A_681 = arith.addf %add3A_626, %mul3A_680 : vector<16xf32>
        %gather3A_682 = tpu.vector_load_idx %arg11[%add3A_222, %and3A_663] : memref<64x128xf32, #tpu.memory_space<vmem>>[vector<16xi32>, vector<16xi32>], vector<16xf32>,
        %gather3A_683 = tpu.vector_load_idx %arg12[%add3A_222, %and3A_663] : memref<64x128xf32, #tpu.memory_space<vmem>>[vector<16xi32>, vector<16xi32>], vector<16xf32>,
        %mul3A_684 = arith.mulf %gather3A_682, %gather3A_683 : vector<16xf32>
        %add3A_685 = arith.addf %add3A_630, %mul3A_684 : vector<16xf32>
        %gather3A_686 = tpu.vector_load_idx %arg11[%add3A_222, %and3A_673] : memref<64x128xf32, #tpu.memory_space<vmem>>[vector<16xi32>, vector<16xi32>], vector<16xf32>,
        %gather3A_687 = tpu.vector_load_idx %arg12[%add3A_222, %and3A_673] : memref<64x128xf32, #tpu.memory_space<vmem>>[vector<16xi32>, vector<16xi32>], vector<16xf32>,
        %mul3A_688 = arith.mulf %gather3A_686, %gather3A_687 : vector<16xf32>
        %add3A_689 = arith.addf %add3A_634, %mul3A_688 : vector<16xf32>
        scf.yield %add3A_677, %add3A_681, %add3A_685, %add3A_689 : vector<16xf32>, vector<16xf32>, vector<16xf32>, vector<16xf32>
      }
      %scan3A_230 = arith.constant 32 : i32
      %add3A_231 = arith.addf %scan3A_229#0, %scan3A_229#1 : vector<16xf32>
      %add3A_232 = arith.addf %scan3A_229#2, %scan3A_229#3 : vector<16xf32>
      %add3A_233 = arith.addf %add3A_231, %add3A_232 : vector<16xf32>
      %mul3A_234 = arith.mulf %add3A_233, %gather3A : vector<16xf32>
      %add3A_235 = arith.addf %mul3A_234, %gather3A_12 : vector<16xf32>
      %neg3A = arith.constant 0.000000e+00 : f32
      %neg3A_236 = vector.broadcast %neg3A : f32 to vector<16xf32>
      %neg3A_237 = arith.subf %neg3A_236, %add3A_235 : vector<16xf32>
      %exp3A = math.exp %neg3A_237 : vector<16xf32>
      %add3A_238 = arith.constant 1.000000e+00 : f32
      %add3A_239 = vector.broadcast %add3A_238 : f32 to vector<16xf32>
      %add3A_240 = arith.addf %add3A_239, %exp3A : vector<16xf32>
      %div3A = arith.constant 1.000000e+00 : f32
      %div3A_241 = vector.broadcast %div3A : f32 to vector<16xf32>
      %div3A_242 = arith.divf %div3A_241, %add3A_240 : vector<16xf32>
      %mul3A_243 = arith.constant 16 : i32
      %mul3A_244 = arith.muli %scan3A_218, %mul3A_243 : i32
      %add3A_245 = arith.constant 384 : i32
      %add3A_246 = arith.addi %add3A_245, %mul3A_244 : i32
      %swap3A = arith.index_cast %add3A_246 : i32 to index
      %swap3A_247 = tpu.vector_load %arg17[%swap3A] {strides = array<i32>} : memref<512xf32, #tpu.memory_space<vmem>>, vector<16xf32>,
      tpu.vector_store %arg17[%swap3A], %div3A_242 {strides = array<i32>} : memref<512xf32, #tpu.memory_space<vmem>>, vector<16xf32>,
    }
    %scan3A_196 = arith.constant 4 : i32
    %dma_wait3A_197 = arith.constant 448 : i32
    %dma_wait3A_198 = tpu.memref_slice %arg9[%dma_wait3A_197] : memref<512xi32, #tpu.memory_space<vmem>> -> memref<64xi32, #tpu.memory_space<vmem>>
    %dma_wait3A_199 = arith.constant 0 : i32
    %dma_wait3A_200 = arith.constant 0 : i32
    %dma_wait3A_201 = tpu.memref_slice %arg4[%dma_wait3A_199, %dma_wait3A_200] : memref<100000x128xf32, #tpu.memory_space<hbm>> -> memref<100000x128xf32, #tpu.memory_space<hbm>>
    tpu.wait_indirect_dma semaphore(%arg22 : memref<!tpu.dma_semaphore, #tpu.memory_space<semaphore_mem>>) src(%dma_wait3A_201 : memref<100000x128xf32, #tpu.memory_space<hbm>>) dst(%arg13 : memref<64x128xf32, #tpu.memory_space<vmem>>)
    %dma_wait3A_202 = arith.constant 448 : i32
    %dma_wait3A_203 = tpu.memref_slice %arg10[%dma_wait3A_202] : memref<512xi32, #tpu.memory_space<vmem>> -> memref<64xi32, #tpu.memory_space<vmem>>
    %dma_wait3A_204 = arith.constant 0 : i32
    %dma_wait3A_205 = arith.constant 0 : i32
    %dma_wait3A_206 = tpu.memref_slice %arg5[%dma_wait3A_204, %dma_wait3A_205] : memref<100000x128xf32, #tpu.memory_space<hbm>> -> memref<100000x128xf32, #tpu.memory_space<hbm>>
    tpu.wait_indirect_dma semaphore(%arg23 : memref<!tpu.dma_semaphore, #tpu.memory_space<semaphore_mem>>) src(%dma_wait3A_206 : memref<100000x128xf32, #tpu.memory_space<hbm>>) dst(%arg14 : memref<64x128xf32, #tpu.memory_space<vmem>>)
    %scan3A_207 = arith.constant 0 : i32
    %scan3A_208 = arith.constant 4 : i32
    %scan3A_209 = arith.addi %scan3A_207, %scan3A_208 : i32
    %scan3A_210 = arith.constant 1 : i32
    scf.for %scan3A_218 = %scan3A_207 to %scan3A_209 step %scan3A_210  : i32 {
      %mul3A_219 = arith.constant 16 : i32
      %mul3A_220 = arith.muli %scan3A_218, %mul3A_219 : i32
      %add3A_221 = vector.broadcast %mul3A_220 : i32 to vector<16xi32>
      %add3A_222 = arith.addi %add3A_221, %iota3A : vector<16xi32>
      %broadcast_in_dim3A_223 = arith.constant 0.000000e+00 : f32
      %broadcast_in_dim3A_224 = vector.broadcast %broadcast_in_dim3A_223 : f32 to vector<16xf32>
      %scan3A_225 = arith.constant 0 : i32
      %scan3A_226 = arith.constant 32 : i32
      %scan3A_227 = arith.addi %scan3A_225, %scan3A_226 : i32
      %scan3A_228 = arith.constant 8 : i32
      %scan3A_229:4 = scf.for %scan3A_248 = %scan3A_225 to %scan3A_227 step %scan3A_228 iter_args(%scan3A_249 = %broadcast_in_dim3A_224, %scan3A_250 = %broadcast_in_dim3A_224, %scan3A_251 = %broadcast_in_dim3A_224, %scan3A_252 = %broadcast_in_dim3A_224) -> (vector<16xf32>, vector<16xf32>, vector<16xf32>, vector<16xf32>)  : i32 {
        %mul3A_253 = arith.constant 4 : i32
        %mul3A_254 = arith.muli %mul3A_253, %scan3A_248 : i32
        %add3A_255 = vector.broadcast %mul3A_254 : i32 to vector<16xi32>
        %add3A_256 = arith.addi %iota3A, %add3A_255 : vector<16xi32>
        %and3A = arith.constant 127 : i32
        %and3A_257 = vector.broadcast %and3A : i32 to vector<16xi32>
        %and3A_258 = arith.andi %add3A_256, %and3A_257 : vector<16xi32>
        %mul3A_259 = arith.constant 4 : i32
        %mul3A_260 = arith.muli %mul3A_259, %scan3A_248 : i32
        %add3A_261 = vector.broadcast %mul3A_260 : i32 to vector<16xi32>
        %add3A_262 = arith.addi %iota3A, %add3A_261 : vector<16xi32>
        %add3A_263 = arith.constant 1 : i32
        %add3A_264 = vector.broadcast %add3A_263 : i32 to vector<16xi32>
        %add3A_265 = arith.addi %add3A_262, %add3A_264 : vector<16xi32>
        %and3A_266 = arith.constant 127 : i32
        %and3A_267 = vector.broadcast %and3A_266 : i32 to vector<16xi32>
        %and3A_268 = arith.andi %add3A_265, %and3A_267 : vector<16xi32>
        %mul3A_269 = arith.constant 4 : i32
        %mul3A_270 = arith.muli %mul3A_269, %scan3A_248 : i32
        %add3A_271 = vector.broadcast %mul3A_270 : i32 to vector<16xi32>
        %add3A_272 = arith.addi %iota3A, %add3A_271 : vector<16xi32>
        %add3A_273 = arith.constant 2 : i32
        %add3A_274 = vector.broadcast %add3A_273 : i32 to vector<16xi32>
        %add3A_275 = arith.addi %add3A_272, %add3A_274 : vector<16xi32>
        %and3A_276 = arith.constant 127 : i32
        %and3A_277 = vector.broadcast %and3A_276 : i32 to vector<16xi32>
        %and3A_278 = arith.andi %add3A_275, %and3A_277 : vector<16xi32>
        %mul3A_279 = arith.constant 4 : i32
        %mul3A_280 = arith.muli %mul3A_279, %scan3A_248 : i32
        %add3A_281 = vector.broadcast %mul3A_280 : i32 to vector<16xi32>
        %add3A_282 = arith.addi %iota3A, %add3A_281 : vector<16xi32>
        %add3A_283 = arith.constant 3 : i32
        %add3A_284 = vector.broadcast %add3A_283 : i32 to vector<16xi32>
        %add3A_285 = arith.addi %add3A_282, %add3A_284 : vector<16xi32>
        %and3A_286 = arith.constant 127 : i32
        %and3A_287 = vector.broadcast %and3A_286 : i32 to vector<16xi32>
        %and3A_288 = arith.andi %add3A_285, %and3A_287 : vector<16xi32>
        %gather3A_289 = tpu.vector_load_idx %arg13[%add3A_222, %and3A_258] : memref<64x128xf32, #tpu.memory_space<vmem>>[vector<16xi32>, vector<16xi32>], vector<16xf32>,
        %gather3A_290 = tpu.vector_load_idx %arg14[%add3A_222, %and3A_258] : memref<64x128xf32, #tpu.memory_space<vmem>>[vector<16xi32>, vector<16xi32>], vector<16xf32>,
        %mul3A_291 = arith.mulf %gather3A_289, %gather3A_290 : vector<16xf32>
        %add3A_292 = arith.addf %scan3A_249, %mul3A_291 : vector<16xf32>
        %gather3A_293 = tpu.vector_load_idx %arg13[%add3A_222, %and3A_268] : memref<64x128xf32, #tpu.memory_space<vmem>>[vector<16xi32>, vector<16xi32>], vector<16xf32>,
        %gather3A_294 = tpu.vector_load_idx %arg14[%add3A_222, %and3A_268] : memref<64x128xf32, #tpu.memory_space<vmem>>[vector<16xi32>, vector<16xi32>], vector<16xf32>,
        %mul3A_295 = arith.mulf %gather3A_293, %gather3A_294 : vector<16xf32>
        %add3A_296 = arith.addf %scan3A_250, %mul3A_295 : vector<16xf32>
        %gather3A_297 = tpu.vector_load_idx %arg13[%add3A_222, %and3A_278] : memref<64x128xf32, #tpu.memory_space<vmem>>[vector<16xi32>, vector<16xi32>], vector<16xf32>,
        %gather3A_298 = tpu.vector_load_idx %arg14[%add3A_222, %and3A_278] : memref<64x128xf32, #tpu.memory_space<vmem>>[vector<16xi32>, vector<16xi32>], vector<16xf32>,
        %mul3A_299 = arith.mulf %gather3A_297, %gather3A_298 : vector<16xf32>
        %add3A_300 = arith.addf %scan3A_251, %mul3A_299 : vector<16xf32>
        %gather3A_301 = tpu.vector_load_idx %arg13[%add3A_222, %and3A_288] : memref<64x128xf32, #tpu.memory_space<vmem>>[vector<16xi32>, vector<16xi32>], vector<16xf32>,
        %gather3A_302 = tpu.vector_load_idx %arg14[%add3A_222, %and3A_288] : memref<64x128xf32, #tpu.memory_space<vmem>>[vector<16xi32>, vector<16xi32>], vector<16xf32>,
        %mul3A_303 = arith.mulf %gather3A_301, %gather3A_302 : vector<16xf32>
        %add3A_304 = arith.addf %scan3A_252, %mul3A_303 : vector<16xf32>
        %scan3A_305 = arith.constant 1 : i32
        %scan3A_306 = arith.addi %scan3A_248, %scan3A_305 : i32
        %mul3A_307 = arith.constant 4 : i32
        %mul3A_308 = arith.muli %mul3A_307, %scan3A_306 : i32
        %add3A_309 = vector.broadcast %mul3A_308 : i32 to vector<16xi32>
        %add3A_310 = arith.addi %iota3A, %add3A_309 : vector<16xi32>
        %and3A_311 = arith.constant 127 : i32
        %and3A_312 = vector.broadcast %and3A_311 : i32 to vector<16xi32>
        %and3A_313 = arith.andi %add3A_310, %and3A_312 : vector<16xi32>
        %mul3A_314 = arith.constant 4 : i32
        %mul3A_315 = arith.muli %mul3A_314, %scan3A_306 : i32
        %add3A_316 = vector.broadcast %mul3A_315 : i32 to vector<16xi32>
        %add3A_317 = arith.addi %iota3A, %add3A_316 : vector<16xi32>
        %add3A_318 = arith.constant 1 : i32
        %add3A_319 = vector.broadcast %add3A_318 : i32 to vector<16xi32>
        %add3A_320 = arith.addi %add3A_317, %add3A_319 : vector<16xi32>
        %and3A_321 = arith.constant 127 : i32
        %and3A_322 = vector.broadcast %and3A_321 : i32 to vector<16xi32>
        %and3A_323 = arith.andi %add3A_320, %and3A_322 : vector<16xi32>
        %mul3A_324 = arith.constant 4 : i32
        %mul3A_325 = arith.muli %mul3A_324, %scan3A_306 : i32
        %add3A_326 = vector.broadcast %mul3A_325 : i32 to vector<16xi32>
        %add3A_327 = arith.addi %iota3A, %add3A_326 : vector<16xi32>
        %add3A_328 = arith.constant 2 : i32
        %add3A_329 = vector.broadcast %add3A_328 : i32 to vector<16xi32>
        %add3A_330 = arith.addi %add3A_327, %add3A_329 : vector<16xi32>
        %and3A_331 = arith.constant 127 : i32
        %and3A_332 = vector.broadcast %and3A_331 : i32 to vector<16xi32>
        %and3A_333 = arith.andi %add3A_330, %and3A_332 : vector<16xi32>
        %mul3A_334 = arith.constant 4 : i32
        %mul3A_335 = arith.muli %mul3A_334, %scan3A_306 : i32
        %add3A_336 = vector.broadcast %mul3A_335 : i32 to vector<16xi32>
        %add3A_337 = arith.addi %iota3A, %add3A_336 : vector<16xi32>
        %add3A_338 = arith.constant 3 : i32
        %add3A_339 = vector.broadcast %add3A_338 : i32 to vector<16xi32>
        %add3A_340 = arith.addi %add3A_337, %add3A_339 : vector<16xi32>
        %and3A_341 = arith.constant 127 : i32
        %and3A_342 = vector.broadcast %and3A_341 : i32 to vector<16xi32>
        %and3A_343 = arith.andi %add3A_340, %and3A_342 : vector<16xi32>
        %gather3A_344 = tpu.vector_load_idx %arg13[%add3A_222, %and3A_313] : memref<64x128xf32, #tpu.memory_space<vmem>>[vector<16xi32>, vector<16xi32>], vector<16xf32>,
        %gather3A_345 = tpu.vector_load_idx %arg14[%add3A_222, %and3A_313] : memref<64x128xf32, #tpu.memory_space<vmem>>[vector<16xi32>, vector<16xi32>], vector<16xf32>,
        %mul3A_346 = arith.mulf %gather3A_344, %gather3A_345 : vector<16xf32>
        %add3A_347 = arith.addf %add3A_292, %mul3A_346 : vector<16xf32>
        %gather3A_348 = tpu.vector_load_idx %arg13[%add3A_222, %and3A_323] : memref<64x128xf32, #tpu.memory_space<vmem>>[vector<16xi32>, vector<16xi32>], vector<16xf32>,
        %gather3A_349 = tpu.vector_load_idx %arg14[%add3A_222, %and3A_323] : memref<64x128xf32, #tpu.memory_space<vmem>>[vector<16xi32>, vector<16xi32>], vector<16xf32>,
        %mul3A_350 = arith.mulf %gather3A_348, %gather3A_349 : vector<16xf32>
        %add3A_351 = arith.addf %add3A_296, %mul3A_350 : vector<16xf32>
        %gather3A_352 = tpu.vector_load_idx %arg13[%add3A_222, %and3A_333] : memref<64x128xf32, #tpu.memory_space<vmem>>[vector<16xi32>, vector<16xi32>], vector<16xf32>,
        %gather3A_353 = tpu.vector_load_idx %arg14[%add3A_222, %and3A_333] : memref<64x128xf32, #tpu.memory_space<vmem>>[vector<16xi32>, vector<16xi32>], vector<16xf32>,
        %mul3A_354 = arith.mulf %gather3A_352, %gather3A_353 : vector<16xf32>
        %add3A_355 = arith.addf %add3A_300, %mul3A_354 : vector<16xf32>
        %gather3A_356 = tpu.vector_load_idx %arg13[%add3A_222, %and3A_343] : memref<64x128xf32, #tpu.memory_space<vmem>>[vector<16xi32>, vector<16xi32>], vector<16xf32>,
        %gather3A_357 = tpu.vector_load_idx %arg14[%add3A_222, %and3A_343] : memref<64x128xf32, #tpu.memory_space<vmem>>[vector<16xi32>, vector<16xi32>], vector<16xf32>,
        %mul3A_358 = arith.mulf %gather3A_356, %gather3A_357 : vector<16xf32>
        %add3A_359 = arith.addf %add3A_304, %mul3A_358 : vector<16xf32>
        %scan3A_360 = arith.constant 2 : i32
        %scan3A_361 = arith.addi %scan3A_248, %scan3A_360 : i32
        %mul3A_362 = arith.constant 4 : i32
        %mul3A_363 = arith.muli %mul3A_362, %scan3A_361 : i32
        %add3A_364 = vector.broadcast %mul3A_363 : i32 to vector<16xi32>
        %add3A_365 = arith.addi %iota3A, %add3A_364 : vector<16xi32>
        %and3A_366 = arith.constant 127 : i32
        %and3A_367 = vector.broadcast %and3A_366 : i32 to vector<16xi32>
        %and3A_368 = arith.andi %add3A_365, %and3A_367 : vector<16xi32>
        %mul3A_369 = arith.constant 4 : i32
        %mul3A_370 = arith.muli %mul3A_369, %scan3A_361 : i32
        %add3A_371 = vector.broadcast %mul3A_370 : i32 to vector<16xi32>
        %add3A_372 = arith.addi %iota3A, %add3A_371 : vector<16xi32>
        %add3A_373 = arith.constant 1 : i32
        %add3A_374 = vector.broadcast %add3A_373 : i32 to vector<16xi32>
        %add3A_375 = arith.addi %add3A_372, %add3A_374 : vector<16xi32>
        %and3A_376 = arith.constant 127 : i32
        %and3A_377 = vector.broadcast %and3A_376 : i32 to vector<16xi32>
        %and3A_378 = arith.andi %add3A_375, %and3A_377 : vector<16xi32>
        %mul3A_379 = arith.constant 4 : i32
        %mul3A_380 = arith.muli %mul3A_379, %scan3A_361 : i32
        %add3A_381 = vector.broadcast %mul3A_380 : i32 to vector<16xi32>
        %add3A_382 = arith.addi %iota3A, %add3A_381 : vector<16xi32>
        %add3A_383 = arith.constant 2 : i32
        %add3A_384 = vector.broadcast %add3A_383 : i32 to vector<16xi32>
        %add3A_385 = arith.addi %add3A_382, %add3A_384 : vector<16xi32>
        %and3A_386 = arith.constant 127 : i32
        %and3A_387 = vector.broadcast %and3A_386 : i32 to vector<16xi32>
        %and3A_388 = arith.andi %add3A_385, %and3A_387 : vector<16xi32>
        %mul3A_389 = arith.constant 4 : i32
        %mul3A_390 = arith.muli %mul3A_389, %scan3A_361 : i32
        %add3A_391 = vector.broadcast %mul3A_390 : i32 to vector<16xi32>
        %add3A_392 = arith.addi %iota3A, %add3A_391 : vector<16xi32>
        %add3A_393 = arith.constant 3 : i32
        %add3A_394 = vector.broadcast %add3A_393 : i32 to vector<16xi32>
        %add3A_395 = arith.addi %add3A_392, %add3A_394 : vector<16xi32>
        %and3A_396 = arith.constant 127 : i32
        %and3A_397 = vector.broadcast %and3A_396 : i32 to vector<16xi32>
        %and3A_398 = arith.andi %add3A_395, %and3A_397 : vector<16xi32>
        %gather3A_399 = tpu.vector_load_idx %arg13[%add3A_222, %and3A_368] : memref<64x128xf32, #tpu.memory_space<vmem>>[vector<16xi32>, vector<16xi32>], vector<16xf32>,
        %gather3A_400 = tpu.vector_load_idx %arg14[%add3A_222, %and3A_368] : memref<64x128xf32, #tpu.memory_space<vmem>>[vector<16xi32>, vector<16xi32>], vector<16xf32>,
        %mul3A_401 = arith.mulf %gather3A_399, %gather3A_400 : vector<16xf32>
        %add3A_402 = arith.addf %add3A_347, %mul3A_401 : vector<16xf32>
        %gather3A_403 = tpu.vector_load_idx %arg13[%add3A_222, %and3A_378] : memref<64x128xf32, #tpu.memory_space<vmem>>[vector<16xi32>, vector<16xi32>], vector<16xf32>,
        %gather3A_404 = tpu.vector_load_idx %arg14[%add3A_222, %and3A_378] : memref<64x128xf32, #tpu.memory_space<vmem>>[vector<16xi32>, vector<16xi32>], vector<16xf32>,
        %mul3A_405 = arith.mulf %gather3A_403, %gather3A_404 : vector<16xf32>
        %add3A_406 = arith.addf %add3A_351, %mul3A_405 : vector<16xf32>
        %gather3A_407 = tpu.vector_load_idx %arg13[%add3A_222, %and3A_388] : memref<64x128xf32, #tpu.memory_space<vmem>>[vector<16xi32>, vector<16xi32>], vector<16xf32>,
        %gather3A_408 = tpu.vector_load_idx %arg14[%add3A_222, %and3A_388] : memref<64x128xf32, #tpu.memory_space<vmem>>[vector<16xi32>, vector<16xi32>], vector<16xf32>,
        %mul3A_409 = arith.mulf %gather3A_407, %gather3A_408 : vector<16xf32>
        %add3A_410 = arith.addf %add3A_355, %mul3A_409 : vector<16xf32>
        %gather3A_411 = tpu.vector_load_idx %arg13[%add3A_222, %and3A_398] : memref<64x128xf32, #tpu.memory_space<vmem>>[vector<16xi32>, vector<16xi32>], vector<16xf32>,
        %gather3A_412 = tpu.vector_load_idx %arg14[%add3A_222, %and3A_398] : memref<64x128xf32, #tpu.memory_space<vmem>>[vector<16xi32>, vector<16xi32>], vector<16xf32>,
        %mul3A_413 = arith.mulf %gather3A_411, %gather3A_412 : vector<16xf32>
        %add3A_414 = arith.addf %add3A_359, %mul3A_413 : vector<16xf32>
        %scan3A_415 = arith.constant 3 : i32
        %scan3A_416 = arith.addi %scan3A_248, %scan3A_415 : i32
        %mul3A_417 = arith.constant 4 : i32
        %mul3A_418 = arith.muli %mul3A_417, %scan3A_416 : i32
        %add3A_419 = vector.broadcast %mul3A_418 : i32 to vector<16xi32>
        %add3A_420 = arith.addi %iota3A, %add3A_419 : vector<16xi32>
        %and3A_421 = arith.constant 127 : i32
        %and3A_422 = vector.broadcast %and3A_421 : i32 to vector<16xi32>
        %and3A_423 = arith.andi %add3A_420, %and3A_422 : vector<16xi32>
        %mul3A_424 = arith.constant 4 : i32
        %mul3A_425 = arith.muli %mul3A_424, %scan3A_416 : i32
        %add3A_426 = vector.broadcast %mul3A_425 : i32 to vector<16xi32>
        %add3A_427 = arith.addi %iota3A, %add3A_426 : vector<16xi32>
        %add3A_428 = arith.constant 1 : i32
        %add3A_429 = vector.broadcast %add3A_428 : i32 to vector<16xi32>
        %add3A_430 = arith.addi %add3A_427, %add3A_429 : vector<16xi32>
        %and3A_431 = arith.constant 127 : i32
        %and3A_432 = vector.broadcast %and3A_431 : i32 to vector<16xi32>
        %and3A_433 = arith.andi %add3A_430, %and3A_432 : vector<16xi32>
        %mul3A_434 = arith.constant 4 : i32
        %mul3A_435 = arith.muli %mul3A_434, %scan3A_416 : i32
        %add3A_436 = vector.broadcast %mul3A_435 : i32 to vector<16xi32>
        %add3A_437 = arith.addi %iota3A, %add3A_436 : vector<16xi32>
        %add3A_438 = arith.constant 2 : i32
        %add3A_439 = vector.broadcast %add3A_438 : i32 to vector<16xi32>
        %add3A_440 = arith.addi %add3A_437, %add3A_439 : vector<16xi32>
        %and3A_441 = arith.constant 127 : i32
        %and3A_442 = vector.broadcast %and3A_441 : i32 to vector<16xi32>
        %and3A_443 = arith.andi %add3A_440, %and3A_442 : vector<16xi32>
        %mul3A_444 = arith.constant 4 : i32
        %mul3A_445 = arith.muli %mul3A_444, %scan3A_416 : i32
        %add3A_446 = vector.broadcast %mul3A_445 : i32 to vector<16xi32>
        %add3A_447 = arith.addi %iota3A, %add3A_446 : vector<16xi32>
        %add3A_448 = arith.constant 3 : i32
        %add3A_449 = vector.broadcast %add3A_448 : i32 to vector<16xi32>
        %add3A_450 = arith.addi %add3A_447, %add3A_449 : vector<16xi32>
        %and3A_451 = arith.constant 127 : i32
        %and3A_452 = vector.broadcast %and3A_451 : i32 to vector<16xi32>
        %and3A_453 = arith.andi %add3A_450, %and3A_452 : vector<16xi32>
        %gather3A_454 = tpu.vector_load_idx %arg13[%add3A_222, %and3A_423] : memref<64x128xf32, #tpu.memory_space<vmem>>[vector<16xi32>, vector<16xi32>], vector<16xf32>,
        %gather3A_455 = tpu.vector_load_idx %arg14[%add3A_222, %and3A_423] : memref<64x128xf32, #tpu.memory_space<vmem>>[vector<16xi32>, vector<16xi32>], vector<16xf32>,
        %mul3A_456 = arith.mulf %gather3A_454, %gather3A_455 : vector<16xf32>
        %add3A_457 = arith.addf %add3A_402, %mul3A_456 : vector<16xf32>
        %gather3A_458 = tpu.vector_load_idx %arg13[%add3A_222, %and3A_433] : memref<64x128xf32, #tpu.memory_space<vmem>>[vector<16xi32>, vector<16xi32>], vector<16xf32>,
        %gather3A_459 = tpu.vector_load_idx %arg14[%add3A_222, %and3A_433] : memref<64x128xf32, #tpu.memory_space<vmem>>[vector<16xi32>, vector<16xi32>], vector<16xf32>,
        %mul3A_460 = arith.mulf %gather3A_458, %gather3A_459 : vector<16xf32>
        %add3A_461 = arith.addf %add3A_406, %mul3A_460 : vector<16xf32>
        %gather3A_462 = tpu.vector_load_idx %arg13[%add3A_222, %and3A_443] : memref<64x128xf32, #tpu.memory_space<vmem>>[vector<16xi32>, vector<16xi32>], vector<16xf32>,
        %gather3A_463 = tpu.vector_load_idx %arg14[%add3A_222, %and3A_443] : memref<64x128xf32, #tpu.memory_space<vmem>>[vector<16xi32>, vector<16xi32>], vector<16xf32>,
        %mul3A_464 = arith.mulf %gather3A_462, %gather3A_463 : vector<16xf32>
        %add3A_465 = arith.addf %add3A_410, %mul3A_464 : vector<16xf32>
        %gather3A_466 = tpu.vector_load_idx %arg13[%add3A_222, %and3A_453] : memref<64x128xf32, #tpu.memory_space<vmem>>[vector<16xi32>, vector<16xi32>], vector<16xf32>,
        %gather3A_467 = tpu.vector_load_idx %arg14[%add3A_222, %and3A_453] : memref<64x128xf32, #tpu.memory_space<vmem>>[vector<16xi32>, vector<16xi32>], vector<16xf32>,
        %mul3A_468 = arith.mulf %gather3A_466, %gather3A_467 : vector<16xf32>
        %add3A_469 = arith.addf %add3A_414, %mul3A_468 : vector<16xf32>
        %scan3A_470 = arith.constant 4 : i32
        %scan3A_471 = arith.addi %scan3A_248, %scan3A_470 : i32
        %mul3A_472 = arith.constant 4 : i32
        %mul3A_473 = arith.muli %mul3A_472, %scan3A_471 : i32
        %add3A_474 = vector.broadcast %mul3A_473 : i32 to vector<16xi32>
        %add3A_475 = arith.addi %iota3A, %add3A_474 : vector<16xi32>
        %and3A_476 = arith.constant 127 : i32
        %and3A_477 = vector.broadcast %and3A_476 : i32 to vector<16xi32>
        %and3A_478 = arith.andi %add3A_475, %and3A_477 : vector<16xi32>
        %mul3A_479 = arith.constant 4 : i32
        %mul3A_480 = arith.muli %mul3A_479, %scan3A_471 : i32
        %add3A_481 = vector.broadcast %mul3A_480 : i32 to vector<16xi32>
        %add3A_482 = arith.addi %iota3A, %add3A_481 : vector<16xi32>
        %add3A_483 = arith.constant 1 : i32
        %add3A_484 = vector.broadcast %add3A_483 : i32 to vector<16xi32>
        %add3A_485 = arith.addi %add3A_482, %add3A_484 : vector<16xi32>
        %and3A_486 = arith.constant 127 : i32
        %and3A_487 = vector.broadcast %and3A_486 : i32 to vector<16xi32>
        %and3A_488 = arith.andi %add3A_485, %and3A_487 : vector<16xi32>
        %mul3A_489 = arith.constant 4 : i32
        %mul3A_490 = arith.muli %mul3A_489, %scan3A_471 : i32
        %add3A_491 = vector.broadcast %mul3A_490 : i32 to vector<16xi32>
        %add3A_492 = arith.addi %iota3A, %add3A_491 : vector<16xi32>
        %add3A_493 = arith.constant 2 : i32
        %add3A_494 = vector.broadcast %add3A_493 : i32 to vector<16xi32>
        %add3A_495 = arith.addi %add3A_492, %add3A_494 : vector<16xi32>
        %and3A_496 = arith.constant 127 : i32
        %and3A_497 = vector.broadcast %and3A_496 : i32 to vector<16xi32>
        %and3A_498 = arith.andi %add3A_495, %and3A_497 : vector<16xi32>
        %mul3A_499 = arith.constant 4 : i32
        %mul3A_500 = arith.muli %mul3A_499, %scan3A_471 : i32
        %add3A_501 = vector.broadcast %mul3A_500 : i32 to vector<16xi32>
        %add3A_502 = arith.addi %iota3A, %add3A_501 : vector<16xi32>
        %add3A_503 = arith.constant 3 : i32
        %add3A_504 = vector.broadcast %add3A_503 : i32 to vector<16xi32>
        %add3A_505 = arith.addi %add3A_502, %add3A_504 : vector<16xi32>
        %and3A_506 = arith.constant 127 : i32
        %and3A_507 = vector.broadcast %and3A_506 : i32 to vector<16xi32>
        %and3A_508 = arith.andi %add3A_505, %and3A_507 : vector<16xi32>
        %gather3A_509 = tpu.vector_load_idx %arg13[%add3A_222, %and3A_478] : memref<64x128xf32, #tpu.memory_space<vmem>>[vector<16xi32>, vector<16xi32>], vector<16xf32>,
        %gather3A_510 = tpu.vector_load_idx %arg14[%add3A_222, %and3A_478] : memref<64x128xf32, #tpu.memory_space<vmem>>[vector<16xi32>, vector<16xi32>], vector<16xf32>,
        %mul3A_511 = arith.mulf %gather3A_509, %gather3A_510 : vector<16xf32>
        %add3A_512 = arith.addf %add3A_457, %mul3A_511 : vector<16xf32>
        %gather3A_513 = tpu.vector_load_idx %arg13[%add3A_222, %and3A_488] : memref<64x128xf32, #tpu.memory_space<vmem>>[vector<16xi32>, vector<16xi32>], vector<16xf32>,
        %gather3A_514 = tpu.vector_load_idx %arg14[%add3A_222, %and3A_488] : memref<64x128xf32, #tpu.memory_space<vmem>>[vector<16xi32>, vector<16xi32>], vector<16xf32>,
        %mul3A_515 = arith.mulf %gather3A_513, %gather3A_514 : vector<16xf32>
        %add3A_516 = arith.addf %add3A_461, %mul3A_515 : vector<16xf32>
        %gather3A_517 = tpu.vector_load_idx %arg13[%add3A_222, %and3A_498] : memref<64x128xf32, #tpu.memory_space<vmem>>[vector<16xi32>, vector<16xi32>], vector<16xf32>,
        %gather3A_518 = tpu.vector_load_idx %arg14[%add3A_222, %and3A_498] : memref<64x128xf32, #tpu.memory_space<vmem>>[vector<16xi32>, vector<16xi32>], vector<16xf32>,
        %mul3A_519 = arith.mulf %gather3A_517, %gather3A_518 : vector<16xf32>
        %add3A_520 = arith.addf %add3A_465, %mul3A_519 : vector<16xf32>
        %gather3A_521 = tpu.vector_load_idx %arg13[%add3A_222, %and3A_508] : memref<64x128xf32, #tpu.memory_space<vmem>>[vector<16xi32>, vector<16xi32>], vector<16xf32>,
        %gather3A_522 = tpu.vector_load_idx %arg14[%add3A_222, %and3A_508] : memref<64x128xf32, #tpu.memory_space<vmem>>[vector<16xi32>, vector<16xi32>], vector<16xf32>,
        %mul3A_523 = arith.mulf %gather3A_521, %gather3A_522 : vector<16xf32>
        %add3A_524 = arith.addf %add3A_469, %mul3A_523 : vector<16xf32>
        %scan3A_525 = arith.constant 5 : i32
        %scan3A_526 = arith.addi %scan3A_248, %scan3A_525 : i32
        %mul3A_527 = arith.constant 4 : i32
        %mul3A_528 = arith.muli %mul3A_527, %scan3A_526 : i32
        %add3A_529 = vector.broadcast %mul3A_528 : i32 to vector<16xi32>
        %add3A_530 = arith.addi %iota3A, %add3A_529 : vector<16xi32>
        %and3A_531 = arith.constant 127 : i32
        %and3A_532 = vector.broadcast %and3A_531 : i32 to vector<16xi32>
        %and3A_533 = arith.andi %add3A_530, %and3A_532 : vector<16xi32>
        %mul3A_534 = arith.constant 4 : i32
        %mul3A_535 = arith.muli %mul3A_534, %scan3A_526 : i32
        %add3A_536 = vector.broadcast %mul3A_535 : i32 to vector<16xi32>
        %add3A_537 = arith.addi %iota3A, %add3A_536 : vector<16xi32>
        %add3A_538 = arith.constant 1 : i32
        %add3A_539 = vector.broadcast %add3A_538 : i32 to vector<16xi32>
        %add3A_540 = arith.addi %add3A_537, %add3A_539 : vector<16xi32>
        %and3A_541 = arith.constant 127 : i32
        %and3A_542 = vector.broadcast %and3A_541 : i32 to vector<16xi32>
        %and3A_543 = arith.andi %add3A_540, %and3A_542 : vector<16xi32>
        %mul3A_544 = arith.constant 4 : i32
        %mul3A_545 = arith.muli %mul3A_544, %scan3A_526 : i32
        %add3A_546 = vector.broadcast %mul3A_545 : i32 to vector<16xi32>
        %add3A_547 = arith.addi %iota3A, %add3A_546 : vector<16xi32>
        %add3A_548 = arith.constant 2 : i32
        %add3A_549 = vector.broadcast %add3A_548 : i32 to vector<16xi32>
        %add3A_550 = arith.addi %add3A_547, %add3A_549 : vector<16xi32>
        %and3A_551 = arith.constant 127 : i32
        %and3A_552 = vector.broadcast %and3A_551 : i32 to vector<16xi32>
        %and3A_553 = arith.andi %add3A_550, %and3A_552 : vector<16xi32>
        %mul3A_554 = arith.constant 4 : i32
        %mul3A_555 = arith.muli %mul3A_554, %scan3A_526 : i32
        %add3A_556 = vector.broadcast %mul3A_555 : i32 to vector<16xi32>
        %add3A_557 = arith.addi %iota3A, %add3A_556 : vector<16xi32>
        %add3A_558 = arith.constant 3 : i32
        %add3A_559 = vector.broadcast %add3A_558 : i32 to vector<16xi32>
        %add3A_560 = arith.addi %add3A_557, %add3A_559 : vector<16xi32>
        %and3A_561 = arith.constant 127 : i32
        %and3A_562 = vector.broadcast %and3A_561 : i32 to vector<16xi32>
        %and3A_563 = arith.andi %add3A_560, %and3A_562 : vector<16xi32>
        %gather3A_564 = tpu.vector_load_idx %arg13[%add3A_222, %and3A_533] : memref<64x128xf32, #tpu.memory_space<vmem>>[vector<16xi32>, vector<16xi32>], vector<16xf32>,
        %gather3A_565 = tpu.vector_load_idx %arg14[%add3A_222, %and3A_533] : memref<64x128xf32, #tpu.memory_space<vmem>>[vector<16xi32>, vector<16xi32>], vector<16xf32>,
        %mul3A_566 = arith.mulf %gather3A_564, %gather3A_565 : vector<16xf32>
        %add3A_567 = arith.addf %add3A_512, %mul3A_566 : vector<16xf32>
        %gather3A_568 = tpu.vector_load_idx %arg13[%add3A_222, %and3A_543] : memref<64x128xf32, #tpu.memory_space<vmem>>[vector<16xi32>, vector<16xi32>], vector<16xf32>,
        %gather3A_569 = tpu.vector_load_idx %arg14[%add3A_222, %and3A_543] : memref<64x128xf32, #tpu.memory_space<vmem>>[vector<16xi32>, vector<16xi32>], vector<16xf32>,
        %mul3A_570 = arith.mulf %gather3A_568, %gather3A_569 : vector<16xf32>
        %add3A_571 = arith.addf %add3A_516, %mul3A_570 : vector<16xf32>
        %gather3A_572 = tpu.vector_load_idx %arg13[%add3A_222, %and3A_553] : memref<64x128xf32, #tpu.memory_space<vmem>>[vector<16xi32>, vector<16xi32>], vector<16xf32>,
        %gather3A_573 = tpu.vector_load_idx %arg14[%add3A_222, %and3A_553] : memref<64x128xf32, #tpu.memory_space<vmem>>[vector<16xi32>, vector<16xi32>], vector<16xf32>,
        %mul3A_574 = arith.mulf %gather3A_572, %gather3A_573 : vector<16xf32>
        %add3A_575 = arith.addf %add3A_520, %mul3A_574 : vector<16xf32>
        %gather3A_576 = tpu.vector_load_idx %arg13[%add3A_222, %and3A_563] : memref<64x128xf32, #tpu.memory_space<vmem>>[vector<16xi32>, vector<16xi32>], vector<16xf32>,
        %gather3A_577 = tpu.vector_load_idx %arg14[%add3A_222, %and3A_563] : memref<64x128xf32, #tpu.memory_space<vmem>>[vector<16xi32>, vector<16xi32>], vector<16xf32>,
        %mul3A_578 = arith.mulf %gather3A_576, %gather3A_577 : vector<16xf32>
        %add3A_579 = arith.addf %add3A_524, %mul3A_578 : vector<16xf32>
        %scan3A_580 = arith.constant 6 : i32
        %scan3A_581 = arith.addi %scan3A_248, %scan3A_580 : i32
        %mul3A_582 = arith.constant 4 : i32
        %mul3A_583 = arith.muli %mul3A_582, %scan3A_581 : i32
        %add3A_584 = vector.broadcast %mul3A_583 : i32 to vector<16xi32>
        %add3A_585 = arith.addi %iota3A, %add3A_584 : vector<16xi32>
        %and3A_586 = arith.constant 127 : i32
        %and3A_587 = vector.broadcast %and3A_586 : i32 to vector<16xi32>
        %and3A_588 = arith.andi %add3A_585, %and3A_587 : vector<16xi32>
        %mul3A_589 = arith.constant 4 : i32
        %mul3A_590 = arith.muli %mul3A_589, %scan3A_581 : i32
        %add3A_591 = vector.broadcast %mul3A_590 : i32 to vector<16xi32>
        %add3A_592 = arith.addi %iota3A, %add3A_591 : vector<16xi32>
        %add3A_593 = arith.constant 1 : i32
        %add3A_594 = vector.broadcast %add3A_593 : i32 to vector<16xi32>
        %add3A_595 = arith.addi %add3A_592, %add3A_594 : vector<16xi32>
        %and3A_596 = arith.constant 127 : i32
        %and3A_597 = vector.broadcast %and3A_596 : i32 to vector<16xi32>
        %and3A_598 = arith.andi %add3A_595, %and3A_597 : vector<16xi32>
        %mul3A_599 = arith.constant 4 : i32
        %mul3A_600 = arith.muli %mul3A_599, %scan3A_581 : i32
        %add3A_601 = vector.broadcast %mul3A_600 : i32 to vector<16xi32>
        %add3A_602 = arith.addi %iota3A, %add3A_601 : vector<16xi32>
        %add3A_603 = arith.constant 2 : i32
        %add3A_604 = vector.broadcast %add3A_603 : i32 to vector<16xi32>
        %add3A_605 = arith.addi %add3A_602, %add3A_604 : vector<16xi32>
        %and3A_606 = arith.constant 127 : i32
        %and3A_607 = vector.broadcast %and3A_606 : i32 to vector<16xi32>
        %and3A_608 = arith.andi %add3A_605, %and3A_607 : vector<16xi32>
        %mul3A_609 = arith.constant 4 : i32
        %mul3A_610 = arith.muli %mul3A_609, %scan3A_581 : i32
        %add3A_611 = vector.broadcast %mul3A_610 : i32 to vector<16xi32>
        %add3A_612 = arith.addi %iota3A, %add3A_611 : vector<16xi32>
        %add3A_613 = arith.constant 3 : i32
        %add3A_614 = vector.broadcast %add3A_613 : i32 to vector<16xi32>
        %add3A_615 = arith.addi %add3A_612, %add3A_614 : vector<16xi32>
        %and3A_616 = arith.constant 127 : i32
        %and3A_617 = vector.broadcast %and3A_616 : i32 to vector<16xi32>
        %and3A_618 = arith.andi %add3A_615, %and3A_617 : vector<16xi32>
        %gather3A_619 = tpu.vector_load_idx %arg13[%add3A_222, %and3A_588] : memref<64x128xf32, #tpu.memory_space<vmem>>[vector<16xi32>, vector<16xi32>], vector<16xf32>,
        %gather3A_620 = tpu.vector_load_idx %arg14[%add3A_222, %and3A_588] : memref<64x128xf32, #tpu.memory_space<vmem>>[vector<16xi32>, vector<16xi32>], vector<16xf32>,
        %mul3A_621 = arith.mulf %gather3A_619, %gather3A_620 : vector<16xf32>
        %add3A_622 = arith.addf %add3A_567, %mul3A_621 : vector<16xf32>
        %gather3A_623 = tpu.vector_load_idx %arg13[%add3A_222, %and3A_598] : memref<64x128xf32, #tpu.memory_space<vmem>>[vector<16xi32>, vector<16xi32>], vector<16xf32>,
        %gather3A_624 = tpu.vector_load_idx %arg14[%add3A_222, %and3A_598] : memref<64x128xf32, #tpu.memory_space<vmem>>[vector<16xi32>, vector<16xi32>], vector<16xf32>,
        %mul3A_625 = arith.mulf %gather3A_623, %gather3A_624 : vector<16xf32>
        %add3A_626 = arith.addf %add3A_571, %mul3A_625 : vector<16xf32>
        %gather3A_627 = tpu.vector_load_idx %arg13[%add3A_222, %and3A_608] : memref<64x128xf32, #tpu.memory_space<vmem>>[vector<16xi32>, vector<16xi32>], vector<16xf32>,
        %gather3A_628 = tpu.vector_load_idx %arg14[%add3A_222, %and3A_608] : memref<64x128xf32, #tpu.memory_space<vmem>>[vector<16xi32>, vector<16xi32>], vector<16xf32>,
        %mul3A_629 = arith.mulf %gather3A_627, %gather3A_628 : vector<16xf32>
        %add3A_630 = arith.addf %add3A_575, %mul3A_629 : vector<16xf32>
        %gather3A_631 = tpu.vector_load_idx %arg13[%add3A_222, %and3A_618] : memref<64x128xf32, #tpu.memory_space<vmem>>[vector<16xi32>, vector<16xi32>], vector<16xf32>,
        %gather3A_632 = tpu.vector_load_idx %arg14[%add3A_222, %and3A_618] : memref<64x128xf32, #tpu.memory_space<vmem>>[vector<16xi32>, vector<16xi32>], vector<16xf32>,
        %mul3A_633 = arith.mulf %gather3A_631, %gather3A_632 : vector<16xf32>
        %add3A_634 = arith.addf %add3A_579, %mul3A_633 : vector<16xf32>
        %scan3A_635 = arith.constant 7 : i32
        %scan3A_636 = arith.addi %scan3A_248, %scan3A_635 : i32
        %mul3A_637 = arith.constant 4 : i32
        %mul3A_638 = arith.muli %mul3A_637, %scan3A_636 : i32
        %add3A_639 = vector.broadcast %mul3A_638 : i32 to vector<16xi32>
        %add3A_640 = arith.addi %iota3A, %add3A_639 : vector<16xi32>
        %and3A_641 = arith.constant 127 : i32
        %and3A_642 = vector.broadcast %and3A_641 : i32 to vector<16xi32>
        %and3A_643 = arith.andi %add3A_640, %and3A_642 : vector<16xi32>
        %mul3A_644 = arith.constant 4 : i32
        %mul3A_645 = arith.muli %mul3A_644, %scan3A_636 : i32
        %add3A_646 = vector.broadcast %mul3A_645 : i32 to vector<16xi32>
        %add3A_647 = arith.addi %iota3A, %add3A_646 : vector<16xi32>
        %add3A_648 = arith.constant 1 : i32
        %add3A_649 = vector.broadcast %add3A_648 : i32 to vector<16xi32>
        %add3A_650 = arith.addi %add3A_647, %add3A_649 : vector<16xi32>
        %and3A_651 = arith.constant 127 : i32
        %and3A_652 = vector.broadcast %and3A_651 : i32 to vector<16xi32>
        %and3A_653 = arith.andi %add3A_650, %and3A_652 : vector<16xi32>
        %mul3A_654 = arith.constant 4 : i32
        %mul3A_655 = arith.muli %mul3A_654, %scan3A_636 : i32
        %add3A_656 = vector.broadcast %mul3A_655 : i32 to vector<16xi32>
        %add3A_657 = arith.addi %iota3A, %add3A_656 : vector<16xi32>
        %add3A_658 = arith.constant 2 : i32
        %add3A_659 = vector.broadcast %add3A_658 : i32 to vector<16xi32>
        %add3A_660 = arith.addi %add3A_657, %add3A_659 : vector<16xi32>
        %and3A_661 = arith.constant 127 : i32
        %and3A_662 = vector.broadcast %and3A_661 : i32 to vector<16xi32>
        %and3A_663 = arith.andi %add3A_660, %and3A_662 : vector<16xi32>
        %mul3A_664 = arith.constant 4 : i32
        %mul3A_665 = arith.muli %mul3A_664, %scan3A_636 : i32
        %add3A_666 = vector.broadcast %mul3A_665 : i32 to vector<16xi32>
        %add3A_667 = arith.addi %iota3A, %add3A_666 : vector<16xi32>
        %add3A_668 = arith.constant 3 : i32
        %add3A_669 = vector.broadcast %add3A_668 : i32 to vector<16xi32>
        %add3A_670 = arith.addi %add3A_667, %add3A_669 : vector<16xi32>
        %and3A_671 = arith.constant 127 : i32
        %and3A_672 = vector.broadcast %and3A_671 : i32 to vector<16xi32>
        %and3A_673 = arith.andi %add3A_670, %and3A_672 : vector<16xi32>
        %gather3A_674 = tpu.vector_load_idx %arg13[%add3A_222, %and3A_643] : memref<64x128xf32, #tpu.memory_space<vmem>>[vector<16xi32>, vector<16xi32>], vector<16xf32>,
        %gather3A_675 = tpu.vector_load_idx %arg14[%add3A_222, %and3A_643] : memref<64x128xf32, #tpu.memory_space<vmem>>[vector<16xi32>, vector<16xi32>], vector<16xf32>,
        %mul3A_676 = arith.mulf %gather3A_674, %gather3A_675 : vector<16xf32>
        %add3A_677 = arith.addf %add3A_622, %mul3A_676 : vector<16xf32>
        %gather3A_678 = tpu.vector_load_idx %arg13[%add3A_222, %and3A_653] : memref<64x128xf32, #tpu.memory_space<vmem>>[vector<16xi32>, vector<16xi32>], vector<16xf32>,
        %gather3A_679 = tpu.vector_load_idx %arg14[%add3A_222, %and3A_653] : memref<64x128xf32, #tpu.memory_space<vmem>>[vector<16xi32>, vector<16xi32>], vector<16xf32>,
        %mul3A_680 = arith.mulf %gather3A_678, %gather3A_679 : vector<16xf32>
        %add3A_681 = arith.addf %add3A_626, %mul3A_680 : vector<16xf32>
        %gather3A_682 = tpu.vector_load_idx %arg13[%add3A_222, %and3A_663] : memref<64x128xf32, #tpu.memory_space<vmem>>[vector<16xi32>, vector<16xi32>], vector<16xf32>,
        %gather3A_683 = tpu.vector_load_idx %arg14[%add3A_222, %and3A_663] : memref<64x128xf32, #tpu.memory_space<vmem>>[vector<16xi32>, vector<16xi32>], vector<16xf32>,
        %mul3A_684 = arith.mulf %gather3A_682, %gather3A_683 : vector<16xf32>
        %add3A_685 = arith.addf %add3A_630, %mul3A_684 : vector<16xf32>
        %gather3A_686 = tpu.vector_load_idx %arg13[%add3A_222, %and3A_673] : memref<64x128xf32, #tpu.memory_space<vmem>>[vector<16xi32>, vector<16xi32>], vector<16xf32>,
        %gather3A_687 = tpu.vector_load_idx %arg14[%add3A_222, %and3A_673] : memref<64x128xf32, #tpu.memory_space<vmem>>[vector<16xi32>, vector<16xi32>], vector<16xf32>,
        %mul3A_688 = arith.mulf %gather3A_686, %gather3A_687 : vector<16xf32>
        %add3A_689 = arith.addf %add3A_634, %mul3A_688 : vector<16xf32>
        scf.yield %add3A_677, %add3A_681, %add3A_685, %add3A_689 : vector<16xf32>, vector<16xf32>, vector<16xf32>, vector<16xf32>
      }
      %scan3A_230 = arith.constant 32 : i32
      %add3A_231 = arith.addf %scan3A_229#0, %scan3A_229#1 : vector<16xf32>
      %add3A_232 = arith.addf %scan3A_229#2, %scan3A_229#3 : vector<16xf32>
      %add3A_233 = arith.addf %add3A_231, %add3A_232 : vector<16xf32>
      %mul3A_234 = arith.mulf %add3A_233, %gather3A : vector<16xf32>
      %add3A_235 = arith.addf %mul3A_234, %gather3A_12 : vector<16xf32>
      %neg3A = arith.constant 0.000000e+00 : f32
      %neg3A_236 = vector.broadcast %neg3A : f32 to vector<16xf32>
      %neg3A_237 = arith.subf %neg3A_236, %add3A_235 : vector<16xf32>
      %exp3A = math.exp %neg3A_237 : vector<16xf32>
      %add3A_238 = arith.constant 1.000000e+00 : f32
      %add3A_239 = vector.broadcast %add3A_238 : f32 to vector<16xf32>
      %add3A_240 = arith.addf %add3A_239, %exp3A : vector<16xf32>
      %div3A = arith.constant 1.000000e+00 : f32
      %div3A_241 = vector.broadcast %div3A : f32 to vector<16xf32>
      %div3A_242 = arith.divf %div3A_241, %add3A_240 : vector<16xf32>
      %mul3A_243 = arith.constant 16 : i32
      %mul3A_244 = arith.muli %scan3A_218, %mul3A_243 : i32
      %add3A_245 = arith.constant 448 : i32
      %add3A_246 = arith.addi %add3A_245, %mul3A_244 : i32
      %swap3A = arith.index_cast %add3A_246 : i32 to index
      %swap3A_247 = tpu.vector_load %arg17[%swap3A] {strides = array<i32>} : memref<512xf32, #tpu.memory_space<vmem>>, vector<16xf32>,
      tpu.vector_store %arg17[%swap3A], %div3A_242 {strides = array<i32>} : memref<512xf32, #tpu.memory_space<vmem>>, vector<16xf32>,
    }
    %scan3A_211 = arith.constant 4 : i32
    %mul3A_212 = arith.constant 512 : i32
    %mul3A_213 = arith.muli %add3A, %mul3A_212 : i32
    %dma_start3A_214 = tpu.memref_slice %arg8[%mul3A_213] : memref<16384xf32, #tpu.memory_space<hbm>> -> memref<512xf32, #tpu.memory_space<hbm>>
    %dma_start3A_215 = tpu.memref_slice %arg8[%mul3A_213] : memref<16384xf32, #tpu.memory_space<hbm>> -> memref<512xf32, #tpu.memory_space<hbm>>
    tpu.enqueue_dma source(%arg17 : memref<512xf32, #tpu.memory_space<vmem>>) target(%dma_start3A_215 : memref<512xf32, #tpu.memory_space<hbm>>) target_semaphore(%arg26 : memref<!tpu.dma_semaphore, #tpu.memory_space<semaphore_mem>>)
    %dma_wait3A_216 = tpu.memref_slice %arg8[%mul3A_213] : memref<16384xf32, #tpu.memory_space<hbm>> -> memref<512xf32, #tpu.memory_space<hbm>>
    %dma_wait3A_217 = tpu.memref_slice %arg8[%mul3A_213] : memref<16384xf32, #tpu.memory_space<hbm>> -> memref<512xf32, #tpu.memory_space<hbm>>
    tpu.wait_dma2 semaphore(%arg26 : memref<!tpu.dma_semaphore, #tpu.memory_space<semaphore_mem>>) src(%arg17 : memref<512xf32, #tpu.memory_space<vmem>>) dst(%dma_wait3A_217 : memref<512xf32, #tpu.memory_space<hbm>>)
    return
  }
}

</mosaic_0001>

<sc_bundles>
// kernel: _sc_call.3.cloned.1.call-start
scs
__scs_entry_jumppad:
0x0: {  	(pc) =	sbr.rel $0x88, $3  }
0x1: {  	(tag) =	ssettag $0x0;
	lr =	simm.s32 $0x1  }
0x2: {  	[smem:$0x3F9B] =	sst lr;
	_ =	strace $0xD0000000  }
0x3: {  	_ = 	snop  }
0x4: {  	_ = 	snop  }
0x5: {  	_ = 	snop  }
0x6: {  	_ = 	snop  }
0x7: {  	_ = 	snop  }
__scs_overlays_trampoline_lowered:
0x8: {  	[smem:$0x3FAA] =	sst s0  }
0x9: {  	[smem:$0x3FAB] =	sst s1  }
0xa: {  	[smem:$0x3FAC] =	sst s2  }
0xb: {  	[smem:$0x3FAD] =	sst s3  }
0xc: {  	[smem:$0x3FAE] =	sst s4  }
0xd: {  	[smem:$0x3FAF] =	sst s5  }
0xe: {  	[smem:$0x3FB0] =	sst s6  }
0xf: {  	[smem:$0x3FB1] =	sst s7  }
0x10: {  	[smem:$0x3FB2] =	sst s8  }
0x11: {  	[smem:$0x3FB3] =	sst s9;
	s0 =	simm.s32 @!p0 $0x0  }
0x12: {  	s1 =	sld [smem:$0x3F99];
	s0 =	simm.s32 @p0 $0x1  }
0x13: {  	[smem:$0x3FB4] =	sst s0;
	s0 =	simm.s32 @!p1 $0x0  }
0x14: {  	s2 =	sld [smem:$0x3F98];
	s0 =	simm.s32 @p1 $0x1  }
0x15: {  	[smem:$0x3FB5] =	sst s0;
	s0 =	simm.s32 @!p2 $0x0  }
0x16: {  	s3 =	sld [smem:$0x3FDB];
	s0 =	simm.s32 @p2 $0x1  }
0x17: {  	s4 =	simm.s32 $0x1BF5;
	[smem:$0x3FB7] =	sst s0  }
0x18: {  	s0 =	sld [smem:$0x3F9A];
	_ =	swait.ge [sflag:s4], $0x0  }
0x19: {  	s7 =	sld [smem:$0x3F9B]  }
0x1a: {  	s8 =	sadd.s32 $0xFFFFE003, lr  }
0x1b: {  	s9 =	sadd.s32 $0xFFFFFEF7, lr;
	s5 =	simm.s32 $0xFFFFFFFF;
	p2 =	slt.u32 s8, $0xFFFFF086  }
0x1c: {  	p1 =	slt.u32 s9, $0xF7A;
	s5 =	simm.s32 @!p2 $0x0  }
0x1d: {  	s5 =	simm.s32 @p1 $0x1;
	p0 =	seq.s32 s7, s2  }
0x1e: {  	s7 =	smul.u32 @!p0 $0xF7A, s2;
	p2 =	seq.s32 @!p0 s5, $0x0  }
0x1f: {  	s9 =	smul.u32 $0xF7A, s1;
	s8 =	simm.s32 @!p0 $0x1BF5;
	p2 =	por !p2, p0  }
0x20: {  	[sflag:s8] =	ssyncset.s32 @!p0 $0xFFFFF086;
	s6 =	sadd.s32 @!p0 s3, s7;
	s7 =	simm.s32 @!p0 $0x108  }
0x21: {  	s3 =	sadd.s32 s3, s9;
	s6 =	sadd.s32 @!p0 $0x88, s6;
	s7 =	simm.s32 @p2 $0x1082  }
0x22: {  	[simem:s7], [sflag:s8] =	dma.local @!p0 [hbm:s6], $0xF7A  }
0x23: {  	s9 =	sor.u32 $0xD0000000, s2;
	s6 =	simm.s32 $0x108;
	_ =	swait.ge @!p0 [sflag:s8], $0x0  }
0x24: {  	s3 =	sadd.s32 $0x88, s3;
	s6 =	simm.s32 @!p1 $0x1082;
	[sflag:s4] =	ssyncset.s32 $0xFFFFF086  }
0x25: {  	[simem:s6], [sflag:s4] =	dma.local [hbm:s3], $0xF7A  }
0x26: {  	[smem:$0x3F9B] =	sst s1;
	(tag) =	ssettag s2;
	_ =	strace s9  }
0x27: {  	s1 =	sld [smem:$0x3FAB]  }
0x28: {  	s2 =	sld [smem:$0x3FAC]  }
0x29: {  	s4 =	sld [smem:$0x3FAE]  }
0x2a: {  	p0 =	seq.s32 s5, $0x0;
	s5 =	sld [smem:$0x3FAF]  }
0x2b: {  	s6 =	sld [smem:$0x3FB0]  }
0x2c: {  	s7 =	sld [smem:$0x3FB1]  }
0x2d: {  	s3 =	simm.s32 $0x108;
	s8 =	sld [smem:$0x3FB2]  }
0x2e: {  	s3 =	simm.s32 @!p0 $0x1082;
	s9 =	sld [smem:$0x3FB3]  }
0x2f: {  	lr =	sadd.s32 s0, s3;
	s0 =	sld [smem:$0x3FAA]  }
0x30: {  	s3 =	sld [smem:$0x3FAD]  }
0x31: {  	[smem:$0x3FB6] =	sst s10  }
0x32: {  	s10 =	sld [smem:$0x3FB4];
	_ =	sdelay $0x3  }
0x33: {  	p0 =	seq.s32 s10, $0x1;
	s10 =	sld [smem:$0x3FB6];
	_ =	sdelay $0x3  }
0x34: {  	[smem:$0x3FB6] =	sst s10  }
0x35: {  	s10 =	sld [smem:$0x3FB5];
	_ =	sdelay $0x3  }
0x36: {  	p1 =	seq.s32 s10, $0x1;
	s10 =	sld [smem:$0x3FB6];
	_ =	sdelay $0x3  }
0x37: {  	[smem:$0x3FB6] =	sst s10  }
0x38: {  	s10 =	sld [smem:$0x3FB7]  }
0x39: {  	_ = 	snop;
	(pc) =	sbr.ind lr, $3  }
0x3a: {  	_ = 	snop  }
0x3b: {  	_ = 	snop  }
0x3c: {  	p2 =	seq.s32 s10, $0x1;
	s10 =	sld [smem:$0x3FB6]  }
0x3d: {  	_ =	shalt  }
0x3e: {  	_ =	shalt  }
0x3f: {  	_ =	shalt  }
0x40: {  	_ =	shalt  }
0x41: {  	_ =	shalt  }
0x42: {  	_ =	shalt  }
0x43: {  	_ =	shalt  }
0x44: {  	_ =	shalt  }
0x45: {  	_ =	shalt  }
0x46: {  	_ =	shalt  }
0x47: {  	_ =	shalt  }
0x48: {  	_ =	shalt  }
0x49: {  	_ =	shalt  }
0x4a: {  	_ =	shalt  }
0x4b: {  	_ =	shalt  }
0x4c: {  	_ =	shalt  }
0x4d: {  	_ =	shalt  }
0x4e: {  	_ =	shalt  }
0x4f: {  	_ =	shalt  }
0x50: {  	_ =	shalt  }
0x51: {  	_ =	shalt  }
0x52: {  	_ =	shalt  }
0x53: {  	_ =	shalt  }
0x54: {  	_ =	shalt  }
0x55: {  	_ =	shalt  }
0x56: {  	_ =	shalt  }
0x57: {  	_ =	shalt  }
0x58: {  	_ =	shalt  }
0x59: {  	_ =	shalt  }
0x5a: {  	_ =	shalt  }
0x5b: {  	_ =	shalt  }
0x5c: {  	_ =	shalt  }
0x5d: {  	_ =	shalt  }
0x5e: {  	_ =	shalt  }
0x5f: {  	_ =	shalt  }
0x60: {  	_ =	shalt  }
0x61: {  	_ =	shalt  }
0x62: {  	_ =	shalt  }
0x63: {  	_ =	shalt  }
0x64: {  	_ =	shalt  }
0x65: {  	_ =	shalt  }
0x66: {  	_ =	shalt  }
0x67: {  	_ =	shalt  }
0x68: {  	_ =	shalt  }
0x69: {  	_ =	shalt  }
0x6a: {  	_ =	shalt  }
0x6b: {  	_ =	shalt  }
0x6c: {  	_ =	shalt  }
0x6d: {  	_ =	shalt  }
0x6e: {  	_ =	shalt  }
0x6f: {  	_ =	shalt  }
0x70: {  	_ =	shalt  }
0x71: {  	_ =	shalt  }
0x72: {  	_ =	shalt  }
0x73: {  	_ =	shalt  }
0x74: {  	_ =	shalt  }
0x75: {  	_ =	shalt  }
0x76: {  	_ =	shalt  }
0x77: {  	_ =	shalt  }
0x78: {  	_ =	shalt  }
0x79: {  	_ =	shalt  }
0x7a: {  	_ =	shalt  }
0x7b: {  	_ =	shalt  }
0x7c: {  	_ =	shalt  }
0x7d: {  	_ =	shalt  }
0x7e: {  	_ =	shalt  }
0x7f: {  	_ =	shalt  }
0x80: {  	_ =	shalt  }
0x81: {  	_ =	shalt  }
0x82: {  	_ =	shalt  }
0x83: {  	_ =	shalt  }
0x84: {  	_ =	shalt  }
0x85: {  	_ =	shalt  }
0x86: {  	_ =	shalt  }
0x87: {  	_ =	shalt  }
.Lfunc_end0:
.L_simem_size_0:
called_computation_lowered:
.L_overlay_start_0:
0x88: {  	s2 =	sld [smem:$0x3FD9]  }
0x89: {  	s3 =	sld [smem:$0x3FFE];
	_ =	sdelay $0x1  }
0x8a: {  	s1 =	srdreg.scid  }
0x8b: {  	s0 =	sand.u32 $0x1, s1  }
0x8c: {  	s18 =	sshll.u32 s0, $0xA;
	s2 =	sadd.s32 s3, s2  }
0x8d: {  	s2 =	sadd.s32 s2, s18  }
0x8e: {  	[smem:$0x3FC2] =	sst s2  }
0x8f: {  	_ = 	snop  }
0x90: {  	s2 =	sld [smem:$0x3FC9]  }
0x91: {  	s19 =	sld [smem:$0x3FC8]  }
0x92: {  	s4 =	sld [smem:$0x3FC7]  }
0x93: {  	s5 =	sld [smem:$0x3FC6]  }
0x94: {  	s6 =	sld [smem:$0x3FC5]  }
0x95: {  	s7 =	sld [smem:$0x3FC4]  }
0x96: {  	s8 =	sld [smem:$0x3FD0];
	(tm) =	ssettm $0x1  }
0x97: {  	s9 =	sld [smem:$0x3FFB];
	_ =	sdelay $0x3  }
0x98: {  	_ =	strace s9  }
0x99: {  	s9 =	sld [smem:$0x3FFC];
	_ =	sdelay $0x3  }
0x9a: {  	_ =	strace s9  }
0x9b: {  	s9 =	sld [smem:$0x3FFD];
	_ =	sdelay $0x3  }
0x9c: {  	_ =	strace s9  }
0x9d: {  	_ =	strace $0x8FFFFFFF  }
0x9e: {  	s20 =	sld [smem:$0x3FDB];
	_ =	sdelay $0x1  }
0x9f: {  	s10 =	simm.s32 $_scs_section_size  }
0xa0: {  	s11 =	simm.s32 $_size__tile_overlayer_lowered;
	s12 =	simm.s32 $_tile_overlayer_lowered  }
0xa1: {  	s23 =	simm.s32 $0x1BFF;
	s22 =	sshll.u32 s12, $0x1;
	s9 =	sadd.s32 s10, s20  }
0xa2: {  	s13 =	simm.s32 $0x0;
	s21 =	sshll.u32 s11, $0x1;
	s11 =	sadd.s32 s22, s9  }
0xa3: {  	[timem:s13], [sflag:s23] =	dma.local [hbm:s11], s21  }
0xa4: {  	_ =	swait.ge [sflag:s23], s21  }
0xa5: {  	s10 =	ssub.s32 $0x0, s21;
	[sflag:s23] =	ssyncset.done $0x0  }
0xa6: {  	[sflag:s23] =	ssyncadd.s32 s10;
	_ =	sdelay $0x1  }
0xa7: {  	s24 =	simm.s32 $0x1B8B  }
0xa8: {  	_ =	swait.ge [sflag:s24], $0x1  }
0xa9: {  	[sflag:s24] =	ssyncset.done $0x0  }
0xaa: {  	s25 =	simm.s32 $0x1B8E;
	[sflag:s24] =	ssyncadd.s32 $0xFFFFFFFF  }
0xab: {  	s26 =	simm.s32 $execute0_lowered;
	[smem:$0x3FD2] =	sst s25  }
0xac: {  	s10 =	sshll.u32 s26, $0x1;
	_ =	strace $0x80000046;
	[dreg:$0x1] =	wrdreg $0xFFFFFFFF  }
0xad: {  	s28 =	simm.s32 $_size_execute0_lowered;
	s9 =	sadd.s32 s9, s10;
	[dreg:$0x0] =	wrdreg $0x0  }
0xae: {  	s10 =	sshll.u32 s28, $0x1;
	[dreg:$0x2] =	wrdreg s9  }
0xaf: {  	[dreg:$0x3] =	wrdreg s10  }
0xb0: {  	[dreg:$0x4] =	wrdreg $0xC0  }
0xb1: {  	_ =	task [dreg:s13], $0x5FFFF  }
0xb2: {  	[dreg:$0x1] =	wrdreg $0xFFFFFFFF  }
0xb3: {  	[dreg:$0x0] =	wrdreg $0x60  }
0xb4: {  	[dreg:$0x2] =	wrdreg s2  }
0xb5: {  	[dreg:$0x3] =	wrdreg s19  }
0xb6: {  	[dreg:$0x4] =	wrdreg s4  }
0xb7: {  	[dreg:$0x5] =	wrdreg s5  }
0xb8: {  	[dreg:$0x6] =	wrdreg s6  }
0xb9: {  	[dreg:$0x7] =	wrdreg s7  }
0xba: {  	[dreg:$0x8] =	wrdreg s8  }
0xbb: {  	[dreg:$0x9] =	wrdreg $0x9  }
0xbc: {  	_ =	task.clear_ibuf [dreg:s13], $0xAFFFF;
	_ =	strace $0x90000046  }
0xbd: {  	s29 =	simm.s32 $0x9;
	_ =	strace $0x80000048  }
0xbe: {  	_ =	swait.ge [sflag:s29], $0x1  }
0xbf: {  	[sflag:s29] =	ssyncadd.s32 $0xFFFFFFFF  }
0xc0: {  	_ =	strace $0x90000048  }
0xc1: {  	_ =	sfence  }
0xc2: {  	s30 =	sld [smem:$0x0];
	_ =	sdelay $0x2  }
0xc3: {  	s31 =	sshll.u32 s1, $0xD;
	s1 =	sshrl.u32 s1, $0x2  }
0xc4: {  	s3 =	sand.u32 $0x4000, s31;
	s1 =	sadd.s32 s1, s30  }
0xc5: {  	s0 =	sor.u32 s3, s0;
	s1 =	sshll.u32 s1, $0x11  }
0xc6: {  	s0 =	sor.u32 s1, s0  }
0xc7: {  	s0 =	sadd.s32 $0x8F2B, s0  }
0xc8: {  	[sflag:s0] =	ssyncadd.remote.s32 $0x1  }
0xc9: {  	_ =	sfence.sel $0xFFFF  }
0xca: {  	[dreg:$0x0] =	wrdreg $0xFFFFFFFF;
	(pc) =	sbr.abs _section_cstart, $3  }
0xcb: {  	[dreg:$0x1] =	wrdreg $0xFFFFFFFF  }
0xcc: {  	_ =	task.clear_ibuf [dreg:s13], $0x2FFFF;
	_ =	strace $0x9FFFFFFF  }
0xcd: {  	(tm) =	ssettm $0x7FFFFFFF  }
tec
execute0_lowered:
.L_overlay_start_1:
0x0: {  	(tag) =	ssettag $0x1  }
0x1: {  	s0 =	rddreg [dreg:$0x0]  }
0x2: {  	s3 =	rddreg [dreg:$0x1]  }
0x3: {  	s1 =	rddreg [dreg:$0x2]  }
0x4: {  	s2 =	rddreg [dreg:$0x3]  }
0x5: {  	s4 =	rddreg [dreg:$0x6];
	s5 =	srdreg.scid  }
0x6: {  	s6 =	simm.s32 $0x0;
	s9 =	stileid.u32;
	s11 =	simm.s32 $0x200  }
0x7: {  	s12 =	simm.s32 $0xC600;
	s13 =	simm.s32 $0xC680;
	s14 =	simm.s32 $0x7  }
0x8: {  	s15 =	simm.s32 $0x40;
	s16 =	simm.s32 $0x400;
	s17 =	simm.s32 $0x2400  }
0x9: {  	s18 =	simm.s32 $0x4400;
	s20 =	simm.s32 $0x6400;
	s22 =	simm.s32 $0x8400  }
0xa: {  	s24 =	simm.s32 $0xA400;
	s25 =	simm.s32 $0x1;
	s26 =	simm.s32 $0x2  }
0xb: {  	s30 =	simm.s32 $0x3;
	s31 =	simm.s32 $0x4;
	s5 =	sand.u32 $0x1, s5  }
0xc: {  	s19 =	simm.s32 $0x0;
	[smem:$0x7FF] =	sst s6;
	s7 =	ssub.s32 $0x2, s5  }
0xd: {  	s9 =	sshll.u32 s9, $0x7;
	s5 =	sshll.u32 s5, $0x6;
	s8 =	sshrl.u32 s7, $0x1  }
0xe: {  	v0 =	vlaneseq.u32;
	_ =	strace $0x80000047;
	s5 =	sor.u32 s5, s9;
	s10 =	ssub.s32 s7, s8  }
0xf: {  	v1 =	vmul.u32 $0x80, v0;
	s7 =	sadd.s32 s0, s5;
	s8 =	sadd.s32 s3, s5;
	s9 =	sadd.s32 s4, s5  }
0x10: {  	v2 =	vadd.s32 $0x1, v0;
	v3 =	vadd.s32 $0x2, v0;
	v4 =	vadd.s32 $0x3, v0;
	s3 =	simm.s32 $0x5;
	s4 =	simm.s32 $0x6;
	s10 =	smax.u32 s10, $0x1  }
.LBB2_1:
0x11: {  	[tilespmem:s6], [sflag:$0x7] =	stream.linear.gather [hbm4b:s7+s6], $0x200, $0x38;
	[tilespmem:$0xC700] =	vst v63  }
0x12: {  	_ = 	snop  }
0x13: {  	[tilespmem:s11], [sflag:$0x7] =	stream.linear.gather [hbm4b:s8+s6], $0x200, $0x38;
	[tilespmem:$0xC700] =	vst v63  }
0x14: {  	s0 =	rddreg [dreg:$0x4]  }
0x15: {  	[tilespmem:s12], [sflag:$0x7] =	stream.linear.gather [hbm4b:s0+s6], $0x80, $0x38;
	[tilespmem:$0xC700] =	vst v63  }
0x16: {  	s21 =	rddreg [dreg:$0x5]  }
0x17: {  	[tilespmem:s13], [sflag:$0x7] =	stream.linear.gather [hbm4b:s21+s6], $0x80, $0x38;
	[tilespmem:$0xC700] =	vst v63  }
0x18: {  	_ =	swait.ge [sflag:s14], $0x200  }
0x19: {  	[sflag:s14] =	ssyncset.done $0x0  }
0x1a: {  	[sflag:s14] =	ssyncadd.s32 $0xFFFFFE00  }
0x1b: {  	_ =	swait.ge [sflag:s14], $0x200  }
0x1c: {  	[sflag:s14] =	ssyncset.done $0x0  }
0x1d: {  	[sflag:s14] =	ssyncadd.s32 $0xFFFFFE00  }
0x1e: {  	_ =	swait.ge [sflag:s14], $0x80  }
0x1f: {  	[sflag:s14] =	ssyncset.done $0x0  }
0x20: {  	[sflag:s14] =	ssyncadd.s32 $0xFFFFFF80  }
0x21: {  	_ =	swait.ge [sflag:s14], $0x80  }
0x22: {  	[sflag:s14] =	ssyncset.done $0x0  }
0x23: {  	[sflag:s14] =	ssyncadd.s32 $0xFFFFFF80  }
0x24: {  	v5 =	vld.msk [tilespmem:s12+$0x0], $0xffff  }
0x25: {  	v6 =	vld.msk [tilespmem:s13+$0x0], $0xffff;
	[tilespmem:s16], [sflag:$0x1] =	stream.indirect.gather [hbm4b:s1+s15], $0x80, s6, s15, $0xb8  }
0x26: {  	_ = 	snop  }
0x27: {  	[tilespmem:s17], [sflag:$0x2] =	stream.indirect.gather [hbm4b:s2+s15], $0x80, s11, s15, $0xb8;
	[tilespmem:$0xC700] =	vst v63  }
0x28: {  	_ = 	snop  }
0x29: {  	[tilespmem:s18], [sflag:$0x3] =	stream.indirect.gather [hbm4b:s1+s15], $0x80, s15, s15, $0xb8;
	[tilespmem:$0xC700] =	vst v63  }
0x2a: {  	s23 =	simm.s32 $0x240  }
0x2b: {  	[tilespmem:s20], [sflag:$0x4] =	stream.indirect.gather [hbm4b:s2+s15], $0x80, s23, s15, $0xb8;
	[tilespmem:$0xC700] =	vst v63  }
0x2c: {  	s28 =	simm.s32 $0x80  }
0x2d: {  	[tilespmem:s22], [sflag:$0x5] =	stream.indirect.gather [hbm4b:s1+s15], $0x80, s28, s15, $0xb8;
	[tilespmem:$0xC700] =	vst v63  }
0x2e: {  	s29 =	simm.s32 $0x280  }
0x2f: {  	[tilespmem:s24], [sflag:$0x6] =	stream.indirect.gather [hbm4b:s2+s15], $0x80, s29, s15, $0xb8;
	[tilespmem:$0xC700] =	vst v63  }
0x30: {  	_ =	swait.ge [sflag:s25], $0x2000  }
0x31: {  	[sflag:s25] =	ssyncset.done $0x0  }
0x32: {  	[sflag:s25] =	ssyncadd.s32 $0xFFFFE000  }
0x33: {  	_ =	swait.ge [sflag:s26], $0x2000  }
0x34: {  	[sflag:s26] =	ssyncset.done $0x0  }
0x35: {  	s21 =	simm.s32 $0x0;
	[sflag:s26] =	ssyncadd.s32 $0xFFFFE000  }
.LBB2_2:
0x36: {  	s23 =	sshll.u32 s21, $0x4  }
0x37: {  	s0 =	simm.s32 $0x18;
	v7 =	vmov s23  }
0x38: {  	v8 =	vadd.s32 s0, v0;
	v7 =	vshll.u32 v7, $0x7  }
0x39: {  	s28 =	simm.s32 $0x1C;
	v9 =	vor.u32 v1, v7;
	v7 =	vand.u32 $0x7F, v8  }
0x3a: {  	v8 =	vadd.s32 s28, v0;
	v12 =	vor.u32 v9, v7  }
0x3b: {  	v7 =	vand.u32 $0x7F, v8  }
0x3c: {  	v8 =	vadd.s32 s0, v3;
	v7 =	vor.u32 v9, v7  }
0x3d: {  	s5 =	simm.s32 $0x0;
	v18 =	vor.u32 v0, v9;
	v19 =	vor.u32 v2, v9;
	v8 =	vand.u32 $0x7F, v8  }
0x3e: {  	v30 =	vor.u32 s5, v18;
	v11 =	vor.u32 v9, v8;
	v8 =	vadd.s32 s0, v4  }
0x3f: {  	v20 =	vor.u32 v4, v9;
	v31 =	vor.u32 s5, v19;
	v13 =	vand.u32 $0x7F, v8;
	v8 =	vld.idx.msk [tilespmem:v12+s16+$0x0], $0xffff  }
0x40: {  	v32 =	vor.u32 s5, v20;
	v22 =	vld.idx.msk [tilespmem:v12+s17+$0x0], $0xffff  }
0x41: {  	v15 =	vld.idx.msk [tilespmem:v7+s16+$0x0], $0xffff  }
0x42: {  	v21 =	vor.u32 v3, v9;
	v17 =	vld.idx.msk [tilespmem:v7+s17+$0x0], $0xffff  }
0x43: {  	v35 =	vor.u32 s5, v21;
	v34 =	vld.idx.msk [tilespmem:v30+s16+$0x0], $0xffff  }
0x44: {  	v36 =	vld.idx.msk [tilespmem:v31+s17+$0x0], $0xffff  }
0x45: {  	v38 =	vld.idx.msk [tilespmem:v32+s17+$0x0], $0xffff  }
0x46: {  	v10 =	vadd.s32 s28, v3;
	v31 =	vld.idx.msk [tilespmem:v31+s16+$0x0], $0xffff  }
0x47: {  	v10 =	vand.u32 $0x7F, v10;
	v30 =	vld.idx.msk [tilespmem:v30+s17+$0x0], $0xffff  }
0x48: {  	v14 =	vor.u32 v9, v10;
	v41 =	vld.idx.msk [tilespmem:v35+s16+$0x0], $0xffff  }
0x49: {  	v10 =	vadd.s32 s0, v2;
	v13 =	vor.u32 v9, v13;
	v54 =	vld.idx.msk [tilespmem:v35+s17+$0x0], $0xffff  }
0x4a: {  	v10 =	vand.u32 $0x7F, v10;
	v32 =	vld.idx.msk [tilespmem:v32+s16+$0x0], $0xffff  }
0x4b: {  	v7 =	vor.u32 v9, v10;
	v10 =	vadd.s32 s28, v4;
	v23 =	vld.idx.msk [tilespmem:v11+s16+$0x0], $0xffff  }
0x4c: {  	v10 =	vand.u32 $0x7F, v10;
	v24 =	vld.idx.msk [tilespmem:v11+s17+$0x0], $0xffff  }
0x4d: {  	s29 =	simm.s32 $0x4;
	v16 =	vor.u32 v9, v10;
	v10 =	vld.idx.msk [tilespmem:v14+s17+$0x0], $0xffff  }
0x4e: {  	v12 =	vadd.s32 s29, v4;
	v25 =	vld.idx.msk [tilespmem:v13+s16+$0x0], $0xffff  }
0x4f: {  	v12 =	vand.u32 $0x7F, v12;
	v13 =	vld.idx.msk [tilespmem:v13+s17+$0x0], $0xffff  }
0x50: {  	v37 =	vor.u32 v9, v12;
	v26 =	vld.idx.msk [tilespmem:v7+s16+$0x0], $0xffff  }
0x51: {  	v11 =	vadd.s32 s28, v2;
	v27 =	vld.idx.msk [tilespmem:v7+s17+$0x0], $0xffff  }
0x52: {  	v45 =	vimm.f32 $0.0e+00;
	v33 =	vadd.s32 s29, v18;
	s5 =	simm.s32 $0x8;
	v11 =	vand.u32 $0x7F, v11;
	v28 =	vld.idx.msk [tilespmem:v16+s16+$0x0], $0xffff  }
0x53: {  	v42 =	vadd.s32 s5, v18;
	v11 =	vor.u32 v9, v11;
	v31 =	vmul.f32 v36, v31;
	v29 =	vld.idx.msk [tilespmem:v16+s17+$0x0], $0xffff  }
0x54: {  	v17 =	vmul.f32 v17, v15;
	v61 =	vmul.f32 v54, v41;
	v16 =	vld.idx.msk [tilespmem:v14+s16+$0x0], $0xffff;
	v14 =	vadd.s32 s29, v2  }
0x55: {  	v50 =	vmul.f32 v38, v32;
	v46 =	vld.idx.msk [tilespmem:v37+s17+$0x0], $0xffff;
	v31 =	vadd.f32 v31, v45;
	v14 =	vand.u32 $0x7F, v14  }
0x56: {  	v48 =	vld.idx.msk [tilespmem:v37+s16+$0x0], $0xffff;
	v13 =	vmul.f32 v13, v25;
	v25 =	vadd.s32 s5, v4;
	v40 =	vor.u32 v9, v14  }
0x57: {  	v39 =	vld.idx.msk [tilespmem:v33+s17+$0x0], $0xffff;
	v14 =	vmul.f32 v24, v23;
	v23 =	vadd.s32 s29, v3;
	v24 =	vadd.s32 s5, v3  }
0x58: {  	v55 =	vld.idx.msk [tilespmem:v42+s17+$0x0], $0xffff;
	v25 =	vand.u32 $0x7F, v25;
	v15 =	vmul.f32 v27, v26;
	v24 =	vand.u32 $0x7F, v24  }
0x59: {  	v23 =	vand.u32 $0x7F, v23;
	v27 =	vld.idx.msk [tilespmem:v33+s16+$0x0], $0xffff;
	v25 =	vor.u32 v9, v25;
	v24 =	vor.u32 v9, v24  }
0x5a: {  	v47 =	vld.idx.msk [tilespmem:v42+s16+$0x0], $0xffff;
	v12 =	vmul.f32 v29, v28;
	v29 =	vor.u32 v9, v23;
	v23 =	vadd.s32 s5, v2;
	s5 =	simm.s32 $0xC  }
0x5b: {  	v7 =	vld.idx.msk [tilespmem:v11+s16+$0x0], $0xffff;
	v46 =	vmul.f32 v46, v48;
	v23 =	vand.u32 $0x7F, v23;
	v44 =	vadd.s32 s5, v18  }
0x5c: {  	v11 =	vld.idx.msk [tilespmem:v11+s17+$0x0], $0xffff;
	v56 =	vadd.s32 s5, v4;
	v57 =	vadd.s32 s5, v2;
	v26 =	vor.u32 v9, v23  }
0x5d: {  	v28 =	vld.idx.msk [tilespmem:v40+s16+$0x0], $0xffff;
	v23 =	vmul.f32 v30, v34;
	v30 =	vadd.s32 s5, v3;
	v34 =	vand.u32 $0x7F, v56;
	s5 =	simm.s32 $0x10  }
0x5e: {  	v37 =	vld.idx.msk [tilespmem:v40+s17+$0x0], $0xffff;
	v30 =	vand.u32 $0x7F, v30;
	v60 =	vmul.f32 v39, v27;
	v39 =	vor.u32 s5, v18  }
0x5f: {  	v59 =	vand.u32 $0x7F, v57;
	v62 =	vadd.s32 s5, v3;
	v43 =	vor.u32 v9, v30;
	v30 =	vld.idx.msk [tilespmem:v29+s17+$0x0], $0xffff  }
0x60: {  	v27 =	vor.u32 v9, v59;
	v49 =	vadd.s32 s5, v2;
	v63 =	vand.u32 $0x7F, v62;
	v36 =	vld.idx.msk [tilespmem:v29+s16+$0x0], $0xffff  }
0x61: {  	v58 =	vadd.f32 v23, v45;
	v23 =	vor.u32 v9, v34;
	v38 =	vor.u32 v9, v63;
	v33 =	vld.idx.msk [tilespmem:v44+s17+$0x0], $0xffff  }
0x62: {  	v34 =	vadd.f32 v61, v45;
	v41 =	vand.u32 $0x7F, v49;
	v29 =	vadd.s32 s5, v4;
	v40 =	vld.idx.msk [tilespmem:v44+s16+$0x0], $0xffff  }
0x63: {  	s0 =	simm.s32 $0x14;
	v42 =	vadd.f32 v60, v58;
	v29 =	vand.u32 $0x7F, v29;
	v44 =	vmul.f32 v55, v47;
	v35 =	vld.idx.msk [tilespmem:v39+s17+$0x0], $0xffff  }
0x64: {  	s29 =	simm.s32 $0x0;
	v45 =	vadd.f32 v50, v45;
	v47 =	vadd.s32 s0, v0;
	v29 =	vor.u32 v9, v29;
	v32 =	vld.idx.msk [tilespmem:v43+s16+$0x0], $0xffff  }
.LBB2_3:
0x65: {  	s29 =	sadd.s32 $0x8, s29;
	v42 =	vadd.f32 v44, v42;
	v43 =	vld.idx.msk [tilespmem:v43+s17+$0x0], $0xffff;
	v44 =	vand.u32 $0x7F, v47;
	v47 =	vadd.s32 s0, v3;
	s28 =	sadd.s32 $0x20, s28  }
0x66: {  	v28 =	vmul.f32 v37, v28;
	s5 =	sadd.s32 $0xFFFFFFFC, s28;
	p0 =	slt.u32 s29, $0x18;
	v37 =	vadd.f32 v46, v45;
	v45 =	vld.idx.msk [tilespmem:v38+s16+$0x0], $0xffff;
	v44 =	vor.u32 v9, v44  }
0x67: {  	v48 =	vadd.s32 s0, v2;
	v49 =	vadd.s32 s0, v4;
	v47 =	vand.u32 $0x7F, v47;
	v46 =	vld.idx.msk [tilespmem:v24+s16+$0x0], $0xffff  }
0x68: {  	v31 =	vadd.f32 v28, v31;
	v28 =	vmul.f32 v33, v40;
	v33 =	vand.u32 $0x7F, v49;
	v50 =	vld.idx.msk [tilespmem:v26+s17+$0x0], $0xffff  }
0x69: {  	v30 =	vmul.f32 v30, v36;
	v33 =	vor.u32 v9, v33;
	v36 =	vld.idx.msk [tilespmem:v39+s16+$0x0], $0xffff;
	v39 =	vor.u32 v9, v47  }
0x6a: {  	v40 =	vadd.s32 s5, v0;
	v42 =	vadd.f32 v28, v42;
	v28 =	vand.u32 $0x7F, v48;
	v47 =	vld.idx.msk [tilespmem:v25+s16+$0x0], $0xffff  }
0x6b: {  	v30 =	vadd.f32 v30, v34;
	v34 =	vor.u32 v9, v41;
	v48 =	vor.u32 v9, v28;
	v41 =	vld.idx.msk [tilespmem:v44+s17+$0x0], $0xffff  }
0x6c: {  	v49 =	vadd.s32 s28, v0;
	v28 =	vand.u32 $0x7F, v40;
	v40 =	vadd.s32 s5, v3;
	v38 =	vld.idx.msk [tilespmem:v38+s17+$0x0], $0xffff  }
0x6d: {  	v49 =	vand.u32 $0x7F, v49;
	v32 =	vmul.f32 v43, v32;
	v28 =	vor.u32 v9, v28;
	v51 =	vld.idx.msk [tilespmem:v27+s16+$0x0], $0xffff  }
0x6e: {  	v49 =	vor.u32 v9, v49;
	v43 =	vadd.s32 s28, v3;
	v40 =	vand.u32 $0x7F, v40;
	v52 =	vld.idx.msk [tilespmem:v33+s16+$0x0], $0xffff  }
0x6f: {  	v53 =	vadd.s32 s5, v4;
	v40 =	vor.u32 v9, v40;
	v35 =	vmul.f32 v35, v36;
	v36 =	vld.idx.msk [tilespmem:v44+s16+$0x0], $0xffff  }
0x70: {  	v53 =	vand.u32 $0x7F, v53;
	v43 =	vand.u32 $0x7F, v43;
	v44 =	vadd.s32 s5, v2;
	v26 =	vld.idx.msk [tilespmem:v26+s16+$0x0], $0xffff  }
0x71: {  	v53 =	vor.u32 v9, v53;
	v44 =	vand.u32 $0x7F, v44;
	v35 =	vadd.f32 v35, v42;
	v24 =	vld.idx.msk [tilespmem:v24+s17+$0x0], $0xffff  }
0x72: {  	v54 =	vadd.s32 s28, v4;
	v42 =	vor.u32 v9, v44;
	v44 =	vadd.s32 s28, v2;
	v25 =	vld.idx.msk [tilespmem:v25+s17+$0x0], $0xffff  }
0x73: {  	v54 =	vand.u32 $0x7F, v54;
	v44 =	vand.u32 $0x7F, v44;
	v55 =	vld.idx.msk [tilespmem:v48+s16+$0x0], $0xffff  }
0x74: {  	v54 =	vor.u32 v9, v54;
	v44 =	vor.u32 v9, v44;
	v56 =	vld.idx.msk [tilespmem:v23+s17+$0x0], $0xffff  }
0x75: {  	v38 =	vmul.f32 v38, v45;
	v45 =	vld.idx.msk [tilespmem:v29+s17+$0x0], $0xffff  }
0x76: {  	v36 =	vmul.f32 v41, v36;
	v26 =	vmul.f32 v50, v26;
	v41 =	vld.idx.msk [tilespmem:v39+s17+$0x0], $0xffff  }
0x77: {  	v8 =	vmul.f32 v22, v8;
	v24 =	vmul.f32 v24, v46;
	v33 =	vld.idx.msk [tilespmem:v33+s17+$0x0], $0xffff  }
0x78: {  	v22 =	vadd.f32 v26, v31;
	v25 =	vmul.f32 v25, v47;
	v26 =	vld.idx.msk [tilespmem:v27+s17+$0x0], $0xffff;
	v27 =	vadd.f32 v36, v35  }
0x79: {  	v24 =	vadd.f32 v24, v30;
	v30 =	vld.idx.msk [tilespmem:v23+s16+$0x0], $0xffff  }
0x7a: {  	v25 =	vadd.f32 v25, v37;
	v31 =	vld.idx.msk [tilespmem:v48+s17+$0x0], $0xffff;
	v8 =	vadd.f32 v8, v27  }
0x7b: {  	v24 =	vadd.f32 v32, v24;
	v27 =	vld.idx.msk [tilespmem:v39+s16+$0x0], $0xffff  }
0x7c: {  	v29 =	vld.idx.msk [tilespmem:v29+s16+$0x0], $0xffff;
	v23 =	vadd.f32 v17, v8  }
0x7d: {  	v24 =	vadd.f32 v38, v24;
	v32 =	vmul.f32 v33, v52;
	v17 =	vld.idx.msk [tilespmem:v34+s17+$0x0], $0xffff  }
0x7e: {  	v26 =	vmul.f32 v26, v51;
	v33 =	vld.idx.msk [tilespmem:v34+s16+$0x0], $0xffff  }
0x7f: {  	v34 =	vor.u32 v9, v43;
	v30 =	vmul.f32 v56, v30;
	v8 =	vld.idx.msk [tilespmem:v28+s16+$0x0], $0xffff  }
0x80: {  	v22 =	vadd.f32 v26, v22;
	v26 =	vmul.f32 v31, v55;
	v35 =	vld.idx.msk [tilespmem:v49+s16+$0x0], $0xffff  }
0x81: {  	v25 =	vadd.f32 v30, v25;
	v27 =	vmul.f32 v41, v27;
	v31 =	vld.idx.msk [tilespmem:v49+s17+$0x0], $0xffff  }
0x82: {  	v29 =	vmul.f32 v45, v29;
	v30 =	vld.idx.msk [tilespmem:v40+s16+$0x0], $0xffff  }
0x83: {  	v24 =	vadd.f32 v27, v24;
	v36 =	vld.idx.msk [tilespmem:v40+s17+$0x0], $0xffff  }
0x84: {  	v17 =	vmul.f32 v17, v33;
	v25 =	vadd.f32 v29, v25;
	v27 =	vld.idx.msk [tilespmem:v34+s17+$0x0], $0xffff  }
0x85: {  	v10 =	vmul.f32 v10, v16;
	v14 =	vadd.f32 v14, v24;
	v29 =	vld.idx.msk [tilespmem:v53+s16+$0x0], $0xffff  }
0x86: {  	v22 =	vadd.f32 v17, v22;
	v24 =	vadd.f32 v32, v25;
	v16 =	vld.idx.msk [tilespmem:v53+s17+$0x0], $0xffff  }
0x87: {  	v17 =	vmul.f32 v31, v35;
	v32 =	vadd.f32 v10, v14;
	v25 =	vld.idx.msk [tilespmem:v42+s16+$0x0], $0xffff  }
0x88: {  	v26 =	vadd.f32 v26, v22;
	v13 =	vadd.f32 v13, v24;
	v31 =	vld.idx.msk [tilespmem:v42+s17+$0x0], $0xffff  }
0x89: {  	v14 =	vmul.f32 v36, v30;
	v22 =	vld.idx.msk [tilespmem:v54+s16+$0x0], $0xffff  }
0x8a: {  	v11 =	vmul.f32 v11, v7;
	v15 =	vadd.f32 v15, v26;
	v35 =	vadd.f32 v12, v13;
	v24 =	vld.idx.msk [tilespmem:v54+s17+$0x0], $0xffff  }
0x8b: {  	v10 =	vmov v27;
	v7 =	vld.idx.msk [tilespmem:v44+s16+$0x0], $0xffff  }
0x8c: {  	v13 =	vmul.f32 v16, v29;
	v27 =	vadd.f32 v11, v15;
	_ =	sdelay $0x1  }
0x8d: {  	v15 =	vmul.f32 v31, v25;
	_ =	sdelay $0x1  }
0x8e: {  	v12 =	vmul.f32 v24, v22  }
0x8f: {  	s0 =	sadd.s32 $0xFFFFFFE4, s28;
	s5 =	sadd.s32 $0xFFFFFFE8, s28  }
0x90: {  	v11 =	vadd.s32 s5, v4;
	v25 =	vor.u32 s0, v19;
	v24 =	vor.u32 s0, v18  }
0x91: {  	v30 =	vor.u32 s0, v20;
	v29 =	vor.u32 s0, v21;
	v16 =	vadd.s32 s5, v2  }
0x92: {  	v16 =	vand.u32 $0x7F, v16;
	v26 =	vand.u32 $0x7F, v11;
	v22 =	vadd.s32 s5, v3;
	v11 =	vld.idx.msk [tilespmem:v44+s17+$0x0], $0xffff  }
0x93: {  	v36 =	vor.u32 v9, v16;
	v33 =	vor.u32 v9, v26;
	v22 =	vand.u32 $0x7F, v22;
	v16 =	vld.idx.msk [tilespmem:v34+s16+$0x0], $0xffff  }
0x94: {  	v31 =	vadd.s32 s5, v18;
	v34 =	vor.u32 v9, v22;
	v22 =	vld.idx.msk [tilespmem:v28+s17+$0x0], $0xffff  }
0x95: {  	v37 =	vld.idx.msk [tilespmem:v24+s16+$0x0], $0xffff  }
0x96: {  	v38 =	vld.idx.msk [tilespmem:v25+s17+$0x0], $0xffff  }
0x97: {  	v40 =	vld.idx.msk [tilespmem:v30+s17+$0x0], $0xffff  }
0x98: {  	v25 =	vld.idx.msk [tilespmem:v25+s16+$0x0], $0xffff  }
0x99: {  	v39 =	vld.idx.msk [tilespmem:v24+s17+$0x0], $0xffff  }
0x9a: {  	s0 =	sadd.s32 $0xFFFFFFEC, s28;
	v41 =	vld.idx.msk [tilespmem:v31+s17+$0x0], $0xffff  }
0x9b: {  	v26 =	vadd.s32 s0, v3;
	v43 =	vadd.s32 s0, v18;
	v24 =	vadd.s32 s0, v2;
	v42 =	vld.idx.msk [tilespmem:v29+s16+$0x0], $0xffff  }
0x9c: {  	v44 =	vand.u32 $0x7F, v26;
	v26 =	vadd.s32 s0, v4;
	v24 =	vand.u32 $0x7F, v24;
	v46 =	vld.idx.msk [tilespmem:v33+s17+$0x0], $0xffff  }
0x9d: {  	v45 =	vand.u32 $0x7F, v26;
	v26 =	vor.u32 v9, v24;
	v24 =	vor.u32 v9, v44;
	v28 =	vld.idx.msk [tilespmem:v36+s16+$0x0], $0xffff  }
0x9e: {  	v38 =	vmul.f32 v38, v25;
	v25 =	vor.u32 v9, v45;
	v44 =	vld.idx.msk [tilespmem:v31+s16+$0x0], $0xffff  }
0x9f: {  	s0 =	sadd.s32 $0xFFFFFFF0, s28;
	v31 =	vmul.f32 v39, v37;
	v29 =	vld.idx.msk [tilespmem:v29+s17+$0x0], $0xffff  }
0xa0: {  	v47 =	vadd.s32 s0, v18;
	v37 =	vadd.s32 s0, v3;
	v39 =	vadd.s32 s0, v4;
	v45 =	vld.idx.msk [tilespmem:v43+s17+$0x0], $0xffff  }
0xa1: {  	v49 =	vadd.s32 s0, v2;
	v48 =	vld.idx.msk [tilespmem:v30+s16+$0x0], $0xffff;
	v30 =	vand.u32 $0x7F, v37;
	v37 =	vand.u32 $0x7F, v39  }
0xa2: {  	v50 =	vadd.f32 v31, v23;
	v51 =	vld.idx.msk [tilespmem:v43+s16+$0x0], $0xffff;
	v43 =	vor.u32 v9, v30;
	v23 =	vor.u32 v9, v37  }
0xa3: {  	v37 =	vand.u32 $0x7F, v49;
	v30 =	vld.idx.msk [tilespmem:v34+s17+$0x0], $0xffff  }
0xa4: {  	s0 =	sadd.s32 $0xFFFFFFF4, s28;
	v31 =	vadd.f32 v38, v27;
	v38 =	vmul.f32 v41, v44;
	v27 =	vor.u32 v9, v37;
	v49 =	vld.idx.msk [tilespmem:v33+s16+$0x0], $0xffff  }
0xa5: {  	v39 =	vor.u32 s0, v18;
	v41 =	vadd.s32 s0, v3;
	v29 =	vmul.f32 v29, v42;
	v33 =	vld.idx.msk [tilespmem:v47+s17+$0x0], $0xffff  }
.Ltmp0:
0xa6: {  	v42 =	vadd.f32 v38, v50;
	v50 =	vadd.s32 s0, v2;
	v38 =	vand.u32 $0x7F, v41;
	v37 =	vld.idx.msk [tilespmem:v36+s17+$0x0], $0xffff;
	(pc) =	sbr.rel @p0 .LBB2_3-.Ltmp0, $4  }
0xa7: {  	v41 =	vadd.s32 s0, v4;
	v48 =	vmul.f32 v40, v48;
	v38 =	vor.u32 v9, v38;
	v36 =	vld.idx.msk [tilespmem:v34+s16+$0x0], $0xffff  }
0xa8: {  	v34 =	vadd.f32 v29, v32;
	v44 =	vmul.f32 v45, v51;
	v29 =	vand.u32 $0x7F, v41;
	v40 =	vld.idx.msk [tilespmem:v47+s16+$0x0], $0xffff  }
0xa9: {  	s0 =	sadd.s32 $0xFFFFFFF8, s28;
	v41 =	vand.u32 $0x7F, v50;
	v29 =	vor.u32 v9, v29;
	v32 =	vld.idx.msk [tilespmem:v43+s16+$0x0], $0xffff  }
0xaa: {  	v45 =	vadd.f32 v48, v35;
	v47 =	vadd.s32 s0, v0;
	v46 =	vmul.f32 v46, v49;
	v35 =	vld.idx.msk [tilespmem:v39+s17+$0x0], $0xffff  }
0xab: {  	_ =	sdelay $0x3  }
0xac: {  	v18 =	vld.idx.msk [tilespmem:v43+s17+$0x0], $0xffff  }
0xad: {  	v20 =	vld.idx.msk [tilespmem:v38+s16+$0x0], $0xffff  }
0xae: {  	v21 =	vld.idx.msk [tilespmem:v24+s16+$0x0], $0xffff  }
0xaf: {  	v19 =	vand.u32 $0x7F, v47;
	v47 =	vld.idx.msk [tilespmem:v26+s17+$0x0], $0xffff  }
0xb0: {  	v39 =	vld.idx.msk [tilespmem:v39+s16+$0x0], $0xffff  }
0xb1: {  	v48 =	vld.idx.msk [tilespmem:v25+s16+$0x0], $0xffff  }
0xb2: {  	v38 =	vld.idx.msk [tilespmem:v38+s17+$0x0], $0xffff  }
0xb3: {  	v51 =	vld.idx.msk [tilespmem:v27+s16+$0x0], $0xffff  }
0xb4: {  	v26 =	vld.idx.msk [tilespmem:v26+s16+$0x0], $0xffff  }
0xb5: {  	v24 =	vld.idx.msk [tilespmem:v24+s17+$0x0], $0xffff  }
0xb6: {  	v25 =	vld.idx.msk [tilespmem:v25+s17+$0x0], $0xffff  }
0xb7: {  	v55 =	vld.idx.msk [tilespmem:v23+s17+$0x0], $0xffff;
	v60 =	vor.u32 v9, v41  }
0xb8: {  	v56 =	vld.idx.msk [tilespmem:v29+s17+$0x0], $0xffff  }
0xb9: {  	v59 =	vadd.s32 s0, v4;
	v61 =	vld.idx.msk [tilespmem:v27+s17+$0x0], $0xffff;
	v19 =	vor.u32 v9, v19  }
0xba: {  	v50 =	vadd.s32 s0, v2;
	v53 =	vadd.s32 s0, v3;
	v62 =	vld.idx.msk [tilespmem:v23+s16+$0x0], $0xffff;
	v43 =	vand.u32 $0x7F, v59  }
0xbb: {  	v50 =	vand.u32 $0x7F, v50;
	v43 =	vor.u32 v9, v43;
	v33 =	vmul.f32 v33, v40;
	v40 =	vld.idx.msk [tilespmem:v29+s16+$0x0], $0xffff  }
0xbc: {  	v53 =	vand.u32 $0x7F, v53;
	v63 =	vadd.f32 v46, v45;
	v50 =	vor.u32 v9, v50;
	v46 =	vld.idx.msk [tilespmem:v60+s17+$0x0], $0xffff  }
0xbd: {  	v53 =	vor.u32 v9, v53;
	v9 =	vld.idx.msk [tilespmem:v60+s16+$0x0], $0xffff  }
0xbe: {  	v49 =	vld.idx.msk [tilespmem:v19+s17+$0x0], $0xffff  }
0xbf: {  	v19 =	vld.idx.msk [tilespmem:v19+s16+$0x0], $0xffff  }
0xc0: {  	v28 =	vmul.f32 v37, v28;
	v52 =	vld.idx.msk [tilespmem:v43+s16+$0x0], $0xffff  }
0xc1: {  	v42 =	vadd.f32 v44, v42;
	v30 =	vmul.f32 v30, v36;
	v54 =	vld.idx.msk [tilespmem:v50+s16+$0x0], $0xffff  }
0xc2: {  	v28 =	vadd.f32 v28, v31;
	v45 =	vmul.f32 v35, v39;
	v26 =	vmul.f32 v47, v26;
	v41 =	vld.idx.msk [tilespmem:v53+s17+$0x0], $0xffff  }
0xc3: {  	v30 =	vadd.f32 v30, v34;
	v21 =	vmul.f32 v24, v21;
	v25 =	vmul.f32 v25, v48;
	v43 =	vld.idx.msk [tilespmem:v43+s17+$0x0], $0xffff  }
0xc4: {  	v44 =	vadd.f32 v33, v42;
	v18 =	vmul.f32 v18, v32;
	v27 =	vmul.f32 v61, v51;
	v53 =	vld.idx.msk [tilespmem:v53+s16+$0x0], $0xffff  }
0xc5: {  	v23 =	vmul.f32 v55, v62;
	v21 =	vadd.f32 v21, v30;
	v57 =	vld.idx.msk [tilespmem:v50+s17+$0x0], $0xffff;
	v25 =	vadd.f32 v25, v63  }
0xc6: {  	v20 =	vmul.f32 v38, v20;
	v47 =	vadd.f32 v45, v44;
	v26 =	vadd.f32 v26, v28  }
0xc7: {  	v59 =	vmul.f32 v56, v40;
	v18 =	vadd.f32 v18, v21;
	v23 =	vadd.f32 v23, v25  }
0xc8: {  	v58 =	vadd.f32 v27, v26;
	v9 =	vmul.f32 v46, v9;
	v19 =	vmul.f32 v49, v19  }
0xc9: {  	v18 =	vadd.f32 v20, v18;
	v23 =	vadd.f32 v59, v23;
	v61 =	vmul.f32 v41, v53  }
0xca: {  	v60 =	vmul.f32 v43, v52;
	v62 =	vmul.f32 v57, v54;
	v9 =	vadd.f32 v9, v58  }
0xcb: {  	v8 =	vmul.f32 v22, v8;
	v19 =	vadd.f32 v19, v47;
	v18 =	vadd.f32 v61, v18  }
0xcc: {  	v20 =	vadd.f32 v60, v23;
	v9 =	vadd.f32 v62, v9  }
0xcd: {  	v10 =	vmul.f32 v10, v16;
	v8 =	vadd.f32 v8, v19;
	v14 =	vadd.f32 v14, v18  }
0xce: {  	v7 =	vmul.f32 v11, v7;
	v13 =	vadd.f32 v13, v20;
	v9 =	vadd.f32 v15, v9  }
0xcf: {  	v8 =	vadd.f32 v17, v8;
	v10 =	vadd.f32 v10, v14  }
0xd0: {  	v63 =	vadd.f32 v12, v13;
	v7 =	vadd.f32 v7, v9;
	_ =	sdelay $0x1  }
0xd1: {  	v7 =	vadd.f32 v7, v8;
	v8 =	vadd.f32 v63, v10;
	_ =	sdelay $0x1  }
0xd2: {  	v7 =	vadd.f32 v8, v7;
	_ =	sdelay $0x1  }
0xd3: {  	v7 =	vmul.f32 v7, v5;
	_ =	sdelay $0x1  }
0xd4: {  	v7 =	vadd.f32 v7, v6;
	_ =	sdelay $0x1  }
0xd5: {  	v7 =	vsub.f32 $0.0e+00, v7;
	_ =	sdelay $0x1  }
0xd6: {  	v7 =	vmul.f32 $1.442695020e+00, v7;
	_ =	sdelay $0x1  }
0xd7: {  	(erf) = vpow2.f32 v7;
	_ =	sdelay $0x8  }
0xd8: {  	v7 =	vpop (erf)  }
0xd9: {  	v7 =	vadd.f32 $1.000000000e+00, v7;
	_ =	sdelay $0x1  }
0xda: {  	(erf) = vrcp.f32 v7;
	_ =	sdelay $0x3  }
0xdb: {  	s21 =	sadd.s32 $0x1, s21  }
0xdc: {  	p0 =	sne.s32 s21, $0x4  }
.Ltmp1:
0xdd: {  	_ = 	snop;
	(pc) =	sbr.rel @p0 .LBB2_2-.Ltmp1, $3  }
0xde: {  	_ =	sdelay $0x1  }
0xdf: {  	v7 =	vpop (erf)  }
0xe0: {  	[tilespmem:s23+$0xC400] =	vst v7  }
0xe1: {  	s0 =	simm.s32 $0xC0  }
0xe2: {  	[tilespmem:s16], [sflag:$0x1] =	stream.indirect.gather [hbm4b:s1+s15], $0x80, s0, s15, $0xb8;
	[tilespmem:$0xC700] =	vst v63  }
0xe3: {  	s29 =	simm.s32 $0x2C0  }
0xe4: {  	[tilespmem:s17], [sflag:$0x2] =	stream.indirect.gather [hbm4b:s2+s15], $0x80, s29, s15, $0xb8;
	[tilespmem:$0xC700] =	vst v63  }
0xe5: {  	_ =	swait.ge [sflag:s30], $0x2000  }
0xe6: {  	[sflag:s30] =	ssyncset.done $0x0  }
0xe7: {  	[sflag:s30] =	ssyncadd.s32 $0xFFFFE000  }
0xe8: {  	_ =	swait.ge [sflag:s31], $0x2000  }
0xe9: {  	[sflag:s31] =	ssyncset.done $0x0  }
0xea: {  	s21 =	simm.s32 $0x0;
	[sflag:s31] =	ssyncadd.s32 $0xFFFFE000  }
.LBB2_6:
0xeb: {  	s23 =	sshll.u32 s21, $0x4  }
0xec: {  	s0 =	simm.s32 $0x18;
	v7 =	vmov s23  }
0xed: {  	v8 =	vadd.s32 s0, v0;
	v7 =	vshll.u32 v7, $0x7  }
0xee: {  	s28 =	simm.s32 $0x1C;
	v9 =	vor.u32 v1, v7;
	v7 =	vand.u32 $0x7F, v8  }
0xef: {  	v8 =	vadd.s32 s28, v0;
	v12 =	vor.u32 v9, v7  }
0xf0: {  	v7 =	vand.u32 $0x7F, v8  }
0xf1: {  	v8 =	vadd.s32 s0, v3;
	v7 =	vor.u32 v9, v7  }
0xf2: {  	s5 =	simm.s32 $0x4;
	v18 =	vor.u32 v0, v9;
	v8 =	vand.u32 $0x7F, v8  }
0xf3: {  	v33 =	vadd.s32 s5, v18;
	v11 =	vor.u32 v9, v8;
	v8 =	vadd.s32 s0, v4  }
0xf4: {  	v10 =	vadd.s32 s28, v3;
	v13 =	vand.u32 $0x7F, v8;
	v8 =	vld.idx.msk [tilespmem:v12+s18+$0x0], $0xffff  }
0xf5: {  	v10 =	vand.u32 $0x7F, v10;
	v22 =	vld.idx.msk [tilespmem:v12+s20+$0x0], $0xffff  }
0xf6: {  	v14 =	vor.u32 v9, v10;
	v10 =	vadd.s32 s0, v2;
	s0 =	simm.s32 $0x0;
	v15 =	vld.idx.msk [tilespmem:v7+s18+$0x0], $0xffff  }
0xf7: {  	v19 =	vor.u32 v2, v9;
	v30 =	vor.u32 s0, v18;
	v17 =	vld.idx.msk [tilespmem:v7+s20+$0x0], $0xffff  }
0xf8: {  	v20 =	vor.u32 v4, v9;
	v10 =	vand.u32 $0x7F, v10;
	v31 =	vor.u32 s0, v19;
	v39 =	vld.idx.msk [tilespmem:v33+s20+$0x0], $0xffff  }
0xf9: {  	v32 =	vor.u32 s0, v20;
	v7 =	vor.u32 v9, v10;
	v10 =	vadd.s32 s28, v4;
	v23 =	vld.idx.msk [tilespmem:v11+s18+$0x0], $0xffff  }
0xfa: {  	v21 =	vor.u32 v3, v9;
	v10 =	vand.u32 $0x7F, v10;
	v24 =	vld.idx.msk [tilespmem:v11+s20+$0x0], $0xffff  }
0xfb: {  	v35 =	vor.u32 s0, v21;
	v16 =	vor.u32 v9, v10;
	v10 =	vld.idx.msk [tilespmem:v14+s20+$0x0], $0xffff  }
0xfc: {  	v34 =	vld.idx.msk [tilespmem:v30+s18+$0x0], $0xffff  }
0xfd: {  	v36 =	vld.idx.msk [tilespmem:v31+s20+$0x0], $0xffff  }
0xfe: {  	v13 =	vor.u32 v9, v13;
	v38 =	vld.idx.msk [tilespmem:v32+s20+$0x0], $0xffff  }
0xff: {  	v31 =	vld.idx.msk [tilespmem:v31+s18+$0x0], $0xffff  }
0x100: {  	v41 =	vld.idx.msk [tilespmem:v35+s18+$0x0], $0xffff  }
0x101: {  	v54 =	vld.idx.msk [tilespmem:v35+s20+$0x0], $0xffff  }
0x102: {  	v32 =	vld.idx.msk [tilespmem:v32+s18+$0x0], $0xffff  }
0x103: {  	v25 =	vld.idx.msk [tilespmem:v13+s18+$0x0], $0xffff  }
0x104: {  	v12 =	vadd.s32 s5, v4;
	v13 =	vld.idx.msk [tilespmem:v13+s20+$0x0], $0xffff  }
0x105: {  	v12 =	vand.u32 $0x7F, v12;
	v26 =	vld.idx.msk [tilespmem:v7+s18+$0x0], $0xffff  }
0x106: {  	v11 =	vadd.s32 s28, v2;
	v37 =	vor.u32 v9, v12;
	v27 =	vld.idx.msk [tilespmem:v7+s20+$0x0], $0xffff  }
0x107: {  	v45 =	vimm.f32 $0.0e+00;
	s0 =	simm.s32 $0x8;
	v11 =	vand.u32 $0x7F, v11;
	v28 =	vld.idx.msk [tilespmem:v16+s18+$0x0], $0xffff  }
0x108: {  	v42 =	vadd.s32 s0, v18;
	v11 =	vor.u32 v9, v11;
	v17 =	vmul.f32 v17, v15;
	v29 =	vld.idx.msk [tilespmem:v16+s20+$0x0], $0xffff  }
0x109: {  	v16 =	vld.idx.msk [tilespmem:v14+s18+$0x0], $0xffff;
	v14 =	vadd.s32 s5, v2;
	v31 =	vmul.f32 v36, v31;
	v61 =	vmul.f32 v54, v41  }
0x10a: {  	v30 =	vld.idx.msk [tilespmem:v30+s20+$0x0], $0xffff;
	v50 =	vmul.f32 v38, v32;
	v14 =	vand.u32 $0x7F, v14;
	v13 =	vmul.f32 v13, v25  }
0x10b: {  	v46 =	vld.idx.msk [tilespmem:v37+s20+$0x0], $0xffff;
	v25 =	vadd.s32 s0, v4;
	v40 =	vor.u32 v9, v14;
	v14 =	vmul.f32 v24, v23  }
0x10c: {  	v48 =	vld.idx.msk [tilespmem:v37+s18+$0x0], $0xffff;
	v23 =	vadd.s32 s5, v3;
	v24 =	vadd.s32 s0, v3;
	v25 =	vand.u32 $0x7F, v25  }
0x10d: {  	v55 =	vld.idx.msk [tilespmem:v42+s20+$0x0], $0xffff;
	s5 =	simm.s32 $0xC;
	v31 =	vadd.f32 v31, v45;
	v15 =	vmul.f32 v27, v26;
	v23 =	vand.u32 $0x7F, v23  }
0x10e: {  	v24 =	vand.u32 $0x7F, v24;
	v27 =	vld.idx.msk [tilespmem:v33+s18+$0x0], $0xffff;
	v25 =	vor.u32 v9, v25;
	v44 =	vadd.s32 s5, v18  }
0x10f: {  	v47 =	vld.idx.msk [tilespmem:v42+s18+$0x0], $0xffff;
	v56 =	vadd.s32 s5, v4;
	v57 =	vadd.s32 s5, v2;
	v24 =	vor.u32 v9, v24  }
0x110: {  	v7 =	vld.idx.msk [tilespmem:v11+s18+$0x0], $0xffff;
	v12 =	vmul.f32 v29, v28;
	v29 =	vor.u32 v9, v23;
	v23 =	vadd.s32 s0, v2  }
0x111: {  	v11 =	vld.idx.msk [tilespmem:v11+s20+$0x0], $0xffff;
	v59 =	vand.u32 $0x7F, v57;
	v46 =	vmul.f32 v46, v48;
	v23 =	vand.u32 $0x7F, v23  }
0x112: {  	v28 =	vld.idx.msk [tilespmem:v40+s18+$0x0], $0xffff;
	v26 =	vor.u32 v9, v23;
	v23 =	vmul.f32 v30, v34;
	v30 =	vadd.s32 s5, v3;
	s5 =	simm.s32 $0x10  }
0x113: {  	v37 =	vld.idx.msk [tilespmem:v40+s20+$0x0], $0xffff;
	v30 =	vand.u32 $0x7F, v30;
	v60 =	vmul.f32 v39, v27;
	v39 =	vor.u32 s5, v18  }
0x114: {  	v34 =	vand.u32 $0x7F, v56;
	v33 =	vld.idx.msk [tilespmem:v44+s20+$0x0], $0xffff;
	v62 =	vadd.s32 s5, v3;
	v43 =	vor.u32 v9, v30  }
0x115: {  	v27 =	vor.u32 v9, v59;
	v49 =	vadd.s32 s5, v2;
	v40 =	vld.idx.msk [tilespmem:v44+s18+$0x0], $0xffff;
	v63 =	vand.u32 $0x7F, v62  }
0x116: {  	s0 =	simm.s32 $0x14;
	v44 =	vmul.f32 v55, v47;
	v58 =	vadd.f32 v23, v45;
	v30 =	vld.idx.msk [tilespmem:v29+s20+$0x0], $0xffff;
	v38 =	vor.u32 v9, v63  }
0x117: {  	v47 =	vadd.s32 s0, v0;
	v23 =	vor.u32 v9, v34;
	v36 =	vld.idx.msk [tilespmem:v29+s18+$0x0], $0xffff;
	v29 =	vadd.s32 s5, v4  }
0x118: {  	v34 =	vadd.f32 v61, v45;
	v42 =	vadd.f32 v60, v58;
	v29 =	vand.u32 $0x7F, v29;
	v35 =	vld.idx.msk [tilespmem:v39+s20+$0x0], $0xffff  }
0x119: {  	s29 =	simm.s32 $0x0;
	v41 =	vand.u32 $0x7F, v49;
	v45 =	vadd.f32 v50, v45;
	v29 =	vor.u32 v9, v29;
	v32 =	vld.idx.msk [tilespmem:v43+s18+$0x0], $0xffff  }
.LBB2_7:
0x11a: {  	s29 =	sadd.s32 $0x8, s29;
	v42 =	vadd.f32 v44, v42;
	v43 =	vld.idx.msk [tilespmem:v43+s20+$0x0], $0xffff;
	v44 =	vand.u32 $0x7F, v47;
	v47 =	vadd.s32 s0, v3;
	s28 =	sadd.s32 $0x20, s28  }
0x11b: {  	v28 =	vmul.f32 v37, v28;
	s5 =	sadd.s32 $0xFFFFFFFC, s28;
	p0 =	slt.u32 s29, $0x18;
	v37 =	vadd.f32 v46, v45;
	v45 =	vld.idx.msk [tilespmem:v38+s18+$0x0], $0xffff;
	v44 =	vor.u32 v9, v44  }
0x11c: {  	v48 =	vadd.s32 s0, v2;
	v49 =	vadd.s32 s0, v4;
	v47 =	vand.u32 $0x7F, v47;
	v46 =	vld.idx.msk [tilespmem:v24+s18+$0x0], $0xffff  }
0x11d: {  	v31 =	vadd.f32 v28, v31;
	v28 =	vmul.f32 v33, v40;
	v33 =	vand.u32 $0x7F, v49;
	v50 =	vld.idx.msk [tilespmem:v26+s20+$0x0], $0xffff  }
0x11e: {  	v30 =	vmul.f32 v30, v36;
	v33 =	vor.u32 v9, v33;
	v36 =	vld.idx.msk [tilespmem:v39+s18+$0x0], $0xffff;
	v39 =	vor.u32 v9, v47  }
0x11f: {  	v40 =	vadd.s32 s5, v0;
	v42 =	vadd.f32 v28, v42;
	v28 =	vand.u32 $0x7F, v48;
	v47 =	vld.idx.msk [tilespmem:v25+s18+$0x0], $0xffff  }
0x120: {  	v30 =	vadd.f32 v30, v34;
	v34 =	vor.u32 v9, v41;
	v48 =	vor.u32 v9, v28;
	v41 =	vld.idx.msk [tilespmem:v44+s20+$0x0], $0xffff  }
0x121: {  	v49 =	vadd.s32 s28, v0;
	v28 =	vand.u32 $0x7F, v40;
	v40 =	vadd.s32 s5, v3;
	v38 =	vld.idx.msk [tilespmem:v38+s20+$0x0], $0xffff  }
0x122: {  	v49 =	vand.u32 $0x7F, v49;
	v32 =	vmul.f32 v43, v32;
	v28 =	vor.u32 v9, v28;
	v51 =	vld.idx.msk [tilespmem:v27+s18+$0x0], $0xffff  }
0x123: {  	v49 =	vor.u32 v9, v49;
	v43 =	vadd.s32 s28, v3;
	v40 =	vand.u32 $0x7F, v40;
	v52 =	vld.idx.msk [tilespmem:v33+s18+$0x0], $0xffff  }
0x124: {  	v53 =	vadd.s32 s5, v4;
	v40 =	vor.u32 v9, v40;
	v35 =	vmul.f32 v35, v36;
	v36 =	vld.idx.msk [tilespmem:v44+s18+$0x0], $0xffff  }
0x125: {  	v53 =	vand.u32 $0x7F, v53;
	v43 =	vand.u32 $0x7F, v43;
	v44 =	vadd.s32 s5, v2;
	v26 =	vld.idx.msk [tilespmem:v26+s18+$0x0], $0xffff  }
0x126: {  	v53 =	vor.u32 v9, v53;
	v44 =	vand.u32 $0x7F, v44;
	v35 =	vadd.f32 v35, v42;
	v24 =	vld.idx.msk [tilespmem:v24+s20+$0x0], $0xffff  }
0x127: {  	v54 =	vadd.s32 s28, v4;
	v42 =	vor.u32 v9, v44;
	v44 =	vadd.s32 s28, v2;
	v25 =	vld.idx.msk [tilespmem:v25+s20+$0x0], $0xffff  }
0x128: {  	v54 =	vand.u32 $0x7F, v54;
	v44 =	vand.u32 $0x7F, v44;
	v55 =	vld.idx.msk [tilespmem:v48+s18+$0x0], $0xffff  }
0x129: {  	v54 =	vor.u32 v9, v54;
	v44 =	vor.u32 v9, v44;
	v56 =	vld.idx.msk [tilespmem:v23+s20+$0x0], $0xffff  }
0x12a: {  	v38 =	vmul.f32 v38, v45;
	v45 =	vld.idx.msk [tilespmem:v29+s20+$0x0], $0xffff  }
0x12b: {  	v36 =	vmul.f32 v41, v36;
	v26 =	vmul.f32 v50, v26;
	v41 =	vld.idx.msk [tilespmem:v39+s20+$0x0], $0xffff  }
0x12c: {  	v8 =	vmul.f32 v22, v8;
	v24 =	vmul.f32 v24, v46;
	v33 =	vld.idx.msk [tilespmem:v33+s20+$0x0], $0xffff  }
0x12d: {  	v22 =	vadd.f32 v26, v31;
	v25 =	vmul.f32 v25, v47;
	v26 =	vld.idx.msk [tilespmem:v27+s20+$0x0], $0xffff;
	v27 =	vadd.f32 v36, v35  }
0x12e: {  	v24 =	vadd.f32 v24, v30;
	v30 =	vld.idx.msk [tilespmem:v23+s18+$0x0], $0xffff  }
0x12f: {  	v25 =	vadd.f32 v25, v37;
	v31 =	vld.idx.msk [tilespmem:v48+s20+$0x0], $0xffff;
	v8 =	vadd.f32 v8, v27  }
0x130: {  	v24 =	vadd.f32 v32, v24;
	v27 =	vld.idx.msk [tilespmem:v39+s18+$0x0], $0xffff  }
0x131: {  	v29 =	vld.idx.msk [tilespmem:v29+s18+$0x0], $0xffff;
	v23 =	vadd.f32 v17, v8  }
0x132: {  	v24 =	vadd.f32 v38, v24;
	v32 =	vmul.f32 v33, v52;
	v17 =	vld.idx.msk [tilespmem:v34+s20+$0x0], $0xffff  }
0x133: {  	v26 =	vmul.f32 v26, v51;
	v33 =	vld.idx.msk [tilespmem:v34+s18+$0x0], $0xffff  }
0x134: {  	v34 =	vor.u32 v9, v43;
	v30 =	vmul.f32 v56, v30;
	v8 =	vld.idx.msk [tilespmem:v28+s18+$0x0], $0xffff  }
0x135: {  	v22 =	vadd.f32 v26, v22;
	v26 =	vmul.f32 v31, v55;
	v35 =	vld.idx.msk [tilespmem:v49+s18+$0x0], $0xffff  }
0x136: {  	v25 =	vadd.f32 v30, v25;
	v27 =	vmul.f32 v41, v27;
	v31 =	vld.idx.msk [tilespmem:v49+s20+$0x0], $0xffff  }
0x137: {  	v29 =	vmul.f32 v45, v29;
	v30 =	vld.idx.msk [tilespmem:v40+s18+$0x0], $0xffff  }
0x138: {  	v24 =	vadd.f32 v27, v24;
	v36 =	vld.idx.msk [tilespmem:v40+s20+$0x0], $0xffff  }
0x139: {  	v17 =	vmul.f32 v17, v33;
	v25 =	vadd.f32 v29, v25;
	v27 =	vld.idx.msk [tilespmem:v34+s20+$0x0], $0xffff  }
0x13a: {  	v10 =	vmul.f32 v10, v16;
	v14 =	vadd.f32 v14, v24;
	v29 =	vld.idx.msk [tilespmem:v53+s18+$0x0], $0xffff  }
0x13b: {  	v22 =	vadd.f32 v17, v22;
	v24 =	vadd.f32 v32, v25;
	v16 =	vld.idx.msk [tilespmem:v53+s20+$0x0], $0xffff  }
0x13c: {  	v17 =	vmul.f32 v31, v35;
	v32 =	vadd.f32 v10, v14;
	v25 =	vld.idx.msk [tilespmem:v42+s18+$0x0], $0xffff  }
0x13d: {  	v26 =	vadd.f32 v26, v22;
	v13 =	vadd.f32 v13, v24;
	v31 =	vld.idx.msk [tilespmem:v42+s20+$0x0], $0xffff  }
0x13e: {  	v14 =	vmul.f32 v36, v30;
	v22 =	vld.idx.msk [tilespmem:v54+s18+$0x0], $0xffff  }
0x13f: {  	v11 =	vmul.f32 v11, v7;
	v15 =	vadd.f32 v15, v26;
	v35 =	vadd.f32 v12, v13;
	v24 =	vld.idx.msk [tilespmem:v54+s20+$0x0], $0xffff  }
0x140: {  	v10 =	vmov v27;
	v7 =	vld.idx.msk [tilespmem:v44+s18+$0x0], $0xffff  }
0x141: {  	v13 =	vmul.f32 v16, v29;
	v27 =	vadd.f32 v11, v15;
	_ =	sdelay $0x1  }
0x142: {  	v15 =	vmul.f32 v31, v25;
	_ =	sdelay $0x1  }
0x143: {  	v12 =	vmul.f32 v24, v22  }
0x144: {  	s0 =	sadd.s32 $0xFFFFFFE4, s28;
	s5 =	sadd.s32 $0xFFFFFFE8, s28  }
0x145: {  	v11 =	vadd.s32 s5, v4;
	v25 =	vor.u32 s0, v19;
	v24 =	vor.u32 s0, v18  }
0x146: {  	v30 =	vor.u32 s0, v20;
	v29 =	vor.u32 s0, v21;
	v16 =	vadd.s32 s5, v2  }
0x147: {  	v16 =	vand.u32 $0x7F, v16;
	v26 =	vand.u32 $0x7F, v11;
	v22 =	vadd.s32 s5, v3;
	v11 =	vld.idx.msk [tilespmem:v44+s20+$0x0], $0xffff  }
0x148: {  	v36 =	vor.u32 v9, v16;
	v33 =	vor.u32 v9, v26;
	v22 =	vand.u32 $0x7F, v22;
	v16 =	vld.idx.msk [tilespmem:v34+s18+$0x0], $0xffff  }
0x149: {  	v31 =	vadd.s32 s5, v18;
	v34 =	vor.u32 v9, v22;
	v22 =	vld.idx.msk [tilespmem:v28+s20+$0x0], $0xffff  }
0x14a: {  	v37 =	vld.idx.msk [tilespmem:v24+s18+$0x0], $0xffff  }
0x14b: {  	v38 =	vld.idx.msk [tilespmem:v25+s20+$0x0], $0xffff  }
0x14c: {  	v40 =	vld.idx.msk [tilespmem:v30+s20+$0x0], $0xffff  }
0x14d: {  	v25 =	vld.idx.msk [tilespmem:v25+s18+$0x0], $0xffff  }
0x14e: {  	v39 =	vld.idx.msk [tilespmem:v24+s20+$0x0], $0xffff  }
0x14f: {  	s0 =	sadd.s32 $0xFFFFFFEC, s28;
	v41 =	vld.idx.msk [tilespmem:v31+s20+$0x0], $0xffff  }
0x150: {  	v26 =	vadd.s32 s0, v3;
	v43 =	vadd.s32 s0, v18;
	v24 =	vadd.s32 s0, v2;
	v42 =	vld.idx.msk [tilespmem:v29+s18+$0x0], $0xffff  }
0x151: {  	v44 =	vand.u32 $0x7F, v26;
	v26 =	vadd.s32 s0, v4;
	v24 =	vand.u32 $0x7F, v24;
	v46 =	vld.idx.msk [tilespmem:v33+s20+$0x0], $0xffff  }
0x152: {  	v45 =	vand.u32 $0x7F, v26;
	v26 =	vor.u32 v9, v24;
	v24 =	vor.u32 v9, v44;
	v28 =	vld.idx.msk [tilespmem:v36+s18+$0x0], $0xffff  }
0x153: {  	v38 =	vmul.f32 v38, v25;
	v25 =	vor.u32 v9, v45;
	v44 =	vld.idx.msk [tilespmem:v31+s18+$0x0], $0xffff  }
0x154: {  	s0 =	sadd.s32 $0xFFFFFFF0, s28;
	v31 =	vmul.f32 v39, v37;
	v29 =	vld.idx.msk [tilespmem:v29+s20+$0x0], $0xffff  }
0x155: {  	v47 =	vadd.s32 s0, v18;
	v37 =	vadd.s32 s0, v3;
	v39 =	vadd.s32 s0, v4;
	v45 =	vld.idx.msk [tilespmem:v43+s20+$0x0], $0xffff  }
0x156: {  	v49 =	vadd.s32 s0, v2;
	v48 =	vld.idx.msk [tilespmem:v30+s18+$0x0], $0xffff;
	v30 =	vand.u32 $0x7F, v37;
	v37 =	vand.u32 $0x7F, v39  }
0x157: {  	v50 =	vadd.f32 v31, v23;
	v51 =	vld.idx.msk [tilespmem:v43+s18+$0x0], $0xffff;
	v43 =	vor.u32 v9, v30;
	v23 =	vor.u32 v9, v37  }
0x158: {  	v37 =	vand.u32 $0x7F, v49;
	v30 =	vld.idx.msk [tilespmem:v34+s20+$0x0], $0xffff  }
0x159: {  	s0 =	sadd.s32 $0xFFFFFFF4, s28;
	v31 =	vadd.f32 v38, v27;
	v38 =	vmul.f32 v41, v44;
	v27 =	vor.u32 v9, v37;
	v49 =	vld.idx.msk [tilespmem:v33+s18+$0x0], $0xffff  }
0x15a: {  	v39 =	vor.u32 s0, v18;
	v41 =	vadd.s32 s0, v3;
	v29 =	vmul.f32 v29, v42;
	v33 =	vld.idx.msk [tilespmem:v47+s20+$0x0], $0xffff  }
.Ltmp2:
0x15b: {  	v42 =	vadd.f32 v38, v50;
	v50 =	vadd.s32 s0, v2;
	v38 =	vand.u32 $0x7F, v41;
	v37 =	vld.idx.msk [tilespmem:v36+s20+$0x0], $0xffff;
	(pc) =	sbr.rel @p0 .LBB2_7-.Ltmp2, $4  }
0x15c: {  	v41 =	vadd.s32 s0, v4;
	v48 =	vmul.f32 v40, v48;
	v38 =	vor.u32 v9, v38;
	v36 =	vld.idx.msk [tilespmem:v34+s18+$0x0], $0xffff  }
0x15d: {  	v34 =	vadd.f32 v29, v32;
	v44 =	vmul.f32 v45, v51;
	v29 =	vand.u32 $0x7F, v41;
	v40 =	vld.idx.msk [tilespmem:v47+s18+$0x0], $0xffff  }
0x15e: {  	s0 =	sadd.s32 $0xFFFFFFF8, s28;
	v41 =	vand.u32 $0x7F, v50;
	v29 =	vor.u32 v9, v29;
	v32 =	vld.idx.msk [tilespmem:v43+s18+$0x0], $0xffff  }
0x15f: {  	v45 =	vadd.f32 v48, v35;
	v47 =	vadd.s32 s0, v0;
	v46 =	vmul.f32 v46, v49;
	v35 =	vld.idx.msk [tilespmem:v39+s20+$0x0], $0xffff  }
0x160: {  	_ =	sdelay $0x3  }
0x161: {  	v18 =	vld.idx.msk [tilespmem:v43+s20+$0x0], $0xffff  }
0x162: {  	v20 =	vld.idx.msk [tilespmem:v38+s18+$0x0], $0xffff  }
0x163: {  	v21 =	vld.idx.msk [tilespmem:v24+s18+$0x0], $0xffff  }
0x164: {  	v19 =	vand.u32 $0x7F, v47;
	v47 =	vld.idx.msk [tilespmem:v26+s20+$0x0], $0xffff  }
0x165: {  	v39 =	vld.idx.msk [tilespmem:v39+s18+$0x0], $0xffff  }
0x166: {  	v48 =	vld.idx.msk [tilespmem:v25+s18+$0x0], $0xffff  }
0x167: {  	v38 =	vld.idx.msk [tilespmem:v38+s20+$0x0], $0xffff  }
0x168: {  	v51 =	vld.idx.msk [tilespmem:v27+s18+$0x0], $0xffff  }
0x169: {  	v26 =	vld.idx.msk [tilespmem:v26+s18+$0x0], $0xffff  }
0x16a: {  	v24 =	vld.idx.msk [tilespmem:v24+s20+$0x0], $0xffff  }
0x16b: {  	v25 =	vld.idx.msk [tilespmem:v25+s20+$0x0], $0xffff  }
0x16c: {  	v55 =	vld.idx.msk [tilespmem:v23+s20+$0x0], $0xffff;
	v60 =	vor.u32 v9, v41  }
0x16d: {  	v56 =	vld.idx.msk [tilespmem:v29+s20+$0x0], $0xffff  }
0x16e: {  	v59 =	vadd.s32 s0, v4;
	v61 =	vld.idx.msk [tilespmem:v27+s20+$0x0], $0xffff;
	v19 =	vor.u32 v9, v19  }
0x16f: {  	v50 =	vadd.s32 s0, v2;
	v53 =	vadd.s32 s0, v3;
	v62 =	vld.idx.msk [tilespmem:v23+s18+$0x0], $0xffff;
	v43 =	vand.u32 $0x7F, v59  }
0x170: {  	v50 =	vand.u32 $0x7F, v50;
	v43 =	vor.u32 v9, v43;
	v33 =	vmul.f32 v33, v40;
	v40 =	vld.idx.msk [tilespmem:v29+s18+$0x0], $0xffff  }
0x171: {  	v53 =	vand.u32 $0x7F, v53;
	v63 =	vadd.f32 v46, v45;
	v50 =	vor.u32 v9, v50;
	v46 =	vld.idx.msk [tilespmem:v60+s20+$0x0], $0xffff  }
0x172: {  	v53 =	vor.u32 v9, v53;
	v9 =	vld.idx.msk [tilespmem:v60+s18+$0x0], $0xffff  }
0x173: {  	v49 =	vld.idx.msk [tilespmem:v19+s20+$0x0], $0xffff  }
0x174: {  	v19 =	vld.idx.msk [tilespmem:v19+s18+$0x0], $0xffff  }
0x175: {  	v28 =	vmul.f32 v37, v28;
	v52 =	vld.idx.msk [tilespmem:v43+s18+$0x0], $0xffff  }
0x176: {  	v42 =	vadd.f32 v44, v42;
	v30 =	vmul.f32 v30, v36;
	v54 =	vld.idx.msk [tilespmem:v50+s18+$0x0], $0xffff  }
0x177: {  	v28 =	vadd.f32 v28, v31;
	v45 =	vmul.f32 v35, v39;
	v26 =	vmul.f32 v47, v26;
	v41 =	vld.idx.msk [tilespmem:v53+s20+$0x0], $0xffff  }
0x178: {  	v30 =	vadd.f32 v30, v34;
	v21 =	vmul.f32 v24, v21;
	v25 =	vmul.f32 v25, v48;
	v43 =	vld.idx.msk [tilespmem:v43+s20+$0x0], $0xffff  }
0x179: {  	v44 =	vadd.f32 v33, v42;
	v18 =	vmul.f32 v18, v32;
	v27 =	vmul.f32 v61, v51;
	v53 =	vld.idx.msk [tilespmem:v53+s18+$0x0], $0xffff  }
0x17a: {  	v23 =	vmul.f32 v55, v62;
	v21 =	vadd.f32 v21, v30;
	v57 =	vld.idx.msk [tilespmem:v50+s20+$0x0], $0xffff;
	v25 =	vadd.f32 v25, v63  }
0x17b: {  	v20 =	vmul.f32 v38, v20;
	v47 =	vadd.f32 v45, v44;
	v26 =	vadd.f32 v26, v28  }
0x17c: {  	v59 =	vmul.f32 v56, v40;
	v18 =	vadd.f32 v18, v21;
	v23 =	vadd.f32 v23, v25  }
0x17d: {  	v58 =	vadd.f32 v27, v26;
	v9 =	vmul.f32 v46, v9;
	v19 =	vmul.f32 v49, v19  }
0x17e: {  	v18 =	vadd.f32 v20, v18;
	v23 =	vadd.f32 v59, v23;
	v61 =	vmul.f32 v41, v53  }
0x17f: {  	v60 =	vmul.f32 v43, v52;
	v62 =	vmul.f32 v57, v54;
	v9 =	vadd.f32 v9, v58  }
0x180: {  	v8 =	vmul.f32 v22, v8;
	v19 =	vadd.f32 v19, v47;
	v18 =	vadd.f32 v61, v18  }
0x181: {  	v20 =	vadd.f32 v60, v23;
	v9 =	vadd.f32 v62, v9  }
0x182: {  	v10 =	vmul.f32 v10, v16;
	v8 =	vadd.f32 v8, v19;
	v14 =	vadd.f32 v14, v18  }
0x183: {  	v7 =	vmul.f32 v11, v7;
	v13 =	vadd.f32 v13, v20;
	v9 =	vadd.f32 v15, v9  }
0x184: {  	v8 =	vadd.f32 v17, v8;
	v10 =	vadd.f32 v10, v14  }
0x185: {  	v63 =	vadd.f32 v12, v13;
	v7 =	vadd.f32 v7, v9;
	_ =	sdelay $0x1  }
0x186: {  	v7 =	vadd.f32 v7, v8;
	v8 =	vadd.f32 v63, v10;
	_ =	sdelay $0x1  }
0x187: {  	v7 =	vadd.f32 v8, v7;
	_ =	sdelay $0x1  }
0x188: {  	v7 =	vmul.f32 v7, v5;
	_ =	sdelay $0x1  }
0x189: {  	v7 =	vadd.f32 v7, v6;
	_ =	sdelay $0x1  }
0x18a: {  	v7 =	vsub.f32 $0.0e+00, v7;
	_ =	sdelay $0x1  }
0x18b: {  	v7 =	vmul.f32 $1.442695020e+00, v7;
	_ =	sdelay $0x1  }
0x18c: {  	(erf) = vpow2.f32 v7;
	_ =	sdelay $0x8  }
0x18d: {  	v7 =	vpop (erf)  }
0x18e: {  	v7 =	vadd.f32 $1.000000000e+00, v7;
	_ =	sdelay $0x1  }
0x18f: {  	(erf) = vrcp.f32 v7;
	_ =	sdelay $0x3  }
0x190: {  	s21 =	sadd.s32 $0x1, s21  }
0x191: {  	p0 =	sne.s32 s21, $0x4  }
.Ltmp3:
0x192: {  	_ = 	snop;
	(pc) =	sbr.rel @p0 .LBB2_6-.Ltmp3, $3  }
0x193: {  	_ =	sdelay $0x1  }
0x194: {  	v7 =	vpop (erf)  }
0x195: {  	[tilespmem:s23+$0xC440] =	vst v7  }
0x196: {  	s0 =	simm.s32 $0x100  }
0x197: {  	[tilespmem:s18], [sflag:$0x3] =	stream.indirect.gather [hbm4b:s1+s15], $0x80, s0, s15, $0xb8;
	[tilespmem:$0xC700] =	vst v63  }
0x198: {  	s29 =	simm.s32 $0x300  }
0x199: {  	[tilespmem:s20], [sflag:$0x4] =	stream.indirect.gather [hbm4b:s2+s15], $0x80, s29, s15, $0xb8;
	[tilespmem:$0xC700] =	vst v63  }
0x19a: {  	_ =	swait.ge [sflag:s3], $0x2000  }
0x19b: {  	[sflag:s3] =	ssyncset.done $0x0  }
0x19c: {  	[sflag:s3] =	ssyncadd.s32 $0xFFFFE000  }
0x19d: {  	_ =	swait.ge [sflag:s4], $0x2000  }
0x19e: {  	[sflag:s4] =	ssyncset.done $0x0  }
0x19f: {  	s21 =	simm.s32 $0x0;
	[sflag:s4] =	ssyncadd.s32 $0xFFFFE000  }
.LBB2_10:
0x1a0: {  	s23 =	sshll.u32 s21, $0x4  }
0x1a1: {  	s0 =	simm.s32 $0x18;
	v7 =	vmov s23  }
0x1a2: {  	v8 =	vadd.s32 s0, v0;
	v7 =	vshll.u32 v7, $0x7  }
0x1a3: {  	s28 =	simm.s32 $0x1C;
	v9 =	vor.u32 v1, v7;
	v7 =	vand.u32 $0x7F, v8  }
0x1a4: {  	v8 =	vadd.s32 s28, v0;
	v12 =	vor.u32 v9, v7  }
0x1a5: {  	v7 =	vand.u32 $0x7F, v8  }
0x1a6: {  	v8 =	vadd.s32 s0, v3;
	v7 =	vor.u32 v9, v7  }
0x1a7: {  	s5 =	simm.s32 $0x4;
	v18 =	vor.u32 v0, v9;
	v8 =	vand.u32 $0x7F, v8  }
0x1a8: {  	v33 =	vadd.s32 s5, v18;
	v11 =	vor.u32 v9, v8;
	v8 =	vadd.s32 s0, v4  }
0x1a9: {  	v10 =	vadd.s32 s28, v3;
	v13 =	vand.u32 $0x7F, v8;
	v8 =	vld.idx.msk [tilespmem:v12+s22+$0x0], $0xffff  }
0x1aa: {  	v10 =	vand.u32 $0x7F, v10;
	v22 =	vld.idx.msk [tilespmem:v12+s24+$0x0], $0xffff  }
0x1ab: {  	v14 =	vor.u32 v9, v10;
	v10 =	vadd.s32 s0, v2;
	s0 =	simm.s32 $0x0;
	v15 =	vld.idx.msk [tilespmem:v7+s22+$0x0], $0xffff  }
0x1ac: {  	v19 =	vor.u32 v2, v9;
	v30 =	vor.u32 s0, v18;
	v17 =	vld.idx.msk [tilespmem:v7+s24+$0x0], $0xffff  }
0x1ad: {  	v20 =	vor.u32 v4, v9;
	v10 =	vand.u32 $0x7F, v10;
	v31 =	vor.u32 s0, v19;
	v39 =	vld.idx.msk [tilespmem:v33+s24+$0x0], $0xffff  }
0x1ae: {  	v32 =	vor.u32 s0, v20;
	v7 =	vor.u32 v9, v10;
	v10 =	vadd.s32 s28, v4;
	v23 =	vld.idx.msk [tilespmem:v11+s22+$0x0], $0xffff  }
0x1af: {  	v21 =	vor.u32 v3, v9;
	v10 =	vand.u32 $0x7F, v10;
	v24 =	vld.idx.msk [tilespmem:v11+s24+$0x0], $0xffff  }
0x1b0: {  	v35 =	vor.u32 s0, v21;
	v16 =	vor.u32 v9, v10;
	v10 =	vld.idx.msk [tilespmem:v14+s24+$0x0], $0xffff  }
0x1b1: {  	v34 =	vld.idx.msk [tilespmem:v30+s22+$0x0], $0xffff  }
0x1b2: {  	v36 =	vld.idx.msk [tilespmem:v31+s24+$0x0], $0xffff  }
0x1b3: {  	v13 =	vor.u32 v9, v13;
	v38 =	vld.idx.msk [tilespmem:v32+s24+$0x0], $0xffff  }
0x1b4: {  	v31 =	vld.idx.msk [tilespmem:v31+s22+$0x0], $0xffff  }
0x1b5: {  	v41 =	vld.idx.msk [tilespmem:v35+s22+$0x0], $0xffff  }
0x1b6: {  	v54 =	vld.idx.msk [tilespmem:v35+s24+$0x0], $0xffff  }
0x1b7: {  	v32 =	vld.idx.msk [tilespmem:v32+s22+$0x0], $0xffff  }
0x1b8: {  	v25 =	vld.idx.msk [tilespmem:v13+s22+$0x0], $0xffff  }
0x1b9: {  	v12 =	vadd.s32 s5, v4;
	v13 =	vld.idx.msk [tilespmem:v13+s24+$0x0], $0xffff  }
0x1ba: {  	v12 =	vand.u32 $0x7F, v12;
	v26 =	vld.idx.msk [tilespmem:v7+s22+$0x0], $0xffff  }
0x1bb: {  	v11 =	vadd.s32 s28, v2;
	v37 =	vor.u32 v9, v12;
	v27 =	vld.idx.msk [tilespmem:v7+s24+$0x0], $0xffff  }
0x1bc: {  	v45 =	vimm.f32 $0.0e+00;
	s0 =	simm.s32 $0x8;
	v11 =	vand.u32 $0x7F, v11;
	v28 =	vld.idx.msk [tilespmem:v16+s22+$0x0], $0xffff  }
0x1bd: {  	v42 =	vadd.s32 s0, v18;
	v11 =	vor.u32 v9, v11;
	v17 =	vmul.f32 v17, v15;
	v29 =	vld.idx.msk [tilespmem:v16+s24+$0x0], $0xffff  }
0x1be: {  	v16 =	vld.idx.msk [tilespmem:v14+s22+$0x0], $0xffff;
	v14 =	vadd.s32 s5, v2;
	v31 =	vmul.f32 v36, v31;
	v61 =	vmul.f32 v54, v41  }
0x1bf: {  	v30 =	vld.idx.msk [tilespmem:v30+s24+$0x0], $0xffff;
	v50 =	vmul.f32 v38, v32;
	v14 =	vand.u32 $0x7F, v14;
	v13 =	vmul.f32 v13, v25  }
0x1c0: {  	v46 =	vld.idx.msk [tilespmem:v37+s24+$0x0], $0xffff;
	v25 =	vadd.s32 s0, v4;
	v40 =	vor.u32 v9, v14;
	v14 =	vmul.f32 v24, v23  }
0x1c1: {  	v48 =	vld.idx.msk [tilespmem:v37+s22+$0x0], $0xffff;
	v23 =	vadd.s32 s5, v3;
	v24 =	vadd.s32 s0, v3;
	v25 =	vand.u32 $0x7F, v25  }
0x1c2: {  	v55 =	vld.idx.msk [tilespmem:v42+s24+$0x0], $0xffff;
	s5 =	simm.s32 $0xC;
	v31 =	vadd.f32 v31, v45;
	v15 =	vmul.f32 v27, v26;
	v23 =	vand.u32 $0x7F, v23  }
0x1c3: {  	v24 =	vand.u32 $0x7F, v24;
	v27 =	vld.idx.msk [tilespmem:v33+s22+$0x0], $0xffff;
	v25 =	vor.u32 v9, v25;
	v44 =	vadd.s32 s5, v18  }
0x1c4: {  	v47 =	vld.idx.msk [tilespmem:v42+s22+$0x0], $0xffff;
	v56 =	vadd.s32 s5, v4;
	v57 =	vadd.s32 s5, v2;
	v24 =	vor.u32 v9, v24  }
0x1c5: {  	v7 =	vld.idx.msk [tilespmem:v11+s22+$0x0], $0xffff;
	v12 =	vmul.f32 v29, v28;
	v29 =	vor.u32 v9, v23;
	v23 =	vadd.s32 s0, v2  }
0x1c6: {  	v11 =	vld.idx.msk [tilespmem:v11+s24+$0x0], $0xffff;
	v59 =	vand.u32 $0x7F, v57;
	v46 =	vmul.f32 v46, v48;
	v23 =	vand.u32 $0x7F, v23  }
0x1c7: {  	v28 =	vld.idx.msk [tilespmem:v40+s22+$0x0], $0xffff;
	v26 =	vor.u32 v9, v23;
	v23 =	vmul.f32 v30, v34;
	v30 =	vadd.s32 s5, v3;
	s5 =	simm.s32 $0x10  }
0x1c8: {  	v37 =	vld.idx.msk [tilespmem:v40+s24+$0x0], $0xffff;
	v30 =	vand.u32 $0x7F, v30;
	v60 =	vmul.f32 v39, v27;
	v39 =	vor.u32 s5, v18  }
0x1c9: {  	v34 =	vand.u32 $0x7F, v56;
	v33 =	vld.idx.msk [tilespmem:v44+s24+$0x0], $0xffff;
	v62 =	vadd.s32 s5, v3;
	v43 =	vor.u32 v9, v30  }
0x1ca: {  	v27 =	vor.u32 v9, v59;
	v49 =	vadd.s32 s5, v2;
	v40 =	vld.idx.msk [tilespmem:v44+s22+$0x0], $0xffff;
	v63 =	vand.u32 $0x7F, v62  }
0x1cb: {  	s0 =	simm.s32 $0x14;
	v44 =	vmul.f32 v55, v47;
	v58 =	vadd.f32 v23, v45;
	v30 =	vld.idx.msk [tilespmem:v29+s24+$0x0], $0xffff;
	v38 =	vor.u32 v9, v63  }
0x1cc: {  	v47 =	vadd.s32 s0, v0;
	v23 =	vor.u32 v9, v34;
	v36 =	vld.idx.msk [tilespmem:v29+s22+$0x0], $0xffff;
	v29 =	vadd.s32 s5, v4  }
0x1cd: {  	v34 =	vadd.f32 v61, v45;
	v42 =	vadd.f32 v60, v58;
	v29 =	vand.u32 $0x7F, v29;
	v35 =	vld.idx.msk [tilespmem:v39+s24+$0x0], $0xffff  }
0x1ce: {  	s29 =	simm.s32 $0x0;
	v41 =	vand.u32 $0x7F, v49;
	v45 =	vadd.f32 v50, v45;
	v29 =	vor.u32 v9, v29;
	v32 =	vld.idx.msk [tilespmem:v43+s22+$0x0], $0xffff  }
.LBB2_11:
0x1cf: {  	s29 =	sadd.s32 $0x8, s29;
	v42 =	vadd.f32 v44, v42;
	v43 =	vld.idx.msk [tilespmem:v43+s24+$0x0], $0xffff;
	v44 =	vand.u32 $0x7F, v47;
	v47 =	vadd.s32 s0, v3;
	s28 =	sadd.s32 $0x20, s28  }
0x1d0: {  	v28 =	vmul.f32 v37, v28;
	s5 =	sadd.s32 $0xFFFFFFFC, s28;
	p0 =	slt.u32 s29, $0x18;
	v37 =	vadd.f32 v46, v45;
	v45 =	vld.idx.msk [tilespmem:v38+s22+$0x0], $0xffff;
	v44 =	vor.u32 v9, v44  }
0x1d1: {  	v48 =	vadd.s32 s0, v2;
	v49 =	vadd.s32 s0, v4;
	v47 =	vand.u32 $0x7F, v47;
	v46 =	vld.idx.msk [tilespmem:v24+s22+$0x0], $0xffff  }
0x1d2: {  	v31 =	vadd.f32 v28, v31;
	v28 =	vmul.f32 v33, v40;
	v33 =	vand.u32 $0x7F, v49;
	v50 =	vld.idx.msk [tilespmem:v26+s24+$0x0], $0xffff  }
0x1d3: {  	v30 =	vmul.f32 v30, v36;
	v33 =	vor.u32 v9, v33;
	v36 =	vld.idx.msk [tilespmem:v39+s22+$0x0], $0xffff;
	v39 =	vor.u32 v9, v47  }
0x1d4: {  	v40 =	vadd.s32 s5, v0;
	v42 =	vadd.f32 v28, v42;
	v28 =	vand.u32 $0x7F, v48;
	v47 =	vld.idx.msk [tilespmem:v25+s22+$0x0], $0xffff  }
0x1d5: {  	v30 =	vadd.f32 v30, v34;
	v34 =	vor.u32 v9, v41;
	v48 =	vor.u32 v9, v28;
	v41 =	vld.idx.msk [tilespmem:v44+s24+$0x0], $0xffff  }
0x1d6: {  	v49 =	vadd.s32 s28, v0;
	v28 =	vand.u32 $0x7F, v40;
	v40 =	vadd.s32 s5, v3;
	v38 =	vld.idx.msk [tilespmem:v38+s24+$0x0], $0xffff  }
0x1d7: {  	v49 =	vand.u32 $0x7F, v49;
	v32 =	vmul.f32 v43, v32;
	v28 =	vor.u32 v9, v28;
	v51 =	vld.idx.msk [tilespmem:v27+s22+$0x0], $0xffff  }
0x1d8: {  	v49 =	vor.u32 v9, v49;
	v43 =	vadd.s32 s28, v3;
	v40 =	vand.u32 $0x7F, v40;
	v52 =	vld.idx.msk [tilespmem:v33+s22+$0x0], $0xffff  }
0x1d9: {  	v53 =	vadd.s32 s5, v4;
	v40 =	vor.u32 v9, v40;
	v35 =	vmul.f32 v35, v36;
	v36 =	vld.idx.msk [tilespmem:v44+s22+$0x0], $0xffff  }
0x1da: {  	v53 =	vand.u32 $0x7F, v53;
	v43 =	vand.u32 $0x7F, v43;
	v44 =	vadd.s32 s5, v2;
	v26 =	vld.idx.msk [tilespmem:v26+s22+$0x0], $0xffff  }
0x1db: {  	v53 =	vor.u32 v9, v53;
	v44 =	vand.u32 $0x7F, v44;
	v35 =	vadd.f32 v35, v42;
	v24 =	vld.idx.msk [tilespmem:v24+s24+$0x0], $0xffff  }
0x1dc: {  	v54 =	vadd.s32 s28, v4;
	v42 =	vor.u32 v9, v44;
	v44 =	vadd.s32 s28, v2;
	v25 =	vld.idx.msk [tilespmem:v25+s24+$0x0], $0xffff  }
0x1dd: {  	v54 =	vand.u32 $0x7F, v54;
	v44 =	vand.u32 $0x7F, v44;
	v55 =	vld.idx.msk [tilespmem:v48+s22+$0x0], $0xffff  }
0x1de: {  	v54 =	vor.u32 v9, v54;
	v44 =	vor.u32 v9, v44;
	v56 =	vld.idx.msk [tilespmem:v23+s24+$0x0], $0xffff  }
0x1df: {  	v38 =	vmul.f32 v38, v45;
	v45 =	vld.idx.msk [tilespmem:v29+s24+$0x0], $0xffff  }
0x1e0: {  	v36 =	vmul.f32 v41, v36;
	v26 =	vmul.f32 v50, v26;
	v41 =	vld.idx.msk [tilespmem:v39+s24+$0x0], $0xffff  }
0x1e1: {  	v8 =	vmul.f32 v22, v8;
	v24 =	vmul.f32 v24, v46;
	v33 =	vld.idx.msk [tilespmem:v33+s24+$0x0], $0xffff  }
0x1e2: {  	v22 =	vadd.f32 v26, v31;
	v25 =	vmul.f32 v25, v47;
	v26 =	vld.idx.msk [tilespmem:v27+s24+$0x0], $0xffff;
	v27 =	vadd.f32 v36, v35  }
0x1e3: {  	v24 =	vadd.f32 v24, v30;
	v30 =	vld.idx.msk [tilespmem:v23+s22+$0x0], $0xffff  }
0x1e4: {  	v25 =	vadd.f32 v25, v37;
	v31 =	vld.idx.msk [tilespmem:v48+s24+$0x0], $0xffff;
	v8 =	vadd.f32 v8, v27  }
0x1e5: {  	v24 =	vadd.f32 v32, v24;
	v27 =	vld.idx.msk [tilespmem:v39+s22+$0x0], $0xffff  }
0x1e6: {  	v29 =	vld.idx.msk [tilespmem:v29+s22+$0x0], $0xffff;
	v23 =	vadd.f32 v17, v8  }
0x1e7: {  	v24 =	vadd.f32 v38, v24;
	v32 =	vmul.f32 v33, v52;
	v17 =	vld.idx.msk [tilespmem:v34+s24+$0x0], $0xffff  }
0x1e8: {  	v26 =	vmul.f32 v26, v51;
	v33 =	vld.idx.msk [tilespmem:v34+s22+$0x0], $0xffff  }
0x1e9: {  	v34 =	vor.u32 v9, v43;
	v30 =	vmul.f32 v56, v30;
	v8 =	vld.idx.msk [tilespmem:v28+s22+$0x0], $0xffff  }
0x1ea: {  	v22 =	vadd.f32 v26, v22;
	v26 =	vmul.f32 v31, v55;
	v35 =	vld.idx.msk [tilespmem:v49+s22+$0x0], $0xffff  }
0x1eb: {  	v25 =	vadd.f32 v30, v25;
	v27 =	vmul.f32 v41, v27;
	v31 =	vld.idx.msk [tilespmem:v49+s24+$0x0], $0xffff  }
0x1ec: {  	v29 =	vmul.f32 v45, v29;
	v30 =	vld.idx.msk [tilespmem:v40+s22+$0x0], $0xffff  }
0x1ed: {  	v24 =	vadd.f32 v27, v24;
	v36 =	vld.idx.msk [tilespmem:v40+s24+$0x0], $0xffff  }
0x1ee: {  	v17 =	vmul.f32 v17, v33;
	v25 =	vadd.f32 v29, v25;
	v27 =	vld.idx.msk [tilespmem:v34+s24+$0x0], $0xffff  }
0x1ef: {  	v10 =	vmul.f32 v10, v16;
	v14 =	vadd.f32 v14, v24;
	v29 =	vld.idx.msk [tilespmem:v53+s22+$0x0], $0xffff  }
0x1f0: {  	v22 =	vadd.f32 v17, v22;
	v24 =	vadd.f32 v32, v25;
	v16 =	vld.idx.msk [tilespmem:v53+s24+$0x0], $0xffff  }
0x1f1: {  	v17 =	vmul.f32 v31, v35;
	v32 =	vadd.f32 v10, v14;
	v25 =	vld.idx.msk [tilespmem:v42+s22+$0x0], $0xffff  }
0x1f2: {  	v26 =	vadd.f32 v26, v22;
	v13 =	vadd.f32 v13, v24;
	v31 =	vld.idx.msk [tilespmem:v42+s24+$0x0], $0xffff  }
0x1f3: {  	v14 =	vmul.f32 v36, v30;
	v22 =	vld.idx.msk [tilespmem:v54+s22+$0x0], $0xffff  }
0x1f4: {  	v11 =	vmul.f32 v11, v7;
	v15 =	vadd.f32 v15, v26;
	v35 =	vadd.f32 v12, v13;
	v24 =	vld.idx.msk [tilespmem:v54+s24+$0x0], $0xffff  }
0x1f5: {  	v10 =	vmov v27;
	v7 =	vld.idx.msk [tilespmem:v44+s22+$0x0], $0xffff  }
0x1f6: {  	v13 =	vmul.f32 v16, v29;
	v27 =	vadd.f32 v11, v15;
	_ =	sdelay $0x1  }
0x1f7: {  	v15 =	vmul.f32 v31, v25;
	_ =	sdelay $0x1  }
0x1f8: {  	v12 =	vmul.f32 v24, v22  }
0x1f9: {  	s0 =	sadd.s32 $0xFFFFFFE4, s28;
	s5 =	sadd.s32 $0xFFFFFFE8, s28  }
0x1fa: {  	v11 =	vadd.s32 s5, v4;
	v25 =	vor.u32 s0, v19;
	v24 =	vor.u32 s0, v18  }
0x1fb: {  	v30 =	vor.u32 s0, v20;
	v29 =	vor.u32 s0, v21;
	v16 =	vadd.s32 s5, v2  }
0x1fc: {  	v16 =	vand.u32 $0x7F, v16;
	v26 =	vand.u32 $0x7F, v11;
	v22 =	vadd.s32 s5, v3;
	v11 =	vld.idx.msk [tilespmem:v44+s24+$0x0], $0xffff  }
0x1fd: {  	v36 =	vor.u32 v9, v16;
	v33 =	vor.u32 v9, v26;
	v22 =	vand.u32 $0x7F, v22;
	v16 =	vld.idx.msk [tilespmem:v34+s22+$0x0], $0xffff  }
0x1fe: {  	v31 =	vadd.s32 s5, v18;
	v34 =	vor.u32 v9, v22;
	v22 =	vld.idx.msk [tilespmem:v28+s24+$0x0], $0xffff  }
0x1ff: {  	v37 =	vld.idx.msk [tilespmem:v24+s22+$0x0], $0xffff  }
0x200: {  	v38 =	vld.idx.msk [tilespmem:v25+s24+$0x0], $0xffff  }
0x201: {  	v40 =	vld.idx.msk [tilespmem:v30+s24+$0x0], $0xffff  }
0x202: {  	v25 =	vld.idx.msk [tilespmem:v25+s22+$0x0], $0xffff  }
0x203: {  	v39 =	vld.idx.msk [tilespmem:v24+s24+$0x0], $0xffff  }
0x204: {  	s0 =	sadd.s32 $0xFFFFFFEC, s28;
	v41 =	vld.idx.msk [tilespmem:v31+s24+$0x0], $0xffff  }
0x205: {  	v26 =	vadd.s32 s0, v3;
	v43 =	vadd.s32 s0, v18;
	v24 =	vadd.s32 s0, v2;
	v42 =	vld.idx.msk [tilespmem:v29+s22+$0x0], $0xffff  }
0x206: {  	v44 =	vand.u32 $0x7F, v26;
	v26 =	vadd.s32 s0, v4;
	v24 =	vand.u32 $0x7F, v24;
	v46 =	vld.idx.msk [tilespmem:v33+s24+$0x0], $0xffff  }
0x207: {  	v45 =	vand.u32 $0x7F, v26;
	v26 =	vor.u32 v9, v24;
	v24 =	vor.u32 v9, v44;
	v28 =	vld.idx.msk [tilespmem:v36+s22+$0x0], $0xffff  }
0x208: {  	v38 =	vmul.f32 v38, v25;
	v25 =	vor.u32 v9, v45;
	v44 =	vld.idx.msk [tilespmem:v31+s22+$0x0], $0xffff  }
0x209: {  	s0 =	sadd.s32 $0xFFFFFFF0, s28;
	v31 =	vmul.f32 v39, v37;
	v29 =	vld.idx.msk [tilespmem:v29+s24+$0x0], $0xffff  }
0x20a: {  	v47 =	vadd.s32 s0, v18;
	v37 =	vadd.s32 s0, v3;
	v39 =	vadd.s32 s0, v4;
	v45 =	vld.idx.msk [tilespmem:v43+s24+$0x0], $0xffff  }
0x20b: {  	v49 =	vadd.s32 s0, v2;
	v48 =	vld.idx.msk [tilespmem:v30+s22+$0x0], $0xffff;
	v30 =	vand.u32 $0x7F, v37;
	v37 =	vand.u32 $0x7F, v39  }
0x20c: {  	v50 =	vadd.f32 v31, v23;
	v51 =	vld.idx.msk [tilespmem:v43+s22+$0x0], $0xffff;
	v43 =	vor.u32 v9, v30;
	v23 =	vor.u32 v9, v37  }
0x20d: {  	v37 =	vand.u32 $0x7F, v49;
	v30 =	vld.idx.msk [tilespmem:v34+s24+$0x0], $0xffff  }
0x20e: {  	s0 =	sadd.s32 $0xFFFFFFF4, s28;
	v31 =	vadd.f32 v38, v27;
	v38 =	vmul.f32 v41, v44;
	v27 =	vor.u32 v9, v37;
	v49 =	vld.idx.msk [tilespmem:v33+s22+$0x0], $0xffff  }
0x20f: {  	v39 =	vor.u32 s0, v18;
	v41 =	vadd.s32 s0, v3;
	v29 =	vmul.f32 v29, v42;
	v33 =	vld.idx.msk [tilespmem:v47+s24+$0x0], $0xffff  }
.Ltmp4:
0x210: {  	v42 =	vadd.f32 v38, v50;
	v50 =	vadd.s32 s0, v2;
	v38 =	vand.u32 $0x7F, v41;
	v37 =	vld.idx.msk [tilespmem:v36+s24+$0x0], $0xffff;
	(pc) =	sbr.rel @p0 .LBB2_11-.Ltmp4, $4  }
0x211: {  	v41 =	vadd.s32 s0, v4;
	v48 =	vmul.f32 v40, v48;
	v38 =	vor.u32 v9, v38;
	v36 =	vld.idx.msk [tilespmem:v34+s22+$0x0], $0xffff  }
0x212: {  	v34 =	vadd.f32 v29, v32;
	v44 =	vmul.f32 v45, v51;
	v29 =	vand.u32 $0x7F, v41;
	v40 =	vld.idx.msk [tilespmem:v47+s22+$0x0], $0xffff  }
0x213: {  	s0 =	sadd.s32 $0xFFFFFFF8, s28;
	v41 =	vand.u32 $0x7F, v50;
	v29 =	vor.u32 v9, v29;
	v32 =	vld.idx.msk [tilespmem:v43+s22+$0x0], $0xffff  }
0x214: {  	v45 =	vadd.f32 v48, v35;
	v47 =	vadd.s32 s0, v0;
	v46 =	vmul.f32 v46, v49;
	v35 =	vld.idx.msk [tilespmem:v39+s24+$0x0], $0xffff  }
0x215: {  	_ =	sdelay $0x3  }
0x216: {  	v18 =	vld.idx.msk [tilespmem:v43+s24+$0x0], $0xffff  }
0x217: {  	v20 =	vld.idx.msk [tilespmem:v38+s22+$0x0], $0xffff  }
0x218: {  	v21 =	vld.idx.msk [tilespmem:v24+s22+$0x0], $0xffff  }
0x219: {  	v19 =	vand.u32 $0x7F, v47;
	v47 =	vld.idx.msk [tilespmem:v26+s24+$0x0], $0xffff  }
0x21a: {  	v39 =	vld.idx.msk [tilespmem:v39+s22+$0x0], $0xffff  }
0x21b: {  	v48 =	vld.idx.msk [tilespmem:v25+s22+$0x0], $0xffff  }
0x21c: {  	v38 =	vld.idx.msk [tilespmem:v38+s24+$0x0], $0xffff  }
0x21d: {  	v51 =	vld.idx.msk [tilespmem:v27+s22+$0x0], $0xffff  }
0x21e: {  	v26 =	vld.idx.msk [tilespmem:v26+s22+$0x0], $0xffff  }
0x21f: {  	v24 =	vld.idx.msk [tilespmem:v24+s24+$0x0], $0xffff  }
0x220: {  	v25 =	vld.idx.msk [tilespmem:v25+s24+$0x0], $0xffff  }
0x221: {  	v55 =	vld.idx.msk [tilespmem:v23+s24+$0x0], $0xffff;
	v60 =	vor.u32 v9, v41  }
0x222: {  	v56 =	vld.idx.msk [tilespmem:v29+s24+$0x0], $0xffff  }
0x223: {  	v59 =	vadd.s32 s0, v4;
	v61 =	vld.idx.msk [tilespmem:v27+s24+$0x0], $0xffff;
	v19 =	vor.u32 v9, v19  }
0x224: {  	v50 =	vadd.s32 s0, v2;
	v53 =	vadd.s32 s0, v3;
	v62 =	vld.idx.msk [tilespmem:v23+s22+$0x0], $0xffff;
	v43 =	vand.u32 $0x7F, v59  }
0x225: {  	v50 =	vand.u32 $0x7F, v50;
	v43 =	vor.u32 v9, v43;
	v33 =	vmul.f32 v33, v40;
	v40 =	vld.idx.msk [tilespmem:v29+s22+$0x0], $0xffff  }
0x226: {  	v53 =	vand.u32 $0x7F, v53;
	v63 =	vadd.f32 v46, v45;
	v50 =	vor.u32 v9, v50;
	v46 =	vld.idx.msk [tilespmem:v60+s24+$0x0], $0xffff  }
0x227: {  	v53 =	vor.u32 v9, v53;
	v9 =	vld.idx.msk [tilespmem:v60+s22+$0x0], $0xffff  }
0x228: {  	v49 =	vld.idx.msk [tilespmem:v19+s24+$0x0], $0xffff  }
0x229: {  	v19 =	vld.idx.msk [tilespmem:v19+s22+$0x0], $0xffff  }
0x22a: {  	v28 =	vmul.f32 v37, v28;
	v52 =	vld.idx.msk [tilespmem:v43+s22+$0x0], $0xffff  }
0x22b: {  	v42 =	vadd.f32 v44, v42;
	v30 =	vmul.f32 v30, v36;
	v54 =	vld.idx.msk [tilespmem:v50+s22+$0x0], $0xffff  }
0x22c: {  	v28 =	vadd.f32 v28, v31;
	v45 =	vmul.f32 v35, v39;
	v26 =	vmul.f32 v47, v26;
	v41 =	vld.idx.msk [tilespmem:v53+s24+$0x0], $0xffff  }
0x22d: {  	v30 =	vadd.f32 v30, v34;
	v21 =	vmul.f32 v24, v21;
	v25 =	vmul.f32 v25, v48;
	v43 =	vld.idx.msk [tilespmem:v43+s24+$0x0], $0xffff  }
0x22e: {  	v44 =	vadd.f32 v33, v42;
	v18 =	vmul.f32 v18, v32;
	v27 =	vmul.f32 v61, v51;
	v53 =	vld.idx.msk [tilespmem:v53+s22+$0x0], $0xffff  }
0x22f: {  	v23 =	vmul.f32 v55, v62;
	v21 =	vadd.f32 v21, v30;
	v57 =	vld.idx.msk [tilespmem:v50+s24+$0x0], $0xffff;
	v25 =	vadd.f32 v25, v63  }
0x230: {  	v20 =	vmul.f32 v38, v20;
	v47 =	vadd.f32 v45, v44;
	v26 =	vadd.f32 v26, v28  }
0x231: {  	v59 =	vmul.f32 v56, v40;
	v18 =	vadd.f32 v18, v21;
	v23 =	vadd.f32 v23, v25  }
0x232: {  	v58 =	vadd.f32 v27, v26;
	v9 =	vmul.f32 v46, v9;
	v19 =	vmul.f32 v49, v19  }
0x233: {  	v18 =	vadd.f32 v20, v18;
	v23 =	vadd.f32 v59, v23;
	v61 =	vmul.f32 v41, v53  }
0x234: {  	v60 =	vmul.f32 v43, v52;
	v62 =	vmul.f32 v57, v54;
	v9 =	vadd.f32 v9, v58  }
0x235: {  	v8 =	vmul.f32 v22, v8;
	v19 =	vadd.f32 v19, v47;
	v18 =	vadd.f32 v61, v18  }
0x236: {  	v20 =	vadd.f32 v60, v23;
	v9 =	vadd.f32 v62, v9  }
0x237: {  	v10 =	vmul.f32 v10, v16;
	v8 =	vadd.f32 v8, v19;
	v14 =	vadd.f32 v14, v18  }
0x238: {  	v7 =	vmul.f32 v11, v7;
	v13 =	vadd.f32 v13, v20;
	v9 =	vadd.f32 v15, v9  }
0x239: {  	v8 =	vadd.f32 v17, v8;
	v10 =	vadd.f32 v10, v14  }
0x23a: {  	v63 =	vadd.f32 v12, v13;
	v7 =	vadd.f32 v7, v9;
	_ =	sdelay $0x1  }
0x23b: {  	v7 =	vadd.f32 v7, v8;
	v8 =	vadd.f32 v63, v10;
	_ =	sdelay $0x1  }
0x23c: {  	v7 =	vadd.f32 v8, v7;
	_ =	sdelay $0x1  }
0x23d: {  	v7 =	vmul.f32 v7, v5;
	_ =	sdelay $0x1  }
0x23e: {  	v7 =	vadd.f32 v7, v6;
	_ =	sdelay $0x1  }
0x23f: {  	v7 =	vsub.f32 $0.0e+00, v7;
	_ =	sdelay $0x1  }
0x240: {  	v7 =	vmul.f32 $1.442695020e+00, v7;
	_ =	sdelay $0x1  }
0x241: {  	(erf) = vpow2.f32 v7;
	_ =	sdelay $0x8  }
0x242: {  	v7 =	vpop (erf)  }
0x243: {  	v7 =	vadd.f32 $1.000000000e+00, v7;
	_ =	sdelay $0x1  }
0x244: {  	(erf) = vrcp.f32 v7;
	_ =	sdelay $0x3  }
0x245: {  	s21 =	sadd.s32 $0x1, s21  }
0x246: {  	p0 =	sne.s32 s21, $0x4  }
.Ltmp5:
0x247: {  	_ = 	snop;
	(pc) =	sbr.rel @p0 .LBB2_10-.Ltmp5, $3  }
0x248: {  	_ =	sdelay $0x1  }
0x249: {  	v7 =	vpop (erf)  }
0x24a: {  	[tilespmem:s23+$0xC480] =	vst v7  }
0x24b: {  	s0 =	simm.s32 $0x140  }
0x24c: {  	[tilespmem:s22], [sflag:$0x5] =	stream.indirect.gather [hbm4b:s1+s15], $0x80, s0, s15, $0xb8;
	[tilespmem:$0xC700] =	vst v63  }
0x24d: {  	s29 =	simm.s32 $0x340  }
0x24e: {  	[tilespmem:s24], [sflag:$0x6] =	stream.indirect.gather [hbm4b:s2+s15], $0x80, s29, s15, $0xb8;
	[tilespmem:$0xC700] =	vst v63  }
0x24f: {  	_ =	swait.ge [sflag:s25], $0x2000  }
0x250: {  	[sflag:s25] =	ssyncset.done $0x0  }
0x251: {  	[sflag:s25] =	ssyncadd.s32 $0xFFFFE000  }
0x252: {  	_ =	swait.ge [sflag:s26], $0x2000  }
0x253: {  	[sflag:s26] =	ssyncset.done $0x0  }
0x254: {  	s21 =	simm.s32 $0x0;
	[sflag:s26] =	ssyncadd.s32 $0xFFFFE000  }
.LBB2_14:
0x255: {  	s23 =	sshll.u32 s21, $0x4  }
0x256: {  	s0 =	simm.s32 $0x18;
	v7 =	vmov s23  }
0x257: {  	v8 =	vadd.s32 s0, v0;
	v7 =	vshll.u32 v7, $0x7  }
0x258: {  	s28 =	simm.s32 $0x1C;
	v9 =	vor.u32 v1, v7;
	v7 =	vand.u32 $0x7F, v8  }
0x259: {  	v8 =	vadd.s32 s28, v0;
	v12 =	vor.u32 v9, v7  }
0x25a: {  	v7 =	vand.u32 $0x7F, v8  }
0x25b: {  	v8 =	vadd.s32 s0, v3;
	v7 =	vor.u32 v9, v7  }
0x25c: {  	s5 =	simm.s32 $0x4;
	v18 =	vor.u32 v0, v9;
	v8 =	vand.u32 $0x7F, v8  }
0x25d: {  	v33 =	vadd.s32 s5, v18;
	v11 =	vor.u32 v9, v8;
	v8 =	vadd.s32 s0, v4  }
0x25e: {  	v10 =	vadd.s32 s28, v3;
	v13 =	vand.u32 $0x7F, v8;
	v8 =	vld.idx.msk [tilespmem:v12+s16+$0x0], $0xffff  }
0x25f: {  	v10 =	vand.u32 $0x7F, v10;
	v22 =	vld.idx.msk [tilespmem:v12+s17+$0x0], $0xffff  }
0x260: {  	v14 =	vor.u32 v9, v10;
	v10 =	vadd.s32 s0, v2;
	s0 =	simm.s32 $0x0;
	v15 =	vld.idx.msk [tilespmem:v7+s16+$0x0], $0xffff  }
0x261: {  	v19 =	vor.u32 v2, v9;
	v30 =	vor.u32 s0, v18;
	v17 =	vld.idx.msk [tilespmem:v7+s17+$0x0], $0xffff  }
0x262: {  	v20 =	vor.u32 v4, v9;
	v10 =	vand.u32 $0x7F, v10;
	v31 =	vor.u32 s0, v19;
	v39 =	vld.idx.msk [tilespmem:v33+s17+$0x0], $0xffff  }
0x263: {  	v32 =	vor.u32 s0, v20;
	v7 =	vor.u32 v9, v10;
	v10 =	vadd.s32 s28, v4;
	v23 =	vld.idx.msk [tilespmem:v11+s16+$0x0], $0xffff  }
0x264: {  	v21 =	vor.u32 v3, v9;
	v10 =	vand.u32 $0x7F, v10;
	v24 =	vld.idx.msk [tilespmem:v11+s17+$0x0], $0xffff  }
0x265: {  	v35 =	vor.u32 s0, v21;
	v16 =	vor.u32 v9, v10;
	v10 =	vld.idx.msk [tilespmem:v14+s17+$0x0], $0xffff  }
0x266: {  	v34 =	vld.idx.msk [tilespmem:v30+s16+$0x0], $0xffff  }
0x267: {  	v36 =	vld.idx.msk [tilespmem:v31+s17+$0x0], $0xffff  }
0x268: {  	v13 =	vor.u32 v9, v13;
	v38 =	vld.idx.msk [tilespmem:v32+s17+$0x0], $0xffff  }
0x269: {  	v31 =	vld.idx.msk [tilespmem:v31+s16+$0x0], $0xffff  }
0x26a: {  	v41 =	vld.idx.msk [tilespmem:v35+s16+$0x0], $0xffff  }
0x26b: {  	v54 =	vld.idx.msk [tilespmem:v35+s17+$0x0], $0xffff  }
0x26c: {  	v32 =	vld.idx.msk [tilespmem:v32+s16+$0x0], $0xffff  }
0x26d: {  	v25 =	vld.idx.msk [tilespmem:v13+s16+$0x0], $0xffff  }
0x26e: {  	v12 =	vadd.s32 s5, v4;
	v13 =	vld.idx.msk [tilespmem:v13+s17+$0x0], $0xffff  }
0x26f: {  	v12 =	vand.u32 $0x7F, v12;
	v26 =	vld.idx.msk [tilespmem:v7+s16+$0x0], $0xffff  }
0x270: {  	v11 =	vadd.s32 s28, v2;
	v37 =	vor.u32 v9, v12;
	v27 =	vld.idx.msk [tilespmem:v7+s17+$0x0], $0xffff  }
0x271: {  	v45 =	vimm.f32 $0.0e+00;
	s0 =	simm.s32 $0x8;
	v11 =	vand.u32 $0x7F, v11;
	v28 =	vld.idx.msk [tilespmem:v16+s16+$0x0], $0xffff  }
0x272: {  	v42 =	vadd.s32 s0, v18;
	v11 =	vor.u32 v9, v11;
	v17 =	vmul.f32 v17, v15;
	v29 =	vld.idx.msk [tilespmem:v16+s17+$0x0], $0xffff  }
0x273: {  	v16 =	vld.idx.msk [tilespmem:v14+s16+$0x0], $0xffff;
	v14 =	vadd.s32 s5, v2;
	v31 =	vmul.f32 v36, v31;
	v61 =	vmul.f32 v54, v41  }
0x274: {  	v30 =	vld.idx.msk [tilespmem:v30+s17+$0x0], $0xffff;
	v50 =	vmul.f32 v38, v32;
	v14 =	vand.u32 $0x7F, v14;
	v13 =	vmul.f32 v13, v25  }
0x275: {  	v46 =	vld.idx.msk [tilespmem:v37+s17+$0x0], $0xffff;
	v25 =	vadd.s32 s0, v4;
	v40 =	vor.u32 v9, v14;
	v14 =	vmul.f32 v24, v23  }
0x276: {  	v48 =	vld.idx.msk [tilespmem:v37+s16+$0x0], $0xffff;
	v23 =	vadd.s32 s5, v3;
	v24 =	vadd.s32 s0, v3;
	v25 =	vand.u32 $0x7F, v25  }
0x277: {  	v55 =	vld.idx.msk [tilespmem:v42+s17+$0x0], $0xffff;
	s5 =	simm.s32 $0xC;
	v31 =	vadd.f32 v31, v45;
	v15 =	vmul.f32 v27, v26;
	v23 =	vand.u32 $0x7F, v23  }
0x278: {  	v24 =	vand.u32 $0x7F, v24;
	v27 =	vld.idx.msk [tilespmem:v33+s16+$0x0], $0xffff;
	v25 =	vor.u32 v9, v25;
	v44 =	vadd.s32 s5, v18  }
0x279: {  	v47 =	vld.idx.msk [tilespmem:v42+s16+$0x0], $0xffff;
	v56 =	vadd.s32 s5, v4;
	v57 =	vadd.s32 s5, v2;
	v24 =	vor.u32 v9, v24  }
0x27a: {  	v7 =	vld.idx.msk [tilespmem:v11+s16+$0x0], $0xffff;
	v12 =	vmul.f32 v29, v28;
	v29 =	vor.u32 v9, v23;
	v23 =	vadd.s32 s0, v2  }
0x27b: {  	v11 =	vld.idx.msk [tilespmem:v11+s17+$0x0], $0xffff;
	v59 =	vand.u32 $0x7F, v57;
	v46 =	vmul.f32 v46, v48;
	v23 =	vand.u32 $0x7F, v23  }
0x27c: {  	v28 =	vld.idx.msk [tilespmem:v40+s16+$0x0], $0xffff;
	v26 =	vor.u32 v9, v23;
	v23 =	vmul.f32 v30, v34;
	v30 =	vadd.s32 s5, v3;
	s5 =	simm.s32 $0x10  }
0x27d: {  	v37 =	vld.idx.msk [tilespmem:v40+s17+$0x0], $0xffff;
	v30 =	vand.u32 $0x7F, v30;
	v60 =	vmul.f32 v39, v27;
	v39 =	vor.u32 s5, v18  }
0x27e: {  	v34 =	vand.u32 $0x7F, v56;
	v33 =	vld.idx.msk [tilespmem:v44+s17+$0x0], $0xffff;
	v62 =	vadd.s32 s5, v3;
	v43 =	vor.u32 v9, v30  }
0x27f: {  	v27 =	vor.u32 v9, v59;
	v49 =	vadd.s32 s5, v2;
	v40 =	vld.idx.msk [tilespmem:v44+s16+$0x0], $0xffff;
	v63 =	vand.u32 $0x7F, v62  }
0x280: {  	s0 =	simm.s32 $0x14;
	v44 =	vmul.f32 v55, v47;
	v58 =	vadd.f32 v23, v45;
	v30 =	vld.idx.msk [tilespmem:v29+s17+$0x0], $0xffff;
	v38 =	vor.u32 v9, v63  }
0x281: {  	v47 =	vadd.s32 s0, v0;
	v23 =	vor.u32 v9, v34;
	v36 =	vld.idx.msk [tilespmem:v29+s16+$0x0], $0xffff;
	v29 =	vadd.s32 s5, v4  }
0x282: {  	v34 =	vadd.f32 v61, v45;
	v42 =	vadd.f32 v60, v58;
	v29 =	vand.u32 $0x7F, v29;
	v35 =	vld.idx.msk [tilespmem:v39+s17+$0x0], $0xffff  }
0x283: {  	s29 =	simm.s32 $0x0;
	v41 =	vand.u32 $0x7F, v49;
	v45 =	vadd.f32 v50, v45;
	v29 =	vor.u32 v9, v29;
	v32 =	vld.idx.msk [tilespmem:v43+s16+$0x0], $0xffff  }
.LBB2_15:
0x284: {  	s29 =	sadd.s32 $0x8, s29;
	v42 =	vadd.f32 v44, v42;
	v43 =	vld.idx.msk [tilespmem:v43+s17+$0x0], $0xffff;
	v44 =	vand.u32 $0x7F, v47;
	v47 =	vadd.s32 s0, v3;
	s28 =	sadd.s32 $0x20, s28  }
0x285: {  	v28 =	vmul.f32 v37, v28;
	s5 =	sadd.s32 $0xFFFFFFFC, s28;
	p0 =	slt.u32 s29, $0x18;
	v37 =	vadd.f32 v46, v45;
	v45 =	vld.idx.msk [tilespmem:v38+s16+$0x0], $0xffff;
	v44 =	vor.u32 v9, v44  }
0x286: {  	v48 =	vadd.s32 s0, v2;
	v49 =	vadd.s32 s0, v4;
	v47 =	vand.u32 $0x7F, v47;
	v46 =	vld.idx.msk [tilespmem:v24+s16+$0x0], $0xffff  }
0x287: {  	v31 =	vadd.f32 v28, v31;
	v28 =	vmul.f32 v33, v40;
	v33 =	vand.u32 $0x7F, v49;
	v50 =	vld.idx.msk [tilespmem:v26+s17+$0x0], $0xffff  }
0x288: {  	v30 =	vmul.f32 v30, v36;
	v33 =	vor.u32 v9, v33;
	v36 =	vld.idx.msk [tilespmem:v39+s16+$0x0], $0xffff;
	v39 =	vor.u32 v9, v47  }
0x289: {  	v40 =	vadd.s32 s5, v0;
	v42 =	vadd.f32 v28, v42;
	v28 =	vand.u32 $0x7F, v48;
	v47 =	vld.idx.msk [tilespmem:v25+s16+$0x0], $0xffff  }
0x28a: {  	v30 =	vadd.f32 v30, v34;
	v34 =	vor.u32 v9, v41;
	v48 =	vor.u32 v9, v28;
	v41 =	vld.idx.msk [tilespmem:v44+s17+$0x0], $0xffff  }
0x28b: {  	v49 =	vadd.s32 s28, v0;
	v28 =	vand.u32 $0x7F, v40;
	v40 =	vadd.s32 s5, v3;
	v38 =	vld.idx.msk [tilespmem:v38+s17+$0x0], $0xffff  }
0x28c: {  	v49 =	vand.u32 $0x7F, v49;
	v32 =	vmul.f32 v43, v32;
	v28 =	vor.u32 v9, v28;
	v51 =	vld.idx.msk [tilespmem:v27+s16+$0x0], $0xffff  }
0x28d: {  	v49 =	vor.u32 v9, v49;
	v43 =	vadd.s32 s28, v3;
	v40 =	vand.u32 $0x7F, v40;
	v52 =	vld.idx.msk [tilespmem:v33+s16+$0x0], $0xffff  }
0x28e: {  	v53 =	vadd.s32 s5, v4;
	v40 =	vor.u32 v9, v40;
	v35 =	vmul.f32 v35, v36;
	v36 =	vld.idx.msk [tilespmem:v44+s16+$0x0], $0xffff  }
0x28f: {  	v53 =	vand.u32 $0x7F, v53;
	v43 =	vand.u32 $0x7F, v43;
	v44 =	vadd.s32 s5, v2;
	v26 =	vld.idx.msk [tilespmem:v26+s16+$0x0], $0xffff  }
0x290: {  	v53 =	vor.u32 v9, v53;
	v44 =	vand.u32 $0x7F, v44;
	v35 =	vadd.f32 v35, v42;
	v24 =	vld.idx.msk [tilespmem:v24+s17+$0x0], $0xffff  }
0x291: {  	v54 =	vadd.s32 s28, v4;
	v42 =	vor.u32 v9, v44;
	v44 =	vadd.s32 s28, v2;
	v25 =	vld.idx.msk [tilespmem:v25+s17+$0x0], $0xffff  }
0x292: {  	v54 =	vand.u32 $0x7F, v54;
	v44 =	vand.u32 $0x7F, v44;
	v55 =	vld.idx.msk [tilespmem:v48+s16+$0x0], $0xffff  }
0x293: {  	v54 =	vor.u32 v9, v54;
	v44 =	vor.u32 v9, v44;
	v56 =	vld.idx.msk [tilespmem:v23+s17+$0x0], $0xffff  }
0x294: {  	v38 =	vmul.f32 v38, v45;
	v45 =	vld.idx.msk [tilespmem:v29+s17+$0x0], $0xffff  }
0x295: {  	v36 =	vmul.f32 v41, v36;
	v26 =	vmul.f32 v50, v26;
	v41 =	vld.idx.msk [tilespmem:v39+s17+$0x0], $0xffff  }
0x296: {  	v8 =	vmul.f32 v22, v8;
	v24 =	vmul.f32 v24, v46;
	v33 =	vld.idx.msk [tilespmem:v33+s17+$0x0], $0xffff  }
0x297: {  	v22 =	vadd.f32 v26, v31;
	v25 =	vmul.f32 v25, v47;
	v26 =	vld.idx.msk [tilespmem:v27+s17+$0x0], $0xffff;
	v27 =	vadd.f32 v36, v35  }
0x298: {  	v24 =	vadd.f32 v24, v30;
	v30 =	vld.idx.msk [tilespmem:v23+s16+$0x0], $0xffff  }
0x299: {  	v25 =	vadd.f32 v25, v37;
	v31 =	vld.idx.msk [tilespmem:v48+s17+$0x0], $0xffff;
	v8 =	vadd.f32 v8, v27  }
0x29a: {  	v24 =	vadd.f32 v32, v24;
	v27 =	vld.idx.msk [tilespmem:v39+s16+$0x0], $0xffff  }
0x29b: {  	v29 =	vld.idx.msk [tilespmem:v29+s16+$0x0], $0xffff;
	v23 =	vadd.f32 v17, v8  }
0x29c: {  	v24 =	vadd.f32 v38, v24;
	v32 =	vmul.f32 v33, v52;
	v17 =	vld.idx.msk [tilespmem:v34+s17+$0x0], $0xffff  }
0x29d: {  	v26 =	vmul.f32 v26, v51;
	v33 =	vld.idx.msk [tilespmem:v34+s16+$0x0], $0xffff  }
0x29e: {  	v34 =	vor.u32 v9, v43;
	v30 =	vmul.f32 v56, v30;
	v8 =	vld.idx.msk [tilespmem:v28+s16+$0x0], $0xffff  }
0x29f: {  	v22 =	vadd.f32 v26, v22;
	v26 =	vmul.f32 v31, v55;
	v35 =	vld.idx.msk [tilespmem:v49+s16+$0x0], $0xffff  }
0x2a0: {  	v25 =	vadd.f32 v30, v25;
	v27 =	vmul.f32 v41, v27;
	v31 =	vld.idx.msk [tilespmem:v49+s17+$0x0], $0xffff  }
0x2a1: {  	v29 =	vmul.f32 v45, v29;
	v30 =	vld.idx.msk [tilespmem:v40+s16+$0x0], $0xffff  }
0x2a2: {  	v24 =	vadd.f32 v27, v24;
	v36 =	vld.idx.msk [tilespmem:v40+s17+$0x0], $0xffff  }
0x2a3: {  	v17 =	vmul.f32 v17, v33;
	v25 =	vadd.f32 v29, v25;
	v27 =	vld.idx.msk [tilespmem:v34+s17+$0x0], $0xffff  }
0x2a4: {  	v10 =	vmul.f32 v10, v16;
	v14 =	vadd.f32 v14, v24;
	v29 =	vld.idx.msk [tilespmem:v53+s16+$0x0], $0xffff  }
0x2a5: {  	v22 =	vadd.f32 v17, v22;
	v24 =	vadd.f32 v32, v25;
	v16 =	vld.idx.msk [tilespmem:v53+s17+$0x0], $0xffff  }
0x2a6: {  	v17 =	vmul.f32 v31, v35;
	v32 =	vadd.f32 v10, v14;
	v25 =	vld.idx.msk [tilespmem:v42+s16+$0x0], $0xffff  }
0x2a7: {  	v26 =	vadd.f32 v26, v22;
	v13 =	vadd.f32 v13, v24;
	v31 =	vld.idx.msk [tilespmem:v42+s17+$0x0], $0xffff  }
0x2a8: {  	v14 =	vmul.f32 v36, v30;
	v22 =	vld.idx.msk [tilespmem:v54+s16+$0x0], $0xffff  }
0x2a9: {  	v11 =	vmul.f32 v11, v7;
	v15 =	vadd.f32 v15, v26;
	v35 =	vadd.f32 v12, v13;
	v24 =	vld.idx.msk [tilespmem:v54+s17+$0x0], $0xffff  }
0x2aa: {  	v10 =	vmov v27;
	v7 =	vld.idx.msk [tilespmem:v44+s16+$0x0], $0xffff  }
0x2ab: {  	v13 =	vmul.f32 v16, v29;
	v27 =	vadd.f32 v11, v15;
	_ =	sdelay $0x1  }
0x2ac: {  	v15 =	vmul.f32 v31, v25;
	_ =	sdelay $0x1  }
0x2ad: {  	v12 =	vmul.f32 v24, v22  }
0x2ae: {  	s0 =	sadd.s32 $0xFFFFFFE4, s28;
	s5 =	sadd.s32 $0xFFFFFFE8, s28  }
0x2af: {  	v11 =	vadd.s32 s5, v4;
	v25 =	vor.u32 s0, v19;
	v24 =	vor.u32 s0, v18  }
0x2b0: {  	v30 =	vor.u32 s0, v20;
	v29 =	vor.u32 s0, v21;
	v16 =	vadd.s32 s5, v2  }
0x2b1: {  	v16 =	vand.u32 $0x7F, v16;
	v26 =	vand.u32 $0x7F, v11;
	v22 =	vadd.s32 s5, v3;
	v11 =	vld.idx.msk [tilespmem:v44+s17+$0x0], $0xffff  }
0x2b2: {  	v36 =	vor.u32 v9, v16;
	v33 =	vor.u32 v9, v26;
	v22 =	vand.u32 $0x7F, v22;
	v16 =	vld.idx.msk [tilespmem:v34+s16+$0x0], $0xffff  }
0x2b3: {  	v31 =	vadd.s32 s5, v18;
	v34 =	vor.u32 v9, v22;
	v22 =	vld.idx.msk [tilespmem:v28+s17+$0x0], $0xffff  }
0x2b4: {  	v37 =	vld.idx.msk [tilespmem:v24+s16+$0x0], $0xffff  }
0x2b5: {  	v38 =	vld.idx.msk [tilespmem:v25+s17+$0x0], $0xffff  }
0x2b6: {  	v40 =	vld.idx.msk [tilespmem:v30+s17+$0x0], $0xffff  }
0x2b7: {  	v25 =	vld.idx.msk [tilespmem:v25+s16+$0x0], $0xffff  }
0x2b8: {  	v39 =	vld.idx.msk [tilespmem:v24+s17+$0x0], $0xffff  }
0x2b9: {  	s0 =	sadd.s32 $0xFFFFFFEC, s28;
	v41 =	vld.idx.msk [tilespmem:v31+s17+$0x0], $0xffff  }
0x2ba: {  	v26 =	vadd.s32 s0, v3;
	v43 =	vadd.s32 s0, v18;
	v24 =	vadd.s32 s0, v2;
	v42 =	vld.idx.msk [tilespmem:v29+s16+$0x0], $0xffff  }
0x2bb: {  	v44 =	vand.u32 $0x7F, v26;
	v26 =	vadd.s32 s0, v4;
	v24 =	vand.u32 $0x7F, v24;
	v46 =	vld.idx.msk [tilespmem:v33+s17+$0x0], $0xffff  }
0x2bc: {  	v45 =	vand.u32 $0x7F, v26;
	v26 =	vor.u32 v9, v24;
	v24 =	vor.u32 v9, v44;
	v28 =	vld.idx.msk [tilespmem:v36+s16+$0x0], $0xffff  }
0x2bd: {  	v38 =	vmul.f32 v38, v25;
	v25 =	vor.u32 v9, v45;
	v44 =	vld.idx.msk [tilespmem:v31+s16+$0x0], $0xffff  }
0x2be: {  	s0 =	sadd.s32 $0xFFFFFFF0, s28;
	v31 =	vmul.f32 v39, v37;
	v29 =	vld.idx.msk [tilespmem:v29+s17+$0x0], $0xffff  }
0x2bf: {  	v47 =	vadd.s32 s0, v18;
	v37 =	vadd.s32 s0, v3;
	v39 =	vadd.s32 s0, v4;
	v45 =	vld.idx.msk [tilespmem:v43+s17+$0x0], $0xffff  }
0x2c0: {  	v49 =	vadd.s32 s0, v2;
	v48 =	vld.idx.msk [tilespmem:v30+s16+$0x0], $0xffff;
	v30 =	vand.u32 $0x7F, v37;
	v37 =	vand.u32 $0x7F, v39  }
0x2c1: {  	v50 =	vadd.f32 v31, v23;
	v51 =	vld.idx.msk [tilespmem:v43+s16+$0x0], $0xffff;
	v43 =	vor.u32 v9, v30;
	v23 =	vor.u32 v9, v37  }
0x2c2: {  	v37 =	vand.u32 $0x7F, v49;
	v30 =	vld.idx.msk [tilespmem:v34+s17+$0x0], $0xffff  }
0x2c3: {  	s0 =	sadd.s32 $0xFFFFFFF4, s28;
	v31 =	vadd.f32 v38, v27;
	v38 =	vmul.f32 v41, v44;
	v27 =	vor.u32 v9, v37;
	v49 =	vld.idx.msk [tilespmem:v33+s16+$0x0], $0xffff  }
0x2c4: {  	v39 =	vor.u32 s0, v18;
	v41 =	vadd.s32 s0, v3;
	v29 =	vmul.f32 v29, v42;
	v33 =	vld.idx.msk [tilespmem:v47+s17+$0x0], $0xffff  }
.Ltmp6:
0x2c5: {  	v42 =	vadd.f32 v38, v50;
	v50 =	vadd.s32 s0, v2;
	v38 =	vand.u32 $0x7F, v41;
	v37 =	vld.idx.msk [tilespmem:v36+s17+$0x0], $0xffff;
	(pc) =	sbr.rel @p0 .LBB2_15-.Ltmp6, $4  }
0x2c6: {  	v41 =	vadd.s32 s0, v4;
	v48 =	vmul.f32 v40, v48;
	v38 =	vor.u32 v9, v38;
	v36 =	vld.idx.msk [tilespmem:v34+s16+$0x0], $0xffff  }
0x2c7: {  	v34 =	vadd.f32 v29, v32;
	v44 =	vmul.f32 v45, v51;
	v29 =	vand.u32 $0x7F, v41;
	v40 =	vld.idx.msk [tilespmem:v47+s16+$0x0], $0xffff  }
0x2c8: {  	s0 =	sadd.s32 $0xFFFFFFF8, s28;
	v41 =	vand.u32 $0x7F, v50;
	v29 =	vor.u32 v9, v29;
	v32 =	vld.idx.msk [tilespmem:v43+s16+$0x0], $0xffff  }
0x2c9: {  	v45 =	vadd.f32 v48, v35;
	v47 =	vadd.s32 s0, v0;
	v46 =	vmul.f32 v46, v49;
	v35 =	vld.idx.msk [tilespmem:v39+s17+$0x0], $0xffff  }
0x2ca: {  	_ =	sdelay $0x3  }
0x2cb: {  	v18 =	vld.idx.msk [tilespmem:v43+s17+$0x0], $0xffff  }
0x2cc: {  	v20 =	vld.idx.msk [tilespmem:v38+s16+$0x0], $0xffff  }
0x2cd: {  	v21 =	vld.idx.msk [tilespmem:v24+s16+$0x0], $0xffff  }
0x2ce: {  	v19 =	vand.u32 $0x7F, v47;
	v47 =	vld.idx.msk [tilespmem:v26+s17+$0x0], $0xffff  }
0x2cf: {  	v39 =	vld.idx.msk [tilespmem:v39+s16+$0x0], $0xffff  }
0x2d0: {  	v48 =	vld.idx.msk [tilespmem:v25+s16+$0x0], $0xffff  }
0x2d1: {  	v38 =	vld.idx.msk [tilespmem:v38+s17+$0x0], $0xffff  }
0x2d2: {  	v51 =	vld.idx.msk [tilespmem:v27+s16+$0x0], $0xffff  }
0x2d3: {  	v26 =	vld.idx.msk [tilespmem:v26+s16+$0x0], $0xffff  }
0x2d4: {  	v24 =	vld.idx.msk [tilespmem:v24+s17+$0x0], $0xffff  }
0x2d5: {  	v25 =	vld.idx.msk [tilespmem:v25+s17+$0x0], $0xffff  }
0x2d6: {  	v55 =	vld.idx.msk [tilespmem:v23+s17+$0x0], $0xffff;
	v60 =	vor.u32 v9, v41  }
0x2d7: {  	v56 =	vld.idx.msk [tilespmem:v29+s17+$0x0], $0xffff  }
0x2d8: {  	v59 =	vadd.s32 s0, v4;
	v61 =	vld.idx.msk [tilespmem:v27+s17+$0x0], $0xffff;
	v19 =	vor.u32 v9, v19  }
0x2d9: {  	v50 =	vadd.s32 s0, v2;
	v53 =	vadd.s32 s0, v3;
	v62 =	vld.idx.msk [tilespmem:v23+s16+$0x0], $0xffff;
	v43 =	vand.u32 $0x7F, v59  }
0x2da: {  	v50 =	vand.u32 $0x7F, v50;
	v43 =	vor.u32 v9, v43;
	v33 =	vmul.f32 v33, v40;
	v40 =	vld.idx.msk [tilespmem:v29+s16+$0x0], $0xffff  }
0x2db: {  	v53 =	vand.u32 $0x7F, v53;
	v63 =	vadd.f32 v46, v45;
	v50 =	vor.u32 v9, v50;
	v46 =	vld.idx.msk [tilespmem:v60+s17+$0x0], $0xffff  }
0x2dc: {  	v53 =	vor.u32 v9, v53;
	v9 =	vld.idx.msk [tilespmem:v60+s16+$0x0], $0xffff  }
0x2dd: {  	v49 =	vld.idx.msk [tilespmem:v19+s17+$0x0], $0xffff  }
0x2de: {  	v19 =	vld.idx.msk [tilespmem:v19+s16+$0x0], $0xffff  }
0x2df: {  	v28 =	vmul.f32 v37, v28;
	v52 =	vld.idx.msk [tilespmem:v43+s16+$0x0], $0xffff  }
0x2e0: {  	v42 =	vadd.f32 v44, v42;
	v30 =	vmul.f32 v30, v36;
	v54 =	vld.idx.msk [tilespmem:v50+s16+$0x0], $0xffff  }
0x2e1: {  	v28 =	vadd.f32 v28, v31;
	v45 =	vmul.f32 v35, v39;
	v26 =	vmul.f32 v47, v26;
	v41 =	vld.idx.msk [tilespmem:v53+s17+$0x0], $0xffff  }
0x2e2: {  	v30 =	vadd.f32 v30, v34;
	v21 =	vmul.f32 v24, v21;
	v25 =	vmul.f32 v25, v48;
	v43 =	vld.idx.msk [tilespmem:v43+s17+$0x0], $0xffff  }
0x2e3: {  	v44 =	vadd.f32 v33, v42;
	v18 =	vmul.f32 v18, v32;
	v27 =	vmul.f32 v61, v51;
	v53 =	vld.idx.msk [tilespmem:v53+s16+$0x0], $0xffff  }
0x2e4: {  	v23 =	vmul.f32 v55, v62;
	v21 =	vadd.f32 v21, v30;
	v57 =	vld.idx.msk [tilespmem:v50+s17+$0x0], $0xffff;
	v25 =	vadd.f32 v25, v63  }
0x2e5: {  	v20 =	vmul.f32 v38, v20;
	v47 =	vadd.f32 v45, v44;
	v26 =	vadd.f32 v26, v28  }
0x2e6: {  	v59 =	vmul.f32 v56, v40;
	v18 =	vadd.f32 v18, v21;
	v23 =	vadd.f32 v23, v25  }
0x2e7: {  	v58 =	vadd.f32 v27, v26;
	v9 =	vmul.f32 v46, v9;
	v19 =	vmul.f32 v49, v19  }
0x2e8: {  	v18 =	vadd.f32 v20, v18;
	v23 =	vadd.f32 v59, v23;
	v61 =	vmul.f32 v41, v53  }
0x2e9: {  	v60 =	vmul.f32 v43, v52;
	v62 =	vmul.f32 v57, v54;
	v9 =	vadd.f32 v9, v58  }
0x2ea: {  	v8 =	vmul.f32 v22, v8;
	v19 =	vadd.f32 v19, v47;
	v18 =	vadd.f32 v61, v18  }
0x2eb: {  	v20 =	vadd.f32 v60, v23;
	v9 =	vadd.f32 v62, v9  }
0x2ec: {  	v10 =	vmul.f32 v10, v16;
	v8 =	vadd.f32 v8, v19;
	v14 =	vadd.f32 v14, v18  }
0x2ed: {  	v7 =	vmul.f32 v11, v7;
	v13 =	vadd.f32 v13, v20;
	v9 =	vadd.f32 v15, v9  }
0x2ee: {  	v8 =	vadd.f32 v17, v8;
	v10 =	vadd.f32 v10, v14  }
0x2ef: {  	v63 =	vadd.f32 v12, v13;
	v7 =	vadd.f32 v7, v9;
	_ =	sdelay $0x1  }
0x2f0: {  	v7 =	vadd.f32 v7, v8;
	v8 =	vadd.f32 v63, v10;
	_ =	sdelay $0x1  }
0x2f1: {  	v7 =	vadd.f32 v8, v7;
	_ =	sdelay $0x1  }
0x2f2: {  	v7 =	vmul.f32 v7, v5;
	_ =	sdelay $0x1  }
0x2f3: {  	v7 =	vadd.f32 v7, v6;
	_ =	sdelay $0x1  }
0x2f4: {  	v7 =	vsub.f32 $0.0e+00, v7;
	_ =	sdelay $0x1  }
0x2f5: {  	v7 =	vmul.f32 $1.442695020e+00, v7;
	_ =	sdelay $0x1  }
0x2f6: {  	(erf) = vpow2.f32 v7;
	_ =	sdelay $0x8  }
0x2f7: {  	v7 =	vpop (erf)  }
0x2f8: {  	v7 =	vadd.f32 $1.000000000e+00, v7;
	_ =	sdelay $0x1  }
0x2f9: {  	(erf) = vrcp.f32 v7;
	_ =	sdelay $0x3  }
0x2fa: {  	s21 =	sadd.s32 $0x1, s21  }
0x2fb: {  	p0 =	sne.s32 s21, $0x4  }
.Ltmp7:
0x2fc: {  	_ = 	snop;
	(pc) =	sbr.rel @p0 .LBB2_14-.Ltmp7, $3  }
0x2fd: {  	_ =	sdelay $0x1  }
0x2fe: {  	v7 =	vpop (erf)  }
0x2ff: {  	[tilespmem:s23+$0xC4C0] =	vst v7  }
0x300: {  	s0 =	simm.s32 $0x180  }
0x301: {  	[tilespmem:s16], [sflag:$0x1] =	stream.indirect.gather [hbm4b:s1+s15], $0x80, s0, s15, $0xb8;
	[tilespmem:$0xC700] =	vst v63  }
0x302: {  	s29 =	simm.s32 $0x380  }
0x303: {  	[tilespmem:s17], [sflag:$0x2] =	stream.indirect.gather [hbm4b:s2+s15], $0x80, s29, s15, $0xb8;
	[tilespmem:$0xC700] =	vst v63  }
0x304: {  	_ =	swait.ge [sflag:s30], $0x2000  }
0x305: {  	[sflag:s30] =	ssyncset.done $0x0  }
0x306: {  	[sflag:s30] =	ssyncadd.s32 $0xFFFFE000  }
0x307: {  	_ =	swait.ge [sflag:s31], $0x2000  }
0x308: {  	[sflag:s31] =	ssyncset.done $0x0  }
0x309: {  	s21 =	simm.s32 $0x0;
	[sflag:s31] =	ssyncadd.s32 $0xFFFFE000  }
.LBB2_18:
0x30a: {  	s23 =	sshll.u32 s21, $0x4  }
0x30b: {  	s0 =	simm.s32 $0x18;
	v7 =	vmov s23  }
0x30c: {  	v8 =	vadd.s32 s0, v0;
	v7 =	vshll.u32 v7, $0x7  }
0x30d: {  	s28 =	simm.s32 $0x1C;
	v9 =	vor.u32 v1, v7;
	v7 =	vand.u32 $0x7F, v8  }
0x30e: {  	v8 =	vadd.s32 s28, v0;
	v12 =	vor.u32 v9, v7  }
0x30f: {  	v7 =	vand.u32 $0x7F, v8  }
0x310: {  	v8 =	vadd.s32 s0, v3;
	v7 =	vor.u32 v9, v7  }
0x311: {  	s5 =	simm.s32 $0x4;
	v18 =	vor.u32 v0, v9;
	v8 =	vand.u32 $0x7F, v8  }
0x312: {  	v33 =	vadd.s32 s5, v18;
	v11 =	vor.u32 v9, v8;
	v8 =	vadd.s32 s0, v4  }
0x313: {  	v10 =	vadd.s32 s28, v3;
	v13 =	vand.u32 $0x7F, v8;
	v8 =	vld.idx.msk [tilespmem:v12+s18+$0x0], $0xffff  }
0x314: {  	v10 =	vand.u32 $0x7F, v10;
	v22 =	vld.idx.msk [tilespmem:v12+s20+$0x0], $0xffff  }
0x315: {  	v14 =	vor.u32 v9, v10;
	v10 =	vadd.s32 s0, v2;
	s0 =	simm.s32 $0x0;
	v15 =	vld.idx.msk [tilespmem:v7+s18+$0x0], $0xffff  }
0x316: {  	v19 =	vor.u32 v2, v9;
	v30 =	vor.u32 s0, v18;
	v17 =	vld.idx.msk [tilespmem:v7+s20+$0x0], $0xffff  }
0x317: {  	v20 =	vor.u32 v4, v9;
	v10 =	vand.u32 $0x7F, v10;
	v31 =	vor.u32 s0, v19;
	v39 =	vld.idx.msk [tilespmem:v33+s20+$0x0], $0xffff  }
0x318: {  	v32 =	vor.u32 s0, v20;
	v7 =	vor.u32 v9, v10;
	v10 =	vadd.s32 s28, v4;
	v23 =	vld.idx.msk [tilespmem:v11+s18+$0x0], $0xffff  }
0x319: {  	v21 =	vor.u32 v3, v9;
	v10 =	vand.u32 $0x7F, v10;
	v24 =	vld.idx.msk [tilespmem:v11+s20+$0x0], $0xffff  }
0x31a: {  	v35 =	vor.u32 s0, v21;
	v16 =	vor.u32 v9, v10;
	v10 =	vld.idx.msk [tilespmem:v14+s20+$0x0], $0xffff  }
0x31b: {  	v34 =	vld.idx.msk [tilespmem:v30+s18+$0x0], $0xffff  }
0x31c: {  	v36 =	vld.idx.msk [tilespmem:v31+s20+$0x0], $0xffff  }
0x31d: {  	v13 =	vor.u32 v9, v13;
	v38 =	vld.idx.msk [tilespmem:v32+s20+$0x0], $0xffff  }
0x31e: {  	v31 =	vld.idx.msk [tilespmem:v31+s18+$0x0], $0xffff  }
0x31f: {  	v41 =	vld.idx.msk [tilespmem:v35+s18+$0x0], $0xffff  }
0x320: {  	v54 =	vld.idx.msk [tilespmem:v35+s20+$0x0], $0xffff  }
0x321: {  	v32 =	vld.idx.msk [tilespmem:v32+s18+$0x0], $0xffff  }
0x322: {  	v25 =	vld.idx.msk [tilespmem:v13+s18+$0x0], $0xffff  }
0x323: {  	v12 =	vadd.s32 s5, v4;
	v13 =	vld.idx.msk [tilespmem:v13+s20+$0x0], $0xffff  }
0x324: {  	v12 =	vand.u32 $0x7F, v12;
	v26 =	vld.idx.msk [tilespmem:v7+s18+$0x0], $0xffff  }
0x325: {  	v11 =	vadd.s32 s28, v2;
	v37 =	vor.u32 v9, v12;
	v27 =	vld.idx.msk [tilespmem:v7+s20+$0x0], $0xffff  }
0x326: {  	v45 =	vimm.f32 $0.0e+00;
	s0 =	simm.s32 $0x8;
	v11 =	vand.u32 $0x7F, v11;
	v28 =	vld.idx.msk [tilespmem:v16+s18+$0x0], $0xffff  }
0x327: {  	v42 =	vadd.s32 s0, v18;
	v11 =	vor.u32 v9, v11;
	v17 =	vmul.f32 v17, v15;
	v29 =	vld.idx.msk [tilespmem:v16+s20+$0x0], $0xffff  }
0x328: {  	v16 =	vld.idx.msk [tilespmem:v14+s18+$0x0], $0xffff;
	v14 =	vadd.s32 s5, v2;
	v31 =	vmul.f32 v36, v31;
	v61 =	vmul.f32 v54, v41  }
0x329: {  	v30 =	vld.idx.msk [tilespmem:v30+s20+$0x0], $0xffff;
	v50 =	vmul.f32 v38, v32;
	v14 =	vand.u32 $0x7F, v14;
	v13 =	vmul.f32 v13, v25  }
0x32a: {  	v46 =	vld.idx.msk [tilespmem:v37+s20+$0x0], $0xffff;
	v25 =	vadd.s32 s0, v4;
	v40 =	vor.u32 v9, v14;
	v14 =	vmul.f32 v24, v23  }
0x32b: {  	v48 =	vld.idx.msk [tilespmem:v37+s18+$0x0], $0xffff;
	v23 =	vadd.s32 s5, v3;
	v24 =	vadd.s32 s0, v3;
	v25 =	vand.u32 $0x7F, v25  }
0x32c: {  	v55 =	vld.idx.msk [tilespmem:v42+s20+$0x0], $0xffff;
	s5 =	simm.s32 $0xC;
	v31 =	vadd.f32 v31, v45;
	v15 =	vmul.f32 v27, v26;
	v23 =	vand.u32 $0x7F, v23  }
0x32d: {  	v24 =	vand.u32 $0x7F, v24;
	v27 =	vld.idx.msk [tilespmem:v33+s18+$0x0], $0xffff;
	v25 =	vor.u32 v9, v25;
	v44 =	vadd.s32 s5, v18  }
0x32e: {  	v47 =	vld.idx.msk [tilespmem:v42+s18+$0x0], $0xffff;
	v56 =	vadd.s32 s5, v4;
	v57 =	vadd.s32 s5, v2;
	v24 =	vor.u32 v9, v24  }
0x32f: {  	v7 =	vld.idx.msk [tilespmem:v11+s18+$0x0], $0xffff;
	v12 =	vmul.f32 v29, v28;
	v29 =	vor.u32 v9, v23;
	v23 =	vadd.s32 s0, v2  }
0x330: {  	v11 =	vld.idx.msk [tilespmem:v11+s20+$0x0], $0xffff;
	v59 =	vand.u32 $0x7F, v57;
	v46 =	vmul.f32 v46, v48;
	v23 =	vand.u32 $0x7F, v23  }
0x331: {  	v28 =	vld.idx.msk [tilespmem:v40+s18+$0x0], $0xffff;
	v26 =	vor.u32 v9, v23;
	v23 =	vmul.f32 v30, v34;
	v30 =	vadd.s32 s5, v3;
	s5 =	simm.s32 $0x10  }
0x332: {  	v37 =	vld.idx.msk [tilespmem:v40+s20+$0x0], $0xffff;
	v30 =	vand.u32 $0x7F, v30;
	v60 =	vmul.f32 v39, v27;
	v39 =	vor.u32 s5, v18  }
0x333: {  	v34 =	vand.u32 $0x7F, v56;
	v33 =	vld.idx.msk [tilespmem:v44+s20+$0x0], $0xffff;
	v62 =	vadd.s32 s5, v3;
	v43 =	vor.u32 v9, v30  }
0x334: {  	v27 =	vor.u32 v9, v59;
	v49 =	vadd.s32 s5, v2;
	v40 =	vld.idx.msk [tilespmem:v44+s18+$0x0], $0xffff;
	v63 =	vand.u32 $0x7F, v62  }
0x335: {  	s0 =	simm.s32 $0x14;
	v44 =	vmul.f32 v55, v47;
	v58 =	vadd.f32 v23, v45;
	v30 =	vld.idx.msk [tilespmem:v29+s20+$0x0], $0xffff;
	v38 =	vor.u32 v9, v63  }
0x336: {  	v47 =	vadd.s32 s0, v0;
	v23 =	vor.u32 v9, v34;
	v36 =	vld.idx.msk [tilespmem:v29+s18+$0x0], $0xffff;
	v29 =	vadd.s32 s5, v4  }
0x337: {  	v34 =	vadd.f32 v61, v45;
	v42 =	vadd.f32 v60, v58;
	v29 =	vand.u32 $0x7F, v29;
	v35 =	vld.idx.msk [tilespmem:v39+s20+$0x0], $0xffff  }
0x338: {  	s29 =	simm.s32 $0x0;
	v41 =	vand.u32 $0x7F, v49;
	v45 =	vadd.f32 v50, v45;
	v29 =	vor.u32 v9, v29;
	v32 =	vld.idx.msk [tilespmem:v43+s18+$0x0], $0xffff  }
.LBB2_19:
0x339: {  	s29 =	sadd.s32 $0x8, s29;
	v42 =	vadd.f32 v44, v42;
	v43 =	vld.idx.msk [tilespmem:v43+s20+$0x0], $0xffff;
	v44 =	vand.u32 $0x7F, v47;
	v47 =	vadd.s32 s0, v3;
	s28 =	sadd.s32 $0x20, s28  }
0x33a: {  	v28 =	vmul.f32 v37, v28;
	s5 =	sadd.s32 $0xFFFFFFFC, s28;
	p0 =	slt.u32 s29, $0x18;
	v37 =	vadd.f32 v46, v45;
	v45 =	vld.idx.msk [tilespmem:v38+s18+$0x0], $0xffff;
	v44 =	vor.u32 v9, v44  }
0x33b: {  	v48 =	vadd.s32 s0, v2;
	v49 =	vadd.s32 s0, v4;
	v47 =	vand.u32 $0x7F, v47;
	v46 =	vld.idx.msk [tilespmem:v24+s18+$0x0], $0xffff  }
0x33c: {  	v31 =	vadd.f32 v28, v31;
	v28 =	vmul.f32 v33, v40;
	v33 =	vand.u32 $0x7F, v49;
	v50 =	vld.idx.msk [tilespmem:v26+s20+$0x0], $0xffff  }
0x33d: {  	v30 =	vmul.f32 v30, v36;
	v33 =	vor.u32 v9, v33;
	v36 =	vld.idx.msk [tilespmem:v39+s18+$0x0], $0xffff;
	v39 =	vor.u32 v9, v47  }
0x33e: {  	v40 =	vadd.s32 s5, v0;
	v42 =	vadd.f32 v28, v42;
	v28 =	vand.u32 $0x7F, v48;
	v47 =	vld.idx.msk [tilespmem:v25+s18+$0x0], $0xffff  }
0x33f: {  	v30 =	vadd.f32 v30, v34;
	v34 =	vor.u32 v9, v41;
	v48 =	vor.u32 v9, v28;
	v41 =	vld.idx.msk [tilespmem:v44+s20+$0x0], $0xffff  }
0x340: {  	v49 =	vadd.s32 s28, v0;
	v28 =	vand.u32 $0x7F, v40;
	v40 =	vadd.s32 s5, v3;
	v38 =	vld.idx.msk [tilespmem:v38+s20+$0x0], $0xffff  }
0x341: {  	v49 =	vand.u32 $0x7F, v49;
	v32 =	vmul.f32 v43, v32;
	v28 =	vor.u32 v9, v28;
	v51 =	vld.idx.msk [tilespmem:v27+s18+$0x0], $0xffff  }
0x342: {  	v49 =	vor.u32 v9, v49;
	v43 =	vadd.s32 s28, v3;
	v40 =	vand.u32 $0x7F, v40;
	v52 =	vld.idx.msk [tilespmem:v33+s18+$0x0], $0xffff  }
0x343: {  	v53 =	vadd.s32 s5, v4;
	v40 =	vor.u32 v9, v40;
	v35 =	vmul.f32 v35, v36;
	v36 =	vld.idx.msk [tilespmem:v44+s18+$0x0], $0xffff  }
0x344: {  	v53 =	vand.u32 $0x7F, v53;
	v43 =	vand.u32 $0x7F, v43;
	v44 =	vadd.s32 s5, v2;
	v26 =	vld.idx.msk [tilespmem:v26+s18+$0x0], $0xffff  }
0x345: {  	v53 =	vor.u32 v9, v53;
	v44 =	vand.u32 $0x7F, v44;
	v35 =	vadd.f32 v35, v42;
	v24 =	vld.idx.msk [tilespmem:v24+s20+$0x0], $0xffff  }
0x346: {  	v54 =	vadd.s32 s28, v4;
	v42 =	vor.u32 v9, v44;
	v44 =	vadd.s32 s28, v2;
	v25 =	vld.idx.msk [tilespmem:v25+s20+$0x0], $0xffff  }
0x347: {  	v54 =	vand.u32 $0x7F, v54;
	v44 =	vand.u32 $0x7F, v44;
	v55 =	vld.idx.msk [tilespmem:v48+s18+$0x0], $0xffff  }
0x348: {  	v54 =	vor.u32 v9, v54;
	v44 =	vor.u32 v9, v44;
	v56 =	vld.idx.msk [tilespmem:v23+s20+$0x0], $0xffff  }
0x349: {  	v38 =	vmul.f32 v38, v45;
	v45 =	vld.idx.msk [tilespmem:v29+s20+$0x0], $0xffff  }
0x34a: {  	v36 =	vmul.f32 v41, v36;
	v26 =	vmul.f32 v50, v26;
	v41 =	vld.idx.msk [tilespmem:v39+s20+$0x0], $0xffff  }
0x34b: {  	v8 =	vmul.f32 v22, v8;
	v24 =	vmul.f32 v24, v46;
	v33 =	vld.idx.msk [tilespmem:v33+s20+$0x0], $0xffff  }
0x34c: {  	v22 =	vadd.f32 v26, v31;
	v25 =	vmul.f32 v25, v47;
	v26 =	vld.idx.msk [tilespmem:v27+s20+$0x0], $0xffff;
	v27 =	vadd.f32 v36, v35  }
0x34d: {  	v24 =	vadd.f32 v24, v30;
	v30 =	vld.idx.msk [tilespmem:v23+s18+$0x0], $0xffff  }
0x34e: {  	v25 =	vadd.f32 v25, v37;
	v31 =	vld.idx.msk [tilespmem:v48+s20+$0x0], $0xffff;
	v8 =	vadd.f32 v8, v27  }
0x34f: {  	v24 =	vadd.f32 v32, v24;
	v27 =	vld.idx.msk [tilespmem:v39+s18+$0x0], $0xffff  }
0x350: {  	v29 =	vld.idx.msk [tilespmem:v29+s18+$0x0], $0xffff;
	v23 =	vadd.f32 v17, v8  }
0x351: {  	v24 =	vadd.f32 v38, v24;
	v32 =	vmul.f32 v33, v52;
	v17 =	vld.idx.msk [tilespmem:v34+s20+$0x0], $0xffff  }
0x352: {  	v26 =	vmul.f32 v26, v51;
	v33 =	vld.idx.msk [tilespmem:v34+s18+$0x0], $0xffff  }
0x353: {  	v34 =	vor.u32 v9, v43;
	v30 =	vmul.f32 v56, v30;
	v8 =	vld.idx.msk [tilespmem:v28+s18+$0x0], $0xffff  }
0x354: {  	v22 =	vadd.f32 v26, v22;
	v26 =	vmul.f32 v31, v55;
	v35 =	vld.idx.msk [tilespmem:v49+s18+$0x0], $0xffff  }
0x355: {  	v25 =	vadd.f32 v30, v25;
	v27 =	vmul.f32 v41, v27;
	v31 =	vld.idx.msk [tilespmem:v49+s20+$0x0], $0xffff  }
0x356: {  	v29 =	vmul.f32 v45, v29;
	v30 =	vld.idx.msk [tilespmem:v40+s18+$0x0], $0xffff  }
0x357: {  	v24 =	vadd.f32 v27, v24;
	v36 =	vld.idx.msk [tilespmem:v40+s20+$0x0], $0xffff  }
0x358: {  	v17 =	vmul.f32 v17, v33;
	v25 =	vadd.f32 v29, v25;
	v27 =	vld.idx.msk [tilespmem:v34+s20+$0x0], $0xffff  }
0x359: {  	v10 =	vmul.f32 v10, v16;
	v14 =	vadd.f32 v14, v24;
	v29 =	vld.idx.msk [tilespmem:v53+s18+$0x0], $0xffff  }
0x35a: {  	v22 =	vadd.f32 v17, v22;
	v24 =	vadd.f32 v32, v25;
	v16 =	vld.idx.msk [tilespmem:v53+s20+$0x0], $0xffff  }
0x35b: {  	v17 =	vmul.f32 v31, v35;
	v32 =	vadd.f32 v10, v14;
	v25 =	vld.idx.msk [tilespmem:v42+s18+$0x0], $0xffff  }
0x35c: {  	v26 =	vadd.f32 v26, v22;
	v13 =	vadd.f32 v13, v24;
	v31 =	vld.idx.msk [tilespmem:v42+s20+$0x0], $0xffff  }
0x35d: {  	v14 =	vmul.f32 v36, v30;
	v22 =	vld.idx.msk [tilespmem:v54+s18+$0x0], $0xffff  }
0x35e: {  	v11 =	vmul.f32 v11, v7;
	v15 =	vadd.f32 v15, v26;
	v35 =	vadd.f32 v12, v13;
	v24 =	vld.idx.msk [tilespmem:v54+s20+$0x0], $0xffff  }
0x35f: {  	v10 =	vmov v27;
	v7 =	vld.idx.msk [tilespmem:v44+s18+$0x0], $0xffff  }
0x360: {  	v13 =	vmul.f32 v16, v29;
	v27 =	vadd.f32 v11, v15;
	_ =	sdelay $0x1  }
0x361: {  	v15 =	vmul.f32 v31, v25;
	_ =	sdelay $0x1  }
0x362: {  	v12 =	vmul.f32 v24, v22  }
0x363: {  	s0 =	sadd.s32 $0xFFFFFFE4, s28;
	s5 =	sadd.s32 $0xFFFFFFE8, s28  }
0x364: {  	v11 =	vadd.s32 s5, v4;
	v25 =	vor.u32 s0, v19;
	v24 =	vor.u32 s0, v18  }
0x365: {  	v30 =	vor.u32 s0, v20;
	v29 =	vor.u32 s0, v21;
	v16 =	vadd.s32 s5, v2  }
0x366: {  	v16 =	vand.u32 $0x7F, v16;
	v26 =	vand.u32 $0x7F, v11;
	v22 =	vadd.s32 s5, v3;
	v11 =	vld.idx.msk [tilespmem:v44+s20+$0x0], $0xffff  }
0x367: {  	v36 =	vor.u32 v9, v16;
	v33 =	vor.u32 v9, v26;
	v22 =	vand.u32 $0x7F, v22;
	v16 =	vld.idx.msk [tilespmem:v34+s18+$0x0], $0xffff  }
0x368: {  	v31 =	vadd.s32 s5, v18;
	v34 =	vor.u32 v9, v22;
	v22 =	vld.idx.msk [tilespmem:v28+s20+$0x0], $0xffff  }
0x369: {  	v37 =	vld.idx.msk [tilespmem:v24+s18+$0x0], $0xffff  }
0x36a: {  	v38 =	vld.idx.msk [tilespmem:v25+s20+$0x0], $0xffff  }
0x36b: {  	v40 =	vld.idx.msk [tilespmem:v30+s20+$0x0], $0xffff  }
0x36c: {  	v25 =	vld.idx.msk [tilespmem:v25+s18+$0x0], $0xffff  }
0x36d: {  	v39 =	vld.idx.msk [tilespmem:v24+s20+$0x0], $0xffff  }
0x36e: {  	s0 =	sadd.s32 $0xFFFFFFEC, s28;
	v41 =	vld.idx.msk [tilespmem:v31+s20+$0x0], $0xffff  }
0x36f: {  	v26 =	vadd.s32 s0, v3;
	v43 =	vadd.s32 s0, v18;
	v24 =	vadd.s32 s0, v2;
	v42 =	vld.idx.msk [tilespmem:v29+s18+$0x0], $0xffff  }
0x370: {  	v44 =	vand.u32 $0x7F, v26;
	v26 =	vadd.s32 s0, v4;
	v24 =	vand.u32 $0x7F, v24;
	v46 =	vld.idx.msk [tilespmem:v33+s20+$0x0], $0xffff  }
0x371: {  	v45 =	vand.u32 $0x7F, v26;
	v26 =	vor.u32 v9, v24;
	v24 =	vor.u32 v9, v44;
	v28 =	vld.idx.msk [tilespmem:v36+s18+$0x0], $0xffff  }
0x372: {  	v38 =	vmul.f32 v38, v25;
	v25 =	vor.u32 v9, v45;
	v44 =	vld.idx.msk [tilespmem:v31+s18+$0x0], $0xffff  }
0x373: {  	s0 =	sadd.s32 $0xFFFFFFF0, s28;
	v31 =	vmul.f32 v39, v37;
	v29 =	vld.idx.msk [tilespmem:v29+s20+$0x0], $0xffff  }
0x374: {  	v47 =	vadd.s32 s0, v18;
	v37 =	vadd.s32 s0, v3;
	v39 =	vadd.s32 s0, v4;
	v45 =	vld.idx.msk [tilespmem:v43+s20+$0x0], $0xffff  }
0x375: {  	v49 =	vadd.s32 s0, v2;
	v48 =	vld.idx.msk [tilespmem:v30+s18+$0x0], $0xffff;
	v30 =	vand.u32 $0x7F, v37;
	v37 =	vand.u32 $0x7F, v39  }
0x376: {  	v50 =	vadd.f32 v31, v23;
	v51 =	vld.idx.msk [tilespmem:v43+s18+$0x0], $0xffff;
	v43 =	vor.u32 v9, v30;
	v23 =	vor.u32 v9, v37  }
0x377: {  	v37 =	vand.u32 $0x7F, v49;
	v30 =	vld.idx.msk [tilespmem:v34+s20+$0x0], $0xffff  }
0x378: {  	s0 =	sadd.s32 $0xFFFFFFF4, s28;
	v31 =	vadd.f32 v38, v27;
	v38 =	vmul.f32 v41, v44;
	v27 =	vor.u32 v9, v37;
	v49 =	vld.idx.msk [tilespmem:v33+s18+$0x0], $0xffff  }
0x379: {  	v39 =	vor.u32 s0, v18;
	v41 =	vadd.s32 s0, v3;
	v29 =	vmul.f32 v29, v42;
	v33 =	vld.idx.msk [tilespmem:v47+s20+$0x0], $0xffff  }
.Ltmp8:
0x37a: {  	v42 =	vadd.f32 v38, v50;
	v50 =	vadd.s32 s0, v2;
	v38 =	vand.u32 $0x7F, v41;
	v37 =	vld.idx.msk [tilespmem:v36+s20+$0x0], $0xffff;
	(pc) =	sbr.rel @p0 .LBB2_19-.Ltmp8, $4  }
0x37b: {  	v41 =	vadd.s32 s0, v4;
	v48 =	vmul.f32 v40, v48;
	v38 =	vor.u32 v9, v38;
	v36 =	vld.idx.msk [tilespmem:v34+s18+$0x0], $0xffff  }
0x37c: {  	v34 =	vadd.f32 v29, v32;
	v44 =	vmul.f32 v45, v51;
	v29 =	vand.u32 $0x7F, v41;
	v40 =	vld.idx.msk [tilespmem:v47+s18+$0x0], $0xffff  }
0x37d: {  	s0 =	sadd.s32 $0xFFFFFFF8, s28;
	v41 =	vand.u32 $0x7F, v50;
	v29 =	vor.u32 v9, v29;
	v32 =	vld.idx.msk [tilespmem:v43+s18+$0x0], $0xffff  }
0x37e: {  	v45 =	vadd.f32 v48, v35;
	v47 =	vadd.s32 s0, v0;
	v46 =	vmul.f32 v46, v49;
	v35 =	vld.idx.msk [tilespmem:v39+s20+$0x0], $0xffff  }
0x37f: {  	_ =	sdelay $0x3  }
0x380: {  	v18 =	vld.idx.msk [tilespmem:v43+s20+$0x0], $0xffff  }
0x381: {  	v20 =	vld.idx.msk [tilespmem:v38+s18+$0x0], $0xffff  }
0x382: {  	v21 =	vld.idx.msk [tilespmem:v24+s18+$0x0], $0xffff  }
0x383: {  	v19 =	vand.u32 $0x7F, v47;
	v47 =	vld.idx.msk [tilespmem:v26+s20+$0x0], $0xffff  }
0x384: {  	v39 =	vld.idx.msk [tilespmem:v39+s18+$0x0], $0xffff  }
0x385: {  	v48 =	vld.idx.msk [tilespmem:v25+s18+$0x0], $0xffff  }
0x386: {  	v38 =	vld.idx.msk [tilespmem:v38+s20+$0x0], $0xffff  }
0x387: {  	v51 =	vld.idx.msk [tilespmem:v27+s18+$0x0], $0xffff  }
0x388: {  	v26 =	vld.idx.msk [tilespmem:v26+s18+$0x0], $0xffff  }
0x389: {  	v24 =	vld.idx.msk [tilespmem:v24+s20+$0x0], $0xffff  }
0x38a: {  	v25 =	vld.idx.msk [tilespmem:v25+s20+$0x0], $0xffff  }
0x38b: {  	v55 =	vld.idx.msk [tilespmem:v23+s20+$0x0], $0xffff;
	v60 =	vor.u32 v9, v41  }
0x38c: {  	v56 =	vld.idx.msk [tilespmem:v29+s20+$0x0], $0xffff  }
0x38d: {  	v59 =	vadd.s32 s0, v4;
	v61 =	vld.idx.msk [tilespmem:v27+s20+$0x0], $0xffff;
	v19 =	vor.u32 v9, v19  }
0x38e: {  	v50 =	vadd.s32 s0, v2;
	v53 =	vadd.s32 s0, v3;
	v62 =	vld.idx.msk [tilespmem:v23+s18+$0x0], $0xffff;
	v43 =	vand.u32 $0x7F, v59  }
0x38f: {  	v50 =	vand.u32 $0x7F, v50;
	v43 =	vor.u32 v9, v43;
	v33 =	vmul.f32 v33, v40;
	v40 =	vld.idx.msk [tilespmem:v29+s18+$0x0], $0xffff  }
0x390: {  	v53 =	vand.u32 $0x7F, v53;
	v63 =	vadd.f32 v46, v45;
	v50 =	vor.u32 v9, v50;
	v46 =	vld.idx.msk [tilespmem:v60+s20+$0x0], $0xffff  }
0x391: {  	v53 =	vor.u32 v9, v53;
	v9 =	vld.idx.msk [tilespmem:v60+s18+$0x0], $0xffff  }
0x392: {  	v49 =	vld.idx.msk [tilespmem:v19+s20+$0x0], $0xffff  }
0x393: {  	v19 =	vld.idx.msk [tilespmem:v19+s18+$0x0], $0xffff  }
0x394: {  	v28 =	vmul.f32 v37, v28;
	v52 =	vld.idx.msk [tilespmem:v43+s18+$0x0], $0xffff  }
0x395: {  	v42 =	vadd.f32 v44, v42;
	v30 =	vmul.f32 v30, v36;
	v54 =	vld.idx.msk [tilespmem:v50+s18+$0x0], $0xffff  }
0x396: {  	v28 =	vadd.f32 v28, v31;
	v45 =	vmul.f32 v35, v39;
	v26 =	vmul.f32 v47, v26;
	v41 =	vld.idx.msk [tilespmem:v53+s20+$0x0], $0xffff  }
0x397: {  	v30 =	vadd.f32 v30, v34;
	v21 =	vmul.f32 v24, v21;
	v25 =	vmul.f32 v25, v48;
	v43 =	vld.idx.msk [tilespmem:v43+s20+$0x0], $0xffff  }
0x398: {  	v44 =	vadd.f32 v33, v42;
	v18 =	vmul.f32 v18, v32;
	v27 =	vmul.f32 v61, v51;
	v53 =	vld.idx.msk [tilespmem:v53+s18+$0x0], $0xffff  }
0x399: {  	v23 =	vmul.f32 v55, v62;
	v21 =	vadd.f32 v21, v30;
	v57 =	vld.idx.msk [tilespmem:v50+s20+$0x0], $0xffff;
	v25 =	vadd.f32 v25, v63  }
0x39a: {  	v20 =	vmul.f32 v38, v20;
	v47 =	vadd.f32 v45, v44;
	v26 =	vadd.f32 v26, v28  }
0x39b: {  	v59 =	vmul.f32 v56, v40;
	v18 =	vadd.f32 v18, v21;
	v23 =	vadd.f32 v23, v25  }
0x39c: {  	v58 =	vadd.f32 v27, v26;
	v9 =	vmul.f32 v46, v9;
	v19 =	vmul.f32 v49, v19  }
0x39d: {  	v18 =	vadd.f32 v20, v18;
	v23 =	vadd.f32 v59, v23;
	v61 =	vmul.f32 v41, v53  }
0x39e: {  	v60 =	vmul.f32 v43, v52;
	v62 =	vmul.f32 v57, v54;
	v9 =	vadd.f32 v9, v58  }
0x39f: {  	v8 =	vmul.f32 v22, v8;
	v19 =	vadd.f32 v19, v47;
	v18 =	vadd.f32 v61, v18  }
0x3a0: {  	v20 =	vadd.f32 v60, v23;
	v9 =	vadd.f32 v62, v9  }
0x3a1: {  	v10 =	vmul.f32 v10, v16;
	v8 =	vadd.f32 v8, v19;
	v14 =	vadd.f32 v14, v18  }
0x3a2: {  	v7 =	vmul.f32 v11, v7;
	v13 =	vadd.f32 v13, v20;
	v9 =	vadd.f32 v15, v9  }
0x3a3: {  	v8 =	vadd.f32 v17, v8;
	v10 =	vadd.f32 v10, v14  }
0x3a4: {  	v63 =	vadd.f32 v12, v13;
	v7 =	vadd.f32 v7, v9;
	_ =	sdelay $0x1  }
0x3a5: {  	v7 =	vadd.f32 v7, v8;
	v8 =	vadd.f32 v63, v10;
	_ =	sdelay $0x1  }
0x3a6: {  	v7 =	vadd.f32 v8, v7;
	_ =	sdelay $0x1  }
0x3a7: {  	v7 =	vmul.f32 v7, v5;
	_ =	sdelay $0x1  }
0x3a8: {  	v7 =	vadd.f32 v7, v6;
	_ =	sdelay $0x1  }
0x3a9: {  	v7 =	vsub.f32 $0.0e+00, v7;
	_ =	sdelay $0x1  }
0x3aa: {  	v7 =	vmul.f32 $1.442695020e+00, v7;
	_ =	sdelay $0x1  }
0x3ab: {  	(erf) = vpow2.f32 v7;
	_ =	sdelay $0x8  }
0x3ac: {  	v7 =	vpop (erf)  }
0x3ad: {  	v7 =	vadd.f32 $1.000000000e+00, v7;
	_ =	sdelay $0x1  }
0x3ae: {  	(erf) = vrcp.f32 v7;
	_ =	sdelay $0x3  }
0x3af: {  	s21 =	sadd.s32 $0x1, s21  }
0x3b0: {  	p0 =	sne.s32 s21, $0x4  }
.Ltmp9:
0x3b1: {  	_ = 	snop;
	(pc) =	sbr.rel @p0 .LBB2_18-.Ltmp9, $3  }
0x3b2: {  	_ =	sdelay $0x1  }
0x3b3: {  	v7 =	vpop (erf)  }
0x3b4: {  	[tilespmem:s23+$0xC500] =	vst v7  }
0x3b5: {  	s0 =	simm.s32 $0x1C0  }
0x3b6: {  	[tilespmem:s18], [sflag:$0x3] =	stream.indirect.gather [hbm4b:s1+s15], $0x80, s0, s15, $0xb8;
	[tilespmem:$0xC700] =	vst v63  }
0x3b7: {  	s29 =	simm.s32 $0x3C0  }
0x3b8: {  	[tilespmem:s20], [sflag:$0x4] =	stream.indirect.gather [hbm4b:s2+s15], $0x80, s29, s15, $0xb8;
	[tilespmem:$0xC700] =	vst v63  }
0x3b9: {  	_ =	swait.ge [sflag:s3], $0x2000  }
0x3ba: {  	[sflag:s3] =	ssyncset.done $0x0  }
0x3bb: {  	[sflag:s3] =	ssyncadd.s32 $0xFFFFE000  }
0x3bc: {  	_ =	swait.ge [sflag:s4], $0x2000  }
0x3bd: {  	[sflag:s4] =	ssyncset.done $0x0  }
0x3be: {  	s21 =	simm.s32 $0x0;
	[sflag:s4] =	ssyncadd.s32 $0xFFFFE000  }
.LBB2_22:
0x3bf: {  	s23 =	sshll.u32 s21, $0x4  }
0x3c0: {  	s0 =	simm.s32 $0x18;
	v7 =	vmov s23  }
0x3c1: {  	v8 =	vadd.s32 s0, v0;
	v7 =	vshll.u32 v7, $0x7  }
0x3c2: {  	s28 =	simm.s32 $0x1C;
	v9 =	vor.u32 v1, v7;
	v7 =	vand.u32 $0x7F, v8  }
0x3c3: {  	v8 =	vadd.s32 s28, v0;
	v12 =	vor.u32 v9, v7  }
0x3c4: {  	v7 =	vand.u32 $0x7F, v8  }
0x3c5: {  	v8 =	vadd.s32 s0, v3;
	v7 =	vor.u32 v9, v7  }
0x3c6: {  	s5 =	simm.s32 $0x4;
	v18 =	vor.u32 v0, v9;
	v8 =	vand.u32 $0x7F, v8  }
0x3c7: {  	v33 =	vadd.s32 s5, v18;
	v11 =	vor.u32 v9, v8;
	v8 =	vadd.s32 s0, v4  }
0x3c8: {  	v10 =	vadd.s32 s28, v3;
	v13 =	vand.u32 $0x7F, v8;
	v8 =	vld.idx.msk [tilespmem:v12+s22+$0x0], $0xffff  }
0x3c9: {  	v10 =	vand.u32 $0x7F, v10;
	v22 =	vld.idx.msk [tilespmem:v12+s24+$0x0], $0xffff  }
0x3ca: {  	v14 =	vor.u32 v9, v10;
	v10 =	vadd.s32 s0, v2;
	s0 =	simm.s32 $0x0;
	v15 =	vld.idx.msk [tilespmem:v7+s22+$0x0], $0xffff  }
0x3cb: {  	v19 =	vor.u32 v2, v9;
	v30 =	vor.u32 s0, v18;
	v17 =	vld.idx.msk [tilespmem:v7+s24+$0x0], $0xffff  }
0x3cc: {  	v20 =	vor.u32 v4, v9;
	v10 =	vand.u32 $0x7F, v10;
	v31 =	vor.u32 s0, v19;
	v39 =	vld.idx.msk [tilespmem:v33+s24+$0x0], $0xffff  }
0x3cd: {  	v32 =	vor.u32 s0, v20;
	v7 =	vor.u32 v9, v10;
	v10 =	vadd.s32 s28, v4;
	v23 =	vld.idx.msk [tilespmem:v11+s22+$0x0], $0xffff  }
0x3ce: {  	v21 =	vor.u32 v3, v9;
	v10 =	vand.u32 $0x7F, v10;
	v24 =	vld.idx.msk [tilespmem:v11+s24+$0x0], $0xffff  }
0x3cf: {  	v35 =	vor.u32 s0, v21;
	v16 =	vor.u32 v9, v10;
	v10 =	vld.idx.msk [tilespmem:v14+s24+$0x0], $0xffff  }
0x3d0: {  	v34 =	vld.idx.msk [tilespmem:v30+s22+$0x0], $0xffff  }
0x3d1: {  	v36 =	vld.idx.msk [tilespmem:v31+s24+$0x0], $0xffff  }
0x3d2: {  	v13 =	vor.u32 v9, v13;
	v38 =	vld.idx.msk [tilespmem:v32+s24+$0x0], $0xffff  }
0x3d3: {  	v31 =	vld.idx.msk [tilespmem:v31+s22+$0x0], $0xffff  }
0x3d4: {  	v41 =	vld.idx.msk [tilespmem:v35+s22+$0x0], $0xffff  }
0x3d5: {  	v54 =	vld.idx.msk [tilespmem:v35+s24+$0x0], $0xffff  }
0x3d6: {  	v32 =	vld.idx.msk [tilespmem:v32+s22+$0x0], $0xffff  }
0x3d7: {  	v25 =	vld.idx.msk [tilespmem:v13+s22+$0x0], $0xffff  }
0x3d8: {  	v12 =	vadd.s32 s5, v4;
	v13 =	vld.idx.msk [tilespmem:v13+s24+$0x0], $0xffff  }
0x3d9: {  	v12 =	vand.u32 $0x7F, v12;
	v26 =	vld.idx.msk [tilespmem:v7+s22+$0x0], $0xffff  }
0x3da: {  	v11 =	vadd.s32 s28, v2;
	v37 =	vor.u32 v9, v12;
	v27 =	vld.idx.msk [tilespmem:v7+s24+$0x0], $0xffff  }
0x3db: {  	v45 =	vimm.f32 $0.0e+00;
	s0 =	simm.s32 $0x8;
	v11 =	vand.u32 $0x7F, v11;
	v28 =	vld.idx.msk [tilespmem:v16+s22+$0x0], $0xffff  }
0x3dc: {  	v42 =	vadd.s32 s0, v18;
	v11 =	vor.u32 v9, v11;
	v17 =	vmul.f32 v17, v15;
	v29 =	vld.idx.msk [tilespmem:v16+s24+$0x0], $0xffff  }
0x3dd: {  	v16 =	vld.idx.msk [tilespmem:v14+s22+$0x0], $0xffff;
	v14 =	vadd.s32 s5, v2;
	v31 =	vmul.f32 v36, v31;
	v61 =	vmul.f32 v54, v41  }
0x3de: {  	v30 =	vld.idx.msk [tilespmem:v30+s24+$0x0], $0xffff;
	v50 =	vmul.f32 v38, v32;
	v14 =	vand.u32 $0x7F, v14;
	v13 =	vmul.f32 v13, v25  }
0x3df: {  	v46 =	vld.idx.msk [tilespmem:v37+s24+$0x0], $0xffff;
	v25 =	vadd.s32 s0, v4;
	v40 =	vor.u32 v9, v14;
	v14 =	vmul.f32 v24, v23  }
0x3e0: {  	v48 =	vld.idx.msk [tilespmem:v37+s22+$0x0], $0xffff;
	v23 =	vadd.s32 s5, v3;
	v24 =	vadd.s32 s0, v3;
	v25 =	vand.u32 $0x7F, v25  }
0x3e1: {  	v55 =	vld.idx.msk [tilespmem:v42+s24+$0x0], $0xffff;
	s5 =	simm.s32 $0xC;
	v31 =	vadd.f32 v31, v45;
	v15 =	vmul.f32 v27, v26;
	v23 =	vand.u32 $0x7F, v23  }
0x3e2: {  	v24 =	vand.u32 $0x7F, v24;
	v27 =	vld.idx.msk [tilespmem:v33+s22+$0x0], $0xffff;
	v25 =	vor.u32 v9, v25;
	v44 =	vadd.s32 s5, v18  }
0x3e3: {  	v47 =	vld.idx.msk [tilespmem:v42+s22+$0x0], $0xffff;
	v56 =	vadd.s32 s5, v4;
	v57 =	vadd.s32 s5, v2;
	v24 =	vor.u32 v9, v24  }
0x3e4: {  	v7 =	vld.idx.msk [tilespmem:v11+s22+$0x0], $0xffff;
	v12 =	vmul.f32 v29, v28;
	v29 =	vor.u32 v9, v23;
	v23 =	vadd.s32 s0, v2  }
0x3e5: {  	v11 =	vld.idx.msk [tilespmem:v11+s24+$0x0], $0xffff;
	v59 =	vand.u32 $0x7F, v57;
	v46 =	vmul.f32 v46, v48;
	v23 =	vand.u32 $0x7F, v23  }
0x3e6: {  	v28 =	vld.idx.msk [tilespmem:v40+s22+$0x0], $0xffff;
	v26 =	vor.u32 v9, v23;
	v23 =	vmul.f32 v30, v34;
	v30 =	vadd.s32 s5, v3;
	s5 =	simm.s32 $0x10  }
0x3e7: {  	v37 =	vld.idx.msk [tilespmem:v40+s24+$0x0], $0xffff;
	v30 =	vand.u32 $0x7F, v30;
	v60 =	vmul.f32 v39, v27;
	v39 =	vor.u32 s5, v18  }
0x3e8: {  	v34 =	vand.u32 $0x7F, v56;
	v33 =	vld.idx.msk [tilespmem:v44+s24+$0x0], $0xffff;
	v62 =	vadd.s32 s5, v3;
	v43 =	vor.u32 v9, v30  }
0x3e9: {  	v27 =	vor.u32 v9, v59;
	v49 =	vadd.s32 s5, v2;
	v40 =	vld.idx.msk [tilespmem:v44+s22+$0x0], $0xffff;
	v63 =	vand.u32 $0x7F, v62  }
0x3ea: {  	s0 =	simm.s32 $0x14;
	v44 =	vmul.f32 v55, v47;
	v58 =	vadd.f32 v23, v45;
	v30 =	vld.idx.msk [tilespmem:v29+s24+$0x0], $0xffff;
	v38 =	vor.u32 v9, v63  }
0x3eb: {  	v47 =	vadd.s32 s0, v0;
	v23 =	vor.u32 v9, v34;
	v36 =	vld.idx.msk [tilespmem:v29+s22+$0x0], $0xffff;
	v29 =	vadd.s32 s5, v4  }
0x3ec: {  	v34 =	vadd.f32 v61, v45;
	v42 =	vadd.f32 v60, v58;
	v29 =	vand.u32 $0x7F, v29;
	v35 =	vld.idx.msk [tilespmem:v39+s24+$0x0], $0xffff  }
0x3ed: {  	s29 =	simm.s32 $0x0;
	v41 =	vand.u32 $0x7F, v49;
	v45 =	vadd.f32 v50, v45;
	v29 =	vor.u32 v9, v29;
	v32 =	vld.idx.msk [tilespmem:v43+s22+$0x0], $0xffff  }
.LBB2_23:
0x3ee: {  	s29 =	sadd.s32 $0x8, s29;
	v42 =	vadd.f32 v44, v42;
	v43 =	vld.idx.msk [tilespmem:v43+s24+$0x0], $0xffff;
	v44 =	vand.u32 $0x7F, v47;
	v47 =	vadd.s32 s0, v3;
	s28 =	sadd.s32 $0x20, s28  }
0x3ef: {  	v28 =	vmul.f32 v37, v28;
	s5 =	sadd.s32 $0xFFFFFFFC, s28;
	p0 =	slt.u32 s29, $0x18;
	v37 =	vadd.f32 v46, v45;
	v45 =	vld.idx.msk [tilespmem:v38+s22+$0x0], $0xffff;
	v44 =	vor.u32 v9, v44  }
0x3f0: {  	v48 =	vadd.s32 s0, v2;
	v49 =	vadd.s32 s0, v4;
	v47 =	vand.u32 $0x7F, v47;
	v46 =	vld.idx.msk [tilespmem:v24+s22+$0x0], $0xffff  }
0x3f1: {  	v31 =	vadd.f32 v28, v31;
	v28 =	vmul.f32 v33, v40;
	v33 =	vand.u32 $0x7F, v49;
	v50 =	vld.idx.msk [tilespmem:v26+s24+$0x0], $0xffff  }
0x3f2: {  	v30 =	vmul.f32 v30, v36;
	v33 =	vor.u32 v9, v33;
	v36 =	vld.idx.msk [tilespmem:v39+s22+$0x0], $0xffff;
	v39 =	vor.u32 v9, v47  }
0x3f3: {  	v40 =	vadd.s32 s5, v0;
	v42 =	vadd.f32 v28, v42;
	v28 =	vand.u32 $0x7F, v48;
	v47 =	vld.idx.msk [tilespmem:v25+s22+$0x0], $0xffff  }
0x3f4: {  	v30 =	vadd.f32 v30, v34;
	v34 =	vor.u32 v9, v41;
	v48 =	vor.u32 v9, v28;
	v41 =	vld.idx.msk [tilespmem:v44+s24+$0x0], $0xffff  }
0x3f5: {  	v49 =	vadd.s32 s28, v0;
	v28 =	vand.u32 $0x7F, v40;
	v40 =	vadd.s32 s5, v3;
	v38 =	vld.idx.msk [tilespmem:v38+s24+$0x0], $0xffff  }
0x3f6: {  	v49 =	vand.u32 $0x7F, v49;
	v32 =	vmul.f32 v43, v32;
	v28 =	vor.u32 v9, v28;
	v51 =	vld.idx.msk [tilespmem:v27+s22+$0x0], $0xffff  }
0x3f7: {  	v49 =	vor.u32 v9, v49;
	v43 =	vadd.s32 s28, v3;
	v40 =	vand.u32 $0x7F, v40;
	v52 =	vld.idx.msk [tilespmem:v33+s22+$0x0], $0xffff  }
0x3f8: {  	v53 =	vadd.s32 s5, v4;
	v40 =	vor.u32 v9, v40;
	v35 =	vmul.f32 v35, v36;
	v36 =	vld.idx.msk [tilespmem:v44+s22+$0x0], $0xffff  }
0x3f9: {  	v53 =	vand.u32 $0x7F, v53;
	v43 =	vand.u32 $0x7F, v43;
	v44 =	vadd.s32 s5, v2;
	v26 =	vld.idx.msk [tilespmem:v26+s22+$0x0], $0xffff  }
0x3fa: {  	v53 =	vor.u32 v9, v53;
	v44 =	vand.u32 $0x7F, v44;
	v35 =	vadd.f32 v35, v42;
	v24 =	vld.idx.msk [tilespmem:v24+s24+$0x0], $0xffff  }
0x3fb: {  	v54 =	vadd.s32 s28, v4;
	v42 =	vor.u32 v9, v44;
	v44 =	vadd.s32 s28, v2;
	v25 =	vld.idx.msk [tilespmem:v25+s24+$0x0], $0xffff  }
0x3fc: {  	v54 =	vand.u32 $0x7F, v54;
	v44 =	vand.u32 $0x7F, v44;
	v55 =	vld.idx.msk [tilespmem:v48+s22+$0x0], $0xffff  }
0x3fd: {  	v54 =	vor.u32 v9, v54;
	v44 =	vor.u32 v9, v44;
	v56 =	vld.idx.msk [tilespmem:v23+s24+$0x0], $0xffff  }
0x3fe: {  	v38 =	vmul.f32 v38, v45;
	v45 =	vld.idx.msk [tilespmem:v29+s24+$0x0], $0xffff  }
0x3ff: {  	v36 =	vmul.f32 v41, v36;
	v26 =	vmul.f32 v50, v26;
	v41 =	vld.idx.msk [tilespmem:v39+s24+$0x0], $0xffff  }
0x400: {  	v8 =	vmul.f32 v22, v8;
	v24 =	vmul.f32 v24, v46;
	v33 =	vld.idx.msk [tilespmem:v33+s24+$0x0], $0xffff  }
0x401: {  	v22 =	vadd.f32 v26, v31;
	v25 =	vmul.f32 v25, v47;
	v26 =	vld.idx.msk [tilespmem:v27+s24+$0x0], $0xffff;
	v27 =	vadd.f32 v36, v35  }
0x402: {  	v24 =	vadd.f32 v24, v30;
	v30 =	vld.idx.msk [tilespmem:v23+s22+$0x0], $0xffff  }
0x403: {  	v25 =	vadd.f32 v25, v37;
	v31 =	vld.idx.msk [tilespmem:v48+s24+$0x0], $0xffff;
	v8 =	vadd.f32 v8, v27  }
0x404: {  	v24 =	vadd.f32 v32, v24;
	v27 =	vld.idx.msk [tilespmem:v39+s22+$0x0], $0xffff  }
0x405: {  	v29 =	vld.idx.msk [tilespmem:v29+s22+$0x0], $0xffff;
	v23 =	vadd.f32 v17, v8  }
0x406: {  	v24 =	vadd.f32 v38, v24;
	v32 =	vmul.f32 v33, v52;
	v17 =	vld.idx.msk [tilespmem:v34+s24+$0x0], $0xffff  }
0x407: {  	v26 =	vmul.f32 v26, v51;
	v33 =	vld.idx.msk [tilespmem:v34+s22+$0x0], $0xffff  }
0x408: {  	v34 =	vor.u32 v9, v43;
	v30 =	vmul.f32 v56, v30;
	v8 =	vld.idx.msk [tilespmem:v28+s22+$0x0], $0xffff  }
0x409: {  	v22 =	vadd.f32 v26, v22;
	v26 =	vmul.f32 v31, v55;
	v35 =	vld.idx.msk [tilespmem:v49+s22+$0x0], $0xffff  }
0x40a: {  	v25 =	vadd.f32 v30, v25;
	v27 =	vmul.f32 v41, v27;
	v31 =	vld.idx.msk [tilespmem:v49+s24+$0x0], $0xffff  }
0x40b: {  	v29 =	vmul.f32 v45, v29;
	v30 =	vld.idx.msk [tilespmem:v40+s22+$0x0], $0xffff  }
0x40c: {  	v24 =	vadd.f32 v27, v24;
	v36 =	vld.idx.msk [tilespmem:v40+s24+$0x0], $0xffff  }
0x40d: {  	v17 =	vmul.f32 v17, v33;
	v25 =	vadd.f32 v29, v25;
	v27 =	vld.idx.msk [tilespmem:v34+s24+$0x0], $0xffff  }
0x40e: {  	v10 =	vmul.f32 v10, v16;
	v14 =	vadd.f32 v14, v24;
	v29 =	vld.idx.msk [tilespmem:v53+s22+$0x0], $0xffff  }
0x40f: {  	v22 =	vadd.f32 v17, v22;
	v24 =	vadd.f32 v32, v25;
	v16 =	vld.idx.msk [tilespmem:v53+s24+$0x0], $0xffff  }
0x410: {  	v17 =	vmul.f32 v31, v35;
	v32 =	vadd.f32 v10, v14;
	v25 =	vld.idx.msk [tilespmem:v42+s22+$0x0], $0xffff  }
0x411: {  	v26 =	vadd.f32 v26, v22;
	v13 =	vadd.f32 v13, v24;
	v31 =	vld.idx.msk [tilespmem:v42+s24+$0x0], $0xffff  }
0x412: {  	v14 =	vmul.f32 v36, v30;
	v22 =	vld.idx.msk [tilespmem:v54+s22+$0x0], $0xffff  }
0x413: {  	v11 =	vmul.f32 v11, v7;
	v15 =	vadd.f32 v15, v26;
	v35 =	vadd.f32 v12, v13;
	v24 =	vld.idx.msk [tilespmem:v54+s24+$0x0], $0xffff  }
0x414: {  	v10 =	vmov v27;
	v7 =	vld.idx.msk [tilespmem:v44+s22+$0x0], $0xffff  }
0x415: {  	v13 =	vmul.f32 v16, v29;
	v27 =	vadd.f32 v11, v15;
	_ =	sdelay $0x1  }
0x416: {  	v15 =	vmul.f32 v31, v25;
	_ =	sdelay $0x1  }
0x417: {  	v12 =	vmul.f32 v24, v22  }
0x418: {  	s0 =	sadd.s32 $0xFFFFFFE4, s28;
	s5 =	sadd.s32 $0xFFFFFFE8, s28  }
0x419: {  	v11 =	vadd.s32 s5, v4;
	v25 =	vor.u32 s0, v19;
	v24 =	vor.u32 s0, v18  }
0x41a: {  	v30 =	vor.u32 s0, v20;
	v29 =	vor.u32 s0, v21;
	v16 =	vadd.s32 s5, v2  }
0x41b: {  	v16 =	vand.u32 $0x7F, v16;
	v26 =	vand.u32 $0x7F, v11;
	v22 =	vadd.s32 s5, v3;
	v11 =	vld.idx.msk [tilespmem:v44+s24+$0x0], $0xffff  }
0x41c: {  	v36 =	vor.u32 v9, v16;
	v33 =	vor.u32 v9, v26;
	v22 =	vand.u32 $0x7F, v22;
	v16 =	vld.idx.msk [tilespmem:v34+s22+$0x0], $0xffff  }
0x41d: {  	v31 =	vadd.s32 s5, v18;
	v34 =	vor.u32 v9, v22;
	v22 =	vld.idx.msk [tilespmem:v28+s24+$0x0], $0xffff  }
0x41e: {  	v37 =	vld.idx.msk [tilespmem:v24+s22+$0x0], $0xffff  }
0x41f: {  	v38 =	vld.idx.msk [tilespmem:v25+s24+$0x0], $0xffff  }
0x420: {  	v40 =	vld.idx.msk [tilespmem:v30+s24+$0x0], $0xffff  }
0x421: {  	v25 =	vld.idx.msk [tilespmem:v25+s22+$0x0], $0xffff  }
0x422: {  	v39 =	vld.idx.msk [tilespmem:v24+s24+$0x0], $0xffff  }
0x423: {  	s0 =	sadd.s32 $0xFFFFFFEC, s28;
	v41 =	vld.idx.msk [tilespmem:v31+s24+$0x0], $0xffff  }
0x424: {  	v26 =	vadd.s32 s0, v3;
	v43 =	vadd.s32 s0, v18;
	v24 =	vadd.s32 s0, v2;
	v42 =	vld.idx.msk [tilespmem:v29+s22+$0x0], $0xffff  }
0x425: {  	v44 =	vand.u32 $0x7F, v26;
	v26 =	vadd.s32 s0, v4;
	v24 =	vand.u32 $0x7F, v24;
	v46 =	vld.idx.msk [tilespmem:v33+s24+$0x0], $0xffff  }
0x426: {  	v45 =	vand.u32 $0x7F, v26;
	v26 =	vor.u32 v9, v24;
	v24 =	vor.u32 v9, v44;
	v28 =	vld.idx.msk [tilespmem:v36+s22+$0x0], $0xffff  }
0x427: {  	v38 =	vmul.f32 v38, v25;
	v25 =	vor.u32 v9, v45;
	v44 =	vld.idx.msk [tilespmem:v31+s22+$0x0], $0xffff  }
0x428: {  	s0 =	sadd.s32 $0xFFFFFFF0, s28;
	v31 =	vmul.f32 v39, v37;
	v29 =	vld.idx.msk [tilespmem:v29+s24+$0x0], $0xffff  }
0x429: {  	v47 =	vadd.s32 s0, v18;
	v37 =	vadd.s32 s0, v3;
	v39 =	vadd.s32 s0, v4;
	v45 =	vld.idx.msk [tilespmem:v43+s24+$0x0], $0xffff  }
0x42a: {  	v49 =	vadd.s32 s0, v2;
	v48 =	vld.idx.msk [tilespmem:v30+s22+$0x0], $0xffff;
	v30 =	vand.u32 $0x7F, v37;
	v37 =	vand.u32 $0x7F, v39  }
0x42b: {  	v50 =	vadd.f32 v31, v23;
	v51 =	vld.idx.msk [tilespmem:v43+s22+$0x0], $0xffff;
	v43 =	vor.u32 v9, v30;
	v23 =	vor.u32 v9, v37  }
0x42c: {  	v37 =	vand.u32 $0x7F, v49;
	v30 =	vld.idx.msk [tilespmem:v34+s24+$0x0], $0xffff  }
0x42d: {  	s0 =	sadd.s32 $0xFFFFFFF4, s28;
	v31 =	vadd.f32 v38, v27;
	v38 =	vmul.f32 v41, v44;
	v27 =	vor.u32 v9, v37;
	v49 =	vld.idx.msk [tilespmem:v33+s22+$0x0], $0xffff  }
0x42e: {  	v39 =	vor.u32 s0, v18;
	v41 =	vadd.s32 s0, v3;
	v29 =	vmul.f32 v29, v42;
	v33 =	vld.idx.msk [tilespmem:v47+s24+$0x0], $0xffff  }
.Ltmp10:
0x42f: {  	v42 =	vadd.f32 v38, v50;
	v50 =	vadd.s32 s0, v2;
	v38 =	vand.u32 $0x7F, v41;
	v37 =	vld.idx.msk [tilespmem:v36+s24+$0x0], $0xffff;
	(pc) =	sbr.rel @p0 .LBB2_23-.Ltmp10, $4  }
0x430: {  	v41 =	vadd.s32 s0, v4;
	v48 =	vmul.f32 v40, v48;
	v38 =	vor.u32 v9, v38;
	v36 =	vld.idx.msk [tilespmem:v34+s22+$0x0], $0xffff  }
0x431: {  	v34 =	vadd.f32 v29, v32;
	v44 =	vmul.f32 v45, v51;
	v29 =	vand.u32 $0x7F, v41;
	v40 =	vld.idx.msk [tilespmem:v47+s22+$0x0], $0xffff  }
0x432: {  	s0 =	sadd.s32 $0xFFFFFFF8, s28;
	v41 =	vand.u32 $0x7F, v50;
	v29 =	vor.u32 v9, v29;
	v32 =	vld.idx.msk [tilespmem:v43+s22+$0x0], $0xffff  }
0x433: {  	v45 =	vadd.f32 v48, v35;
	v47 =	vadd.s32 s0, v0;
	v46 =	vmul.f32 v46, v49;
	v35 =	vld.idx.msk [tilespmem:v39+s24+$0x0], $0xffff  }
0x434: {  	_ =	sdelay $0x3  }
0x435: {  	v18 =	vld.idx.msk [tilespmem:v43+s24+$0x0], $0xffff  }
0x436: {  	v20 =	vld.idx.msk [tilespmem:v38+s22+$0x0], $0xffff  }
0x437: {  	v21 =	vld.idx.msk [tilespmem:v24+s22+$0x0], $0xffff  }
0x438: {  	v19 =	vand.u32 $0x7F, v47;
	v47 =	vld.idx.msk [tilespmem:v26+s24+$0x0], $0xffff  }
0x439: {  	v39 =	vld.idx.msk [tilespmem:v39+s22+$0x0], $0xffff  }
0x43a: {  	v48 =	vld.idx.msk [tilespmem:v25+s22+$0x0], $0xffff  }
0x43b: {  	v38 =	vld.idx.msk [tilespmem:v38+s24+$0x0], $0xffff  }
0x43c: {  	v51 =	vld.idx.msk [tilespmem:v27+s22+$0x0], $0xffff  }
0x43d: {  	v26 =	vld.idx.msk [tilespmem:v26+s22+$0x0], $0xffff  }
0x43e: {  	v24 =	vld.idx.msk [tilespmem:v24+s24+$0x0], $0xffff  }
0x43f: {  	v25 =	vld.idx.msk [tilespmem:v25+s24+$0x0], $0xffff  }
0x440: {  	v55 =	vld.idx.msk [tilespmem:v23+s24+$0x0], $0xffff;
	v60 =	vor.u32 v9, v41  }
0x441: {  	v56 =	vld.idx.msk [tilespmem:v29+s24+$0x0], $0xffff  }
0x442: {  	v59 =	vadd.s32 s0, v4;
	v61 =	vld.idx.msk [tilespmem:v27+s24+$0x0], $0xffff;
	v19 =	vor.u32 v9, v19  }
0x443: {  	v50 =	vadd.s32 s0, v2;
	v53 =	vadd.s32 s0, v3;
	v62 =	vld.idx.msk [tilespmem:v23+s22+$0x0], $0xffff;
	v43 =	vand.u32 $0x7F, v59  }
0x444: {  	v50 =	vand.u32 $0x7F, v50;
	v43 =	vor.u32 v9, v43;
	v33 =	vmul.f32 v33, v40;
	v40 =	vld.idx.msk [tilespmem:v29+s22+$0x0], $0xffff  }
0x445: {  	v53 =	vand.u32 $0x7F, v53;
	v63 =	vadd.f32 v46, v45;
	v50 =	vor.u32 v9, v50;
	v46 =	vld.idx.msk [tilespmem:v60+s24+$0x0], $0xffff  }
0x446: {  	v53 =	vor.u32 v9, v53;
	v9 =	vld.idx.msk [tilespmem:v60+s22+$0x0], $0xffff  }
0x447: {  	v49 =	vld.idx.msk [tilespmem:v19+s24+$0x0], $0xffff  }
0x448: {  	v19 =	vld.idx.msk [tilespmem:v19+s22+$0x0], $0xffff  }
0x449: {  	v28 =	vmul.f32 v37, v28;
	v52 =	vld.idx.msk [tilespmem:v43+s22+$0x0], $0xffff  }
0x44a: {  	v42 =	vadd.f32 v44, v42;
	v30 =	vmul.f32 v30, v36;
	v54 =	vld.idx.msk [tilespmem:v50+s22+$0x0], $0xffff  }
0x44b: {  	v28 =	vadd.f32 v28, v31;
	v45 =	vmul.f32 v35, v39;
	v26 =	vmul.f32 v47, v26;
	v41 =	vld.idx.msk [tilespmem:v53+s24+$0x0], $0xffff  }
0x44c: {  	v30 =	vadd.f32 v30, v34;
	v21 =	vmul.f32 v24, v21;
	v25 =	vmul.f32 v25, v48;
	v43 =	vld.idx.msk [tilespmem:v43+s24+$0x0], $0xffff  }
0x44d: {  	v44 =	vadd.f32 v33, v42;
	v18 =	vmul.f32 v18, v32;
	v27 =	vmul.f32 v61, v51;
	v53 =	vld.idx.msk [tilespmem:v53+s22+$0x0], $0xffff  }
0x44e: {  	v23 =	vmul.f32 v55, v62;
	v21 =	vadd.f32 v21, v30;
	v57 =	vld.idx.msk [tilespmem:v50+s24+$0x0], $0xffff;
	v25 =	vadd.f32 v25, v63  }
0x44f: {  	v20 =	vmul.f32 v38, v20;
	v47 =	vadd.f32 v45, v44;
	v26 =	vadd.f32 v26, v28  }
0x450: {  	v59 =	vmul.f32 v56, v40;
	v18 =	vadd.f32 v18, v21;
	v23 =	vadd.f32 v23, v25  }
0x451: {  	v58 =	vadd.f32 v27, v26;
	v9 =	vmul.f32 v46, v9;
	v19 =	vmul.f32 v49, v19  }
0x452: {  	v18 =	vadd.f32 v20, v18;
	v23 =	vadd.f32 v59, v23;
	v61 =	vmul.f32 v41, v53  }
0x453: {  	v60 =	vmul.f32 v43, v52;
	v62 =	vmul.f32 v57, v54;
	v9 =	vadd.f32 v9, v58  }
0x454: {  	v8 =	vmul.f32 v22, v8;
	v19 =	vadd.f32 v19, v47;
	v18 =	vadd.f32 v61, v18  }
0x455: {  	v20 =	vadd.f32 v60, v23;
	v9 =	vadd.f32 v62, v9  }
0x456: {  	v10 =	vmul.f32 v10, v16;
	v8 =	vadd.f32 v8, v19;
	v14 =	vadd.f32 v14, v18  }
0x457: {  	v7 =	vmul.f32 v11, v7;
	v13 =	vadd.f32 v13, v20;
	v9 =	vadd.f32 v15, v9  }
0x458: {  	v8 =	vadd.f32 v17, v8;
	v10 =	vadd.f32 v10, v14  }
0x459: {  	v63 =	vadd.f32 v12, v13;
	v7 =	vadd.f32 v7, v9;
	_ =	sdelay $0x1  }
0x45a: {  	v7 =	vadd.f32 v7, v8;
	v8 =	vadd.f32 v63, v10;
	_ =	sdelay $0x1  }
0x45b: {  	v7 =	vadd.f32 v8, v7;
	_ =	sdelay $0x1  }
0x45c: {  	v7 =	vmul.f32 v7, v5;
	_ =	sdelay $0x1  }
0x45d: {  	v7 =	vadd.f32 v7, v6;
	_ =	sdelay $0x1  }
0x45e: {  	v7 =	vsub.f32 $0.0e+00, v7;
	_ =	sdelay $0x1  }
0x45f: {  	v7 =	vmul.f32 $1.442695020e+00, v7;
	_ =	sdelay $0x1  }
0x460: {  	(erf) = vpow2.f32 v7;
	_ =	sdelay $0x8  }
0x461: {  	v7 =	vpop (erf)  }
0x462: {  	v7 =	vadd.f32 $1.000000000e+00, v7;
	_ =	sdelay $0x1  }
0x463: {  	(erf) = vrcp.f32 v7;
	_ =	sdelay $0x3  }
0x464: {  	s21 =	sadd.s32 $0x1, s21  }
0x465: {  	p0 =	sne.s32 s21, $0x4  }
.Ltmp11:
0x466: {  	_ = 	snop;
	(pc) =	sbr.rel @p0 .LBB2_22-.Ltmp11, $3  }
0x467: {  	_ =	sdelay $0x1  }
0x468: {  	v7 =	vpop (erf)  }
0x469: {  	[tilespmem:s23+$0xC540] =	vst v7  }
0x46a: {  	_ =	swait.ge [sflag:s25], $0x2000  }
0x46b: {  	[sflag:s25] =	ssyncset.done $0x0  }
0x46c: {  	[sflag:s25] =	ssyncadd.s32 $0xFFFFE000  }
0x46d: {  	_ =	swait.ge [sflag:s26], $0x2000  }
0x46e: {  	[sflag:s26] =	ssyncset.done $0x0  }
0x46f: {  	s21 =	simm.s32 $0x0;
	[sflag:s26] =	ssyncadd.s32 $0xFFFFE000  }
.LBB2_26:
0x470: {  	s23 =	sshll.u32 s21, $0x4  }
0x471: {  	s0 =	simm.s32 $0x18;
	v7 =	vmov s23  }
0x472: {  	v8 =	vadd.s32 s0, v0;
	v7 =	vshll.u32 v7, $0x7  }
0x473: {  	s28 =	simm.s32 $0x1C;
	v9 =	vor.u32 v1, v7;
	v7 =	vand.u32 $0x7F, v8  }
0x474: {  	v8 =	vadd.s32 s28, v0;
	v12 =	vor.u32 v9, v7  }
0x475: {  	v7 =	vand.u32 $0x7F, v8  }
0x476: {  	v8 =	vadd.s32 s0, v3;
	v7 =	vor.u32 v9, v7  }
0x477: {  	s5 =	simm.s32 $0x4;
	v18 =	vor.u32 v0, v9;
	v8 =	vand.u32 $0x7F, v8  }
0x478: {  	v33 =	vadd.s32 s5, v18;
	v11 =	vor.u32 v9, v8;
	v8 =	vadd.s32 s0, v4  }
0x479: {  	v10 =	vadd.s32 s28, v3;
	v13 =	vand.u32 $0x7F, v8;
	v8 =	vld.idx.msk [tilespmem:v12+s16+$0x0], $0xffff  }
0x47a: {  	v10 =	vand.u32 $0x7F, v10;
	v22 =	vld.idx.msk [tilespmem:v12+s17+$0x0], $0xffff  }
0x47b: {  	v14 =	vor.u32 v9, v10;
	v10 =	vadd.s32 s0, v2;
	s0 =	simm.s32 $0x0;
	v15 =	vld.idx.msk [tilespmem:v7+s16+$0x0], $0xffff  }
0x47c: {  	v19 =	vor.u32 v2, v9;
	v30 =	vor.u32 s0, v18;
	v17 =	vld.idx.msk [tilespmem:v7+s17+$0x0], $0xffff  }
0x47d: {  	v20 =	vor.u32 v4, v9;
	v10 =	vand.u32 $0x7F, v10;
	v31 =	vor.u32 s0, v19;
	v39 =	vld.idx.msk [tilespmem:v33+s17+$0x0], $0xffff  }
0x47e: {  	v32 =	vor.u32 s0, v20;
	v7 =	vor.u32 v9, v10;
	v10 =	vadd.s32 s28, v4;
	v23 =	vld.idx.msk [tilespmem:v11+s16+$0x0], $0xffff  }
0x47f: {  	v21 =	vor.u32 v3, v9;
	v10 =	vand.u32 $0x7F, v10;
	v24 =	vld.idx.msk [tilespmem:v11+s17+$0x0], $0xffff  }
0x480: {  	v35 =	vor.u32 s0, v21;
	v16 =	vor.u32 v9, v10;
	v10 =	vld.idx.msk [tilespmem:v14+s17+$0x0], $0xffff  }
0x481: {  	v34 =	vld.idx.msk [tilespmem:v30+s16+$0x0], $0xffff  }
0x482: {  	v36 =	vld.idx.msk [tilespmem:v31+s17+$0x0], $0xffff  }
0x483: {  	v13 =	vor.u32 v9, v13;
	v38 =	vld.idx.msk [tilespmem:v32+s17+$0x0], $0xffff  }
0x484: {  	v31 =	vld.idx.msk [tilespmem:v31+s16+$0x0], $0xffff  }
0x485: {  	v41 =	vld.idx.msk [tilespmem:v35+s16+$0x0], $0xffff  }
0x486: {  	v54 =	vld.idx.msk [tilespmem:v35+s17+$0x0], $0xffff  }
0x487: {  	v32 =	vld.idx.msk [tilespmem:v32+s16+$0x0], $0xffff  }
0x488: {  	v25 =	vld.idx.msk [tilespmem:v13+s16+$0x0], $0xffff  }
0x489: {  	v12 =	vadd.s32 s5, v4;
	v13 =	vld.idx.msk [tilespmem:v13+s17+$0x0], $0xffff  }
0x48a: {  	v12 =	vand.u32 $0x7F, v12;
	v26 =	vld.idx.msk [tilespmem:v7+s16+$0x0], $0xffff  }
0x48b: {  	v11 =	vadd.s32 s28, v2;
	v37 =	vor.u32 v9, v12;
	v27 =	vld.idx.msk [tilespmem:v7+s17+$0x0], $0xffff  }
0x48c: {  	v45 =	vimm.f32 $0.0e+00;
	s0 =	simm.s32 $0x8;
	v11 =	vand.u32 $0x7F, v11;
	v28 =	vld.idx.msk [tilespmem:v16+s16+$0x0], $0xffff  }
0x48d: {  	v42 =	vadd.s32 s0, v18;
	v11 =	vor.u32 v9, v11;
	v17 =	vmul.f32 v17, v15;
	v29 =	vld.idx.msk [tilespmem:v16+s17+$0x0], $0xffff  }
0x48e: {  	v16 =	vld.idx.msk [tilespmem:v14+s16+$0x0], $0xffff;
	v14 =	vadd.s32 s5, v2;
	v31 =	vmul.f32 v36, v31;
	v61 =	vmul.f32 v54, v41  }
0x48f: {  	v30 =	vld.idx.msk [tilespmem:v30+s17+$0x0], $0xffff;
	v50 =	vmul.f32 v38, v32;
	v14 =	vand.u32 $0x7F, v14;
	v13 =	vmul.f32 v13, v25  }
0x490: {  	v46 =	vld.idx.msk [tilespmem:v37+s17+$0x0], $0xffff;
	v25 =	vadd.s32 s0, v4;
	v40 =	vor.u32 v9, v14;
	v14 =	vmul.f32 v24, v23  }
0x491: {  	v48 =	vld.idx.msk [tilespmem:v37+s16+$0x0], $0xffff;
	v23 =	vadd.s32 s5, v3;
	v24 =	vadd.s32 s0, v3;
	v25 =	vand.u32 $0x7F, v25  }
0x492: {  	v55 =	vld.idx.msk [tilespmem:v42+s17+$0x0], $0xffff;
	s5 =	simm.s32 $0xC;
	v31 =	vadd.f32 v31, v45;
	v15 =	vmul.f32 v27, v26;
	v23 =	vand.u32 $0x7F, v23  }
0x493: {  	v24 =	vand.u32 $0x7F, v24;
	v27 =	vld.idx.msk [tilespmem:v33+s16+$0x0], $0xffff;
	v25 =	vor.u32 v9, v25;
	v44 =	vadd.s32 s5, v18  }
0x494: {  	v47 =	vld.idx.msk [tilespmem:v42+s16+$0x0], $0xffff;
	v56 =	vadd.s32 s5, v4;
	v57 =	vadd.s32 s5, v2;
	v24 =	vor.u32 v9, v24  }
0x495: {  	v7 =	vld.idx.msk [tilespmem:v11+s16+$0x0], $0xffff;
	v12 =	vmul.f32 v29, v28;
	v29 =	vor.u32 v9, v23;
	v23 =	vadd.s32 s0, v2  }
0x496: {  	v11 =	vld.idx.msk [tilespmem:v11+s17+$0x0], $0xffff;
	v59 =	vand.u32 $0x7F, v57;
	v46 =	vmul.f32 v46, v48;
	v23 =	vand.u32 $0x7F, v23  }
0x497: {  	v28 =	vld.idx.msk [tilespmem:v40+s16+$0x0], $0xffff;
	v26 =	vor.u32 v9, v23;
	v23 =	vmul.f32 v30, v34;
	v30 =	vadd.s32 s5, v3;
	s5 =	simm.s32 $0x10  }
0x498: {  	v37 =	vld.idx.msk [tilespmem:v40+s17+$0x0], $0xffff;
	v30 =	vand.u32 $0x7F, v30;
	v60 =	vmul.f32 v39, v27;
	v39 =	vor.u32 s5, v18  }
0x499: {  	v34 =	vand.u32 $0x7F, v56;
	v33 =	vld.idx.msk [tilespmem:v44+s17+$0x0], $0xffff;
	v62 =	vadd.s32 s5, v3;
	v43 =	vor.u32 v9, v30  }
0x49a: {  	v27 =	vor.u32 v9, v59;
	v49 =	vadd.s32 s5, v2;
	v40 =	vld.idx.msk [tilespmem:v44+s16+$0x0], $0xffff;
	v63 =	vand.u32 $0x7F, v62  }
0x49b: {  	s0 =	simm.s32 $0x14;
	v44 =	vmul.f32 v55, v47;
	v58 =	vadd.f32 v23, v45;
	v30 =	vld.idx.msk [tilespmem:v29+s17+$0x0], $0xffff;
	v38 =	vor.u32 v9, v63  }
0x49c: {  	v47 =	vadd.s32 s0, v0;
	v23 =	vor.u32 v9, v34;
	v36 =	vld.idx.msk [tilespmem:v29+s16+$0x0], $0xffff;
	v29 =	vadd.s32 s5, v4  }
0x49d: {  	v34 =	vadd.f32 v61, v45;
	v42 =	vadd.f32 v60, v58;
	v29 =	vand.u32 $0x7F, v29;
	v35 =	vld.idx.msk [tilespmem:v39+s17+$0x0], $0xffff  }
0x49e: {  	s29 =	simm.s32 $0x0;
	v41 =	vand.u32 $0x7F, v49;
	v45 =	vadd.f32 v50, v45;
	v29 =	vor.u32 v9, v29;
	v32 =	vld.idx.msk [tilespmem:v43+s16+$0x0], $0xffff  }
.LBB2_27:
0x49f: {  	s29 =	sadd.s32 $0x8, s29;
	v42 =	vadd.f32 v44, v42;
	v43 =	vld.idx.msk [tilespmem:v43+s17+$0x0], $0xffff;
	v44 =	vand.u32 $0x7F, v47;
	v47 =	vadd.s32 s0, v3;
	s28 =	sadd.s32 $0x20, s28  }
0x4a0: {  	v28 =	vmul.f32 v37, v28;
	s5 =	sadd.s32 $0xFFFFFFFC, s28;
	p0 =	slt.u32 s29, $0x18;
	v37 =	vadd.f32 v46, v45;
	v45 =	vld.idx.msk [tilespmem:v38+s16+$0x0], $0xffff;
	v44 =	vor.u32 v9, v44  }
0x4a1: {  	v48 =	vadd.s32 s0, v2;
	v49 =	vadd.s32 s0, v4;
	v47 =	vand.u32 $0x7F, v47;
	v46 =	vld.idx.msk [tilespmem:v24+s16+$0x0], $0xffff  }
0x4a2: {  	v31 =	vadd.f32 v28, v31;
	v28 =	vmul.f32 v33, v40;
	v33 =	vand.u32 $0x7F, v49;
	v50 =	vld.idx.msk [tilespmem:v26+s17+$0x0], $0xffff  }
0x4a3: {  	v30 =	vmul.f32 v30, v36;
	v33 =	vor.u32 v9, v33;
	v36 =	vld.idx.msk [tilespmem:v39+s16+$0x0], $0xffff;
	v39 =	vor.u32 v9, v47  }
0x4a4: {  	v40 =	vadd.s32 s5, v0;
	v42 =	vadd.f32 v28, v42;
	v28 =	vand.u32 $0x7F, v48;
	v47 =	vld.idx.msk [tilespmem:v25+s16+$0x0], $0xffff  }
0x4a5: {  	v30 =	vadd.f32 v30, v34;
	v34 =	vor.u32 v9, v41;
	v48 =	vor.u32 v9, v28;
	v41 =	vld.idx.msk [tilespmem:v44+s17+$0x0], $0xffff  }
0x4a6: {  	v49 =	vadd.s32 s28, v0;
	v28 =	vand.u32 $0x7F, v40;
	v40 =	vadd.s32 s5, v3;
	v38 =	vld.idx.msk [tilespmem:v38+s17+$0x0], $0xffff  }
0x4a7: {  	v49 =	vand.u32 $0x7F, v49;
	v32 =	vmul.f32 v43, v32;
	v28 =	vor.u32 v9, v28;
	v51 =	vld.idx.msk [tilespmem:v27+s16+$0x0], $0xffff  }
0x4a8: {  	v49 =	vor.u32 v9, v49;
	v43 =	vadd.s32 s28, v3;
	v40 =	vand.u32 $0x7F, v40;
	v52 =	vld.idx.msk [tilespmem:v33+s16+$0x0], $0xffff  }
0x4a9: {  	v53 =	vadd.s32 s5, v4;
	v40 =	vor.u32 v9, v40;
	v35 =	vmul.f32 v35, v36;
	v36 =	vld.idx.msk [tilespmem:v44+s16+$0x0], $0xffff  }
0x4aa: {  	v53 =	vand.u32 $0x7F, v53;
	v43 =	vand.u32 $0x7F, v43;
	v44 =	vadd.s32 s5, v2;
	v26 =	vld.idx.msk [tilespmem:v26+s16+$0x0], $0xffff  }
0x4ab: {  	v53 =	vor.u32 v9, v53;
	v44 =	vand.u32 $0x7F, v44;
	v35 =	vadd.f32 v35, v42;
	v24 =	vld.idx.msk [tilespmem:v24+s17+$0x0], $0xffff  }
0x4ac: {  	v54 =	vadd.s32 s28, v4;
	v42 =	vor.u32 v9, v44;
	v44 =	vadd.s32 s28, v2;
	v25 =	vld.idx.msk [tilespmem:v25+s17+$0x0], $0xffff  }
0x4ad: {  	v54 =	vand.u32 $0x7F, v54;
	v44 =	vand.u32 $0x7F, v44;
	v55 =	vld.idx.msk [tilespmem:v48+s16+$0x0], $0xffff  }
0x4ae: {  	v54 =	vor.u32 v9, v54;
	v44 =	vor.u32 v9, v44;
	v56 =	vld.idx.msk [tilespmem:v23+s17+$0x0], $0xffff  }
0x4af: {  	v38 =	vmul.f32 v38, v45;
	v45 =	vld.idx.msk [tilespmem:v29+s17+$0x0], $0xffff  }
0x4b0: {  	v36 =	vmul.f32 v41, v36;
	v26 =	vmul.f32 v50, v26;
	v41 =	vld.idx.msk [tilespmem:v39+s17+$0x0], $0xffff  }
0x4b1: {  	v8 =	vmul.f32 v22, v8;
	v24 =	vmul.f32 v24, v46;
	v33 =	vld.idx.msk [tilespmem:v33+s17+$0x0], $0xffff  }
0x4b2: {  	v22 =	vadd.f32 v26, v31;
	v25 =	vmul.f32 v25, v47;
	v26 =	vld.idx.msk [tilespmem:v27+s17+$0x0], $0xffff;
	v27 =	vadd.f32 v36, v35  }
0x4b3: {  	v24 =	vadd.f32 v24, v30;
	v30 =	vld.idx.msk [tilespmem:v23+s16+$0x0], $0xffff  }
0x4b4: {  	v25 =	vadd.f32 v25, v37;
	v31 =	vld.idx.msk [tilespmem:v48+s17+$0x0], $0xffff;
	v8 =	vadd.f32 v8, v27  }
0x4b5: {  	v24 =	vadd.f32 v32, v24;
	v27 =	vld.idx.msk [tilespmem:v39+s16+$0x0], $0xffff  }
0x4b6: {  	v29 =	vld.idx.msk [tilespmem:v29+s16+$0x0], $0xffff;
	v23 =	vadd.f32 v17, v8  }
0x4b7: {  	v24 =	vadd.f32 v38, v24;
	v32 =	vmul.f32 v33, v52;
	v17 =	vld.idx.msk [tilespmem:v34+s17+$0x0], $0xffff  }
0x4b8: {  	v26 =	vmul.f32 v26, v51;
	v33 =	vld.idx.msk [tilespmem:v34+s16+$0x0], $0xffff  }
0x4b9: {  	v34 =	vor.u32 v9, v43;
	v30 =	vmul.f32 v56, v30;
	v8 =	vld.idx.msk [tilespmem:v28+s16+$0x0], $0xffff  }
0x4ba: {  	v22 =	vadd.f32 v26, v22;
	v26 =	vmul.f32 v31, v55;
	v35 =	vld.idx.msk [tilespmem:v49+s16+$0x0], $0xffff  }
0x4bb: {  	v25 =	vadd.f32 v30, v25;
	v27 =	vmul.f32 v41, v27;
	v31 =	vld.idx.msk [tilespmem:v49+s17+$0x0], $0xffff  }
0x4bc: {  	v29 =	vmul.f32 v45, v29;
	v30 =	vld.idx.msk [tilespmem:v40+s16+$0x0], $0xffff  }
0x4bd: {  	v24 =	vadd.f32 v27, v24;
	v36 =	vld.idx.msk [tilespmem:v40+s17+$0x0], $0xffff  }
0x4be: {  	v17 =	vmul.f32 v17, v33;
	v25 =	vadd.f32 v29, v25;
	v27 =	vld.idx.msk [tilespmem:v34+s17+$0x0], $0xffff  }
0x4bf: {  	v10 =	vmul.f32 v10, v16;
	v14 =	vadd.f32 v14, v24;
	v29 =	vld.idx.msk [tilespmem:v53+s16+$0x0], $0xffff  }
0x4c0: {  	v22 =	vadd.f32 v17, v22;
	v24 =	vadd.f32 v32, v25;
	v16 =	vld.idx.msk [tilespmem:v53+s17+$0x0], $0xffff  }
0x4c1: {  	v17 =	vmul.f32 v31, v35;
	v32 =	vadd.f32 v10, v14;
	v25 =	vld.idx.msk [tilespmem:v42+s16+$0x0], $0xffff  }
0x4c2: {  	v26 =	vadd.f32 v26, v22;
	v13 =	vadd.f32 v13, v24;
	v31 =	vld.idx.msk [tilespmem:v42+s17+$0x0], $0xffff  }
0x4c3: {  	v14 =	vmul.f32 v36, v30;
	v22 =	vld.idx.msk [tilespmem:v54+s16+$0x0], $0xffff  }
0x4c4: {  	v11 =	vmul.f32 v11, v7;
	v15 =	vadd.f32 v15, v26;
	v35 =	vadd.f32 v12, v13;
	v24 =	vld.idx.msk [tilespmem:v54+s17+$0x0], $0xffff  }
0x4c5: {  	v10 =	vmov v27;
	v7 =	vld.idx.msk [tilespmem:v44+s16+$0x0], $0xffff  }
0x4c6: {  	v13 =	vmul.f32 v16, v29;
	v27 =	vadd.f32 v11, v15;
	_ =	sdelay $0x1  }
0x4c7: {  	v15 =	vmul.f32 v31, v25;
	_ =	sdelay $0x1  }
0x4c8: {  	v12 =	vmul.f32 v24, v22  }
0x4c9: {  	s0 =	sadd.s32 $0xFFFFFFE4, s28;
	s5 =	sadd.s32 $0xFFFFFFE8, s28  }
0x4ca: {  	v11 =	vadd.s32 s5, v4;
	v25 =	vor.u32 s0, v19;
	v24 =	vor.u32 s0, v18  }
0x4cb: {  	v30 =	vor.u32 s0, v20;
	v29 =	vor.u32 s0, v21;
	v16 =	vadd.s32 s5, v2  }
0x4cc: {  	v16 =	vand.u32 $0x7F, v16;
	v26 =	vand.u32 $0x7F, v11;
	v22 =	vadd.s32 s5, v3;
	v11 =	vld.idx.msk [tilespmem:v44+s17+$0x0], $0xffff  }
0x4cd: {  	v36 =	vor.u32 v9, v16;
	v33 =	vor.u32 v9, v26;
	v22 =	vand.u32 $0x7F, v22;
	v16 =	vld.idx.msk [tilespmem:v34+s16+$0x0], $0xffff  }
0x4ce: {  	v31 =	vadd.s32 s5, v18;
	v34 =	vor.u32 v9, v22;
	v22 =	vld.idx.msk [tilespmem:v28+s17+$0x0], $0xffff  }
0x4cf: {  	v37 =	vld.idx.msk [tilespmem:v24+s16+$0x0], $0xffff  }
0x4d0: {  	v38 =	vld.idx.msk [tilespmem:v25+s17+$0x0], $0xffff  }
0x4d1: {  	v40 =	vld.idx.msk [tilespmem:v30+s17+$0x0], $0xffff  }
0x4d2: {  	v25 =	vld.idx.msk [tilespmem:v25+s16+$0x0], $0xffff  }
0x4d3: {  	v39 =	vld.idx.msk [tilespmem:v24+s17+$0x0], $0xffff  }
0x4d4: {  	s0 =	sadd.s32 $0xFFFFFFEC, s28;
	v41 =	vld.idx.msk [tilespmem:v31+s17+$0x0], $0xffff  }
0x4d5: {  	v26 =	vadd.s32 s0, v3;
	v43 =	vadd.s32 s0, v18;
	v24 =	vadd.s32 s0, v2;
	v42 =	vld.idx.msk [tilespmem:v29+s16+$0x0], $0xffff  }
0x4d6: {  	v44 =	vand.u32 $0x7F, v26;
	v26 =	vadd.s32 s0, v4;
	v24 =	vand.u32 $0x7F, v24;
	v46 =	vld.idx.msk [tilespmem:v33+s17+$0x0], $0xffff  }
0x4d7: {  	v45 =	vand.u32 $0x7F, v26;
	v26 =	vor.u32 v9, v24;
	v24 =	vor.u32 v9, v44;
	v28 =	vld.idx.msk [tilespmem:v36+s16+$0x0], $0xffff  }
0x4d8: {  	v38 =	vmul.f32 v38, v25;
	v25 =	vor.u32 v9, v45;
	v44 =	vld.idx.msk [tilespmem:v31+s16+$0x0], $0xffff  }
0x4d9: {  	s0 =	sadd.s32 $0xFFFFFFF0, s28;
	v31 =	vmul.f32 v39, v37;
	v29 =	vld.idx.msk [tilespmem:v29+s17+$0x0], $0xffff  }
0x4da: {  	v47 =	vadd.s32 s0, v18;
	v37 =	vadd.s32 s0, v3;
	v39 =	vadd.s32 s0, v4;
	v45 =	vld.idx.msk [tilespmem:v43+s17+$0x0], $0xffff  }
0x4db: {  	v49 =	vadd.s32 s0, v2;
	v48 =	vld.idx.msk [tilespmem:v30+s16+$0x0], $0xffff;
	v30 =	vand.u32 $0x7F, v37;
	v37 =	vand.u32 $0x7F, v39  }
0x4dc: {  	v50 =	vadd.f32 v31, v23;
	v51 =	vld.idx.msk [tilespmem:v43+s16+$0x0], $0xffff;
	v43 =	vor.u32 v9, v30;
	v23 =	vor.u32 v9, v37  }
0x4dd: {  	v37 =	vand.u32 $0x7F, v49;
	v30 =	vld.idx.msk [tilespmem:v34+s17+$0x0], $0xffff  }
0x4de: {  	s0 =	sadd.s32 $0xFFFFFFF4, s28;
	v31 =	vadd.f32 v38, v27;
	v38 =	vmul.f32 v41, v44;
	v27 =	vor.u32 v9, v37;
	v49 =	vld.idx.msk [tilespmem:v33+s16+$0x0], $0xffff  }
0x4df: {  	v39 =	vor.u32 s0, v18;
	v41 =	vadd.s32 s0, v3;
	v29 =	vmul.f32 v29, v42;
	v33 =	vld.idx.msk [tilespmem:v47+s17+$0x0], $0xffff  }
.Ltmp12:
0x4e0: {  	v42 =	vadd.f32 v38, v50;
	v50 =	vadd.s32 s0, v2;
	v38 =	vand.u32 $0x7F, v41;
	v37 =	vld.idx.msk [tilespmem:v36+s17+$0x0], $0xffff;
	(pc) =	sbr.rel @p0 .LBB2_27-.Ltmp12, $4  }
0x4e1: {  	v41 =	vadd.s32 s0, v4;
	v48 =	vmul.f32 v40, v48;
	v38 =	vor.u32 v9, v38;
	v36 =	vld.idx.msk [tilespmem:v34+s16+$0x0], $0xffff  }
0x4e2: {  	v34 =	vadd.f32 v29, v32;
	v44 =	vmul.f32 v45, v51;
	v29 =	vand.u32 $0x7F, v41;
	v40 =	vld.idx.msk [tilespmem:v47+s16+$0x0], $0xffff  }
0x4e3: {  	s0 =	sadd.s32 $0xFFFFFFF8, s28;
	v41 =	vand.u32 $0x7F, v50;
	v29 =	vor.u32 v9, v29;
	v32 =	vld.idx.msk [tilespmem:v43+s16+$0x0], $0xffff  }
0x4e4: {  	v45 =	vadd.f32 v48, v35;
	v47 =	vadd.s32 s0, v0;
	v46 =	vmul.f32 v46, v49;
	v35 =	vld.idx.msk [tilespmem:v39+s17+$0x0], $0xffff  }
0x4e5: {  	_ =	sdelay $0x3  }
0x4e6: {  	v18 =	vld.idx.msk [tilespmem:v43+s17+$0x0], $0xffff  }
0x4e7: {  	v20 =	vld.idx.msk [tilespmem:v38+s16+$0x0], $0xffff  }
0x4e8: {  	v21 =	vld.idx.msk [tilespmem:v24+s16+$0x0], $0xffff  }
0x4e9: {  	v19 =	vand.u32 $0x7F, v47;
	v47 =	vld.idx.msk [tilespmem:v26+s17+$0x0], $0xffff  }
0x4ea: {  	v39 =	vld.idx.msk [tilespmem:v39+s16+$0x0], $0xffff  }
0x4eb: {  	v48 =	vld.idx.msk [tilespmem:v25+s16+$0x0], $0xffff  }
0x4ec: {  	v38 =	vld.idx.msk [tilespmem:v38+s17+$0x0], $0xffff  }
0x4ed: {  	v51 =	vld.idx.msk [tilespmem:v27+s16+$0x0], $0xffff  }
0x4ee: {  	v26 =	vld.idx.msk [tilespmem:v26+s16+$0x0], $0xffff  }
0x4ef: {  	v24 =	vld.idx.msk [tilespmem:v24+s17+$0x0], $0xffff  }
0x4f0: {  	v25 =	vld.idx.msk [tilespmem:v25+s17+$0x0], $0xffff  }
0x4f1: {  	v55 =	vld.idx.msk [tilespmem:v23+s17+$0x0], $0xffff;
	v60 =	vor.u32 v9, v41  }
0x4f2: {  	v56 =	vld.idx.msk [tilespmem:v29+s17+$0x0], $0xffff  }
0x4f3: {  	v59 =	vadd.s32 s0, v4;
	v61 =	vld.idx.msk [tilespmem:v27+s17+$0x0], $0xffff;
	v19 =	vor.u32 v9, v19  }
0x4f4: {  	v50 =	vadd.s32 s0, v2;
	v53 =	vadd.s32 s0, v3;
	v62 =	vld.idx.msk [tilespmem:v23+s16+$0x0], $0xffff;
	v43 =	vand.u32 $0x7F, v59  }
0x4f5: {  	v50 =	vand.u32 $0x7F, v50;
	v43 =	vor.u32 v9, v43;
	v33 =	vmul.f32 v33, v40;
	v40 =	vld.idx.msk [tilespmem:v29+s16+$0x0], $0xffff  }
0x4f6: {  	v53 =	vand.u32 $0x7F, v53;
	v63 =	vadd.f32 v46, v45;
	v50 =	vor.u32 v9, v50;
	v46 =	vld.idx.msk [tilespmem:v60+s17+$0x0], $0xffff  }
0x4f7: {  	v53 =	vor.u32 v9, v53;
	v9 =	vld.idx.msk [tilespmem:v60+s16+$0x0], $0xffff  }
0x4f8: {  	v49 =	vld.idx.msk [tilespmem:v19+s17+$0x0], $0xffff  }
0x4f9: {  	v19 =	vld.idx.msk [tilespmem:v19+s16+$0x0], $0xffff  }
0x4fa: {  	v28 =	vmul.f32 v37, v28;
	v52 =	vld.idx.msk [tilespmem:v43+s16+$0x0], $0xffff  }
0x4fb: {  	v42 =	vadd.f32 v44, v42;
	v30 =	vmul.f32 v30, v36;
	v54 =	vld.idx.msk [tilespmem:v50+s16+$0x0], $0xffff  }
0x4fc: {  	v28 =	vadd.f32 v28, v31;
	v45 =	vmul.f32 v35, v39;
	v26 =	vmul.f32 v47, v26;
	v41 =	vld.idx.msk [tilespmem:v53+s17+$0x0], $0xffff  }
0x4fd: {  	v30 =	vadd.f32 v30, v34;
	v21 =	vmul.f32 v24, v21;
	v25 =	vmul.f32 v25, v48;
	v43 =	vld.idx.msk [tilespmem:v43+s17+$0x0], $0xffff  }
0x4fe: {  	v44 =	vadd.f32 v33, v42;
	v18 =	vmul.f32 v18, v32;
	v27 =	vmul.f32 v61, v51;
	v53 =	vld.idx.msk [tilespmem:v53+s16+$0x0], $0xffff  }
0x4ff: {  	v23 =	vmul.f32 v55, v62;
	v21 =	vadd.f32 v21, v30;
	v57 =	vld.idx.msk [tilespmem:v50+s17+$0x0], $0xffff;
	v25 =	vadd.f32 v25, v63  }
0x500: {  	v20 =	vmul.f32 v38, v20;
	v47 =	vadd.f32 v45, v44;
	v26 =	vadd.f32 v26, v28  }
0x501: {  	v59 =	vmul.f32 v56, v40;
	v18 =	vadd.f32 v18, v21;
	v23 =	vadd.f32 v23, v25  }
0x502: {  	v58 =	vadd.f32 v27, v26;
	v9 =	vmul.f32 v46, v9;
	v19 =	vmul.f32 v49, v19  }
0x503: {  	v18 =	vadd.f32 v20, v18;
	v23 =	vadd.f32 v59, v23;
	v61 =	vmul.f32 v41, v53  }
0x504: {  	v60 =	vmul.f32 v43, v52;
	v62 =	vmul.f32 v57, v54;
	v9 =	vadd.f32 v9, v58  }
0x505: {  	v8 =	vmul.f32 v22, v8;
	v19 =	vadd.f32 v19, v47;
	v18 =	vadd.f32 v61, v18  }
0x506: {  	v20 =	vadd.f32 v60, v23;
	v9 =	vadd.f32 v62, v9  }
0x507: {  	v10 =	vmul.f32 v10, v16;
	v8 =	vadd.f32 v8, v19;
	v14 =	vadd.f32 v14, v18  }
0x508: {  	v7 =	vmul.f32 v11, v7;
	v13 =	vadd.f32 v13, v20;
	v9 =	vadd.f32 v15, v9  }
0x509: {  	v8 =	vadd.f32 v17, v8;
	v10 =	vadd.f32 v10, v14  }
0x50a: {  	v63 =	vadd.f32 v12, v13;
	v7 =	vadd.f32 v7, v9;
	_ =	sdelay $0x1  }
0x50b: {  	v7 =	vadd.f32 v7, v8;
	v8 =	vadd.f32 v63, v10;
	_ =	sdelay $0x1  }
0x50c: {  	v7 =	vadd.f32 v8, v7;
	_ =	sdelay $0x1  }
0x50d: {  	v7 =	vmul.f32 v7, v5;
	_ =	sdelay $0x1  }
0x50e: {  	v7 =	vadd.f32 v7, v6;
	_ =	sdelay $0x1  }
0x50f: {  	v7 =	vsub.f32 $0.0e+00, v7;
	_ =	sdelay $0x1  }
0x510: {  	v7 =	vmul.f32 $1.442695020e+00, v7;
	_ =	sdelay $0x1  }
0x511: {  	(erf) = vpow2.f32 v7;
	_ =	sdelay $0x8  }
0x512: {  	v7 =	vpop (erf)  }
0x513: {  	v7 =	vadd.f32 $1.000000000e+00, v7;
	_ =	sdelay $0x1  }
0x514: {  	(erf) = vrcp.f32 v7;
	_ =	sdelay $0x3  }
0x515: {  	s21 =	sadd.s32 $0x1, s21  }
0x516: {  	p0 =	sne.s32 s21, $0x4  }
.Ltmp13:
0x517: {  	_ = 	snop;
	(pc) =	sbr.rel @p0 .LBB2_26-.Ltmp13, $3  }
0x518: {  	_ =	sdelay $0x1  }
0x519: {  	v7 =	vpop (erf)  }
0x51a: {  	[tilespmem:s23+$0xC580] =	vst v7  }
0x51b: {  	_ =	swait.ge [sflag:s30], $0x2000  }
0x51c: {  	[sflag:s30] =	ssyncset.done $0x0  }
0x51d: {  	[sflag:s30] =	ssyncadd.s32 $0xFFFFE000  }
0x51e: {  	_ =	swait.ge [sflag:s31], $0x2000  }
0x51f: {  	[sflag:s31] =	ssyncset.done $0x0  }
0x520: {  	s21 =	simm.s32 $0x0;
	[sflag:s31] =	ssyncadd.s32 $0xFFFFE000  }
.LBB2_30:
0x521: {  	s23 =	sshll.u32 s21, $0x4  }
0x522: {  	s0 =	simm.s32 $0x18;
	v7 =	vmov s23  }
0x523: {  	v8 =	vadd.s32 s0, v0;
	v7 =	vshll.u32 v7, $0x7  }
0x524: {  	s28 =	simm.s32 $0x1C;
	v9 =	vor.u32 v1, v7;
	v7 =	vand.u32 $0x7F, v8  }
0x525: {  	v8 =	vadd.s32 s28, v0;
	v12 =	vor.u32 v9, v7  }
0x526: {  	v7 =	vand.u32 $0x7F, v8  }
0x527: {  	v8 =	vadd.s32 s0, v3;
	v7 =	vor.u32 v9, v7  }
0x528: {  	s5 =	simm.s32 $0x4;
	v18 =	vor.u32 v0, v9;
	v8 =	vand.u32 $0x7F, v8  }
0x529: {  	v33 =	vadd.s32 s5, v18;
	v11 =	vor.u32 v9, v8;
	v8 =	vadd.s32 s0, v4  }
0x52a: {  	v10 =	vadd.s32 s28, v3;
	v13 =	vand.u32 $0x7F, v8;
	v8 =	vld.idx.msk [tilespmem:v12+s18+$0x0], $0xffff  }
0x52b: {  	v10 =	vand.u32 $0x7F, v10;
	v22 =	vld.idx.msk [tilespmem:v12+s20+$0x0], $0xffff  }
0x52c: {  	v14 =	vor.u32 v9, v10;
	v10 =	vadd.s32 s0, v2;
	s0 =	simm.s32 $0x0;
	v15 =	vld.idx.msk [tilespmem:v7+s18+$0x0], $0xffff  }
0x52d: {  	v19 =	vor.u32 v2, v9;
	v30 =	vor.u32 s0, v18;
	v17 =	vld.idx.msk [tilespmem:v7+s20+$0x0], $0xffff  }
0x52e: {  	v20 =	vor.u32 v4, v9;
	v10 =	vand.u32 $0x7F, v10;
	v31 =	vor.u32 s0, v19;
	v39 =	vld.idx.msk [tilespmem:v33+s20+$0x0], $0xffff  }
0x52f: {  	v32 =	vor.u32 s0, v20;
	v7 =	vor.u32 v9, v10;
	v10 =	vadd.s32 s28, v4;
	v23 =	vld.idx.msk [tilespmem:v11+s18+$0x0], $0xffff  }
0x530: {  	v21 =	vor.u32 v3, v9;
	v10 =	vand.u32 $0x7F, v10;
	v24 =	vld.idx.msk [tilespmem:v11+s20+$0x0], $0xffff  }
0x531: {  	v35 =	vor.u32 s0, v21;
	v16 =	vor.u32 v9, v10;
	v10 =	vld.idx.msk [tilespmem:v14+s20+$0x0], $0xffff  }
0x532: {  	v34 =	vld.idx.msk [tilespmem:v30+s18+$0x0], $0xffff  }
0x533: {  	v36 =	vld.idx.msk [tilespmem:v31+s20+$0x0], $0xffff  }
0x534: {  	v13 =	vor.u32 v9, v13;
	v38 =	vld.idx.msk [tilespmem:v32+s20+$0x0], $0xffff  }
0x535: {  	v31 =	vld.idx.msk [tilespmem:v31+s18+$0x0], $0xffff  }
0x536: {  	v41 =	vld.idx.msk [tilespmem:v35+s18+$0x0], $0xffff  }
0x537: {  	v54 =	vld.idx.msk [tilespmem:v35+s20+$0x0], $0xffff  }
0x538: {  	v32 =	vld.idx.msk [tilespmem:v32+s18+$0x0], $0xffff  }
0x539: {  	v25 =	vld.idx.msk [tilespmem:v13+s18+$0x0], $0xffff  }
0x53a: {  	v12 =	vadd.s32 s5, v4;
	v13 =	vld.idx.msk [tilespmem:v13+s20+$0x0], $0xffff  }
0x53b: {  	v12 =	vand.u32 $0x7F, v12;
	v26 =	vld.idx.msk [tilespmem:v7+s18+$0x0], $0xffff  }
0x53c: {  	v11 =	vadd.s32 s28, v2;
	v37 =	vor.u32 v9, v12;
	v27 =	vld.idx.msk [tilespmem:v7+s20+$0x0], $0xffff  }
0x53d: {  	v45 =	vimm.f32 $0.0e+00;
	s0 =	simm.s32 $0x8;
	v11 =	vand.u32 $0x7F, v11;
	v28 =	vld.idx.msk [tilespmem:v16+s18+$0x0], $0xffff  }
0x53e: {  	v42 =	vadd.s32 s0, v18;
	v11 =	vor.u32 v9, v11;
	v17 =	vmul.f32 v17, v15;
	v29 =	vld.idx.msk [tilespmem:v16+s20+$0x0], $0xffff  }
0x53f: {  	v16 =	vld.idx.msk [tilespmem:v14+s18+$0x0], $0xffff;
	v14 =	vadd.s32 s5, v2;
	v31 =	vmul.f32 v36, v31;
	v61 =	vmul.f32 v54, v41  }
0x540: {  	v30 =	vld.idx.msk [tilespmem:v30+s20+$0x0], $0xffff;
	v50 =	vmul.f32 v38, v32;
	v14 =	vand.u32 $0x7F, v14;
	v13 =	vmul.f32 v13, v25  }
0x541: {  	v46 =	vld.idx.msk [tilespmem:v37+s20+$0x0], $0xffff;
	v25 =	vadd.s32 s0, v4;
	v40 =	vor.u32 v9, v14;
	v14 =	vmul.f32 v24, v23  }
0x542: {  	v48 =	vld.idx.msk [tilespmem:v37+s18+$0x0], $0xffff;
	v23 =	vadd.s32 s5, v3;
	v24 =	vadd.s32 s0, v3;
	v25 =	vand.u32 $0x7F, v25  }
0x543: {  	v55 =	vld.idx.msk [tilespmem:v42+s20+$0x0], $0xffff;
	s5 =	simm.s32 $0xC;
	v31 =	vadd.f32 v31, v45;
	v15 =	vmul.f32 v27, v26;
	v23 =	vand.u32 $0x7F, v23  }
0x544: {  	v24 =	vand.u32 $0x7F, v24;
	v27 =	vld.idx.msk [tilespmem:v33+s18+$0x0], $0xffff;
	v25 =	vor.u32 v9, v25;
	v44 =	vadd.s32 s5, v18  }
0x545: {  	v47 =	vld.idx.msk [tilespmem:v42+s18+$0x0], $0xffff;
	v56 =	vadd.s32 s5, v4;
	v57 =	vadd.s32 s5, v2;
	v24 =	vor.u32 v9, v24  }
0x546: {  	v7 =	vld.idx.msk [tilespmem:v11+s18+$0x0], $0xffff;
	v12 =	vmul.f32 v29, v28;
	v29 =	vor.u32 v9, v23;
	v23 =	vadd.s32 s0, v2  }
0x547: {  	v11 =	vld.idx.msk [tilespmem:v11+s20+$0x0], $0xffff;
	v59 =	vand.u32 $0x7F, v57;
	v46 =	vmul.f32 v46, v48;
	v23 =	vand.u32 $0x7F, v23  }
0x548: {  	v28 =	vld.idx.msk [tilespmem:v40+s18+$0x0], $0xffff;
	v26 =	vor.u32 v9, v23;
	v23 =	vmul.f32 v30, v34;
	v30 =	vadd.s32 s5, v3;
	s5 =	simm.s32 $0x10  }
0x549: {  	v37 =	vld.idx.msk [tilespmem:v40+s20+$0x0], $0xffff;
	v30 =	vand.u32 $0x7F, v30;
	v60 =	vmul.f32 v39, v27;
	v39 =	vor.u32 s5, v18  }
0x54a: {  	v34 =	vand.u32 $0x7F, v56;
	v33 =	vld.idx.msk [tilespmem:v44+s20+$0x0], $0xffff;
	v62 =	vadd.s32 s5, v3;
	v43 =	vor.u32 v9, v30  }
0x54b: {  	v27 =	vor.u32 v9, v59;
	v49 =	vadd.s32 s5, v2;
	v40 =	vld.idx.msk [tilespmem:v44+s18+$0x0], $0xffff;
	v63 =	vand.u32 $0x7F, v62  }
0x54c: {  	s0 =	simm.s32 $0x14;
	v44 =	vmul.f32 v55, v47;
	v58 =	vadd.f32 v23, v45;
	v30 =	vld.idx.msk [tilespmem:v29+s20+$0x0], $0xffff;
	v38 =	vor.u32 v9, v63  }
0x54d: {  	v47 =	vadd.s32 s0, v0;
	v23 =	vor.u32 v9, v34;
	v36 =	vld.idx.msk [tilespmem:v29+s18+$0x0], $0xffff;
	v29 =	vadd.s32 s5, v4  }
0x54e: {  	v34 =	vadd.f32 v61, v45;
	v42 =	vadd.f32 v60, v58;
	v29 =	vand.u32 $0x7F, v29;
	v35 =	vld.idx.msk [tilespmem:v39+s20+$0x0], $0xffff  }
0x54f: {  	s29 =	simm.s32 $0x0;
	v41 =	vand.u32 $0x7F, v49;
	v45 =	vadd.f32 v50, v45;
	v29 =	vor.u32 v9, v29;
	v32 =	vld.idx.msk [tilespmem:v43+s18+$0x0], $0xffff  }
.LBB2_31:
0x550: {  	s29 =	sadd.s32 $0x8, s29;
	v42 =	vadd.f32 v44, v42;
	v43 =	vld.idx.msk [tilespmem:v43+s20+$0x0], $0xffff;
	v44 =	vand.u32 $0x7F, v47;
	v47 =	vadd.s32 s0, v3;
	s28 =	sadd.s32 $0x20, s28  }
0x551: {  	v28 =	vmul.f32 v37, v28;
	s5 =	sadd.s32 $0xFFFFFFFC, s28;
	p0 =	slt.u32 s29, $0x18;
	v37 =	vadd.f32 v46, v45;
	v45 =	vld.idx.msk [tilespmem:v38+s18+$0x0], $0xffff;
	v44 =	vor.u32 v9, v44  }
0x552: {  	v48 =	vadd.s32 s0, v2;
	v49 =	vadd.s32 s0, v4;
	v47 =	vand.u32 $0x7F, v47;
	v46 =	vld.idx.msk [tilespmem:v24+s18+$0x0], $0xffff  }
0x553: {  	v31 =	vadd.f32 v28, v31;
	v28 =	vmul.f32 v33, v40;
	v33 =	vand.u32 $0x7F, v49;
	v50 =	vld.idx.msk [tilespmem:v26+s20+$0x0], $0xffff  }
0x554: {  	v30 =	vmul.f32 v30, v36;
	v33 =	vor.u32 v9, v33;
	v36 =	vld.idx.msk [tilespmem:v39+s18+$0x0], $0xffff;
	v39 =	vor.u32 v9, v47  }
0x555: {  	v40 =	vadd.s32 s5, v0;
	v42 =	vadd.f32 v28, v42;
	v28 =	vand.u32 $0x7F, v48;
	v47 =	vld.idx.msk [tilespmem:v25+s18+$0x0], $0xffff  }
0x556: {  	v30 =	vadd.f32 v30, v34;
	v34 =	vor.u32 v9, v41;
	v48 =	vor.u32 v9, v28;
	v41 =	vld.idx.msk [tilespmem:v44+s20+$0x0], $0xffff  }
0x557: {  	v49 =	vadd.s32 s28, v0;
	v28 =	vand.u32 $0x7F, v40;
	v40 =	vadd.s32 s5, v3;
	v38 =	vld.idx.msk [tilespmem:v38+s20+$0x0], $0xffff  }
0x558: {  	v49 =	vand.u32 $0x7F, v49;
	v32 =	vmul.f32 v43, v32;
	v28 =	vor.u32 v9, v28;
	v51 =	vld.idx.msk [tilespmem:v27+s18+$0x0], $0xffff  }
0x559: {  	v49 =	vor.u32 v9, v49;
	v43 =	vadd.s32 s28, v3;
	v40 =	vand.u32 $0x7F, v40;
	v52 =	vld.idx.msk [tilespmem:v33+s18+$0x0], $0xffff  }
0x55a: {  	v53 =	vadd.s32 s5, v4;
	v40 =	vor.u32 v9, v40;
	v35 =	vmul.f32 v35, v36;
	v36 =	vld.idx.msk [tilespmem:v44+s18+$0x0], $0xffff  }
0x55b: {  	v53 =	vand.u32 $0x7F, v53;
	v43 =	vand.u32 $0x7F, v43;
	v44 =	vadd.s32 s5, v2;
	v26 =	vld.idx.msk [tilespmem:v26+s18+$0x0], $0xffff  }
0x55c: {  	v53 =	vor.u32 v9, v53;
	v44 =	vand.u32 $0x7F, v44;
	v35 =	vadd.f32 v35, v42;
	v24 =	vld.idx.msk [tilespmem:v24+s20+$0x0], $0xffff  }
0x55d: {  	v54 =	vadd.s32 s28, v4;
	v42 =	vor.u32 v9, v44;
	v44 =	vadd.s32 s28, v2;
	v25 =	vld.idx.msk [tilespmem:v25+s20+$0x0], $0xffff  }
0x55e: {  	v54 =	vand.u32 $0x7F, v54;
	v44 =	vand.u32 $0x7F, v44;
	v55 =	vld.idx.msk [tilespmem:v48+s18+$0x0], $0xffff  }
0x55f: {  	v54 =	vor.u32 v9, v54;
	v44 =	vor.u32 v9, v44;
	v56 =	vld.idx.msk [tilespmem:v23+s20+$0x0], $0xffff  }
0x560: {  	v38 =	vmul.f32 v38, v45;
	v45 =	vld.idx.msk [tilespmem:v29+s20+$0x0], $0xffff  }
0x561: {  	v36 =	vmul.f32 v41, v36;
	v26 =	vmul.f32 v50, v26;
	v41 =	vld.idx.msk [tilespmem:v39+s20+$0x0], $0xffff  }
0x562: {  	v8 =	vmul.f32 v22, v8;
	v24 =	vmul.f32 v24, v46;
	v33 =	vld.idx.msk [tilespmem:v33+s20+$0x0], $0xffff  }
0x563: {  	v22 =	vadd.f32 v26, v31;
	v25 =	vmul.f32 v25, v47;
	v26 =	vld.idx.msk [tilespmem:v27+s20+$0x0], $0xffff;
	v27 =	vadd.f32 v36, v35  }
0x564: {  	v24 =	vadd.f32 v24, v30;
	v30 =	vld.idx.msk [tilespmem:v23+s18+$0x0], $0xffff  }
0x565: {  	v25 =	vadd.f32 v25, v37;
	v31 =	vld.idx.msk [tilespmem:v48+s20+$0x0], $0xffff;
	v8 =	vadd.f32 v8, v27  }
0x566: {  	v24 =	vadd.f32 v32, v24;
	v27 =	vld.idx.msk [tilespmem:v39+s18+$0x0], $0xffff  }
0x567: {  	v29 =	vld.idx.msk [tilespmem:v29+s18+$0x0], $0xffff;
	v23 =	vadd.f32 v17, v8  }
0x568: {  	v24 =	vadd.f32 v38, v24;
	v32 =	vmul.f32 v33, v52;
	v17 =	vld.idx.msk [tilespmem:v34+s20+$0x0], $0xffff  }
0x569: {  	v26 =	vmul.f32 v26, v51;
	v33 =	vld.idx.msk [tilespmem:v34+s18+$0x0], $0xffff  }
0x56a: {  	v34 =	vor.u32 v9, v43;
	v30 =	vmul.f32 v56, v30;
	v8 =	vld.idx.msk [tilespmem:v28+s18+$0x0], $0xffff  }
0x56b: {  	v22 =	vadd.f32 v26, v22;
	v26 =	vmul.f32 v31, v55;
	v35 =	vld.idx.msk [tilespmem:v49+s18+$0x0], $0xffff  }
0x56c: {  	v25 =	vadd.f32 v30, v25;
	v27 =	vmul.f32 v41, v27;
	v31 =	vld.idx.msk [tilespmem:v49+s20+$0x0], $0xffff  }
0x56d: {  	v29 =	vmul.f32 v45, v29;
	v30 =	vld.idx.msk [tilespmem:v40+s18+$0x0], $0xffff  }
0x56e: {  	v24 =	vadd.f32 v27, v24;
	v36 =	vld.idx.msk [tilespmem:v40+s20+$0x0], $0xffff  }
0x56f: {  	v17 =	vmul.f32 v17, v33;
	v25 =	vadd.f32 v29, v25;
	v27 =	vld.idx.msk [tilespmem:v34+s20+$0x0], $0xffff  }
0x570: {  	v10 =	vmul.f32 v10, v16;
	v14 =	vadd.f32 v14, v24;
	v29 =	vld.idx.msk [tilespmem:v53+s18+$0x0], $0xffff  }
0x571: {  	v22 =	vadd.f32 v17, v22;
	v24 =	vadd.f32 v32, v25;
	v16 =	vld.idx.msk [tilespmem:v53+s20+$0x0], $0xffff  }
0x572: {  	v17 =	vmul.f32 v31, v35;
	v32 =	vadd.f32 v10, v14;
	v25 =	vld.idx.msk [tilespmem:v42+s18+$0x0], $0xffff  }
0x573: {  	v26 =	vadd.f32 v26, v22;
	v13 =	vadd.f32 v13, v24;
	v31 =	vld.idx.msk [tilespmem:v42+s20+$0x0], $0xffff  }
0x574: {  	v14 =	vmul.f32 v36, v30;
	v22 =	vld.idx.msk [tilespmem:v54+s18+$0x0], $0xffff  }
0x575: {  	v11 =	vmul.f32 v11, v7;
	v15 =	vadd.f32 v15, v26;
	v35 =	vadd.f32 v12, v13;
	v24 =	vld.idx.msk [tilespmem:v54+s20+$0x0], $0xffff  }
0x576: {  	v10 =	vmov v27;
	v7 =	vld.idx.msk [tilespmem:v44+s18+$0x0], $0xffff  }
0x577: {  	v13 =	vmul.f32 v16, v29;
	v27 =	vadd.f32 v11, v15;
	_ =	sdelay $0x1  }
0x578: {  	v15 =	vmul.f32 v31, v25;
	_ =	sdelay $0x1  }
0x579: {  	v12 =	vmul.f32 v24, v22  }
0x57a: {  	s0 =	sadd.s32 $0xFFFFFFE4, s28;
	s5 =	sadd.s32 $0xFFFFFFE8, s28  }
0x57b: {  	v11 =	vadd.s32 s5, v4;
	v25 =	vor.u32 s0, v19;
	v24 =	vor.u32 s0, v18  }
0x57c: {  	v30 =	vor.u32 s0, v20;
	v29 =	vor.u32 s0, v21;
	v16 =	vadd.s32 s5, v2  }
0x57d: {  	v16 =	vand.u32 $0x7F, v16;
	v26 =	vand.u32 $0x7F, v11;
	v22 =	vadd.s32 s5, v3;
	v11 =	vld.idx.msk [tilespmem:v44+s20+$0x0], $0xffff  }
0x57e: {  	v36 =	vor.u32 v9, v16;
	v33 =	vor.u32 v9, v26;
	v22 =	vand.u32 $0x7F, v22;
	v16 =	vld.idx.msk [tilespmem:v34+s18+$0x0], $0xffff  }
0x57f: {  	v31 =	vadd.s32 s5, v18;
	v34 =	vor.u32 v9, v22;
	v22 =	vld.idx.msk [tilespmem:v28+s20+$0x0], $0xffff  }
0x580: {  	v37 =	vld.idx.msk [tilespmem:v24+s18+$0x0], $0xffff  }
0x581: {  	v38 =	vld.idx.msk [tilespmem:v25+s20+$0x0], $0xffff  }
0x582: {  	v40 =	vld.idx.msk [tilespmem:v30+s20+$0x0], $0xffff  }
0x583: {  	v25 =	vld.idx.msk [tilespmem:v25+s18+$0x0], $0xffff  }
0x584: {  	v39 =	vld.idx.msk [tilespmem:v24+s20+$0x0], $0xffff  }
0x585: {  	s0 =	sadd.s32 $0xFFFFFFEC, s28;
	v41 =	vld.idx.msk [tilespmem:v31+s20+$0x0], $0xffff  }
0x586: {  	v26 =	vadd.s32 s0, v3;
	v43 =	vadd.s32 s0, v18;
	v24 =	vadd.s32 s0, v2;
	v42 =	vld.idx.msk [tilespmem:v29+s18+$0x0], $0xffff  }
0x587: {  	v44 =	vand.u32 $0x7F, v26;
	v26 =	vadd.s32 s0, v4;
	v24 =	vand.u32 $0x7F, v24;
	v46 =	vld.idx.msk [tilespmem:v33+s20+$0x0], $0xffff  }
0x588: {  	v45 =	vand.u32 $0x7F, v26;
	v26 =	vor.u32 v9, v24;
	v24 =	vor.u32 v9, v44;
	v28 =	vld.idx.msk [tilespmem:v36+s18+$0x0], $0xffff  }
0x589: {  	v38 =	vmul.f32 v38, v25;
	v25 =	vor.u32 v9, v45;
	v44 =	vld.idx.msk [tilespmem:v31+s18+$0x0], $0xffff  }
0x58a: {  	s0 =	sadd.s32 $0xFFFFFFF0, s28;
	v31 =	vmul.f32 v39, v37;
	v29 =	vld.idx.msk [tilespmem:v29+s20+$0x0], $0xffff  }
0x58b: {  	v47 =	vadd.s32 s0, v18;
	v37 =	vadd.s32 s0, v3;
	v39 =	vadd.s32 s0, v4;
	v45 =	vld.idx.msk [tilespmem:v43+s20+$0x0], $0xffff  }
0x58c: {  	v49 =	vadd.s32 s0, v2;
	v48 =	vld.idx.msk [tilespmem:v30+s18+$0x0], $0xffff;
	v30 =	vand.u32 $0x7F, v37;
	v37 =	vand.u32 $0x7F, v39  }
0x58d: {  	v50 =	vadd.f32 v31, v23;
	v51 =	vld.idx.msk [tilespmem:v43+s18+$0x0], $0xffff;
	v43 =	vor.u32 v9, v30;
	v23 =	vor.u32 v9, v37  }
0x58e: {  	v37 =	vand.u32 $0x7F, v49;
	v30 =	vld.idx.msk [tilespmem:v34+s20+$0x0], $0xffff  }
0x58f: {  	s0 =	sadd.s32 $0xFFFFFFF4, s28;
	v31 =	vadd.f32 v38, v27;
	v38 =	vmul.f32 v41, v44;
	v27 =	vor.u32 v9, v37;
	v49 =	vld.idx.msk [tilespmem:v33+s18+$0x0], $0xffff  }
0x590: {  	v39 =	vor.u32 s0, v18;
	v41 =	vadd.s32 s0, v3;
	v29 =	vmul.f32 v29, v42;
	v33 =	vld.idx.msk [tilespmem:v47+s20+$0x0], $0xffff  }
.Ltmp14:
0x591: {  	v42 =	vadd.f32 v38, v50;
	v50 =	vadd.s32 s0, v2;
	v38 =	vand.u32 $0x7F, v41;
	v37 =	vld.idx.msk [tilespmem:v36+s20+$0x0], $0xffff;
	(pc) =	sbr.rel @p0 .LBB2_31-.Ltmp14, $4  }
0x592: {  	v41 =	vadd.s32 s0, v4;
	v48 =	vmul.f32 v40, v48;
	v38 =	vor.u32 v9, v38;
	v36 =	vld.idx.msk [tilespmem:v34+s18+$0x0], $0xffff  }
0x593: {  	v34 =	vadd.f32 v29, v32;
	v44 =	vmul.f32 v45, v51;
	v29 =	vand.u32 $0x7F, v41;
	v40 =	vld.idx.msk [tilespmem:v47+s18+$0x0], $0xffff  }
0x594: {  	s0 =	sadd.s32 $0xFFFFFFF8, s28;
	v41 =	vand.u32 $0x7F, v50;
	v29 =	vor.u32 v9, v29;
	v32 =	vld.idx.msk [tilespmem:v43+s18+$0x0], $0xffff  }
0x595: {  	v45 =	vadd.f32 v48, v35;
	v47 =	vadd.s32 s0, v0;
	v46 =	vmul.f32 v46, v49;
	v35 =	vld.idx.msk [tilespmem:v39+s20+$0x0], $0xffff  }
0x596: {  	_ =	sdelay $0x3  }
0x597: {  	v18 =	vld.idx.msk [tilespmem:v43+s20+$0x0], $0xffff  }
0x598: {  	v20 =	vld.idx.msk [tilespmem:v38+s18+$0x0], $0xffff  }
0x599: {  	v21 =	vld.idx.msk [tilespmem:v24+s18+$0x0], $0xffff  }
0x59a: {  	v19 =	vand.u32 $0x7F, v47;
	v47 =	vld.idx.msk [tilespmem:v26+s20+$0x0], $0xffff  }
0x59b: {  	v39 =	vld.idx.msk [tilespmem:v39+s18+$0x0], $0xffff  }
0x59c: {  	v48 =	vld.idx.msk [tilespmem:v25+s18+$0x0], $0xffff  }
0x59d: {  	v38 =	vld.idx.msk [tilespmem:v38+s20+$0x0], $0xffff  }
0x59e: {  	v51 =	vld.idx.msk [tilespmem:v27+s18+$0x0], $0xffff  }
0x59f: {  	v26 =	vld.idx.msk [tilespmem:v26+s18+$0x0], $0xffff  }
0x5a0: {  	v24 =	vld.idx.msk [tilespmem:v24+s20+$0x0], $0xffff  }
0x5a1: {  	v25 =	vld.idx.msk [tilespmem:v25+s20+$0x0], $0xffff  }
0x5a2: {  	v55 =	vld.idx.msk [tilespmem:v23+s20+$0x0], $0xffff;
	v60 =	vor.u32 v9, v41  }
0x5a3: {  	v56 =	vld.idx.msk [tilespmem:v29+s20+$0x0], $0xffff  }
0x5a4: {  	v59 =	vadd.s32 s0, v4;
	v61 =	vld.idx.msk [tilespmem:v27+s20+$0x0], $0xffff;
	v19 =	vor.u32 v9, v19  }
0x5a5: {  	v50 =	vadd.s32 s0, v2;
	v53 =	vadd.s32 s0, v3;
	v62 =	vld.idx.msk [tilespmem:v23+s18+$0x0], $0xffff;
	v43 =	vand.u32 $0x7F, v59  }
0x5a6: {  	v50 =	vand.u32 $0x7F, v50;
	v43 =	vor.u32 v9, v43;
	v33 =	vmul.f32 v33, v40;
	v40 =	vld.idx.msk [tilespmem:v29+s18+$0x0], $0xffff  }
0x5a7: {  	v53 =	vand.u32 $0x7F, v53;
	v63 =	vadd.f32 v46, v45;
	v50 =	vor.u32 v9, v50;
	v46 =	vld.idx.msk [tilespmem:v60+s20+$0x0], $0xffff  }
0x5a8: {  	v53 =	vor.u32 v9, v53;
	v9 =	vld.idx.msk [tilespmem:v60+s18+$0x0], $0xffff  }
0x5a9: {  	v49 =	vld.idx.msk [tilespmem:v19+s20+$0x0], $0xffff  }
0x5aa: {  	v19 =	vld.idx.msk [tilespmem:v19+s18+$0x0], $0xffff  }
0x5ab: {  	v28 =	vmul.f32 v37, v28;
	v52 =	vld.idx.msk [tilespmem:v43+s18+$0x0], $0xffff  }
0x5ac: {  	v42 =	vadd.f32 v44, v42;
	v30 =	vmul.f32 v30, v36;
	v54 =	vld.idx.msk [tilespmem:v50+s18+$0x0], $0xffff  }
0x5ad: {  	v28 =	vadd.f32 v28, v31;
	v45 =	vmul.f32 v35, v39;
	v26 =	vmul.f32 v47, v26;
	v41 =	vld.idx.msk [tilespmem:v53+s20+$0x0], $0xffff  }
0x5ae: {  	v30 =	vadd.f32 v30, v34;
	v21 =	vmul.f32 v24, v21;
	v25 =	vmul.f32 v25, v48;
	v43 =	vld.idx.msk [tilespmem:v43+s20+$0x0], $0xffff  }
0x5af: {  	v44 =	vadd.f32 v33, v42;
	v18 =	vmul.f32 v18, v32;
	v27 =	vmul.f32 v61, v51;
	v53 =	vld.idx.msk [tilespmem:v53+s18+$0x0], $0xffff  }
0x5b0: {  	v23 =	vmul.f32 v55, v62;
	v21 =	vadd.f32 v21, v30;
	v57 =	vld.idx.msk [tilespmem:v50+s20+$0x0], $0xffff;
	v25 =	vadd.f32 v25, v63  }
0x5b1: {  	v20 =	vmul.f32 v38, v20;
	v47 =	vadd.f32 v45, v44;
	v26 =	vadd.f32 v26, v28  }
0x5b2: {  	v59 =	vmul.f32 v56, v40;
	v18 =	vadd.f32 v18, v21;
	v23 =	vadd.f32 v23, v25  }
0x5b3: {  	v58 =	vadd.f32 v27, v26;
	v9 =	vmul.f32 v46, v9;
	v19 =	vmul.f32 v49, v19  }
0x5b4: {  	v18 =	vadd.f32 v20, v18;
	v23 =	vadd.f32 v59, v23;
	v61 =	vmul.f32 v41, v53  }
0x5b5: {  	v60 =	vmul.f32 v43, v52;
	v62 =	vmul.f32 v57, v54;
	v9 =	vadd.f32 v9, v58  }
0x5b6: {  	v8 =	vmul.f32 v22, v8;
	v19 =	vadd.f32 v19, v47;
	v18 =	vadd.f32 v61, v18  }
0x5b7: {  	v20 =	vadd.f32 v60, v23;
	v9 =	vadd.f32 v62, v9  }
0x5b8: {  	v10 =	vmul.f32 v10, v16;
	v8 =	vadd.f32 v8, v19;
	v14 =	vadd.f32 v14, v18  }
0x5b9: {  	v7 =	vmul.f32 v11, v7;
	v13 =	vadd.f32 v13, v20;
	v9 =	vadd.f32 v15, v9  }
0x5ba: {  	v8 =	vadd.f32 v17, v8;
	v10 =	vadd.f32 v10, v14  }
0x5bb: {  	v63 =	vadd.f32 v12, v13;
	v7 =	vadd.f32 v7, v9;
	_ =	sdelay $0x1  }
0x5bc: {  	v7 =	vadd.f32 v7, v8;
	v8 =	vadd.f32 v63, v10;
	_ =	sdelay $0x1  }
0x5bd: {  	v7 =	vadd.f32 v8, v7;
	_ =	sdelay $0x1  }
0x5be: {  	v7 =	vmul.f32 v7, v5;
	_ =	sdelay $0x1  }
0x5bf: {  	v7 =	vadd.f32 v7, v6;
	_ =	sdelay $0x1  }
0x5c0: {  	v7 =	vsub.f32 $0.0e+00, v7;
	_ =	sdelay $0x1  }
0x5c1: {  	v7 =	vmul.f32 $1.442695020e+00, v7;
	_ =	sdelay $0x1  }
0x5c2: {  	(erf) = vpow2.f32 v7;
	_ =	sdelay $0x8  }
0x5c3: {  	v7 =	vpop (erf)  }
0x5c4: {  	v7 =	vadd.f32 $1.000000000e+00, v7;
	_ =	sdelay $0x1  }
0x5c5: {  	(erf) = vrcp.f32 v7;
	_ =	sdelay $0x3  }
0x5c6: {  	s21 =	sadd.s32 $0x1, s21  }
0x5c7: {  	p0 =	sne.s32 s21, $0x4  }
.Ltmp15:
0x5c8: {  	_ = 	snop;
	(pc) =	sbr.rel @p0 .LBB2_30-.Ltmp15, $3  }
0x5c9: {  	_ =	sdelay $0x1  }
0x5ca: {  	v7 =	vpop (erf)  }
0x5cb: {  	[tilespmem:s23+$0xC5C0] =	vst v7  }
0x5cc: {  	s19 =	sadd.s32 $0x1, s19  }
0x5cd: {  	p0 =	sne.s32 s19, s10  }
.Ltmp16:
0x5ce: {  	s0 =	simm.s32 $0xC400;
	(pc) =	sbr.rel @p0 .LBB2_1-.Ltmp16, $4  }
0x5cf: {  	[hbm4b:s9+s6] =	stream.linear.scatter [tilespmem:s0], [sflag:$0x7], $0x200, $0x38;
	[tilespmem:$0xC700] =	vst v63  }
0x5d0: {  	_ =	swait.ge [sflag:s14], $0x200  }
0x5d1: {  	[sflag:s14] =	ssyncset.done $0x0  }
0x5d2: {  	[sflag:s14] =	ssyncadd.s32 $0xFFFFFE00  }
0x5d3: {  	_ =	sfence.sel $0x180000  }
0x5d4: {  	[bflag:$0x0] =	sbarrier.arrive $0xFFFF  }
0x5d5: {  	_ =	strace $0x90000047  }
0x5d6: {  	s0 =	stileid.u32;
	[bflag:$0x2] =	sbarrier.arrive $0xFFFF  }
0x5d7: {  	p0 =	sne.s32 s0, $0x0;
	s0 =	rddreg [dreg:$0x7]  }
0x5d8: {  	s0 =	sadd.s32 @!p0 $0x100000, s0  }
0x5d9: {  	[sflag:s0] =	ssyncadd.tile.s32 @!p0 $0x1;
	_ =	shalt  }
.Lfunc_end2:
_tile_overlayer_lowered:
.L_overlay_start_2:
0x5da: {  	(tag) =	ssettag $0x2  }
0x5db: {  	s0 =	rddreg [dreg:$0x0];
	s2 =	stileid.u32  }
0x5dc: {  	s1 =	rddreg [dreg:$0x1];
	p0 =	sne.s32 s2, $0x0  }
0x5dd: {  	s3 =	rddreg [dreg:$0x2];
	[bflag:$0x3] =	sbarrier.arrive $0xFFFF;
	s2 =	simm.s32 @!p0 $0x1C08  }
0x5de: {  	[timem:s3], [sflag:s2] =	dma.local @!p0 [hbm:s0], s1  }
0x5df: {  	s0 =	simm.s32 @!p0 $0x8  }
0x5e0: {  	_ =	swait.ge @!p0 [sflag:s0], s1  }
0x5e1: {  	s1 =	ssub.s32 @!p0 $0x0, s1;
	[sflag:s0] =	ssyncset.done @!p0 $0x0  }
0x5e2: {  	[sflag:s0] =	ssyncadd.s32 @!p0 s1  }
0x5e3: {  	[bflag:$0x3] =	sbarrier.arrive $0xFFFF  }
0x5e4: {  	_ =	shalt  }

</sc_bundles>
